<compile_context>
chip_gen: v7x
topology: tpu7x:2x2x1
jax: 0.10.2.dev20260603
libtpu: 0.0.44.dev20260713+nightly
codegen_flags: <defaults>
</compile_context>

<pallas_src>
import jax
import jax.numpy as jnp
from jax import lax
from jax.experimental import pallas as pl
from jax.experimental.pallas import tpu as pltpu
from jax.experimental.pallas import tpu_sc as plsc

_NC = 2
_NS = 16
_NW = _NC * _NS
_L = 16

_PARAMS = pltpu.CompilerParams(
    needs_layout_passes=False, disable_bounds_checks=True)


def _make_reformat(B, X, Y, Z, C):
    NLINE = B * X * Y
    LPW = NLINE // _NW
    SHEET = Y
    NSHEET = LPW // SHEET
    LB = 4
    RPL = Z // 8
    mesh = plsc.VectorSubcoreMesh(core_axis_name="c", subcore_axis_name="s")

    def body(vol1d, table, sheet_v, ob0, ob1, sem0, sem1):
        obufs = [ob0, ob1]
        sems = [sem0, sem1]
        cid = lax.axis_index("c")
        sid = lax.axis_index("s")
        wid = cid * _NS + sid
        line0 = wid * LPW
        j = lax.iota(jnp.int32, _L)
        q = j >> 2
        ch = j & 3
        dy = q >> 1
        c_clamp = q & 1
        c_hi = c_clamp + ch * Z
        c_lo = c_hi + dy * (C * Z)

        @pl.loop(0, NSHEET)
        def sheet_loop(s):
            sheet_line0 = line0 + s * SHEET
            pltpu.sync_copy(
                vol1d.at[pl.ds(sheet_line0 * (C * Z), SHEET * C * Z)], sheet_v)

            @pl.loop(0, SHEET // (2 * LB))
            def line_blk(t):
                for bi in range(2):
                    ob, sem = obufs[bi], sems[bi]
                    yy0 = (2 * t + bi) * LB

                    @pl.when(jnp.logical_or(t > 0, s > 0))
                    def _():
                        pltpu.make_async_copy(
                            ob, table.at[pl.ds(0, LB * RPL)], sem).wait()

                    for li in range(LB):
                        yy = yy0 + li
                        cy = jnp.where(yy < SHEET - 1, c_lo, c_hi) + yy * (C * Z)
                        cyz = cy - c_clamp

                        @pl.loop(0, RPL)
                        def zr_loop(zr):
                            zb = zr * 8
                            base = cy + zb
                            base7 = jnp.where(zr == RPL - 1, cyz, cy) + zb
                            orow = li * RPL + zr
                            for k in range(7):
                                ob[orow, pl.ds(16 * k, 16)] = plsc.load_gather(
                                    sheet_v, [base + k])
                            ob[orow, pl.ds(16 * 7, 16)] = plsc.load_gather(
                                sheet_v, [base7 + 7])

                    pltpu.async_copy(
                        ob,
                        table.at[pl.ds((sheet_line0 + yy0) * RPL, LB * RPL)],
                        sem)

        for bi in range(2):
            pltpu.make_async_copy(
                obufs[bi], table.at[pl.ds(0, LB * RPL)], sems[bi]).wait()

    return pl.kernel(
        body,
        out_type=jax.ShapeDtypeStruct((B * X * Y * Z // 8, 8 * 4 * C), jnp.float32),
        mesh=mesh,
        scratch_types=[
            pltpu.VMEM((SHEET * C * Z,), jnp.float32),
            pltpu.VMEM((LB * RPL, 128), jnp.float32),
            pltpu.VMEM((LB * RPL, 128), jnp.float32),
            pltpu.SemaphoreType.DMA,
            pltpu.SemaphoreType.DMA,
        ],
        compiler_params=_PARAMS,
    )


def _make_kernel(B, X, Y, Z, C, P, NL):
    PPW = P // _NW
    K = 192
    NCHUNK = PPW // K
    NIDX = 2 * K
    GD = NIDX // 128
    QC = 4 * C

    mesh = plsc.VectorSubcoreMesh(core_axis_name="c", subcore_axis_name="s")

    def body(table, coords, out,
             coords_v0, coords_v1, idx_v0, idx_v1, vals_v0, vals_v1,
             out_v0, out_v1, wcol0, wcol1, wfrac0, wfrac1,
             sem0, sem1, semc0, semc1, semo0, semo1):
        coords_b = [coords_v0, coords_v1]
        idx_b = [idx_v0, idx_v1]
        vals_b = [vals_v0, vals_v1]
        out_b = [out_v0, out_v1]
        sem_b = [sem0, sem1]
        semc_b = [semc0, semc1]
        semo_b = [semo0, semo1]
        wcol_b = [wcol0, wcol1]
        wfrac_b = [wfrac0, wfrac1]
        cid = lax.axis_index("c")
        sid = lax.axis_index("s")
        wid = cid * _NS + sid
        batch = (wid * PPW) // (P // B)
        b_off = batch * (X * Y * Z)
        base0 = wid * PPW
        iota = lax.iota(jnp.int32, _L)
        zeros = jnp.zeros((_L,), jnp.float32)
        ones = jnp.ones((_L,), jnp.float32)

        def load_xyz(coords_v, i0):
            x = coords_v[pl.ds(i0, _L)]
            y = coords_v[pl.ds(K + i0, _L)]
            z = coords_v[pl.ds(2 * K + i0, _L)]
            return x, y, z

        def quad_ids(x, y, z):
            xi = x.astype(jnp.int32)
            yi = y.astype(jnp.int32)
            zi = z.astype(jnp.int32)
            x0 = jnp.clip(xi, 0, X - 1)
            x1 = jnp.clip(xi + 1, 0, X - 1)
            y0 = jnp.clip(yi, 0, Y - 1)
            z0 = jnp.clip(zi, 0, Z - 1)
            qbase = y0 * Z + z0 + b_off
            q0 = qbase + x0 * (Y * Z)
            q1 = qbase + x1 * (Y * Z)
            return q0, q1

        def coord_copies(n, b):
            coords_v = coords_b[b]
            p0 = base0 + n * K
            plane = p0 // NL
            s = p0 - plane * NL
            cbase = plane * (3 * NL) + s
            return [
                (coords.at[pl.ds(cbase, K)], coords_v.at[pl.ds(0, K)]),
                (coords.at[pl.ds(cbase + NL, K)], coords_v.at[pl.ds(K, K)]),
                (coords.at[pl.ds(cbase + 2 * NL, K)], coords_v.at[pl.ds(2 * K, K)]),
            ]

        def fire_coords(n, b):
            for src, dst in coord_copies(n, b):
                pltpu.async_copy(src, dst, semc_b[b])

        def wait_coords(n, b):
            for src, dst in coord_copies(n, b):
                pltpu.make_async_copy(src, dst, semc_b[b]).wait()

        def pass1_fire(n, b):
            coords_v, idx_v, sem = coords_b[b], idx_b[b], sem_b[b]
            vals_v = vals_b[b]
            wcol_v, wfrac_v = wcol_b[b], wfrac_b[b]
            wait_coords(n, b)

            @pl.loop(0, K // _L)
            def pass1(jj):
                i0 = jj * _L
                x, y, z = load_xyz(coords_v, i0)
                q0, q1 = quad_ids(x, y, z)
                pos0 = iota + i0
                pos1 = pos0 + K
                plsc.store_scatter(idx_v, [pos0 >> 7, pos0 & 127], q0 >> 3)
                plsc.store_scatter(idx_v, [pos1 >> 7, pos1 & 127], q1 >> 3)
                wcol_v[pl.ds(i0, _L)] = (q0 & 7) * QC
                wcol_v[pl.ds(K + i0, _L)] = (q1 & 7) * QC
                wfrac_v[pl.ds(i0, _L)] = x - x.astype(jnp.int32).astype(jnp.float32)
                wfrac_v[pl.ds(K + i0, _L)] = y - y.astype(jnp.int32).astype(jnp.float32)
                wfrac_v[pl.ds(2 * K + i0, _L)] = z - z.astype(jnp.int32).astype(jnp.float32)

            for g in range(GD):
                pltpu.async_copy(
                    table.at[idx_v.at[g]],
                    vals_v.at[pl.ds(g * 128, 128)],
                    sem,
                )

        def pass2_do(n, b):
            idx_v, sem = idx_b[b], sem_b[b]
            vals_v = vals_b[b]
            out_v = out_b[b]
            wcol_v, wfrac_v = wcol_b[b], wfrac_b[b]
            p0 = base0 + n * K
            for g in range(GD):
                pltpu.make_async_copy(
                    table.at[idx_v.at[g]],
                    vals_v.at[pl.ds(g * 128, 128)],
                    sem,
                ).wait()

            @pl.when(n >= 2)
            def _():
                pltpu.make_async_copy(
                    out_v, out.at[pl.ds(0, 4 * K)], semo_b[b]).wait()

            @pl.loop(0, K // _L)
            def pass2(jj):
                i0 = jj * _L
                fx = wfrac_v[pl.ds(i0, _L)]
                fy = wfrac_v[pl.ds(K + i0, _L)]
                fz = wfrac_v[pl.ds(2 * K + i0, _L)]
                gx = ones - fx
                gy = ones - fy
                gz = ones - fz
                wq = [gy * gz, gy * fz, fy * gz, fy * fz]
                wa = [gx, fx]
                rows_a = [iota + i0, iota + (i0 + K)]
                colb_a = [wcol_v[pl.ds(i0, _L)], wcol_v[pl.ds(K + i0, _L)]]
                acc = [zeros, zeros, zeros, zeros]
                for a in range(2):
                    for c in range(C):
                        t = zeros
                        for q in range(4):
                            v = plsc.load_gather(
                                vals_v, [rows_a[a], colb_a[a] + (q * C + c)])
                            t = t + wq[q] * v
                        acc[c] = acc[c] + wa[a] * t
                line = i0 // 96
                within = i0 - line * 96
                for c in range(C):
                    out_v[pl.ds(line * (96 * C) + c * 96 + within, _L)] = acc[c]

            pltpu.async_copy(out_v, out.at[pl.ds(4 * p0, 4 * K)], semo_b[b])

        fire_coords(jnp.int32(0), 0)
        fire_coords(jnp.int32(1), 1)
        pass1_fire(jnp.int32(0), 0)
        fire_coords(jnp.int32(2), 0)
        pass1_fire(jnp.int32(1), 1)
        fire_coords(jnp.int32(3), 1)

        @pl.loop(0, NCHUNK // 2 - 1)
        def chunk_pair(m):
            n0 = 2 * m
            pass2_do(n0, 0)
            pass1_fire(n0 + 2, 0)

            @pl.when(n0 + 4 < NCHUNK)
            def _():
                fire_coords(n0 + 4, 0)

            pass2_do(n0 + 1, 1)
            pass1_fire(n0 + 3, 1)

            @pl.when(n0 + 5 < NCHUNK)
            def _():
                fire_coords(n0 + 5, 1)

        pass2_do(jnp.int32(NCHUNK - 2), 0)
        pass2_do(jnp.int32(NCHUNK - 1), 1)
        for b in range(2):
            pltpu.make_async_copy(
                out_b[b], out.at[pl.ds(0, 4 * K)], semo_b[b]).wait()

    return pl.kernel(
        body,
        out_type=jax.ShapeDtypeStruct((P * C,), jnp.float32),
        mesh=mesh,
        scratch_types=[
            pltpu.VMEM((3 * K,), jnp.float32),
            pltpu.VMEM((3 * K,), jnp.float32),
            pltpu.VMEM((GD, 128), jnp.int32),
            pltpu.VMEM((GD, 128), jnp.int32),
            pltpu.VMEM((NIDX, 128), jnp.float32),
            pltpu.VMEM((NIDX, 128), jnp.float32),
            pltpu.VMEM((4 * K,), jnp.float32),
            pltpu.VMEM((4 * K,), jnp.float32),
            pltpu.VMEM((2 * K,), jnp.int32),
            pltpu.VMEM((2 * K,), jnp.int32),
            pltpu.VMEM((3 * K,), jnp.float32),
            pltpu.VMEM((3 * K,), jnp.float32),
            pltpu.SemaphoreType.DMA,
            pltpu.SemaphoreType.DMA,
            pltpu.SemaphoreType.DMA,
            pltpu.SemaphoreType.DMA,
            pltpu.SemaphoreType.DMA,
            pltpu.SemaphoreType.DMA,
        ],
        compiler_params=_PARAMS,
    )


def kernel(inputs, sample_coords):
    B, X, Y, Z, C = inputs.shape
    d0, d1, d2 = sample_coords.shape[1:4]
    P = B * d0 * d1 * d2
    NL = d1 * d2
    vol1d = inputs.transpose(0, 1, 2, 4, 3).reshape(B * X * Y * C * Z)
    table = _make_reformat(B, X, Y, Z, C)(vol1d)
    coords = sample_coords.transpose(0, 1, 4, 2, 3).reshape(P * 3)
    out = _make_kernel(B, X, Y, Z, C, P, NL)(table, coords)
    return out.reshape(B, d0, d1, C, d2).transpose(0, 1, 2, 4, 3)

# --- scband reference (transcript-rebuilt; emitter-appended) ---
"""Pipeline reference for scband-resampler-layer-15668040696111 (READ-ONLY COPY).

The authoritative reference and input builder live on the scoring server;
editing this copy changes nothing except your own understanding.
"""

import jax, jax.numpy as jnp
import numpy as np


def setup_inputs(seed: int = 0) -> dict:
    key = jax.random.key(seed)
    k1, k2 = jax.random.split(key)
    inputs = jax.random.normal(k1, (2, 128, 128, 128, 4), dtype=jnp.float32)
    # coordinates in voxel space, within [0, 127); REPLICATE boundary clamps anyway
    sample_coords = jax.random.uniform(
        k2, (2, 96, 96, 96, 3), dtype=jnp.float32, minval=0.0, maxval=127.0)
    return {"inputs": inputs, "sample_coords": sample_coords}


def reference(inputs, sample_coords):
    # Faithful JAX port of ResamplerLayer(interpolation='LINEAR', boundary='REPLICATE')
    # inputs: [B, X, Y, Z, C] float32; sample_coords: [B, d0, d1, d2, 3] float32
    B, X, Y, Z, C = inputs.shape
    floor_c = jnp.floor(sample_coords)
    weight = sample_coords - floor_c            # fractional part, [B, d0, d1, d2, 3]
    base = floor_c.astype(jnp.int32)            # integer corner, [B, d0, d1, d2, 3]
    bidx = jnp.arange(B).reshape(B, 1, 1, 1)
    out = jnp.zeros(sample_coords.shape[:-1] + (C,), dtype=inputs.dtype)
    # 2^3 binary neighbour ids, as in _binary_neighbour_ids(3)
    for dx in (0, 1):
        wx = weight[..., 0] if dx == 1 else 1.0 - weight[..., 0]
        ix = jnp.clip(base[..., 0] + dx, 0, X - 1)   # _boundary_replicate
        for dy in (0, 1):
            wy = weight[..., 1] if dy == 1 else 1.0 - weight[..., 1]
            iy = jnp.clip(base[..., 1] + dy, 0, Y - 1)
            for dz in (0, 1):
                wz = weight[..., 2] if dz == 1 else 1.0 - weight[..., 2]
                iz = jnp.clip(base[..., 2] + dz, 0, Z - 1)
                vals = inputs[bidx, ix, iy, iz]       # gather -> [B, d0, d1, d2, C]
                w = (wx * wy * wz)[..., None]
                out = out + w * vals
    return out

if __name__ == "__main__":
    import jax
    _d = setup_inputs()
    print(jax.jit(kernel)(*tuple(_d.values())))

</pallas_src>

<mosaic_0001>
#map = affine_map<(d0, d1) -> (0)>
#map1 = affine_map<(d0, d1) -> (0, 0)>
module attributes {stable_mosaic.version = 14 : i64} {
  func.func @body(%arg0: i32, %arg1: i32, %arg2: memref<16777216xf32, #tpu.memory_space<hbm>>, %arg3: memref<524288x128xf32, #tpu.memory_space<hbm>>, %arg4: memref<65536xf32, #tpu.memory_space<vmem>>, %arg5: memref<64x128xf32, #tpu.memory_space<vmem>>, %arg6: memref<64x128xf32, #tpu.memory_space<vmem>>, %arg7: memref<!tpu.dma_semaphore, #tpu.memory_space<semaphore_mem>>, %arg8: memref<!tpu.dma_semaphore, #tpu.memory_space<semaphore_mem>>) attributes {dimension_semantics = [#tpu.dimension_semantics<core_parallel>, #tpu.dimension_semantics<subcore_parallel>], iteration_bounds = array<i64: 2, 16>, scalar_prefetch = 0 : i64, scratch_operands = 5 : i64, tpu.core_type = #tpu.core_type<sc_vector_subcore>, window_params = [{transform_indices = #map}, {transform_indices = #map1}]} {
    %mul3A = arith.constant 16 : i32
    %mul3A_0 = arith.muli %arg0, %mul3A : i32
    %add3A = arith.addi %mul3A_0, %arg1 : i32
    %mul3A_1 = arith.constant 1024 : i32
    %mul3A_2 = arith.muli %add3A, %mul3A_1 : i32
    %iota3A = tpu.iota {dimensions = array<i32: 0>} : vector<16xi32>
    %shift_right_arithmetic3A = arith.constant 2 : i32
    %shift_right_arithmetic3A_3 = vector.broadcast %shift_right_arithmetic3A : i32 to vector<16xi32>
    %shift_right_arithmetic3A_4 = arith.shrsi %iota3A, %shift_right_arithmetic3A_3 : vector<16xi32>
    %and3A = arith.constant 3 : i32
    %and3A_5 = vector.broadcast %and3A : i32 to vector<16xi32>
    %and3A_6 = arith.andi %iota3A, %and3A_5 : vector<16xi32>
    %shift_right_arithmetic3A_7 = arith.constant 1 : i32
    %shift_right_arithmetic3A_8 = vector.broadcast %shift_right_arithmetic3A_7 : i32 to vector<16xi32>
    %shift_right_arithmetic3A_9 = arith.shrsi %shift_right_arithmetic3A_4, %shift_right_arithmetic3A_8 : vector<16xi32>
    %and3A_10 = arith.constant 1 : i32
    %and3A_11 = vector.broadcast %and3A_10 : i32 to vector<16xi32>
    %and3A_12 = arith.andi %shift_right_arithmetic3A_4, %and3A_11 : vector<16xi32>
    %mul3A_13 = arith.constant 128 : i32
    %mul3A_14 = vector.broadcast %mul3A_13 : i32 to vector<16xi32>
    %mul3A_15 = arith.muli %and3A_6, %mul3A_14 : vector<16xi32>
    %add3A_16 = arith.addi %and3A_12, %mul3A_15 : vector<16xi32>
    %mul3A_17 = arith.constant 512 : i32
    %mul3A_18 = vector.broadcast %mul3A_17 : i32 to vector<16xi32>
    %mul3A_19 = arith.muli %shift_right_arithmetic3A_9, %mul3A_18 : vector<16xi32>
    %add3A_20 = arith.addi %add3A_16, %mul3A_19 : vector<16xi32>
    %scan3A = arith.constant 0 : i32
    %scan3A_21 = arith.constant 8 : i32
    %scan3A_22 = arith.addi %scan3A, %scan3A_21 : i32
    %scan3A_23 = arith.constant 1 : i32
    scf.for %scan3A_36 = %scan3A to %scan3A_22 step %scan3A_23  : i32 {
      %mul3A_37 = arith.constant 1 : i32
      %mul3A_38 = arith.muli %scan3A_36, %mul3A_37 : i32
      %add3A_39 = arith.constant 0 : i32
      %add3A_40 = arith.addi %add3A_39, %mul3A_38 : i32
      %mul3A_41 = arith.constant 128 : i32
      %mul3A_42 = arith.muli %add3A_40, %mul3A_41 : i32
      %add3A_43 = arith.addi %mul3A_2, %mul3A_42 : i32
      %mul3A_44 = arith.constant 512 : i32
      %mul3A_45 = arith.muli %add3A_43, %mul3A_44 : i32
      "tpu.region"() ({
        %run_scoped3A = tpu.sem_alloc : memref<!tpu.dma_semaphore, #tpu.memory_space<semaphore_mem>>
        %dma_start3A = tpu.memref_slice %arg2[%mul3A_45] : memref<16777216xf32, #tpu.memory_space<hbm>> -> memref<65536xf32, #tpu.memory_space<hbm>>
        %dma_start3A_51 = tpu.memref_slice %arg2[%mul3A_45] : memref<16777216xf32, #tpu.memory_space<hbm>> -> memref<65536xf32, #tpu.memory_space<hbm>>
        tpu.enqueue_dma source(%dma_start3A_51 : memref<65536xf32, #tpu.memory_space<hbm>>) target(%arg4 : memref<65536xf32, #tpu.memory_space<vmem>>) target_semaphore(%run_scoped3A : memref<!tpu.dma_semaphore, #tpu.memory_space<semaphore_mem>>)
        %dma_wait3A_52 = tpu.memref_slice %arg2[%mul3A_45] : memref<16777216xf32, #tpu.memory_space<hbm>> -> memref<65536xf32, #tpu.memory_space<hbm>>
        %dma_wait3A_53 = tpu.memref_slice %arg2[%mul3A_45] : memref<16777216xf32, #tpu.memory_space<hbm>> -> memref<65536xf32, #tpu.memory_space<hbm>>
        tpu.wait_dma2 semaphore(%run_scoped3A : memref<!tpu.dma_semaphore, #tpu.memory_space<semaphore_mem>>) src(%dma_wait3A_53 : memref<65536xf32, #tpu.memory_space<hbm>>) dst(%arg4 : memref<65536xf32, #tpu.memory_space<vmem>>)
        tpu.yield
      }) : () -> ()
      %scan3A_46 = arith.constant 0 : i32
      %scan3A_47 = arith.constant 16 : i32
      %scan3A_48 = arith.addi %scan3A_46, %scan3A_47 : i32
      %scan3A_49 = arith.constant 1 : i32
      scf.for %scan3A_51 = %scan3A_46 to %scan3A_48 step %scan3A_49  : i32 {
        %mul3A_52 = arith.constant 1 : i32
        %mul3A_53 = arith.muli %scan3A_51, %mul3A_52 : i32
        %add3A_54 = arith.constant 0 : i32
        %add3A_55 = arith.addi %add3A_54, %mul3A_53 : i32
        %mul3A_56 = arith.constant 2 : i32
        %mul3A_57 = arith.muli %mul3A_56, %add3A_55 : i32
        %add3A_58 = arith.constant 0 : i32
        %add3A_59 = arith.addi %mul3A_57, %add3A_58 : i32
        %mul3A_60 = arith.constant 4 : i32
        %mul3A_61 = arith.muli %add3A_59, %mul3A_60 : i32
        %gt3A = arith.constant 0 : i32
        %gt3A_62 = arith.cmpi sgt, %add3A_55, %gt3A : i32
        %gt3A_63 = arith.constant 0 : i32
        %gt3A_64 = arith.cmpi sgt, %add3A_40, %gt3A_63 : i32
        %or3A = arith.ori %gt3A_62, %gt3A_64 : i1
        %convert_element_type3A = arith.extui %or3A : i1 to i32
        %cond3A = arith.constant 0 : i32
        %cond3A_65 = arith.cmpi ne, %convert_element_type3A, %cond3A : i32
        scf.if %cond3A_65 {
          %dma_wait3A_210 = arith.constant 0 : i32
          %dma_wait3A_211 = arith.constant 0 : i32
          %dma_wait3A_212 = tpu.memref_slice %arg3[%dma_wait3A_210, %dma_wait3A_211] : memref<524288x128xf32, #tpu.memory_space<hbm>> -> memref<64x128xf32, #tpu.memory_space<hbm>>
          %dma_wait3A_213 = arith.constant 0 : i32
          %dma_wait3A_214 = arith.constant 0 : i32
          %dma_wait3A_215 = tpu.memref_slice %arg3[%dma_wait3A_213, %dma_wait3A_214] : memref<524288x128xf32, #tpu.memory_space<hbm>> -> memref<64x128xf32, #tpu.memory_space<hbm>>
          tpu.wait_dma2 semaphore(%arg7 : memref<!tpu.dma_semaphore, #tpu.memory_space<semaphore_mem>>) src(%arg5 : memref<64x128xf32, #tpu.memory_space<vmem>>) dst(%dma_wait3A_215 : memref<64x128xf32, #tpu.memory_space<hbm>>)
        } else {
        }
        %add3A_66 = arith.constant 0 : i32
        %add3A_67 = arith.addi %mul3A_61, %add3A_66 : i32
        %lt3A = arith.constant 127 : i32
        %lt3A_68 = arith.cmpi slt, %add3A_67, %lt3A : i32
        %select_n3A = arith.select %lt3A_68, %add3A_20, %add3A_16 : vector<16xi32>
        %mul3A_69 = arith.constant 512 : i32
        %mul3A_70 = arith.muli %add3A_67, %mul3A_69 : i32
        %add3A_71 = vector.broadcast %mul3A_70 : i32 to vector<16xi32>
        %add3A_72 = arith.addi %select_n3A, %add3A_71 : vector<16xi32>
        %sub3A = arith.subi %add3A_72, %and3A_12 : vector<16xi32>
        %scan3A_73 = arith.constant 0 : i32
        %scan3A_74 = arith.constant 16 : i32
        %scan3A_75 = arith.addi %scan3A_73, %scan3A_74 : i32
        %scan3A_76 = arith.constant 1 : i32
        scf.for %scan3A_210 = %scan3A_73 to %scan3A_75 step %scan3A_76  : i32 {
          %mul3A_211 = arith.constant 1 : i32
          %mul3A_212 = arith.muli %scan3A_210, %mul3A_211 : i32
          %add3A_213 = arith.constant 0 : i32
          %add3A_214 = arith.addi %add3A_213, %mul3A_212 : i32
          %mul3A_215 = arith.constant 8 : i32
          %mul3A_216 = arith.muli %add3A_214, %mul3A_215 : i32
          %add3A_217 = vector.broadcast %mul3A_216 : i32 to vector<16xi32>
          %add3A_218 = arith.addi %add3A_72, %add3A_217 : vector<16xi32>
          %eq3A = arith.constant 15 : i32
          %eq3A_219 = arith.cmpi eq, %add3A_214, %eq3A : i32
          %select_n3A_220 = arith.select %eq3A_219, %sub3A, %add3A_72 : vector<16xi32>
          %add3A_221 = vector.broadcast %mul3A_216 : i32 to vector<16xi32>
          %add3A_222 = arith.addi %select_n3A_220, %add3A_221 : vector<16xi32>
          %add3A_223 = arith.constant 0 : i32
          %add3A_224 = arith.addi %add3A_223, %add3A_214 : i32
          %add3A_225 = arith.constant 0 : i32
          %add3A_226 = vector.broadcast %add3A_225 : i32 to vector<16xi32>
          %add3A_227 = arith.addi %add3A_218, %add3A_226 : vector<16xi32>
          %gather3A = tpu.vector_load_idx %arg4[%add3A_227] : memref<65536xf32, #tpu.memory_space<vmem>>[vector<16xi32>], vector<16xf32>,
          %swap3A = arith.index_cast %add3A_224 : i32 to index
          %swap3A_228 = arith.constant 0 : index
          %swap3A_229 = tpu.vector_load %arg5[%swap3A, %swap3A_228] {strides = array<i32>} : memref<64x128xf32, #tpu.memory_space<vmem>>, vector<16xf32>,
          tpu.vector_store %arg5[%swap3A, %swap3A_228], %gather3A {strides = array<i32>} : memref<64x128xf32, #tpu.memory_space<vmem>>, vector<16xf32>,
          %add3A_230 = arith.constant 1 : i32
          %add3A_231 = vector.broadcast %add3A_230 : i32 to vector<16xi32>
          %add3A_232 = arith.addi %add3A_218, %add3A_231 : vector<16xi32>
          %gather3A_233 = tpu.vector_load_idx %arg4[%add3A_232] : memref<65536xf32, #tpu.memory_space<vmem>>[vector<16xi32>], vector<16xf32>,
          %swap3A_234 = arith.index_cast %add3A_224 : i32 to index
          %swap3A_235 = arith.constant 16 : index
          %swap3A_236 = tpu.vector_load %arg5[%swap3A_234, %swap3A_235] {strides = array<i32>} : memref<64x128xf32, #tpu.memory_space<vmem>>, vector<16xf32>,
          tpu.vector_store %arg5[%swap3A_234, %swap3A_235], %gather3A_233 {strides = array<i32>} : memref<64x128xf32, #tpu.memory_space<vmem>>, vector<16xf32>,
          %add3A_237 = arith.constant 2 : i32
          %add3A_238 = vector.broadcast %add3A_237 : i32 to vector<16xi32>
          %add3A_239 = arith.addi %add3A_218, %add3A_238 : vector<16xi32>
          %gather3A_240 = tpu.vector_load_idx %arg4[%add3A_239] : memref<65536xf32, #tpu.memory_space<vmem>>[vector<16xi32>], vector<16xf32>,
          %swap3A_241 = arith.index_cast %add3A_224 : i32 to index
          %swap3A_242 = arith.constant 32 : index
          %swap3A_243 = tpu.vector_load %arg5[%swap3A_241, %swap3A_242] {strides = array<i32>} : memref<64x128xf32, #tpu.memory_space<vmem>>, vector<16xf32>,
          tpu.vector_store %arg5[%swap3A_241, %swap3A_242], %gather3A_240 {strides = array<i32>} : memref<64x128xf32, #tpu.memory_space<vmem>>, vector<16xf32>,
          %add3A_244 = arith.constant 3 : i32
          %add3A_245 = vector.broadcast %add3A_244 : i32 to vector<16xi32>
          %add3A_246 = arith.addi %add3A_218, %add3A_245 : vector<16xi32>
          %gather3A_247 = tpu.vector_load_idx %arg4[%add3A_246] : memref<65536xf32, #tpu.memory_space<vmem>>[vector<16xi32>], vector<16xf32>,
          %swap3A_248 = arith.index_cast %add3A_224 : i32 to index
          %swap3A_249 = arith.constant 48 : index
          %swap3A_250 = tpu.vector_load %arg5[%swap3A_248, %swap3A_249] {strides = array<i32>} : memref<64x128xf32, #tpu.memory_space<vmem>>, vector<16xf32>,
          tpu.vector_store %arg5[%swap3A_248, %swap3A_249], %gather3A_247 {strides = array<i32>} : memref<64x128xf32, #tpu.memory_space<vmem>>, vector<16xf32>,
          %add3A_251 = arith.constant 4 : i32
          %add3A_252 = vector.broadcast %add3A_251 : i32 to vector<16xi32>
          %add3A_253 = arith.addi %add3A_218, %add3A_252 : vector<16xi32>
          %gather3A_254 = tpu.vector_load_idx %arg4[%add3A_253] : memref<65536xf32, #tpu.memory_space<vmem>>[vector<16xi32>], vector<16xf32>,
          %swap3A_255 = arith.index_cast %add3A_224 : i32 to index
          %swap3A_256 = arith.constant 64 : index
          %swap3A_257 = tpu.vector_load %arg5[%swap3A_255, %swap3A_256] {strides = array<i32>} : memref<64x128xf32, #tpu.memory_space<vmem>>, vector<16xf32>,
          tpu.vector_store %arg5[%swap3A_255, %swap3A_256], %gather3A_254 {strides = array<i32>} : memref<64x128xf32, #tpu.memory_space<vmem>>, vector<16xf32>,
          %add3A_258 = arith.constant 5 : i32
          %add3A_259 = vector.broadcast %add3A_258 : i32 to vector<16xi32>
          %add3A_260 = arith.addi %add3A_218, %add3A_259 : vector<16xi32>
          %gather3A_261 = tpu.vector_load_idx %arg4[%add3A_260] : memref<65536xf32, #tpu.memory_space<vmem>>[vector<16xi32>], vector<16xf32>,
          %swap3A_262 = arith.index_cast %add3A_224 : i32 to index
          %swap3A_263 = arith.constant 80 : index
          %swap3A_264 = tpu.vector_load %arg5[%swap3A_262, %swap3A_263] {strides = array<i32>} : memref<64x128xf32, #tpu.memory_space<vmem>>, vector<16xf32>,
          tpu.vector_store %arg5[%swap3A_262, %swap3A_263], %gather3A_261 {strides = array<i32>} : memref<64x128xf32, #tpu.memory_space<vmem>>, vector<16xf32>,
          %add3A_265 = arith.constant 6 : i32
          %add3A_266 = vector.broadcast %add3A_265 : i32 to vector<16xi32>
          %add3A_267 = arith.addi %add3A_218, %add3A_266 : vector<16xi32>
          %gather3A_268 = tpu.vector_load_idx %arg4[%add3A_267] : memref<65536xf32, #tpu.memory_space<vmem>>[vector<16xi32>], vector<16xf32>,
          %swap3A_269 = arith.index_cast %add3A_224 : i32 to index
          %swap3A_270 = arith.constant 96 : index
          %swap3A_271 = tpu.vector_load %arg5[%swap3A_269, %swap3A_270] {strides = array<i32>} : memref<64x128xf32, #tpu.memory_space<vmem>>, vector<16xf32>,
          tpu.vector_store %arg5[%swap3A_269, %swap3A_270], %gather3A_268 {strides = array<i32>} : memref<64x128xf32, #tpu.memory_space<vmem>>, vector<16xf32>,
          %add3A_272 = arith.constant 7 : i32
          %add3A_273 = vector.broadcast %add3A_272 : i32 to vector<16xi32>
          %add3A_274 = arith.addi %add3A_222, %add3A_273 : vector<16xi32>
          %gather3A_275 = tpu.vector_load_idx %arg4[%add3A_274] : memref<65536xf32, #tpu.memory_space<vmem>>[vector<16xi32>], vector<16xf32>,
          %swap3A_276 = arith.index_cast %add3A_224 : i32 to index
          %swap3A_277 = arith.constant 112 : index
          %swap3A_278 = tpu.vector_load %arg5[%swap3A_276, %swap3A_277] {strides = array<i32>} : memref<64x128xf32, #tpu.memory_space<vmem>>, vector<16xf32>,
          tpu.vector_store %arg5[%swap3A_276, %swap3A_277], %gather3A_275 {strides = array<i32>} : memref<64x128xf32, #tpu.memory_space<vmem>>, vector<16xf32>,
        }
        %scan3A_77 = arith.constant 16 : i32
        %add3A_78 = arith.constant 1 : i32
        %add3A_79 = arith.addi %mul3A_61, %add3A_78 : i32
        %lt3A_80 = arith.constant 127 : i32
        %lt3A_81 = arith.cmpi slt, %add3A_79, %lt3A_80 : i32
        %select_n3A_82 = arith.select %lt3A_81, %add3A_20, %add3A_16 : vector<16xi32>
        %mul3A_83 = arith.constant 512 : i32
        %mul3A_84 = arith.muli %add3A_79, %mul3A_83 : i32
        %add3A_85 = vector.broadcast %mul3A_84 : i32 to vector<16xi32>
        %add3A_86 = arith.addi %select_n3A_82, %add3A_85 : vector<16xi32>
        %sub3A_87 = arith.subi %add3A_86, %and3A_12 : vector<16xi32>
        %scan3A_88 = arith.constant 0 : i32
        %scan3A_89 = arith.constant 16 : i32
        %scan3A_90 = arith.addi %scan3A_88, %scan3A_89 : i32
        %scan3A_91 = arith.constant 1 : i32
        scf.for %scan3A_210 = %scan3A_88 to %scan3A_90 step %scan3A_91  : i32 {
          %mul3A_211 = arith.constant 1 : i32
          %mul3A_212 = arith.muli %scan3A_210, %mul3A_211 : i32
          %add3A_213 = arith.constant 0 : i32
          %add3A_214 = arith.addi %add3A_213, %mul3A_212 : i32
          %mul3A_215 = arith.constant 8 : i32
          %mul3A_216 = arith.muli %add3A_214, %mul3A_215 : i32
          %add3A_217 = vector.broadcast %mul3A_216 : i32 to vector<16xi32>
          %add3A_218 = arith.addi %add3A_86, %add3A_217 : vector<16xi32>
          %eq3A = arith.constant 15 : i32
          %eq3A_219 = arith.cmpi eq, %add3A_214, %eq3A : i32
          %select_n3A_220 = arith.select %eq3A_219, %sub3A_87, %add3A_86 : vector<16xi32>
          %add3A_221 = vector.broadcast %mul3A_216 : i32 to vector<16xi32>
          %add3A_222 = arith.addi %select_n3A_220, %add3A_221 : vector<16xi32>
          %add3A_223 = arith.constant 16 : i32
          %add3A_224 = arith.addi %add3A_223, %add3A_214 : i32
          %add3A_225 = arith.constant 0 : i32
          %add3A_226 = vector.broadcast %add3A_225 : i32 to vector<16xi32>
          %add3A_227 = arith.addi %add3A_218, %add3A_226 : vector<16xi32>
          %gather3A = tpu.vector_load_idx %arg4[%add3A_227] : memref<65536xf32, #tpu.memory_space<vmem>>[vector<16xi32>], vector<16xf32>,
          %swap3A = arith.index_cast %add3A_224 : i32 to index
          %swap3A_228 = arith.constant 0 : index
          %swap3A_229 = tpu.vector_load %arg5[%swap3A, %swap3A_228] {strides = array<i32>} : memref<64x128xf32, #tpu.memory_space<vmem>>, vector<16xf32>,
          tpu.vector_store %arg5[%swap3A, %swap3A_228], %gather3A {strides = array<i32>} : memref<64x128xf32, #tpu.memory_space<vmem>>, vector<16xf32>,
          %add3A_230 = arith.constant 1 : i32
          %add3A_231 = vector.broadcast %add3A_230 : i32 to vector<16xi32>
          %add3A_232 = arith.addi %add3A_218, %add3A_231 : vector<16xi32>
          %gather3A_233 = tpu.vector_load_idx %arg4[%add3A_232] : memref<65536xf32, #tpu.memory_space<vmem>>[vector<16xi32>], vector<16xf32>,
          %swap3A_234 = arith.index_cast %add3A_224 : i32 to index
          %swap3A_235 = arith.constant 16 : index
          %swap3A_236 = tpu.vector_load %arg5[%swap3A_234, %swap3A_235] {strides = array<i32>} : memref<64x128xf32, #tpu.memory_space<vmem>>, vector<16xf32>,
          tpu.vector_store %arg5[%swap3A_234, %swap3A_235], %gather3A_233 {strides = array<i32>} : memref<64x128xf32, #tpu.memory_space<vmem>>, vector<16xf32>,
          %add3A_237 = arith.constant 2 : i32
          %add3A_238 = vector.broadcast %add3A_237 : i32 to vector<16xi32>
          %add3A_239 = arith.addi %add3A_218, %add3A_238 : vector<16xi32>
          %gather3A_240 = tpu.vector_load_idx %arg4[%add3A_239] : memref<65536xf32, #tpu.memory_space<vmem>>[vector<16xi32>], vector<16xf32>,
          %swap3A_241 = arith.index_cast %add3A_224 : i32 to index
          %swap3A_242 = arith.constant 32 : index
          %swap3A_243 = tpu.vector_load %arg5[%swap3A_241, %swap3A_242] {strides = array<i32>} : memref<64x128xf32, #tpu.memory_space<vmem>>, vector<16xf32>,
          tpu.vector_store %arg5[%swap3A_241, %swap3A_242], %gather3A_240 {strides = array<i32>} : memref<64x128xf32, #tpu.memory_space<vmem>>, vector<16xf32>,
          %add3A_244 = arith.constant 3 : i32
          %add3A_245 = vector.broadcast %add3A_244 : i32 to vector<16xi32>
          %add3A_246 = arith.addi %add3A_218, %add3A_245 : vector<16xi32>
          %gather3A_247 = tpu.vector_load_idx %arg4[%add3A_246] : memref<65536xf32, #tpu.memory_space<vmem>>[vector<16xi32>], vector<16xf32>,
          %swap3A_248 = arith.index_cast %add3A_224 : i32 to index
          %swap3A_249 = arith.constant 48 : index
          %swap3A_250 = tpu.vector_load %arg5[%swap3A_248, %swap3A_249] {strides = array<i32>} : memref<64x128xf32, #tpu.memory_space<vmem>>, vector<16xf32>,
          tpu.vector_store %arg5[%swap3A_248, %swap3A_249], %gather3A_247 {strides = array<i32>} : memref<64x128xf32, #tpu.memory_space<vmem>>, vector<16xf32>,
          %add3A_251 = arith.constant 4 : i32
          %add3A_252 = vector.broadcast %add3A_251 : i32 to vector<16xi32>
          %add3A_253 = arith.addi %add3A_218, %add3A_252 : vector<16xi32>
          %gather3A_254 = tpu.vector_load_idx %arg4[%add3A_253] : memref<65536xf32, #tpu.memory_space<vmem>>[vector<16xi32>], vector<16xf32>,
          %swap3A_255 = arith.index_cast %add3A_224 : i32 to index
          %swap3A_256 = arith.constant 64 : index
          %swap3A_257 = tpu.vector_load %arg5[%swap3A_255, %swap3A_256] {strides = array<i32>} : memref<64x128xf32, #tpu.memory_space<vmem>>, vector<16xf32>,
          tpu.vector_store %arg5[%swap3A_255, %swap3A_256], %gather3A_254 {strides = array<i32>} : memref<64x128xf32, #tpu.memory_space<vmem>>, vector<16xf32>,
          %add3A_258 = arith.constant 5 : i32
          %add3A_259 = vector.broadcast %add3A_258 : i32 to vector<16xi32>
          %add3A_260 = arith.addi %add3A_218, %add3A_259 : vector<16xi32>
          %gather3A_261 = tpu.vector_load_idx %arg4[%add3A_260] : memref<65536xf32, #tpu.memory_space<vmem>>[vector<16xi32>], vector<16xf32>,
          %swap3A_262 = arith.index_cast %add3A_224 : i32 to index
          %swap3A_263 = arith.constant 80 : index
          %swap3A_264 = tpu.vector_load %arg5[%swap3A_262, %swap3A_263] {strides = array<i32>} : memref<64x128xf32, #tpu.memory_space<vmem>>, vector<16xf32>,
          tpu.vector_store %arg5[%swap3A_262, %swap3A_263], %gather3A_261 {strides = array<i32>} : memref<64x128xf32, #tpu.memory_space<vmem>>, vector<16xf32>,
          %add3A_265 = arith.constant 6 : i32
          %add3A_266 = vector.broadcast %add3A_265 : i32 to vector<16xi32>
          %add3A_267 = arith.addi %add3A_218, %add3A_266 : vector<16xi32>
          %gather3A_268 = tpu.vector_load_idx %arg4[%add3A_267] : memref<65536xf32, #tpu.memory_space<vmem>>[vector<16xi32>], vector<16xf32>,
          %swap3A_269 = arith.index_cast %add3A_224 : i32 to index
          %swap3A_270 = arith.constant 96 : index
          %swap3A_271 = tpu.vector_load %arg5[%swap3A_269, %swap3A_270] {strides = array<i32>} : memref<64x128xf32, #tpu.memory_space<vmem>>, vector<16xf32>,
          tpu.vector_store %arg5[%swap3A_269, %swap3A_270], %gather3A_268 {strides = array<i32>} : memref<64x128xf32, #tpu.memory_space<vmem>>, vector<16xf32>,
          %add3A_272 = arith.constant 7 : i32
          %add3A_273 = vector.broadcast %add3A_272 : i32 to vector<16xi32>
          %add3A_274 = arith.addi %add3A_222, %add3A_273 : vector<16xi32>
          %gather3A_275 = tpu.vector_load_idx %arg4[%add3A_274] : memref<65536xf32, #tpu.memory_space<vmem>>[vector<16xi32>], vector<16xf32>,
          %swap3A_276 = arith.index_cast %add3A_224 : i32 to index
          %swap3A_277 = arith.constant 112 : index
          %swap3A_278 = tpu.vector_load %arg5[%swap3A_276, %swap3A_277] {strides = array<i32>} : memref<64x128xf32, #tpu.memory_space<vmem>>, vector<16xf32>,
          tpu.vector_store %arg5[%swap3A_276, %swap3A_277], %gather3A_275 {strides = array<i32>} : memref<64x128xf32, #tpu.memory_space<vmem>>, vector<16xf32>,
        }
        %scan3A_92 = arith.constant 16 : i32
        %add3A_93 = arith.constant 2 : i32
        %add3A_94 = arith.addi %mul3A_61, %add3A_93 : i32
        %lt3A_95 = arith.constant 127 : i32
        %lt3A_96 = arith.cmpi slt, %add3A_94, %lt3A_95 : i32
        %select_n3A_97 = arith.select %lt3A_96, %add3A_20, %add3A_16 : vector<16xi32>
        %mul3A_98 = arith.constant 512 : i32
        %mul3A_99 = arith.muli %add3A_94, %mul3A_98 : i32
        %add3A_100 = vector.broadcast %mul3A_99 : i32 to vector<16xi32>
        %add3A_101 = arith.addi %select_n3A_97, %add3A_100 : vector<16xi32>
        %sub3A_102 = arith.subi %add3A_101, %and3A_12 : vector<16xi32>
        %scan3A_103 = arith.constant 0 : i32
        %scan3A_104 = arith.constant 16 : i32
        %scan3A_105 = arith.addi %scan3A_103, %scan3A_104 : i32
        %scan3A_106 = arith.constant 1 : i32
        scf.for %scan3A_210 = %scan3A_103 to %scan3A_105 step %scan3A_106  : i32 {
          %mul3A_211 = arith.constant 1 : i32
          %mul3A_212 = arith.muli %scan3A_210, %mul3A_211 : i32
          %add3A_213 = arith.constant 0 : i32
          %add3A_214 = arith.addi %add3A_213, %mul3A_212 : i32
          %mul3A_215 = arith.constant 8 : i32
          %mul3A_216 = arith.muli %add3A_214, %mul3A_215 : i32
          %add3A_217 = vector.broadcast %mul3A_216 : i32 to vector<16xi32>
          %add3A_218 = arith.addi %add3A_101, %add3A_217 : vector<16xi32>
          %eq3A = arith.constant 15 : i32
          %eq3A_219 = arith.cmpi eq, %add3A_214, %eq3A : i32
          %select_n3A_220 = arith.select %eq3A_219, %sub3A_102, %add3A_101 : vector<16xi32>
          %add3A_221 = vector.broadcast %mul3A_216 : i32 to vector<16xi32>
          %add3A_222 = arith.addi %select_n3A_220, %add3A_221 : vector<16xi32>
          %add3A_223 = arith.constant 32 : i32
          %add3A_224 = arith.addi %add3A_223, %add3A_214 : i32
          %add3A_225 = arith.constant 0 : i32
          %add3A_226 = vector.broadcast %add3A_225 : i32 to vector<16xi32>
          %add3A_227 = arith.addi %add3A_218, %add3A_226 : vector<16xi32>
          %gather3A = tpu.vector_load_idx %arg4[%add3A_227] : memref<65536xf32, #tpu.memory_space<vmem>>[vector<16xi32>], vector<16xf32>,
          %swap3A = arith.index_cast %add3A_224 : i32 to index
          %swap3A_228 = arith.constant 0 : index
          %swap3A_229 = tpu.vector_load %arg5[%swap3A, %swap3A_228] {strides = array<i32>} : memref<64x128xf32, #tpu.memory_space<vmem>>, vector<16xf32>,
          tpu.vector_store %arg5[%swap3A, %swap3A_228], %gather3A {strides = array<i32>} : memref<64x128xf32, #tpu.memory_space<vmem>>, vector<16xf32>,
          %add3A_230 = arith.constant 1 : i32
          %add3A_231 = vector.broadcast %add3A_230 : i32 to vector<16xi32>
          %add3A_232 = arith.addi %add3A_218, %add3A_231 : vector<16xi32>
          %gather3A_233 = tpu.vector_load_idx %arg4[%add3A_232] : memref<65536xf32, #tpu.memory_space<vmem>>[vector<16xi32>], vector<16xf32>,
          %swap3A_234 = arith.index_cast %add3A_224 : i32 to index
          %swap3A_235 = arith.constant 16 : index
          %swap3A_236 = tpu.vector_load %arg5[%swap3A_234, %swap3A_235] {strides = array<i32>} : memref<64x128xf32, #tpu.memory_space<vmem>>, vector<16xf32>,
          tpu.vector_store %arg5[%swap3A_234, %swap3A_235], %gather3A_233 {strides = array<i32>} : memref<64x128xf32, #tpu.memory_space<vmem>>, vector<16xf32>,
          %add3A_237 = arith.constant 2 : i32
          %add3A_238 = vector.broadcast %add3A_237 : i32 to vector<16xi32>
          %add3A_239 = arith.addi %add3A_218, %add3A_238 : vector<16xi32>
          %gather3A_240 = tpu.vector_load_idx %arg4[%add3A_239] : memref<65536xf32, #tpu.memory_space<vmem>>[vector<16xi32>], vector<16xf32>,
          %swap3A_241 = arith.index_cast %add3A_224 : i32 to index
          %swap3A_242 = arith.constant 32 : index
          %swap3A_243 = tpu.vector_load %arg5[%swap3A_241, %swap3A_242] {strides = array<i32>} : memref<64x128xf32, #tpu.memory_space<vmem>>, vector<16xf32>,
          tpu.vector_store %arg5[%swap3A_241, %swap3A_242], %gather3A_240 {strides = array<i32>} : memref<64x128xf32, #tpu.memory_space<vmem>>, vector<16xf32>,
          %add3A_244 = arith.constant 3 : i32
          %add3A_245 = vector.broadcast %add3A_244 : i32 to vector<16xi32>
          %add3A_246 = arith.addi %add3A_218, %add3A_245 : vector<16xi32>
          %gather3A_247 = tpu.vector_load_idx %arg4[%add3A_246] : memref<65536xf32, #tpu.memory_space<vmem>>[vector<16xi32>], vector<16xf32>,
          %swap3A_248 = arith.index_cast %add3A_224 : i32 to index
          %swap3A_249 = arith.constant 48 : index
          %swap3A_250 = tpu.vector_load %arg5[%swap3A_248, %swap3A_249] {strides = array<i32>} : memref<64x128xf32, #tpu.memory_space<vmem>>, vector<16xf32>,
          tpu.vector_store %arg5[%swap3A_248, %swap3A_249], %gather3A_247 {strides = array<i32>} : memref<64x128xf32, #tpu.memory_space<vmem>>, vector<16xf32>,
          %add3A_251 = arith.constant 4 : i32
          %add3A_252 = vector.broadcast %add3A_251 : i32 to vector<16xi32>
          %add3A_253 = arith.addi %add3A_218, %add3A_252 : vector<16xi32>
          %gather3A_254 = tpu.vector_load_idx %arg4[%add3A_253] : memref<65536xf32, #tpu.memory_space<vmem>>[vector<16xi32>], vector<16xf32>,
          %swap3A_255 = arith.index_cast %add3A_224 : i32 to index
          %swap3A_256 = arith.constant 64 : index
          %swap3A_257 = tpu.vector_load %arg5[%swap3A_255, %swap3A_256] {strides = array<i32>} : memref<64x128xf32, #tpu.memory_space<vmem>>, vector<16xf32>,
          tpu.vector_store %arg5[%swap3A_255, %swap3A_256], %gather3A_254 {strides = array<i32>} : memref<64x128xf32, #tpu.memory_space<vmem>>, vector<16xf32>,
          %add3A_258 = arith.constant 5 : i32
          %add3A_259 = vector.broadcast %add3A_258 : i32 to vector<16xi32>
          %add3A_260 = arith.addi %add3A_218, %add3A_259 : vector<16xi32>
          %gather3A_261 = tpu.vector_load_idx %arg4[%add3A_260] : memref<65536xf32, #tpu.memory_space<vmem>>[vector<16xi32>], vector<16xf32>,
          %swap3A_262 = arith.index_cast %add3A_224 : i32 to index
          %swap3A_263 = arith.constant 80 : index
          %swap3A_264 = tpu.vector_load %arg5[%swap3A_262, %swap3A_263] {strides = array<i32>} : memref<64x128xf32, #tpu.memory_space<vmem>>, vector<16xf32>,
          tpu.vector_store %arg5[%swap3A_262, %swap3A_263], %gather3A_261 {strides = array<i32>} : memref<64x128xf32, #tpu.memory_space<vmem>>, vector<16xf32>,
          %add3A_265 = arith.constant 6 : i32
          %add3A_266 = vector.broadcast %add3A_265 : i32 to vector<16xi32>
          %add3A_267 = arith.addi %add3A_218, %add3A_266 : vector<16xi32>
          %gather3A_268 = tpu.vector_load_idx %arg4[%add3A_267] : memref<65536xf32, #tpu.memory_space<vmem>>[vector<16xi32>], vector<16xf32>,
          %swap3A_269 = arith.index_cast %add3A_224 : i32 to index
          %swap3A_270 = arith.constant 96 : index
          %swap3A_271 = tpu.vector_load %arg5[%swap3A_269, %swap3A_270] {strides = array<i32>} : memref<64x128xf32, #tpu.memory_space<vmem>>, vector<16xf32>,
          tpu.vector_store %arg5[%swap3A_269, %swap3A_270], %gather3A_268 {strides = array<i32>} : memref<64x128xf32, #tpu.memory_space<vmem>>, vector<16xf32>,
          %add3A_272 = arith.constant 7 : i32
          %add3A_273 = vector.broadcast %add3A_272 : i32 to vector<16xi32>
          %add3A_274 = arith.addi %add3A_222, %add3A_273 : vector<16xi32>
          %gather3A_275 = tpu.vector_load_idx %arg4[%add3A_274] : memref<65536xf32, #tpu.memory_space<vmem>>[vector<16xi32>], vector<16xf32>,
          %swap3A_276 = arith.index_cast %add3A_224 : i32 to index
          %swap3A_277 = arith.constant 112 : index
          %swap3A_278 = tpu.vector_load %arg5[%swap3A_276, %swap3A_277] {strides = array<i32>} : memref<64x128xf32, #tpu.memory_space<vmem>>, vector<16xf32>,
          tpu.vector_store %arg5[%swap3A_276, %swap3A_277], %gather3A_275 {strides = array<i32>} : memref<64x128xf32, #tpu.memory_space<vmem>>, vector<16xf32>,
        }
        %scan3A_107 = arith.constant 16 : i32
        %add3A_108 = arith.constant 3 : i32
        %add3A_109 = arith.addi %mul3A_61, %add3A_108 : i32
        %lt3A_110 = arith.constant 127 : i32
        %lt3A_111 = arith.cmpi slt, %add3A_109, %lt3A_110 : i32
        %select_n3A_112 = arith.select %lt3A_111, %add3A_20, %add3A_16 : vector<16xi32>
        %mul3A_113 = arith.constant 512 : i32
        %mul3A_114 = arith.muli %add3A_109, %mul3A_113 : i32
        %add3A_115 = vector.broadcast %mul3A_114 : i32 to vector<16xi32>
        %add3A_116 = arith.addi %select_n3A_112, %add3A_115 : vector<16xi32>
        %sub3A_117 = arith.subi %add3A_116, %and3A_12 : vector<16xi32>
        %scan3A_118 = arith.constant 0 : i32
        %scan3A_119 = arith.constant 16 : i32
        %scan3A_120 = arith.addi %scan3A_118, %scan3A_119 : i32
        %scan3A_121 = arith.constant 1 : i32
        scf.for %scan3A_210 = %scan3A_118 to %scan3A_120 step %scan3A_121  : i32 {
          %mul3A_211 = arith.constant 1 : i32
          %mul3A_212 = arith.muli %scan3A_210, %mul3A_211 : i32
          %add3A_213 = arith.constant 0 : i32
          %add3A_214 = arith.addi %add3A_213, %mul3A_212 : i32
          %mul3A_215 = arith.constant 8 : i32
          %mul3A_216 = arith.muli %add3A_214, %mul3A_215 : i32
          %add3A_217 = vector.broadcast %mul3A_216 : i32 to vector<16xi32>
          %add3A_218 = arith.addi %add3A_116, %add3A_217 : vector<16xi32>
          %eq3A = arith.constant 15 : i32
          %eq3A_219 = arith.cmpi eq, %add3A_214, %eq3A : i32
          %select_n3A_220 = arith.select %eq3A_219, %sub3A_117, %add3A_116 : vector<16xi32>
          %add3A_221 = vector.broadcast %mul3A_216 : i32 to vector<16xi32>
          %add3A_222 = arith.addi %select_n3A_220, %add3A_221 : vector<16xi32>
          %add3A_223 = arith.constant 48 : i32
          %add3A_224 = arith.addi %add3A_223, %add3A_214 : i32
          %add3A_225 = arith.constant 0 : i32
          %add3A_226 = vector.broadcast %add3A_225 : i32 to vector<16xi32>
          %add3A_227 = arith.addi %add3A_218, %add3A_226 : vector<16xi32>
          %gather3A = tpu.vector_load_idx %arg4[%add3A_227] : memref<65536xf32, #tpu.memory_space<vmem>>[vector<16xi32>], vector<16xf32>,
          %swap3A = arith.index_cast %add3A_224 : i32 to index
          %swap3A_228 = arith.constant 0 : index
          %swap3A_229 = tpu.vector_load %arg5[%swap3A, %swap3A_228] {strides = array<i32>} : memref<64x128xf32, #tpu.memory_space<vmem>>, vector<16xf32>,
          tpu.vector_store %arg5[%swap3A, %swap3A_228], %gather3A {strides = array<i32>} : memref<64x128xf32, #tpu.memory_space<vmem>>, vector<16xf32>,
          %add3A_230 = arith.constant 1 : i32
          %add3A_231 = vector.broadcast %add3A_230 : i32 to vector<16xi32>
          %add3A_232 = arith.addi %add3A_218, %add3A_231 : vector<16xi32>
          %gather3A_233 = tpu.vector_load_idx %arg4[%add3A_232] : memref<65536xf32, #tpu.memory_space<vmem>>[vector<16xi32>], vector<16xf32>,
          %swap3A_234 = arith.index_cast %add3A_224 : i32 to index
          %swap3A_235 = arith.constant 16 : index
          %swap3A_236 = tpu.vector_load %arg5[%swap3A_234, %swap3A_235] {strides = array<i32>} : memref<64x128xf32, #tpu.memory_space<vmem>>, vector<16xf32>,
          tpu.vector_store %arg5[%swap3A_234, %swap3A_235], %gather3A_233 {strides = array<i32>} : memref<64x128xf32, #tpu.memory_space<vmem>>, vector<16xf32>,
          %add3A_237 = arith.constant 2 : i32
          %add3A_238 = vector.broadcast %add3A_237 : i32 to vector<16xi32>
          %add3A_239 = arith.addi %add3A_218, %add3A_238 : vector<16xi32>
          %gather3A_240 = tpu.vector_load_idx %arg4[%add3A_239] : memref<65536xf32, #tpu.memory_space<vmem>>[vector<16xi32>], vector<16xf32>,
          %swap3A_241 = arith.index_cast %add3A_224 : i32 to index
          %swap3A_242 = arith.constant 32 : index
          %swap3A_243 = tpu.vector_load %arg5[%swap3A_241, %swap3A_242] {strides = array<i32>} : memref<64x128xf32, #tpu.memory_space<vmem>>, vector<16xf32>,
          tpu.vector_store %arg5[%swap3A_241, %swap3A_242], %gather3A_240 {strides = array<i32>} : memref<64x128xf32, #tpu.memory_space<vmem>>, vector<16xf32>,
          %add3A_244 = arith.constant 3 : i32
          %add3A_245 = vector.broadcast %add3A_244 : i32 to vector<16xi32>
          %add3A_246 = arith.addi %add3A_218, %add3A_245 : vector<16xi32>
          %gather3A_247 = tpu.vector_load_idx %arg4[%add3A_246] : memref<65536xf32, #tpu.memory_space<vmem>>[vector<16xi32>], vector<16xf32>,
          %swap3A_248 = arith.index_cast %add3A_224 : i32 to index
          %swap3A_249 = arith.constant 48 : index
          %swap3A_250 = tpu.vector_load %arg5[%swap3A_248, %swap3A_249] {strides = array<i32>} : memref<64x128xf32, #tpu.memory_space<vmem>>, vector<16xf32>,
          tpu.vector_store %arg5[%swap3A_248, %swap3A_249], %gather3A_247 {strides = array<i32>} : memref<64x128xf32, #tpu.memory_space<vmem>>, vector<16xf32>,
          %add3A_251 = arith.constant 4 : i32
          %add3A_252 = vector.broadcast %add3A_251 : i32 to vector<16xi32>
          %add3A_253 = arith.addi %add3A_218, %add3A_252 : vector<16xi32>
          %gather3A_254 = tpu.vector_load_idx %arg4[%add3A_253] : memref<65536xf32, #tpu.memory_space<vmem>>[vector<16xi32>], vector<16xf32>,
          %swap3A_255 = arith.index_cast %add3A_224 : i32 to index
          %swap3A_256 = arith.constant 64 : index
          %swap3A_257 = tpu.vector_load %arg5[%swap3A_255, %swap3A_256] {strides = array<i32>} : memref<64x128xf32, #tpu.memory_space<vmem>>, vector<16xf32>,
          tpu.vector_store %arg5[%swap3A_255, %swap3A_256], %gather3A_254 {strides = array<i32>} : memref<64x128xf32, #tpu.memory_space<vmem>>, vector<16xf32>,
          %add3A_258 = arith.constant 5 : i32
          %add3A_259 = vector.broadcast %add3A_258 : i32 to vector<16xi32>
          %add3A_260 = arith.addi %add3A_218, %add3A_259 : vector<16xi32>
          %gather3A_261 = tpu.vector_load_idx %arg4[%add3A_260] : memref<65536xf32, #tpu.memory_space<vmem>>[vector<16xi32>], vector<16xf32>,
          %swap3A_262 = arith.index_cast %add3A_224 : i32 to index
          %swap3A_263 = arith.constant 80 : index
          %swap3A_264 = tpu.vector_load %arg5[%swap3A_262, %swap3A_263] {strides = array<i32>} : memref<64x128xf32, #tpu.memory_space<vmem>>, vector<16xf32>,
          tpu.vector_store %arg5[%swap3A_262, %swap3A_263], %gather3A_261 {strides = array<i32>} : memref<64x128xf32, #tpu.memory_space<vmem>>, vector<16xf32>,
          %add3A_265 = arith.constant 6 : i32
          %add3A_266 = vector.broadcast %add3A_265 : i32 to vector<16xi32>
          %add3A_267 = arith.addi %add3A_218, %add3A_266 : vector<16xi32>
          %gather3A_268 = tpu.vector_load_idx %arg4[%add3A_267] : memref<65536xf32, #tpu.memory_space<vmem>>[vector<16xi32>], vector<16xf32>,
          %swap3A_269 = arith.index_cast %add3A_224 : i32 to index
          %swap3A_270 = arith.constant 96 : index
          %swap3A_271 = tpu.vector_load %arg5[%swap3A_269, %swap3A_270] {strides = array<i32>} : memref<64x128xf32, #tpu.memory_space<vmem>>, vector<16xf32>,
          tpu.vector_store %arg5[%swap3A_269, %swap3A_270], %gather3A_268 {strides = array<i32>} : memref<64x128xf32, #tpu.memory_space<vmem>>, vector<16xf32>,
          %add3A_272 = arith.constant 7 : i32
          %add3A_273 = vector.broadcast %add3A_272 : i32 to vector<16xi32>
          %add3A_274 = arith.addi %add3A_222, %add3A_273 : vector<16xi32>
          %gather3A_275 = tpu.vector_load_idx %arg4[%add3A_274] : memref<65536xf32, #tpu.memory_space<vmem>>[vector<16xi32>], vector<16xf32>,
          %swap3A_276 = arith.index_cast %add3A_224 : i32 to index
          %swap3A_277 = arith.constant 112 : index
          %swap3A_278 = tpu.vector_load %arg5[%swap3A_276, %swap3A_277] {strides = array<i32>} : memref<64x128xf32, #tpu.memory_space<vmem>>, vector<16xf32>,
          tpu.vector_store %arg5[%swap3A_276, %swap3A_277], %gather3A_275 {strides = array<i32>} : memref<64x128xf32, #tpu.memory_space<vmem>>, vector<16xf32>,
        }
        %scan3A_122 = arith.constant 16 : i32
        %add3A_123 = arith.addi %add3A_43, %mul3A_61 : i32
        %mul3A_124 = arith.constant 16 : i32
        %mul3A_125 = arith.muli %add3A_123, %mul3A_124 : i32
        %dma_start3A = arith.constant 0 : i32
        %dma_start3A_126 = tpu.memref_slice %arg3[%mul3A_125, %dma_start3A] : memref<524288x128xf32, #tpu.memory_space<hbm>> -> memref<64x128xf32, #tpu.memory_space<hbm>>
        %dma_start3A_127 = arith.constant 0 : i32
        %dma_start3A_128 = tpu.memref_slice %arg3[%mul3A_125, %dma_start3A_127] : memref<524288x128xf32, #tpu.memory_space<hbm>> -> memref<64x128xf32, #tpu.memory_space<hbm>>
        tpu.enqueue_dma source(%arg5 : memref<64x128xf32, #tpu.memory_space<vmem>>) target(%dma_start3A_128 : memref<64x128xf32, #tpu.memory_space<hbm>>) target_semaphore(%arg7 : memref<!tpu.dma_semaphore, #tpu.memory_space<semaphore_mem>>)
        %mul3A_129 = arith.constant 2 : i32
        %mul3A_130 = arith.muli %mul3A_129, %add3A_55 : i32
        %add3A_131 = arith.constant 1 : i32
        %add3A_132 = arith.addi %mul3A_130, %add3A_131 : i32
        %mul3A_133 = arith.constant 4 : i32
        %mul3A_134 = arith.muli %add3A_132, %mul3A_133 : i32
        %gt3A_135 = arith.constant 0 : i32
        %gt3A_136 = arith.cmpi sgt, %add3A_55, %gt3A_135 : i32
        %gt3A_137 = arith.constant 0 : i32
        %gt3A_138 = arith.cmpi sgt, %add3A_40, %gt3A_137 : i32
        %or3A_139 = arith.ori %gt3A_136, %gt3A_138 : i1
        %convert_element_type3A_140 = arith.extui %or3A_139 : i1 to i32
        %cond3A_141 = arith.constant 0 : i32
        %cond3A_142 = arith.cmpi ne, %convert_element_type3A_140, %cond3A_141 : i32
        scf.if %cond3A_142 {
          %dma_wait3A_210 = arith.constant 0 : i32
          %dma_wait3A_211 = arith.constant 0 : i32
          %dma_wait3A_212 = tpu.memref_slice %arg3[%dma_wait3A_210, %dma_wait3A_211] : memref<524288x128xf32, #tpu.memory_space<hbm>> -> memref<64x128xf32, #tpu.memory_space<hbm>>
          %dma_wait3A_213 = arith.constant 0 : i32
          %dma_wait3A_214 = arith.constant 0 : i32
          %dma_wait3A_215 = tpu.memref_slice %arg3[%dma_wait3A_213, %dma_wait3A_214] : memref<524288x128xf32, #tpu.memory_space<hbm>> -> memref<64x128xf32, #tpu.memory_space<hbm>>
          tpu.wait_dma2 semaphore(%arg8 : memref<!tpu.dma_semaphore, #tpu.memory_space<semaphore_mem>>) src(%arg6 : memref<64x128xf32, #tpu.memory_space<vmem>>) dst(%dma_wait3A_215 : memref<64x128xf32, #tpu.memory_space<hbm>>)
        } else {
        }
        %add3A_143 = arith.constant 0 : i32
        %add3A_144 = arith.addi %mul3A_134, %add3A_143 : i32
        %lt3A_145 = arith.constant 127 : i32
        %lt3A_146 = arith.cmpi slt, %add3A_144, %lt3A_145 : i32
        %select_n3A_147 = arith.select %lt3A_146, %add3A_20, %add3A_16 : vector<16xi32>
        %mul3A_148 = arith.constant 512 : i32
        %mul3A_149 = arith.muli %add3A_144, %mul3A_148 : i32
        %add3A_150 = vector.broadcast %mul3A_149 : i32 to vector<16xi32>
        %add3A_151 = arith.addi %select_n3A_147, %add3A_150 : vector<16xi32>
        %sub3A_152 = arith.subi %add3A_151, %and3A_12 : vector<16xi32>
        %scan3A_153 = arith.constant 0 : i32
        %scan3A_154 = arith.constant 16 : i32
        %scan3A_155 = arith.addi %scan3A_153, %scan3A_154 : i32
        %scan3A_156 = arith.constant 1 : i32
        scf.for %scan3A_210 = %scan3A_153 to %scan3A_155 step %scan3A_156  : i32 {
          %mul3A_211 = arith.constant 1 : i32
          %mul3A_212 = arith.muli %scan3A_210, %mul3A_211 : i32
          %add3A_213 = arith.constant 0 : i32
          %add3A_214 = arith.addi %add3A_213, %mul3A_212 : i32
          %mul3A_215 = arith.constant 8 : i32
          %mul3A_216 = arith.muli %add3A_214, %mul3A_215 : i32
          %add3A_217 = vector.broadcast %mul3A_216 : i32 to vector<16xi32>
          %add3A_218 = arith.addi %add3A_151, %add3A_217 : vector<16xi32>
          %eq3A = arith.constant 15 : i32
          %eq3A_219 = arith.cmpi eq, %add3A_214, %eq3A : i32
          %select_n3A_220 = arith.select %eq3A_219, %sub3A_152, %add3A_151 : vector<16xi32>
          %add3A_221 = vector.broadcast %mul3A_216 : i32 to vector<16xi32>
          %add3A_222 = arith.addi %select_n3A_220, %add3A_221 : vector<16xi32>
          %add3A_223 = arith.constant 0 : i32
          %add3A_224 = arith.addi %add3A_223, %add3A_214 : i32
          %add3A_225 = arith.constant 0 : i32
          %add3A_226 = vector.broadcast %add3A_225 : i32 to vector<16xi32>
          %add3A_227 = arith.addi %add3A_218, %add3A_226 : vector<16xi32>
          %gather3A = tpu.vector_load_idx %arg4[%add3A_227] : memref<65536xf32, #tpu.memory_space<vmem>>[vector<16xi32>], vector<16xf32>,
          %swap3A = arith.index_cast %add3A_224 : i32 to index
          %swap3A_228 = arith.constant 0 : index
          %swap3A_229 = tpu.vector_load %arg6[%swap3A, %swap3A_228] {strides = array<i32>} : memref<64x128xf32, #tpu.memory_space<vmem>>, vector<16xf32>,
          tpu.vector_store %arg6[%swap3A, %swap3A_228], %gather3A {strides = array<i32>} : memref<64x128xf32, #tpu.memory_space<vmem>>, vector<16xf32>,
          %add3A_230 = arith.constant 1 : i32
          %add3A_231 = vector.broadcast %add3A_230 : i32 to vector<16xi32>
          %add3A_232 = arith.addi %add3A_218, %add3A_231 : vector<16xi32>
          %gather3A_233 = tpu.vector_load_idx %arg4[%add3A_232] : memref<65536xf32, #tpu.memory_space<vmem>>[vector<16xi32>], vector<16xf32>,
          %swap3A_234 = arith.index_cast %add3A_224 : i32 to index
          %swap3A_235 = arith.constant 16 : index
          %swap3A_236 = tpu.vector_load %arg6[%swap3A_234, %swap3A_235] {strides = array<i32>} : memref<64x128xf32, #tpu.memory_space<vmem>>, vector<16xf32>,
          tpu.vector_store %arg6[%swap3A_234, %swap3A_235], %gather3A_233 {strides = array<i32>} : memref<64x128xf32, #tpu.memory_space<vmem>>, vector<16xf32>,
          %add3A_237 = arith.constant 2 : i32
          %add3A_238 = vector.broadcast %add3A_237 : i32 to vector<16xi32>
          %add3A_239 = arith.addi %add3A_218, %add3A_238 : vector<16xi32>
          %gather3A_240 = tpu.vector_load_idx %arg4[%add3A_239] : memref<65536xf32, #tpu.memory_space<vmem>>[vector<16xi32>], vector<16xf32>,
          %swap3A_241 = arith.index_cast %add3A_224 : i32 to index
          %swap3A_242 = arith.constant 32 : index
          %swap3A_243 = tpu.vector_load %arg6[%swap3A_241, %swap3A_242] {strides = array<i32>} : memref<64x128xf32, #tpu.memory_space<vmem>>, vector<16xf32>,
          tpu.vector_store %arg6[%swap3A_241, %swap3A_242], %gather3A_240 {strides = array<i32>} : memref<64x128xf32, #tpu.memory_space<vmem>>, vector<16xf32>,
          %add3A_244 = arith.constant 3 : i32
          %add3A_245 = vector.broadcast %add3A_244 : i32 to vector<16xi32>
          %add3A_246 = arith.addi %add3A_218, %add3A_245 : vector<16xi32>
          %gather3A_247 = tpu.vector_load_idx %arg4[%add3A_246] : memref<65536xf32, #tpu.memory_space<vmem>>[vector<16xi32>], vector<16xf32>,
          %swap3A_248 = arith.index_cast %add3A_224 : i32 to index
          %swap3A_249 = arith.constant 48 : index
          %swap3A_250 = tpu.vector_load %arg6[%swap3A_248, %swap3A_249] {strides = array<i32>} : memref<64x128xf32, #tpu.memory_space<vmem>>, vector<16xf32>,
          tpu.vector_store %arg6[%swap3A_248, %swap3A_249], %gather3A_247 {strides = array<i32>} : memref<64x128xf32, #tpu.memory_space<vmem>>, vector<16xf32>,
          %add3A_251 = arith.constant 4 : i32
          %add3A_252 = vector.broadcast %add3A_251 : i32 to vector<16xi32>
          %add3A_253 = arith.addi %add3A_218, %add3A_252 : vector<16xi32>
          %gather3A_254 = tpu.vector_load_idx %arg4[%add3A_253] : memref<65536xf32, #tpu.memory_space<vmem>>[vector<16xi32>], vector<16xf32>,
          %swap3A_255 = arith.index_cast %add3A_224 : i32 to index
          %swap3A_256 = arith.constant 64 : index
          %swap3A_257 = tpu.vector_load %arg6[%swap3A_255, %swap3A_256] {strides = array<i32>} : memref<64x128xf32, #tpu.memory_space<vmem>>, vector<16xf32>,
          tpu.vector_store %arg6[%swap3A_255, %swap3A_256], %gather3A_254 {strides = array<i32>} : memref<64x128xf32, #tpu.memory_space<vmem>>, vector<16xf32>,
          %add3A_258 = arith.constant 5 : i32
          %add3A_259 = vector.broadcast %add3A_258 : i32 to vector<16xi32>
          %add3A_260 = arith.addi %add3A_218, %add3A_259 : vector<16xi32>
          %gather3A_261 = tpu.vector_load_idx %arg4[%add3A_260] : memref<65536xf32, #tpu.memory_space<vmem>>[vector<16xi32>], vector<16xf32>,
          %swap3A_262 = arith.index_cast %add3A_224 : i32 to index
          %swap3A_263 = arith.constant 80 : index
          %swap3A_264 = tpu.vector_load %arg6[%swap3A_262, %swap3A_263] {strides = array<i32>} : memref<64x128xf32, #tpu.memory_space<vmem>>, vector<16xf32>,
          tpu.vector_store %arg6[%swap3A_262, %swap3A_263], %gather3A_261 {strides = array<i32>} : memref<64x128xf32, #tpu.memory_space<vmem>>, vector<16xf32>,
          %add3A_265 = arith.constant 6 : i32
          %add3A_266 = vector.broadcast %add3A_265 : i32 to vector<16xi32>
          %add3A_267 = arith.addi %add3A_218, %add3A_266 : vector<16xi32>
          %gather3A_268 = tpu.vector_load_idx %arg4[%add3A_267] : memref<65536xf32, #tpu.memory_space<vmem>>[vector<16xi32>], vector<16xf32>,
          %swap3A_269 = arith.index_cast %add3A_224 : i32 to index
          %swap3A_270 = arith.constant 96 : index
          %swap3A_271 = tpu.vector_load %arg6[%swap3A_269, %swap3A_270] {strides = array<i32>} : memref<64x128xf32, #tpu.memory_space<vmem>>, vector<16xf32>,
          tpu.vector_store %arg6[%swap3A_269, %swap3A_270], %gather3A_268 {strides = array<i32>} : memref<64x128xf32, #tpu.memory_space<vmem>>, vector<16xf32>,
          %add3A_272 = arith.constant 7 : i32
          %add3A_273 = vector.broadcast %add3A_272 : i32 to vector<16xi32>
          %add3A_274 = arith.addi %add3A_222, %add3A_273 : vector<16xi32>
          %gather3A_275 = tpu.vector_load_idx %arg4[%add3A_274] : memref<65536xf32, #tpu.memory_space<vmem>>[vector<16xi32>], vector<16xf32>,
          %swap3A_276 = arith.index_cast %add3A_224 : i32 to index
          %swap3A_277 = arith.constant 112 : index
          %swap3A_278 = tpu.vector_load %arg6[%swap3A_276, %swap3A_277] {strides = array<i32>} : memref<64x128xf32, #tpu.memory_space<vmem>>, vector<16xf32>,
          tpu.vector_store %arg6[%swap3A_276, %swap3A_277], %gather3A_275 {strides = array<i32>} : memref<64x128xf32, #tpu.memory_space<vmem>>, vector<16xf32>,
        }
        %scan3A_157 = arith.constant 16 : i32
        %add3A_158 = arith.constant 1 : i32
        %add3A_159 = arith.addi %mul3A_134, %add3A_158 : i32
        %lt3A_160 = arith.constant 127 : i32
        %lt3A_161 = arith.cmpi slt, %add3A_159, %lt3A_160 : i32
        %select_n3A_162 = arith.select %lt3A_161, %add3A_20, %add3A_16 : vector<16xi32>
        %mul3A_163 = arith.constant 512 : i32
        %mul3A_164 = arith.muli %add3A_159, %mul3A_163 : i32
        %add3A_165 = vector.broadcast %mul3A_164 : i32 to vector<16xi32>
        %add3A_166 = arith.addi %select_n3A_162, %add3A_165 : vector<16xi32>
        %sub3A_167 = arith.subi %add3A_166, %and3A_12 : vector<16xi32>
        %scan3A_168 = arith.constant 0 : i32
        %scan3A_169 = arith.constant 16 : i32
        %scan3A_170 = arith.addi %scan3A_168, %scan3A_169 : i32
        %scan3A_171 = arith.constant 1 : i32
        scf.for %scan3A_210 = %scan3A_168 to %scan3A_170 step %scan3A_171  : i32 {
          %mul3A_211 = arith.constant 1 : i32
          %mul3A_212 = arith.muli %scan3A_210, %mul3A_211 : i32
          %add3A_213 = arith.constant 0 : i32
          %add3A_214 = arith.addi %add3A_213, %mul3A_212 : i32
          %mul3A_215 = arith.constant 8 : i32
          %mul3A_216 = arith.muli %add3A_214, %mul3A_215 : i32
          %add3A_217 = vector.broadcast %mul3A_216 : i32 to vector<16xi32>
          %add3A_218 = arith.addi %add3A_166, %add3A_217 : vector<16xi32>
          %eq3A = arith.constant 15 : i32
          %eq3A_219 = arith.cmpi eq, %add3A_214, %eq3A : i32
          %select_n3A_220 = arith.select %eq3A_219, %sub3A_167, %add3A_166 : vector<16xi32>
          %add3A_221 = vector.broadcast %mul3A_216 : i32 to vector<16xi32>
          %add3A_222 = arith.addi %select_n3A_220, %add3A_221 : vector<16xi32>
          %add3A_223 = arith.constant 16 : i32
          %add3A_224 = arith.addi %add3A_223, %add3A_214 : i32
          %add3A_225 = arith.constant 0 : i32
          %add3A_226 = vector.broadcast %add3A_225 : i32 to vector<16xi32>
          %add3A_227 = arith.addi %add3A_218, %add3A_226 : vector<16xi32>
          %gather3A = tpu.vector_load_idx %arg4[%add3A_227] : memref<65536xf32, #tpu.memory_space<vmem>>[vector<16xi32>], vector<16xf32>,
          %swap3A = arith.index_cast %add3A_224 : i32 to index
          %swap3A_228 = arith.constant 0 : index
          %swap3A_229 = tpu.vector_load %arg6[%swap3A, %swap3A_228] {strides = array<i32>} : memref<64x128xf32, #tpu.memory_space<vmem>>, vector<16xf32>,
          tpu.vector_store %arg6[%swap3A, %swap3A_228], %gather3A {strides = array<i32>} : memref<64x128xf32, #tpu.memory_space<vmem>>, vector<16xf32>,
          %add3A_230 = arith.constant 1 : i32
          %add3A_231 = vector.broadcast %add3A_230 : i32 to vector<16xi32>
          %add3A_232 = arith.addi %add3A_218, %add3A_231 : vector<16xi32>
          %gather3A_233 = tpu.vector_load_idx %arg4[%add3A_232] : memref<65536xf32, #tpu.memory_space<vmem>>[vector<16xi32>], vector<16xf32>,
          %swap3A_234 = arith.index_cast %add3A_224 : i32 to index
          %swap3A_235 = arith.constant 16 : index
          %swap3A_236 = tpu.vector_load %arg6[%swap3A_234, %swap3A_235] {strides = array<i32>} : memref<64x128xf32, #tpu.memory_space<vmem>>, vector<16xf32>,
          tpu.vector_store %arg6[%swap3A_234, %swap3A_235], %gather3A_233 {strides = array<i32>} : memref<64x128xf32, #tpu.memory_space<vmem>>, vector<16xf32>,
          %add3A_237 = arith.constant 2 : i32
          %add3A_238 = vector.broadcast %add3A_237 : i32 to vector<16xi32>
          %add3A_239 = arith.addi %add3A_218, %add3A_238 : vector<16xi32>
          %gather3A_240 = tpu.vector_load_idx %arg4[%add3A_239] : memref<65536xf32, #tpu.memory_space<vmem>>[vector<16xi32>], vector<16xf32>,
          %swap3A_241 = arith.index_cast %add3A_224 : i32 to index
          %swap3A_242 = arith.constant 32 : index
          %swap3A_243 = tpu.vector_load %arg6[%swap3A_241, %swap3A_242] {strides = array<i32>} : memref<64x128xf32, #tpu.memory_space<vmem>>, vector<16xf32>,
          tpu.vector_store %arg6[%swap3A_241, %swap3A_242], %gather3A_240 {strides = array<i32>} : memref<64x128xf32, #tpu.memory_space<vmem>>, vector<16xf32>,
          %add3A_244 = arith.constant 3 : i32
          %add3A_245 = vector.broadcast %add3A_244 : i32 to vector<16xi32>
          %add3A_246 = arith.addi %add3A_218, %add3A_245 : vector<16xi32>
          %gather3A_247 = tpu.vector_load_idx %arg4[%add3A_246] : memref<65536xf32, #tpu.memory_space<vmem>>[vector<16xi32>], vector<16xf32>,
          %swap3A_248 = arith.index_cast %add3A_224 : i32 to index
          %swap3A_249 = arith.constant 48 : index
          %swap3A_250 = tpu.vector_load %arg6[%swap3A_248, %swap3A_249] {strides = array<i32>} : memref<64x128xf32, #tpu.memory_space<vmem>>, vector<16xf32>,
          tpu.vector_store %arg6[%swap3A_248, %swap3A_249], %gather3A_247 {strides = array<i32>} : memref<64x128xf32, #tpu.memory_space<vmem>>, vector<16xf32>,
          %add3A_251 = arith.constant 4 : i32
          %add3A_252 = vector.broadcast %add3A_251 : i32 to vector<16xi32>
          %add3A_253 = arith.addi %add3A_218, %add3A_252 : vector<16xi32>
          %gather3A_254 = tpu.vector_load_idx %arg4[%add3A_253] : memref<65536xf32, #tpu.memory_space<vmem>>[vector<16xi32>], vector<16xf32>,
          %swap3A_255 = arith.index_cast %add3A_224 : i32 to index
          %swap3A_256 = arith.constant 64 : index
          %swap3A_257 = tpu.vector_load %arg6[%swap3A_255, %swap3A_256] {strides = array<i32>} : memref<64x128xf32, #tpu.memory_space<vmem>>, vector<16xf32>,
          tpu.vector_store %arg6[%swap3A_255, %swap3A_256], %gather3A_254 {strides = array<i32>} : memref<64x128xf32, #tpu.memory_space<vmem>>, vector<16xf32>,
          %add3A_258 = arith.constant 5 : i32
          %add3A_259 = vector.broadcast %add3A_258 : i32 to vector<16xi32>
          %add3A_260 = arith.addi %add3A_218, %add3A_259 : vector<16xi32>
          %gather3A_261 = tpu.vector_load_idx %arg4[%add3A_260] : memref<65536xf32, #tpu.memory_space<vmem>>[vector<16xi32>], vector<16xf32>,
          %swap3A_262 = arith.index_cast %add3A_224 : i32 to index
          %swap3A_263 = arith.constant 80 : index
          %swap3A_264 = tpu.vector_load %arg6[%swap3A_262, %swap3A_263] {strides = array<i32>} : memref<64x128xf32, #tpu.memory_space<vmem>>, vector<16xf32>,
          tpu.vector_store %arg6[%swap3A_262, %swap3A_263], %gather3A_261 {strides = array<i32>} : memref<64x128xf32, #tpu.memory_space<vmem>>, vector<16xf32>,
          %add3A_265 = arith.constant 6 : i32
          %add3A_266 = vector.broadcast %add3A_265 : i32 to vector<16xi32>
          %add3A_267 = arith.addi %add3A_218, %add3A_266 : vector<16xi32>
          %gather3A_268 = tpu.vector_load_idx %arg4[%add3A_267] : memref<65536xf32, #tpu.memory_space<vmem>>[vector<16xi32>], vector<16xf32>,
          %swap3A_269 = arith.index_cast %add3A_224 : i32 to index
          %swap3A_270 = arith.constant 96 : index
          %swap3A_271 = tpu.vector_load %arg6[%swap3A_269, %swap3A_270] {strides = array<i32>} : memref<64x128xf32, #tpu.memory_space<vmem>>, vector<16xf32>,
          tpu.vector_store %arg6[%swap3A_269, %swap3A_270], %gather3A_268 {strides = array<i32>} : memref<64x128xf32, #tpu.memory_space<vmem>>, vector<16xf32>,
          %add3A_272 = arith.constant 7 : i32
          %add3A_273 = vector.broadcast %add3A_272 : i32 to vector<16xi32>
          %add3A_274 = arith.addi %add3A_222, %add3A_273 : vector<16xi32>
          %gather3A_275 = tpu.vector_load_idx %arg4[%add3A_274] : memref<65536xf32, #tpu.memory_space<vmem>>[vector<16xi32>], vector<16xf32>,
          %swap3A_276 = arith.index_cast %add3A_224 : i32 to index
          %swap3A_277 = arith.constant 112 : index
          %swap3A_278 = tpu.vector_load %arg6[%swap3A_276, %swap3A_277] {strides = array<i32>} : memref<64x128xf32, #tpu.memory_space<vmem>>, vector<16xf32>,
          tpu.vector_store %arg6[%swap3A_276, %swap3A_277], %gather3A_275 {strides = array<i32>} : memref<64x128xf32, #tpu.memory_space<vmem>>, vector<16xf32>,
        }
        %scan3A_172 = arith.constant 16 : i32
        %add3A_173 = arith.constant 2 : i32
        %add3A_174 = arith.addi %mul3A_134, %add3A_173 : i32
        %lt3A_175 = arith.constant 127 : i32
        %lt3A_176 = arith.cmpi slt, %add3A_174, %lt3A_175 : i32
        %select_n3A_177 = arith.select %lt3A_176, %add3A_20, %add3A_16 : vector<16xi32>
        %mul3A_178 = arith.constant 512 : i32
        %mul3A_179 = arith.muli %add3A_174, %mul3A_178 : i32
        %add3A_180 = vector.broadcast %mul3A_179 : i32 to vector<16xi32>
        %add3A_181 = arith.addi %select_n3A_177, %add3A_180 : vector<16xi32>
        %sub3A_182 = arith.subi %add3A_181, %and3A_12 : vector<16xi32>
        %scan3A_183 = arith.constant 0 : i32
        %scan3A_184 = arith.constant 16 : i32
        %scan3A_185 = arith.addi %scan3A_183, %scan3A_184 : i32
        %scan3A_186 = arith.constant 1 : i32
        scf.for %scan3A_210 = %scan3A_183 to %scan3A_185 step %scan3A_186  : i32 {
          %mul3A_211 = arith.constant 1 : i32
          %mul3A_212 = arith.muli %scan3A_210, %mul3A_211 : i32
          %add3A_213 = arith.constant 0 : i32
          %add3A_214 = arith.addi %add3A_213, %mul3A_212 : i32
          %mul3A_215 = arith.constant 8 : i32
          %mul3A_216 = arith.muli %add3A_214, %mul3A_215 : i32
          %add3A_217 = vector.broadcast %mul3A_216 : i32 to vector<16xi32>
          %add3A_218 = arith.addi %add3A_181, %add3A_217 : vector<16xi32>
          %eq3A = arith.constant 15 : i32
          %eq3A_219 = arith.cmpi eq, %add3A_214, %eq3A : i32
          %select_n3A_220 = arith.select %eq3A_219, %sub3A_182, %add3A_181 : vector<16xi32>
          %add3A_221 = vector.broadcast %mul3A_216 : i32 to vector<16xi32>
          %add3A_222 = arith.addi %select_n3A_220, %add3A_221 : vector<16xi32>
          %add3A_223 = arith.constant 32 : i32
          %add3A_224 = arith.addi %add3A_223, %add3A_214 : i32
          %add3A_225 = arith.constant 0 : i32
          %add3A_226 = vector.broadcast %add3A_225 : i32 to vector<16xi32>
          %add3A_227 = arith.addi %add3A_218, %add3A_226 : vector<16xi32>
          %gather3A = tpu.vector_load_idx %arg4[%add3A_227] : memref<65536xf32, #tpu.memory_space<vmem>>[vector<16xi32>], vector<16xf32>,
          %swap3A = arith.index_cast %add3A_224 : i32 to index
          %swap3A_228 = arith.constant 0 : index
          %swap3A_229 = tpu.vector_load %arg6[%swap3A, %swap3A_228] {strides = array<i32>} : memref<64x128xf32, #tpu.memory_space<vmem>>, vector<16xf32>,
          tpu.vector_store %arg6[%swap3A, %swap3A_228], %gather3A {strides = array<i32>} : memref<64x128xf32, #tpu.memory_space<vmem>>, vector<16xf32>,
          %add3A_230 = arith.constant 1 : i32
          %add3A_231 = vector.broadcast %add3A_230 : i32 to vector<16xi32>
          %add3A_232 = arith.addi %add3A_218, %add3A_231 : vector<16xi32>
          %gather3A_233 = tpu.vector_load_idx %arg4[%add3A_232] : memref<65536xf32, #tpu.memory_space<vmem>>[vector<16xi32>], vector<16xf32>,
          %swap3A_234 = arith.index_cast %add3A_224 : i32 to index
          %swap3A_235 = arith.constant 16 : index
          %swap3A_236 = tpu.vector_load %arg6[%swap3A_234, %swap3A_235] {strides = array<i32>} : memref<64x128xf32, #tpu.memory_space<vmem>>, vector<16xf32>,
          tpu.vector_store %arg6[%swap3A_234, %swap3A_235], %gather3A_233 {strides = array<i32>} : memref<64x128xf32, #tpu.memory_space<vmem>>, vector<16xf32>,
          %add3A_237 = arith.constant 2 : i32
          %add3A_238 = vector.broadcast %add3A_237 : i32 to vector<16xi32>
          %add3A_239 = arith.addi %add3A_218, %add3A_238 : vector<16xi32>
          %gather3A_240 = tpu.vector_load_idx %arg4[%add3A_239] : memref<65536xf32, #tpu.memory_space<vmem>>[vector<16xi32>], vector<16xf32>,
          %swap3A_241 = arith.index_cast %add3A_224 : i32 to index
          %swap3A_242 = arith.constant 32 : index
          %swap3A_243 = tpu.vector_load %arg6[%swap3A_241, %swap3A_242] {strides = array<i32>} : memref<64x128xf32, #tpu.memory_space<vmem>>, vector<16xf32>,
          tpu.vector_store %arg6[%swap3A_241, %swap3A_242], %gather3A_240 {strides = array<i32>} : memref<64x128xf32, #tpu.memory_space<vmem>>, vector<16xf32>,
          %add3A_244 = arith.constant 3 : i32
          %add3A_245 = vector.broadcast %add3A_244 : i32 to vector<16xi32>
          %add3A_246 = arith.addi %add3A_218, %add3A_245 : vector<16xi32>
          %gather3A_247 = tpu.vector_load_idx %arg4[%add3A_246] : memref<65536xf32, #tpu.memory_space<vmem>>[vector<16xi32>], vector<16xf32>,
          %swap3A_248 = arith.index_cast %add3A_224 : i32 to index
          %swap3A_249 = arith.constant 48 : index
          %swap3A_250 = tpu.vector_load %arg6[%swap3A_248, %swap3A_249] {strides = array<i32>} : memref<64x128xf32, #tpu.memory_space<vmem>>, vector<16xf32>,
          tpu.vector_store %arg6[%swap3A_248, %swap3A_249], %gather3A_247 {strides = array<i32>} : memref<64x128xf32, #tpu.memory_space<vmem>>, vector<16xf32>,
          %add3A_251 = arith.constant 4 : i32
          %add3A_252 = vector.broadcast %add3A_251 : i32 to vector<16xi32>
          %add3A_253 = arith.addi %add3A_218, %add3A_252 : vector<16xi32>
          %gather3A_254 = tpu.vector_load_idx %arg4[%add3A_253] : memref<65536xf32, #tpu.memory_space<vmem>>[vector<16xi32>], vector<16xf32>,
          %swap3A_255 = arith.index_cast %add3A_224 : i32 to index
          %swap3A_256 = arith.constant 64 : index
          %swap3A_257 = tpu.vector_load %arg6[%swap3A_255, %swap3A_256] {strides = array<i32>} : memref<64x128xf32, #tpu.memory_space<vmem>>, vector<16xf32>,
          tpu.vector_store %arg6[%swap3A_255, %swap3A_256], %gather3A_254 {strides = array<i32>} : memref<64x128xf32, #tpu.memory_space<vmem>>, vector<16xf32>,
          %add3A_258 = arith.constant 5 : i32
          %add3A_259 = vector.broadcast %add3A_258 : i32 to vector<16xi32>
          %add3A_260 = arith.addi %add3A_218, %add3A_259 : vector<16xi32>
          %gather3A_261 = tpu.vector_load_idx %arg4[%add3A_260] : memref<65536xf32, #tpu.memory_space<vmem>>[vector<16xi32>], vector<16xf32>,
          %swap3A_262 = arith.index_cast %add3A_224 : i32 to index
          %swap3A_263 = arith.constant 80 : index
          %swap3A_264 = tpu.vector_load %arg6[%swap3A_262, %swap3A_263] {strides = array<i32>} : memref<64x128xf32, #tpu.memory_space<vmem>>, vector<16xf32>,
          tpu.vector_store %arg6[%swap3A_262, %swap3A_263], %gather3A_261 {strides = array<i32>} : memref<64x128xf32, #tpu.memory_space<vmem>>, vector<16xf32>,
          %add3A_265 = arith.constant 6 : i32
          %add3A_266 = vector.broadcast %add3A_265 : i32 to vector<16xi32>
          %add3A_267 = arith.addi %add3A_218, %add3A_266 : vector<16xi32>
          %gather3A_268 = tpu.vector_load_idx %arg4[%add3A_267] : memref<65536xf32, #tpu.memory_space<vmem>>[vector<16xi32>], vector<16xf32>,
          %swap3A_269 = arith.index_cast %add3A_224 : i32 to index
          %swap3A_270 = arith.constant 96 : index
          %swap3A_271 = tpu.vector_load %arg6[%swap3A_269, %swap3A_270] {strides = array<i32>} : memref<64x128xf32, #tpu.memory_space<vmem>>, vector<16xf32>,
          tpu.vector_store %arg6[%swap3A_269, %swap3A_270], %gather3A_268 {strides = array<i32>} : memref<64x128xf32, #tpu.memory_space<vmem>>, vector<16xf32>,
          %add3A_272 = arith.constant 7 : i32
          %add3A_273 = vector.broadcast %add3A_272 : i32 to vector<16xi32>
          %add3A_274 = arith.addi %add3A_222, %add3A_273 : vector<16xi32>
          %gather3A_275 = tpu.vector_load_idx %arg4[%add3A_274] : memref<65536xf32, #tpu.memory_space<vmem>>[vector<16xi32>], vector<16xf32>,
          %swap3A_276 = arith.index_cast %add3A_224 : i32 to index
          %swap3A_277 = arith.constant 112 : index
          %swap3A_278 = tpu.vector_load %arg6[%swap3A_276, %swap3A_277] {strides = array<i32>} : memref<64x128xf32, #tpu.memory_space<vmem>>, vector<16xf32>,
          tpu.vector_store %arg6[%swap3A_276, %swap3A_277], %gather3A_275 {strides = array<i32>} : memref<64x128xf32, #tpu.memory_space<vmem>>, vector<16xf32>,
        }
        %scan3A_187 = arith.constant 16 : i32
        %add3A_188 = arith.constant 3 : i32
        %add3A_189 = arith.addi %mul3A_134, %add3A_188 : i32
        %lt3A_190 = arith.constant 127 : i32
        %lt3A_191 = arith.cmpi slt, %add3A_189, %lt3A_190 : i32
        %select_n3A_192 = arith.select %lt3A_191, %add3A_20, %add3A_16 : vector<16xi32>
        %mul3A_193 = arith.constant 512 : i32
        %mul3A_194 = arith.muli %add3A_189, %mul3A_193 : i32
        %add3A_195 = vector.broadcast %mul3A_194 : i32 to vector<16xi32>
        %add3A_196 = arith.addi %select_n3A_192, %add3A_195 : vector<16xi32>
        %sub3A_197 = arith.subi %add3A_196, %and3A_12 : vector<16xi32>
        %scan3A_198 = arith.constant 0 : i32
        %scan3A_199 = arith.constant 16 : i32
        %scan3A_200 = arith.addi %scan3A_198, %scan3A_199 : i32
        %scan3A_201 = arith.constant 1 : i32
        scf.for %scan3A_210 = %scan3A_198 to %scan3A_200 step %scan3A_201  : i32 {
          %mul3A_211 = arith.constant 1 : i32
          %mul3A_212 = arith.muli %scan3A_210, %mul3A_211 : i32
          %add3A_213 = arith.constant 0 : i32
          %add3A_214 = arith.addi %add3A_213, %mul3A_212 : i32
          %mul3A_215 = arith.constant 8 : i32
          %mul3A_216 = arith.muli %add3A_214, %mul3A_215 : i32
          %add3A_217 = vector.broadcast %mul3A_216 : i32 to vector<16xi32>
          %add3A_218 = arith.addi %add3A_196, %add3A_217 : vector<16xi32>
          %eq3A = arith.constant 15 : i32
          %eq3A_219 = arith.cmpi eq, %add3A_214, %eq3A : i32
          %select_n3A_220 = arith.select %eq3A_219, %sub3A_197, %add3A_196 : vector<16xi32>
          %add3A_221 = vector.broadcast %mul3A_216 : i32 to vector<16xi32>
          %add3A_222 = arith.addi %select_n3A_220, %add3A_221 : vector<16xi32>
          %add3A_223 = arith.constant 48 : i32
          %add3A_224 = arith.addi %add3A_223, %add3A_214 : i32
          %add3A_225 = arith.constant 0 : i32
          %add3A_226 = vector.broadcast %add3A_225 : i32 to vector<16xi32>
          %add3A_227 = arith.addi %add3A_218, %add3A_226 : vector<16xi32>
          %gather3A = tpu.vector_load_idx %arg4[%add3A_227] : memref<65536xf32, #tpu.memory_space<vmem>>[vector<16xi32>], vector<16xf32>,
          %swap3A = arith.index_cast %add3A_224 : i32 to index
          %swap3A_228 = arith.constant 0 : index
          %swap3A_229 = tpu.vector_load %arg6[%swap3A, %swap3A_228] {strides = array<i32>} : memref<64x128xf32, #tpu.memory_space<vmem>>, vector<16xf32>,
          tpu.vector_store %arg6[%swap3A, %swap3A_228], %gather3A {strides = array<i32>} : memref<64x128xf32, #tpu.memory_space<vmem>>, vector<16xf32>,
          %add3A_230 = arith.constant 1 : i32
          %add3A_231 = vector.broadcast %add3A_230 : i32 to vector<16xi32>
          %add3A_232 = arith.addi %add3A_218, %add3A_231 : vector<16xi32>
          %gather3A_233 = tpu.vector_load_idx %arg4[%add3A_232] : memref<65536xf32, #tpu.memory_space<vmem>>[vector<16xi32>], vector<16xf32>,
          %swap3A_234 = arith.index_cast %add3A_224 : i32 to index
          %swap3A_235 = arith.constant 16 : index
          %swap3A_236 = tpu.vector_load %arg6[%swap3A_234, %swap3A_235] {strides = array<i32>} : memref<64x128xf32, #tpu.memory_space<vmem>>, vector<16xf32>,
          tpu.vector_store %arg6[%swap3A_234, %swap3A_235], %gather3A_233 {strides = array<i32>} : memref<64x128xf32, #tpu.memory_space<vmem>>, vector<16xf32>,
          %add3A_237 = arith.constant 2 : i32
          %add3A_238 = vector.broadcast %add3A_237 : i32 to vector<16xi32>
          %add3A_239 = arith.addi %add3A_218, %add3A_238 : vector<16xi32>
          %gather3A_240 = tpu.vector_load_idx %arg4[%add3A_239] : memref<65536xf32, #tpu.memory_space<vmem>>[vector<16xi32>], vector<16xf32>,
          %swap3A_241 = arith.index_cast %add3A_224 : i32 to index
          %swap3A_242 = arith.constant 32 : index
          %swap3A_243 = tpu.vector_load %arg6[%swap3A_241, %swap3A_242] {strides = array<i32>} : memref<64x128xf32, #tpu.memory_space<vmem>>, vector<16xf32>,
          tpu.vector_store %arg6[%swap3A_241, %swap3A_242], %gather3A_240 {strides = array<i32>} : memref<64x128xf32, #tpu.memory_space<vmem>>, vector<16xf32>,
          %add3A_244 = arith.constant 3 : i32
          %add3A_245 = vector.broadcast %add3A_244 : i32 to vector<16xi32>
          %add3A_246 = arith.addi %add3A_218, %add3A_245 : vector<16xi32>
          %gather3A_247 = tpu.vector_load_idx %arg4[%add3A_246] : memref<65536xf32, #tpu.memory_space<vmem>>[vector<16xi32>], vector<16xf32>,
          %swap3A_248 = arith.index_cast %add3A_224 : i32 to index
          %swap3A_249 = arith.constant 48 : index
          %swap3A_250 = tpu.vector_load %arg6[%swap3A_248, %swap3A_249] {strides = array<i32>} : memref<64x128xf32, #tpu.memory_space<vmem>>, vector<16xf32>,
          tpu.vector_store %arg6[%swap3A_248, %swap3A_249], %gather3A_247 {strides = array<i32>} : memref<64x128xf32, #tpu.memory_space<vmem>>, vector<16xf32>,
          %add3A_251 = arith.constant 4 : i32
          %add3A_252 = vector.broadcast %add3A_251 : i32 to vector<16xi32>
          %add3A_253 = arith.addi %add3A_218, %add3A_252 : vector<16xi32>
          %gather3A_254 = tpu.vector_load_idx %arg4[%add3A_253] : memref<65536xf32, #tpu.memory_space<vmem>>[vector<16xi32>], vector<16xf32>,
          %swap3A_255 = arith.index_cast %add3A_224 : i32 to index
          %swap3A_256 = arith.constant 64 : index
          %swap3A_257 = tpu.vector_load %arg6[%swap3A_255, %swap3A_256] {strides = array<i32>} : memref<64x128xf32, #tpu.memory_space<vmem>>, vector<16xf32>,
          tpu.vector_store %arg6[%swap3A_255, %swap3A_256], %gather3A_254 {strides = array<i32>} : memref<64x128xf32, #tpu.memory_space<vmem>>, vector<16xf32>,
          %add3A_258 = arith.constant 5 : i32
          %add3A_259 = vector.broadcast %add3A_258 : i32 to vector<16xi32>
          %add3A_260 = arith.addi %add3A_218, %add3A_259 : vector<16xi32>
          %gather3A_261 = tpu.vector_load_idx %arg4[%add3A_260] : memref<65536xf32, #tpu.memory_space<vmem>>[vector<16xi32>], vector<16xf32>,
          %swap3A_262 = arith.index_cast %add3A_224 : i32 to index
          %swap3A_263 = arith.constant 80 : index
          %swap3A_264 = tpu.vector_load %arg6[%swap3A_262, %swap3A_263] {strides = array<i32>} : memref<64x128xf32, #tpu.memory_space<vmem>>, vector<16xf32>,
          tpu.vector_store %arg6[%swap3A_262, %swap3A_263], %gather3A_261 {strides = array<i32>} : memref<64x128xf32, #tpu.memory_space<vmem>>, vector<16xf32>,
          %add3A_265 = arith.constant 6 : i32
          %add3A_266 = vector.broadcast %add3A_265 : i32 to vector<16xi32>
          %add3A_267 = arith.addi %add3A_218, %add3A_266 : vector<16xi32>
          %gather3A_268 = tpu.vector_load_idx %arg4[%add3A_267] : memref<65536xf32, #tpu.memory_space<vmem>>[vector<16xi32>], vector<16xf32>,
          %swap3A_269 = arith.index_cast %add3A_224 : i32 to index
          %swap3A_270 = arith.constant 96 : index
          %swap3A_271 = tpu.vector_load %arg6[%swap3A_269, %swap3A_270] {strides = array<i32>} : memref<64x128xf32, #tpu.memory_space<vmem>>, vector<16xf32>,
          tpu.vector_store %arg6[%swap3A_269, %swap3A_270], %gather3A_268 {strides = array<i32>} : memref<64x128xf32, #tpu.memory_space<vmem>>, vector<16xf32>,
          %add3A_272 = arith.constant 7 : i32
          %add3A_273 = vector.broadcast %add3A_272 : i32 to vector<16xi32>
          %add3A_274 = arith.addi %add3A_222, %add3A_273 : vector<16xi32>
          %gather3A_275 = tpu.vector_load_idx %arg4[%add3A_274] : memref<65536xf32, #tpu.memory_space<vmem>>[vector<16xi32>], vector<16xf32>,
          %swap3A_276 = arith.index_cast %add3A_224 : i32 to index
          %swap3A_277 = arith.constant 112 : index
          %swap3A_278 = tpu.vector_load %arg6[%swap3A_276, %swap3A_277] {strides = array<i32>} : memref<64x128xf32, #tpu.memory_space<vmem>>, vector<16xf32>,
          tpu.vector_store %arg6[%swap3A_276, %swap3A_277], %gather3A_275 {strides = array<i32>} : memref<64x128xf32, #tpu.memory_space<vmem>>, vector<16xf32>,
        }
        %scan3A_202 = arith.constant 16 : i32
        %add3A_203 = arith.addi %add3A_43, %mul3A_134 : i32
        %mul3A_204 = arith.constant 16 : i32
        %mul3A_205 = arith.muli %add3A_203, %mul3A_204 : i32
        %dma_start3A_206 = arith.constant 0 : i32
        %dma_start3A_207 = tpu.memref_slice %arg3[%mul3A_205, %dma_start3A_206] : memref<524288x128xf32, #tpu.memory_space<hbm>> -> memref<64x128xf32, #tpu.memory_space<hbm>>
        %dma_start3A_208 = arith.constant 0 : i32
        %dma_start3A_209 = tpu.memref_slice %arg3[%mul3A_205, %dma_start3A_208] : memref<524288x128xf32, #tpu.memory_space<hbm>> -> memref<64x128xf32, #tpu.memory_space<hbm>>
        tpu.enqueue_dma source(%arg6 : memref<64x128xf32, #tpu.memory_space<vmem>>) target(%dma_start3A_209 : memref<64x128xf32, #tpu.memory_space<hbm>>) target_semaphore(%arg8 : memref<!tpu.dma_semaphore, #tpu.memory_space<semaphore_mem>>)
      }
      %scan3A_50 = arith.constant 16 : i32
    }
    %scan3A_24 = arith.constant 8 : i32
    %dma_wait3A = arith.constant 0 : i32
    %dma_wait3A_25 = arith.constant 0 : i32
    %dma_wait3A_26 = tpu.memref_slice %arg3[%dma_wait3A, %dma_wait3A_25] : memref<524288x128xf32, #tpu.memory_space<hbm>> -> memref<64x128xf32, #tpu.memory_space<hbm>>
    %dma_wait3A_27 = arith.constant 0 : i32
    %dma_wait3A_28 = arith.constant 0 : i32
    %dma_wait3A_29 = tpu.memref_slice %arg3[%dma_wait3A_27, %dma_wait3A_28] : memref<524288x128xf32, #tpu.memory_space<hbm>> -> memref<64x128xf32, #tpu.memory_space<hbm>>
    tpu.wait_dma2 semaphore(%arg7 : memref<!tpu.dma_semaphore, #tpu.memory_space<semaphore_mem>>) src(%arg5 : memref<64x128xf32, #tpu.memory_space<vmem>>) dst(%dma_wait3A_29 : memref<64x128xf32, #tpu.memory_space<hbm>>)
    %dma_wait3A_30 = arith.constant 0 : i32
    %dma_wait3A_31 = arith.constant 0 : i32
    %dma_wait3A_32 = tpu.memref_slice %arg3[%dma_wait3A_30, %dma_wait3A_31] : memref<524288x128xf32, #tpu.memory_space<hbm>> -> memref<64x128xf32, #tpu.memory_space<hbm>>
    %dma_wait3A_33 = arith.constant 0 : i32
    %dma_wait3A_34 = arith.constant 0 : i32
    %dma_wait3A_35 = tpu.memref_slice %arg3[%dma_wait3A_33, %dma_wait3A_34] : memref<524288x128xf32, #tpu.memory_space<hbm>> -> memref<64x128xf32, #tpu.memory_space<hbm>>
    tpu.wait_dma2 semaphore(%arg8 : memref<!tpu.dma_semaphore, #tpu.memory_space<semaphore_mem>>) src(%arg6 : memref<64x128xf32, #tpu.memory_space<vmem>>) dst(%dma_wait3A_35 : memref<64x128xf32, #tpu.memory_space<hbm>>)
    return
  }
}

#map = affine_map<(d0, d1) -> (0, 0)>
#map1 = affine_map<(d0, d1) -> (0)>
module attributes {stable_mosaic.version = 14 : i64} {
  func.func @body(%arg0: i32, %arg1: i32, %arg2: memref<524288x128xf32, #tpu.memory_space<hbm>>, %arg3: memref<5308416xf32, #tpu.memory_space<hbm>>, %arg4: memref<7077888xf32, #tpu.memory_space<hbm>>, %arg5: memref<576xf32, #tpu.memory_space<vmem>>, %arg6: memref<576xf32, #tpu.memory_space<vmem>>, %arg7: memref<3x128xi32, #tpu.memory_space<vmem>>, %arg8: memref<3x128xi32, #tpu.memory_space<vmem>>, %arg9: memref<384x128xf32, #tpu.memory_space<vmem>>, %arg10: memref<384x128xf32, #tpu.memory_space<vmem>>, %arg11: memref<768xf32, #tpu.memory_space<vmem>>, %arg12: memref<768xf32, #tpu.memory_space<vmem>>, %arg13: memref<384xi32, #tpu.memory_space<vmem>>, %arg14: memref<384xi32, #tpu.memory_space<vmem>>, %arg15: memref<576xf32, #tpu.memory_space<vmem>>, %arg16: memref<576xf32, #tpu.memory_space<vmem>>, %arg17: memref<!tpu.dma_semaphore, #tpu.memory_space<semaphore_mem>>, %arg18: memref<!tpu.dma_semaphore, #tpu.memory_space<semaphore_mem>>, %arg19: memref<!tpu.dma_semaphore, #tpu.memory_space<semaphore_mem>>, %arg20: memref<!tpu.dma_semaphore, #tpu.memory_space<semaphore_mem>>, %arg21: memref<!tpu.dma_semaphore, #tpu.memory_space<semaphore_mem>>, %arg22: memref<!tpu.dma_semaphore, #tpu.memory_space<semaphore_mem>>) attributes {dimension_semantics = [#tpu.dimension_semantics<core_parallel>, #tpu.dimension_semantics<subcore_parallel>], iteration_bounds = array<i64: 2, 16>, scalar_prefetch = 0 : i64, scratch_operands = 18 : i64, tpu.core_type = #tpu.core_type<sc_vector_subcore>, window_params = [{transform_indices = #map}, {transform_indices = #map1}, {transform_indices = #map1}]} {
    %mul3A = arith.constant 16 : i32
    %mul3A_0 = arith.muli %arg0, %mul3A : i32
    %add3A = arith.addi %mul3A_0, %arg1 : i32
    %mul3A_1 = arith.constant 55296 : i32
    %mul3A_2 = arith.muli %add3A, %mul3A_1 : i32
    %jit3A = arith.constant 884736 : i32
    %div3A = arith.divsi %mul3A_2, %jit3A : i32
    %sign3A = arith.constant 0 : i32
    %sign3A_3 = arith.cmpi sgt, %mul3A_2, %sign3A : i32
    %sign3A_4 = arith.extui %sign3A_3 : i1 to i32
    %sign3A_5 = arith.constant 0 : i32
    %sign3A_6 = arith.cmpi slt, %mul3A_2, %sign3A_5 : i32
    %sign3A_7 = arith.extui %sign3A_6 : i1 to i32
    %sign3A_8 = arith.subi %sign3A_4, %sign3A_7 : i32
    %sign3A_9 = arith.constant 0 : i32
    %sign3A_10 = arith.cmpi sgt, %jit3A, %sign3A_9 : i32
    %sign3A_11 = arith.extui %sign3A_10 : i1 to i32
    %sign3A_12 = arith.constant 0 : i32
    %sign3A_13 = arith.cmpi slt, %jit3A, %sign3A_12 : i32
    %sign3A_14 = arith.extui %sign3A_13 : i1 to i32
    %sign3A_15 = arith.subi %sign3A_11, %sign3A_14 : i32
    %ne3A = arith.cmpi ne, %sign3A_8, %sign3A_15 : i32
    %rem3A = arith.remsi %mul3A_2, %jit3A : i32
    %ne3A_16 = arith.constant 0 : i32
    %ne3A_17 = arith.cmpi ne, %rem3A, %ne3A_16 : i32
    %and3A = arith.andi %ne3A, %ne3A_17 : i1
    %sub3A = arith.constant 1 : i32
    %sub3A_18 = arith.subi %div3A, %sub3A : i32
    %select_n3A = arith.select %and3A, %sub3A_18, %div3A : i32
    %mul3A_19 = arith.constant 2097152 : i32
    %mul3A_20 = arith.muli %select_n3A, %mul3A_19 : i32
    %mul3A_21 = arith.constant 55296 : i32
    %mul3A_22 = arith.muli %add3A, %mul3A_21 : i32
    %iota3A = tpu.iota {dimensions = array<i32: 0>} : vector<16xi32>
    %broadcast_in_dim3A = arith.constant 0.000000e+00 : f32
    %broadcast_in_dim3A_23 = vector.broadcast %broadcast_in_dim3A : f32 to vector<16xf32>
    %broadcast_in_dim3A_24 = arith.constant 1.000000e+00 : f32
    %broadcast_in_dim3A_25 = vector.broadcast %broadcast_in_dim3A_24 : f32 to vector<16xf32>
    %mul3A_26 = arith.constant 0 : i32
    %mul3A_27 = arith.constant 192 : i32
    %mul3A_28 = arith.muli %mul3A_26, %mul3A_27 : i32
    %add3A_29 = arith.addi %mul3A_22, %mul3A_28 : i32
    %jit3A_30 = arith.constant 9216 : i32
    %div3A_31 = arith.divsi %add3A_29, %jit3A_30 : i32
    %sign3A_32 = arith.constant 0 : i32
    %sign3A_33 = arith.cmpi sgt, %add3A_29, %sign3A_32 : i32
    %sign3A_34 = arith.extui %sign3A_33 : i1 to i32
    %sign3A_35 = arith.constant 0 : i32
    %sign3A_36 = arith.cmpi slt, %add3A_29, %sign3A_35 : i32
    %sign3A_37 = arith.extui %sign3A_36 : i1 to i32
    %sign3A_38 = arith.subi %sign3A_34, %sign3A_37 : i32
    %sign3A_39 = arith.constant 0 : i32
    %sign3A_40 = arith.cmpi sgt, %jit3A_30, %sign3A_39 : i32
    %sign3A_41 = arith.extui %sign3A_40 : i1 to i32
    %sign3A_42 = arith.constant 0 : i32
    %sign3A_43 = arith.cmpi slt, %jit3A_30, %sign3A_42 : i32
    %sign3A_44 = arith.extui %sign3A_43 : i1 to i32
    %sign3A_45 = arith.subi %sign3A_41, %sign3A_44 : i32
    %ne3A_46 = arith.cmpi ne, %sign3A_38, %sign3A_45 : i32
    %rem3A_47 = arith.remsi %add3A_29, %jit3A_30 : i32
    %ne3A_48 = arith.constant 0 : i32
    %ne3A_49 = arith.cmpi ne, %rem3A_47, %ne3A_48 : i32
    %and3A_50 = arith.andi %ne3A_46, %ne3A_49 : i1
    %sub3A_51 = arith.constant 1 : i32
    %sub3A_52 = arith.subi %div3A_31, %sub3A_51 : i32
    %select_n3A_53 = arith.select %and3A_50, %sub3A_52, %div3A_31 : i32
    %mul3A_54 = arith.constant 9216 : i32
    %mul3A_55 = arith.muli %select_n3A_53, %mul3A_54 : i32
    %sub3A_56 = arith.subi %add3A_29, %mul3A_55 : i32
    %mul3A_57 = arith.constant 27648 : i32
    %mul3A_58 = arith.muli %select_n3A_53, %mul3A_57 : i32
    %add3A_59 = arith.addi %mul3A_58, %sub3A_56 : i32
    %add3A_60 = arith.constant 9216 : i32
    %add3A_61 = arith.addi %add3A_59, %add3A_60 : i32
    %add3A_62 = arith.constant 18432 : i32
    %add3A_63 = arith.addi %add3A_59, %add3A_62 : i32
    %dma_start3A = arith.constant 0 : i32
    %dma_start3A_64 = tpu.memref_slice %arg5[%dma_start3A] : memref<576xf32, #tpu.memory_space<vmem>> -> memref<192xf32, #tpu.memory_space<vmem>>
    %dma_start3A_65 = tpu.memref_slice %arg3[%add3A_59] : memref<5308416xf32, #tpu.memory_space<hbm>> -> memref<192xf32, #tpu.memory_space<hbm>>
    %dma_start3A_66 = arith.constant 0 : i32
    %dma_start3A_67 = tpu.memref_slice %arg5[%dma_start3A_66] : memref<576xf32, #tpu.memory_space<vmem>> -> memref<192xf32, #tpu.memory_space<vmem>>
    %dma_start3A_68 = tpu.memref_slice %arg3[%add3A_59] : memref<5308416xf32, #tpu.memory_space<hbm>> -> memref<192xf32, #tpu.memory_space<hbm>>
    tpu.enqueue_dma source(%dma_start3A_68 : memref<192xf32, #tpu.memory_space<hbm>>) target(%dma_start3A_67 : memref<192xf32, #tpu.memory_space<vmem>>) target_semaphore(%arg19 : memref<!tpu.dma_semaphore, #tpu.memory_space<semaphore_mem>>)
    %dma_start3A_69 = arith.constant 192 : i32
    %dma_start3A_70 = tpu.memref_slice %arg5[%dma_start3A_69] : memref<576xf32, #tpu.memory_space<vmem>> -> memref<192xf32, #tpu.memory_space<vmem>>
    %dma_start3A_71 = tpu.memref_slice %arg3[%add3A_61] : memref<5308416xf32, #tpu.memory_space<hbm>> -> memref<192xf32, #tpu.memory_space<hbm>>
    %dma_start3A_72 = arith.constant 192 : i32
    %dma_start3A_73 = tpu.memref_slice %arg5[%dma_start3A_72] : memref<576xf32, #tpu.memory_space<vmem>> -> memref<192xf32, #tpu.memory_space<vmem>>
    %dma_start3A_74 = tpu.memref_slice %arg3[%add3A_61] : memref<5308416xf32, #tpu.memory_space<hbm>> -> memref<192xf32, #tpu.memory_space<hbm>>
    tpu.enqueue_dma source(%dma_start3A_74 : memref<192xf32, #tpu.memory_space<hbm>>) target(%dma_start3A_73 : memref<192xf32, #tpu.memory_space<vmem>>) target_semaphore(%arg19 : memref<!tpu.dma_semaphore, #tpu.memory_space<semaphore_mem>>)
    %dma_start3A_75 = arith.constant 384 : i32
    %dma_start3A_76 = tpu.memref_slice %arg5[%dma_start3A_75] : memref<576xf32, #tpu.memory_space<vmem>> -> memref<192xf32, #tpu.memory_space<vmem>>
    %dma_start3A_77 = tpu.memref_slice %arg3[%add3A_63] : memref<5308416xf32, #tpu.memory_space<hbm>> -> memref<192xf32, #tpu.memory_space<hbm>>
    %dma_start3A_78 = arith.constant 384 : i32
    %dma_start3A_79 = tpu.memref_slice %arg5[%dma_start3A_78] : memref<576xf32, #tpu.memory_space<vmem>> -> memref<192xf32, #tpu.memory_space<vmem>>
    %dma_start3A_80 = tpu.memref_slice %arg3[%add3A_63] : memref<5308416xf32, #tpu.memory_space<hbm>> -> memref<192xf32, #tpu.memory_space<hbm>>
    tpu.enqueue_dma source(%dma_start3A_80 : memref<192xf32, #tpu.memory_space<hbm>>) target(%dma_start3A_79 : memref<192xf32, #tpu.memory_space<vmem>>) target_semaphore(%arg19 : memref<!tpu.dma_semaphore, #tpu.memory_space<semaphore_mem>>)
    %mul3A_81 = arith.constant 1 : i32
    %mul3A_82 = arith.constant 192 : i32
    %mul3A_83 = arith.muli %mul3A_81, %mul3A_82 : i32
    %add3A_84 = arith.addi %mul3A_22, %mul3A_83 : i32
    %jit3A_85 = arith.constant 9216 : i32
    %div3A_86 = arith.divsi %add3A_84, %jit3A_85 : i32
    %sign3A_87 = arith.constant 0 : i32
    %sign3A_88 = arith.cmpi sgt, %add3A_84, %sign3A_87 : i32
    %sign3A_89 = arith.extui %sign3A_88 : i1 to i32
    %sign3A_90 = arith.constant 0 : i32
    %sign3A_91 = arith.cmpi slt, %add3A_84, %sign3A_90 : i32
    %sign3A_92 = arith.extui %sign3A_91 : i1 to i32
    %sign3A_93 = arith.subi %sign3A_89, %sign3A_92 : i32
    %sign3A_94 = arith.constant 0 : i32
    %sign3A_95 = arith.cmpi sgt, %jit3A_85, %sign3A_94 : i32
    %sign3A_96 = arith.extui %sign3A_95 : i1 to i32
    %sign3A_97 = arith.constant 0 : i32
    %sign3A_98 = arith.cmpi slt, %jit3A_85, %sign3A_97 : i32
    %sign3A_99 = arith.extui %sign3A_98 : i1 to i32
    %sign3A_100 = arith.subi %sign3A_96, %sign3A_99 : i32
    %ne3A_101 = arith.cmpi ne, %sign3A_93, %sign3A_100 : i32
    %rem3A_102 = arith.remsi %add3A_84, %jit3A_85 : i32
    %ne3A_103 = arith.constant 0 : i32
    %ne3A_104 = arith.cmpi ne, %rem3A_102, %ne3A_103 : i32
    %and3A_105 = arith.andi %ne3A_101, %ne3A_104 : i1
    %sub3A_106 = arith.constant 1 : i32
    %sub3A_107 = arith.subi %div3A_86, %sub3A_106 : i32
    %select_n3A_108 = arith.select %and3A_105, %sub3A_107, %div3A_86 : i32
    %mul3A_109 = arith.constant 9216 : i32
    %mul3A_110 = arith.muli %select_n3A_108, %mul3A_109 : i32
    %sub3A_111 = arith.subi %add3A_84, %mul3A_110 : i32
    %mul3A_112 = arith.constant 27648 : i32
    %mul3A_113 = arith.muli %select_n3A_108, %mul3A_112 : i32
    %add3A_114 = arith.addi %mul3A_113, %sub3A_111 : i32
    %add3A_115 = arith.constant 9216 : i32
    %add3A_116 = arith.addi %add3A_114, %add3A_115 : i32
    %add3A_117 = arith.constant 18432 : i32
    %add3A_118 = arith.addi %add3A_114, %add3A_117 : i32
    %dma_start3A_119 = arith.constant 0 : i32
    %dma_start3A_120 = tpu.memref_slice %arg6[%dma_start3A_119] : memref<576xf32, #tpu.memory_space<vmem>> -> memref<192xf32, #tpu.memory_space<vmem>>
    %dma_start3A_121 = tpu.memref_slice %arg3[%add3A_114] : memref<5308416xf32, #tpu.memory_space<hbm>> -> memref<192xf32, #tpu.memory_space<hbm>>
    %dma_start3A_122 = arith.constant 0 : i32
    %dma_start3A_123 = tpu.memref_slice %arg6[%dma_start3A_122] : memref<576xf32, #tpu.memory_space<vmem>> -> memref<192xf32, #tpu.memory_space<vmem>>
    %dma_start3A_124 = tpu.memref_slice %arg3[%add3A_114] : memref<5308416xf32, #tpu.memory_space<hbm>> -> memref<192xf32, #tpu.memory_space<hbm>>
    tpu.enqueue_dma source(%dma_start3A_124 : memref<192xf32, #tpu.memory_space<hbm>>) target(%dma_start3A_123 : memref<192xf32, #tpu.memory_space<vmem>>) target_semaphore(%arg20 : memref<!tpu.dma_semaphore, #tpu.memory_space<semaphore_mem>>)
    %dma_start3A_125 = arith.constant 192 : i32
    %dma_start3A_126 = tpu.memref_slice %arg6[%dma_start3A_125] : memref<576xf32, #tpu.memory_space<vmem>> -> memref<192xf32, #tpu.memory_space<vmem>>
    %dma_start3A_127 = tpu.memref_slice %arg3[%add3A_116] : memref<5308416xf32, #tpu.memory_space<hbm>> -> memref<192xf32, #tpu.memory_space<hbm>>
    %dma_start3A_128 = arith.constant 192 : i32
    %dma_start3A_129 = tpu.memref_slice %arg6[%dma_start3A_128] : memref<576xf32, #tpu.memory_space<vmem>> -> memref<192xf32, #tpu.memory_space<vmem>>
    %dma_start3A_130 = tpu.memref_slice %arg3[%add3A_116] : memref<5308416xf32, #tpu.memory_space<hbm>> -> memref<192xf32, #tpu.memory_space<hbm>>
    tpu.enqueue_dma source(%dma_start3A_130 : memref<192xf32, #tpu.memory_space<hbm>>) target(%dma_start3A_129 : memref<192xf32, #tpu.memory_space<vmem>>) target_semaphore(%arg20 : memref<!tpu.dma_semaphore, #tpu.memory_space<semaphore_mem>>)
    %dma_start3A_131 = arith.constant 384 : i32
    %dma_start3A_132 = tpu.memref_slice %arg6[%dma_start3A_131] : memref<576xf32, #tpu.memory_space<vmem>> -> memref<192xf32, #tpu.memory_space<vmem>>
    %dma_start3A_133 = tpu.memref_slice %arg3[%add3A_118] : memref<5308416xf32, #tpu.memory_space<hbm>> -> memref<192xf32, #tpu.memory_space<hbm>>
    %dma_start3A_134 = arith.constant 384 : i32
    %dma_start3A_135 = tpu.memref_slice %arg6[%dma_start3A_134] : memref<576xf32, #tpu.memory_space<vmem>> -> memref<192xf32, #tpu.memory_space<vmem>>
    %dma_start3A_136 = tpu.memref_slice %arg3[%add3A_118] : memref<5308416xf32, #tpu.memory_space<hbm>> -> memref<192xf32, #tpu.memory_space<hbm>>
    tpu.enqueue_dma source(%dma_start3A_136 : memref<192xf32, #tpu.memory_space<hbm>>) target(%dma_start3A_135 : memref<192xf32, #tpu.memory_space<vmem>>) target_semaphore(%arg20 : memref<!tpu.dma_semaphore, #tpu.memory_space<semaphore_mem>>)
    %mul3A_137 = arith.constant 0 : i32
    %mul3A_138 = arith.constant 192 : i32
    %mul3A_139 = arith.muli %mul3A_137, %mul3A_138 : i32
    %add3A_140 = arith.addi %mul3A_22, %mul3A_139 : i32
    %jit3A_141 = arith.constant 9216 : i32
    %div3A_142 = arith.divsi %add3A_140, %jit3A_141 : i32
    %sign3A_143 = arith.constant 0 : i32
    %sign3A_144 = arith.cmpi sgt, %add3A_140, %sign3A_143 : i32
    %sign3A_145 = arith.extui %sign3A_144 : i1 to i32
    %sign3A_146 = arith.constant 0 : i32
    %sign3A_147 = arith.cmpi slt, %add3A_140, %sign3A_146 : i32
    %sign3A_148 = arith.extui %sign3A_147 : i1 to i32
    %sign3A_149 = arith.subi %sign3A_145, %sign3A_148 : i32
    %sign3A_150 = arith.constant 0 : i32
    %sign3A_151 = arith.cmpi sgt, %jit3A_141, %sign3A_150 : i32
    %sign3A_152 = arith.extui %sign3A_151 : i1 to i32
    %sign3A_153 = arith.constant 0 : i32
    %sign3A_154 = arith.cmpi slt, %jit3A_141, %sign3A_153 : i32
    %sign3A_155 = arith.extui %sign3A_154 : i1 to i32
    %sign3A_156 = arith.subi %sign3A_152, %sign3A_155 : i32
    %ne3A_157 = arith.cmpi ne, %sign3A_149, %sign3A_156 : i32
    %rem3A_158 = arith.remsi %add3A_140, %jit3A_141 : i32
    %ne3A_159 = arith.constant 0 : i32
    %ne3A_160 = arith.cmpi ne, %rem3A_158, %ne3A_159 : i32
    %and3A_161 = arith.andi %ne3A_157, %ne3A_160 : i1
    %sub3A_162 = arith.constant 1 : i32
    %sub3A_163 = arith.subi %div3A_142, %sub3A_162 : i32
    %select_n3A_164 = arith.select %and3A_161, %sub3A_163, %div3A_142 : i32
    %mul3A_165 = arith.constant 9216 : i32
    %mul3A_166 = arith.muli %select_n3A_164, %mul3A_165 : i32
    %sub3A_167 = arith.subi %add3A_140, %mul3A_166 : i32
    %mul3A_168 = arith.constant 27648 : i32
    %mul3A_169 = arith.muli %select_n3A_164, %mul3A_168 : i32
    %add3A_170 = arith.addi %mul3A_169, %sub3A_167 : i32
    %add3A_171 = arith.constant 9216 : i32
    %add3A_172 = arith.addi %add3A_170, %add3A_171 : i32
    %add3A_173 = arith.constant 18432 : i32
    %add3A_174 = arith.addi %add3A_170, %add3A_173 : i32
    %dma_wait3A = arith.constant 0 : i32
    %dma_wait3A_175 = tpu.memref_slice %arg5[%dma_wait3A] : memref<576xf32, #tpu.memory_space<vmem>> -> memref<192xf32, #tpu.memory_space<vmem>>
    %dma_wait3A_176 = tpu.memref_slice %arg3[%add3A_170] : memref<5308416xf32, #tpu.memory_space<hbm>> -> memref<192xf32, #tpu.memory_space<hbm>>
    %dma_wait3A_177 = arith.constant 0 : i32
    %dma_wait3A_178 = tpu.memref_slice %arg5[%dma_wait3A_177] : memref<576xf32, #tpu.memory_space<vmem>> -> memref<192xf32, #tpu.memory_space<vmem>>
    %dma_wait3A_179 = tpu.memref_slice %arg3[%add3A_170] : memref<5308416xf32, #tpu.memory_space<hbm>> -> memref<192xf32, #tpu.memory_space<hbm>>
    tpu.wait_dma2 semaphore(%arg19 : memref<!tpu.dma_semaphore, #tpu.memory_space<semaphore_mem>>) src(%dma_wait3A_179 : memref<192xf32, #tpu.memory_space<hbm>>) dst(%dma_wait3A_178 : memref<192xf32, #tpu.memory_space<vmem>>)
    %dma_wait3A_180 = arith.constant 192 : i32
    %dma_wait3A_181 = tpu.memref_slice %arg5[%dma_wait3A_180] : memref<576xf32, #tpu.memory_space<vmem>> -> memref<192xf32, #tpu.memory_space<vmem>>
    %dma_wait3A_182 = tpu.memref_slice %arg3[%add3A_172] : memref<5308416xf32, #tpu.memory_space<hbm>> -> memref<192xf32, #tpu.memory_space<hbm>>
    %dma_wait3A_183 = arith.constant 192 : i32
    %dma_wait3A_184 = tpu.memref_slice %arg5[%dma_wait3A_183] : memref<576xf32, #tpu.memory_space<vmem>> -> memref<192xf32, #tpu.memory_space<vmem>>
    %dma_wait3A_185 = tpu.memref_slice %arg3[%add3A_172] : memref<5308416xf32, #tpu.memory_space<hbm>> -> memref<192xf32, #tpu.memory_space<hbm>>
    tpu.wait_dma2 semaphore(%arg19 : memref<!tpu.dma_semaphore, #tpu.memory_space<semaphore_mem>>) src(%dma_wait3A_185 : memref<192xf32, #tpu.memory_space<hbm>>) dst(%dma_wait3A_184 : memref<192xf32, #tpu.memory_space<vmem>>)
    %dma_wait3A_186 = arith.constant 384 : i32
    %dma_wait3A_187 = tpu.memref_slice %arg5[%dma_wait3A_186] : memref<576xf32, #tpu.memory_space<vmem>> -> memref<192xf32, #tpu.memory_space<vmem>>
    %dma_wait3A_188 = tpu.memref_slice %arg3[%add3A_174] : memref<5308416xf32, #tpu.memory_space<hbm>> -> memref<192xf32, #tpu.memory_space<hbm>>
    %dma_wait3A_189 = arith.constant 384 : i32
    %dma_wait3A_190 = tpu.memref_slice %arg5[%dma_wait3A_189] : memref<576xf32, #tpu.memory_space<vmem>> -> memref<192xf32, #tpu.memory_space<vmem>>
    %dma_wait3A_191 = tpu.memref_slice %arg3[%add3A_174] : memref<5308416xf32, #tpu.memory_space<hbm>> -> memref<192xf32, #tpu.memory_space<hbm>>
    tpu.wait_dma2 semaphore(%arg19 : memref<!tpu.dma_semaphore, #tpu.memory_space<semaphore_mem>>) src(%dma_wait3A_191 : memref<192xf32, #tpu.memory_space<hbm>>) dst(%dma_wait3A_190 : memref<192xf32, #tpu.memory_space<vmem>>)
    %scan3A = arith.constant 0 : i32
    %scan3A_192 = arith.constant 12 : i32
    %scan3A_193 = arith.addi %scan3A, %scan3A_192 : i32
    %scan3A_194 = arith.constant 1 : i32
    scf.for %scan3A_537 = %scan3A to %scan3A_193 step %scan3A_194  : i32 {
      %mul3A_538 = arith.constant 1 : i32
      %mul3A_539 = arith.muli %scan3A_537, %mul3A_538 : i32
      %add3A_540 = arith.constant 0 : i32
      %add3A_541 = arith.addi %add3A_540, %mul3A_539 : i32
      %mul3A_542 = arith.constant 16 : i32
      %mul3A_543 = arith.muli %add3A_541, %mul3A_542 : i32
      %get3A = arith.index_cast %mul3A_543 : i32 to index
      %get3A_544 = tpu.vector_load %arg5[%get3A] {strides = array<i32>} : memref<576xf32, #tpu.memory_space<vmem>>, vector<16xf32>,
      %add3A_545 = arith.constant 192 : i32
      %add3A_546 = arith.addi %add3A_545, %mul3A_543 : i32
      %get3A_547 = arith.index_cast %add3A_546 : i32 to index
      %get3A_548 = tpu.vector_load %arg5[%get3A_547] {strides = array<i32>} : memref<576xf32, #tpu.memory_space<vmem>>, vector<16xf32>,
      %add3A_549 = arith.constant 384 : i32
      %add3A_550 = arith.addi %add3A_549, %mul3A_543 : i32
      %get3A_551 = arith.index_cast %add3A_550 : i32 to index
      %get3A_552 = tpu.vector_load %arg5[%get3A_551] {strides = array<i32>} : memref<576xf32, #tpu.memory_space<vmem>>, vector<16xf32>,
      %convert_element_type3A_553 = arith.fptosi %get3A_544 : vector<16xf32> to vector<16xi32>
      %convert_element_type3A_554 = arith.fptosi %get3A_548 : vector<16xf32> to vector<16xi32>
      %convert_element_type3A_555 = arith.fptosi %get3A_552 : vector<16xf32> to vector<16xi32>
      %jit3A_556 = arith.constant 0 : i32
      %jit3A_557 = arith.constant 127 : i32
      %max3A = vector.broadcast %jit3A_556 : i32 to vector<16xi32>
      %max3A_558 = arith.maxsi %max3A, %convert_element_type3A_553 : vector<16xi32>
      %min3A = vector.broadcast %jit3A_557 : i32 to vector<16xi32>
      %min3A_559 = arith.minsi %min3A, %max3A_558 : vector<16xi32>
      %add3A_560 = arith.constant 1 : i32
      %add3A_561 = vector.broadcast %add3A_560 : i32 to vector<16xi32>
      %add3A_562 = arith.addi %convert_element_type3A_553, %add3A_561 : vector<16xi32>
      %jit3A_563 = arith.constant 0 : i32
      %jit3A_564 = arith.constant 127 : i32
      %max3A_565 = vector.broadcast %jit3A_563 : i32 to vector<16xi32>
      %max3A_566 = arith.maxsi %max3A_565, %add3A_562 : vector<16xi32>
      %min3A_567 = vector.broadcast %jit3A_564 : i32 to vector<16xi32>
      %min3A_568 = arith.minsi %min3A_567, %max3A_566 : vector<16xi32>
      %jit3A_569 = arith.constant 0 : i32
      %jit3A_570 = arith.constant 127 : i32
      %max3A_571 = vector.broadcast %jit3A_569 : i32 to vector<16xi32>
      %max3A_572 = arith.maxsi %max3A_571, %convert_element_type3A_554 : vector<16xi32>
      %min3A_573 = vector.broadcast %jit3A_570 : i32 to vector<16xi32>
      %min3A_574 = arith.minsi %min3A_573, %max3A_572 : vector<16xi32>
      %jit3A_575 = arith.constant 0 : i32
      %jit3A_576 = arith.constant 127 : i32
      %max3A_577 = vector.broadcast %jit3A_575 : i32 to vector<16xi32>
      %max3A_578 = arith.maxsi %max3A_577, %convert_element_type3A_555 : vector<16xi32>
      %min3A_579 = vector.broadcast %jit3A_576 : i32 to vector<16xi32>
      %min3A_580 = arith.minsi %min3A_579, %max3A_578 : vector<16xi32>
      %mul3A_581 = arith.constant 128 : i32
      %mul3A_582 = vector.broadcast %mul3A_581 : i32 to vector<16xi32>
      %mul3A_583 = arith.muli %min3A_574, %mul3A_582 : vector<16xi32>
      %add3A_584 = arith.addi %mul3A_583, %min3A_580 : vector<16xi32>
      %add3A_585 = vector.broadcast %mul3A_20 : i32 to vector<16xi32>
      %add3A_586 = arith.addi %add3A_584, %add3A_585 : vector<16xi32>
      %mul3A_587 = arith.constant 16384 : i32
      %mul3A_588 = vector.broadcast %mul3A_587 : i32 to vector<16xi32>
      %mul3A_589 = arith.muli %min3A_559, %mul3A_588 : vector<16xi32>
      %add3A_590 = arith.addi %add3A_586, %mul3A_589 : vector<16xi32>
      %mul3A_591 = arith.constant 16384 : i32
      %mul3A_592 = vector.broadcast %mul3A_591 : i32 to vector<16xi32>
      %mul3A_593 = arith.muli %min3A_568, %mul3A_592 : vector<16xi32>
      %add3A_594 = arith.addi %add3A_586, %mul3A_593 : vector<16xi32>
      %add3A_595 = vector.broadcast %mul3A_543 : i32 to vector<16xi32>
      %add3A_596 = arith.addi %iota3A, %add3A_595 : vector<16xi32>
      %add3A_597 = arith.constant 192 : i32
      %add3A_598 = vector.broadcast %add3A_597 : i32 to vector<16xi32>
      %add3A_599 = arith.addi %add3A_596, %add3A_598 : vector<16xi32>
      %shift_right_arithmetic3A = arith.constant 7 : i32
      %shift_right_arithmetic3A_600 = vector.broadcast %shift_right_arithmetic3A : i32 to vector<16xi32>
      %shift_right_arithmetic3A_601 = arith.shrsi %add3A_596, %shift_right_arithmetic3A_600 : vector<16xi32>
      %and3A_602 = arith.constant 127 : i32
      %and3A_603 = vector.broadcast %and3A_602 : i32 to vector<16xi32>
      %and3A_604 = arith.andi %add3A_596, %and3A_603 : vector<16xi32>
      %shift_right_arithmetic3A_605 = arith.constant 3 : i32
      %shift_right_arithmetic3A_606 = vector.broadcast %shift_right_arithmetic3A_605 : i32 to vector<16xi32>
      %shift_right_arithmetic3A_607 = arith.shrsi %add3A_590, %shift_right_arithmetic3A_606 : vector<16xi32>
      tpu.vector_store_idx %arg7[%shift_right_arithmetic3A_601, %and3A_604], %shift_right_arithmetic3A_607 : memref<3x128xi32, #tpu.memory_space<vmem>>[vector<16xi32>, vector<16xi32>], vector<16xi32>,
      %shift_right_arithmetic3A_608 = arith.constant 7 : i32
      %shift_right_arithmetic3A_609 = vector.broadcast %shift_right_arithmetic3A_608 : i32 to vector<16xi32>
      %shift_right_arithmetic3A_610 = arith.shrsi %add3A_599, %shift_right_arithmetic3A_609 : vector<16xi32>
      %and3A_611 = arith.constant 127 : i32
      %and3A_612 = vector.broadcast %and3A_611 : i32 to vector<16xi32>
      %and3A_613 = arith.andi %add3A_599, %and3A_612 : vector<16xi32>
      %shift_right_arithmetic3A_614 = arith.constant 3 : i32
      %shift_right_arithmetic3A_615 = vector.broadcast %shift_right_arithmetic3A_614 : i32 to vector<16xi32>
      %shift_right_arithmetic3A_616 = arith.shrsi %add3A_594, %shift_right_arithmetic3A_615 : vector<16xi32>
      tpu.vector_store_idx %arg7[%shift_right_arithmetic3A_610, %and3A_613], %shift_right_arithmetic3A_616 : memref<3x128xi32, #tpu.memory_space<vmem>>[vector<16xi32>, vector<16xi32>], vector<16xi32>,
      %and3A_617 = arith.constant 7 : i32
      %and3A_618 = vector.broadcast %and3A_617 : i32 to vector<16xi32>
      %and3A_619 = arith.andi %add3A_590, %and3A_618 : vector<16xi32>
      %mul3A_620 = arith.constant 16 : i32
      %mul3A_621 = vector.broadcast %mul3A_620 : i32 to vector<16xi32>
      %mul3A_622 = arith.muli %and3A_619, %mul3A_621 : vector<16xi32>
      %swap3A = arith.index_cast %mul3A_543 : i32 to index
      %swap3A_623 = tpu.vector_load %arg13[%swap3A] {strides = array<i32>} : memref<384xi32, #tpu.memory_space<vmem>>, vector<16xi32>,
      tpu.vector_store %arg13[%swap3A], %mul3A_622 {strides = array<i32>} : memref<384xi32, #tpu.memory_space<vmem>>, vector<16xi32>,
      %and3A_624 = arith.constant 7 : i32
      %and3A_625 = vector.broadcast %and3A_624 : i32 to vector<16xi32>
      %and3A_626 = arith.andi %add3A_594, %and3A_625 : vector<16xi32>
      %mul3A_627 = arith.constant 16 : i32
      %mul3A_628 = vector.broadcast %mul3A_627 : i32 to vector<16xi32>
      %mul3A_629 = arith.muli %and3A_626, %mul3A_628 : vector<16xi32>
      %add3A_630 = arith.constant 192 : i32
      %add3A_631 = arith.addi %add3A_630, %mul3A_543 : i32
      %swap3A_632 = arith.index_cast %add3A_631 : i32 to index
      %swap3A_633 = tpu.vector_load %arg13[%swap3A_632] {strides = array<i32>} : memref<384xi32, #tpu.memory_space<vmem>>, vector<16xi32>,
      tpu.vector_store %arg13[%swap3A_632], %mul3A_629 {strides = array<i32>} : memref<384xi32, #tpu.memory_space<vmem>>, vector<16xi32>,
      %convert_element_type3A_634 = arith.fptosi %get3A_544 : vector<16xf32> to vector<16xi32>
      %convert_element_type3A_635 = arith.sitofp %convert_element_type3A_634 : vector<16xi32> to vector<16xf32>
      %sub3A_636 = arith.subf %get3A_544, %convert_element_type3A_635 : vector<16xf32>
      %swap3A_637 = arith.index_cast %mul3A_543 : i32 to index
      %swap3A_638 = tpu.vector_load %arg15[%swap3A_637] {strides = array<i32>} : memref<576xf32, #tpu.memory_space<vmem>>, vector<16xf32>,
      tpu.vector_store %arg15[%swap3A_637], %sub3A_636 {strides = array<i32>} : memref<576xf32, #tpu.memory_space<vmem>>, vector<16xf32>,
      %convert_element_type3A_639 = arith.fptosi %get3A_548 : vector<16xf32> to vector<16xi32>
      %convert_element_type3A_640 = arith.sitofp %convert_element_type3A_639 : vector<16xi32> to vector<16xf32>
      %sub3A_641 = arith.subf %get3A_548, %convert_element_type3A_640 : vector<16xf32>
      %add3A_642 = arith.constant 192 : i32
      %add3A_643 = arith.addi %add3A_642, %mul3A_543 : i32
      %swap3A_644 = arith.index_cast %add3A_643 : i32 to index
      %swap3A_645 = tpu.vector_load %arg15[%swap3A_644] {strides = array<i32>} : memref<576xf32, #tpu.memory_space<vmem>>, vector<16xf32>,
      tpu.vector_store %arg15[%swap3A_644], %sub3A_641 {strides = array<i32>} : memref<576xf32, #tpu.memory_space<vmem>>, vector<16xf32>,
      %convert_element_type3A_646 = arith.fptosi %get3A_552 : vector<16xf32> to vector<16xi32>
      %convert_element_type3A_647 = arith.sitofp %convert_element_type3A_646 : vector<16xi32> to vector<16xf32>
      %sub3A_648 = arith.subf %get3A_552, %convert_element_type3A_647 : vector<16xf32>
      %add3A_649 = arith.constant 384 : i32
      %add3A_650 = arith.addi %add3A_649, %mul3A_543 : i32
      %swap3A_651 = arith.index_cast %add3A_650 : i32 to index
      %swap3A_652 = tpu.vector_load %arg15[%swap3A_651] {strides = array<i32>} : memref<576xf32, #tpu.memory_space<vmem>>, vector<16xf32>,
      tpu.vector_store %arg15[%swap3A_651], %sub3A_648 {strides = array<i32>} : memref<576xf32, #tpu.memory_space<vmem>>, vector<16xf32>,
    }
    %scan3A_195 = arith.constant 12 : i32
    %dma_start3A_196 = arith.constant 0 : i32
    %dma_start3A_197 = arith.constant 0 : i32
    %dma_start3A_198 = arith.constant 0 : i32
    %dma_start3A_199 = tpu.memref_slice %arg9[%dma_start3A_197, %dma_start3A_198] : memref<384x128xf32, #tpu.memory_space<vmem>> -> memref<128x128xf32, #tpu.memory_space<vmem>>
    %dma_start3A_200 = arith.constant 0 : i32
    %dma_start3A_201 = tpu.memref_slice %arg7[%dma_start3A_196, %dma_start3A_200] : memref<3x128xi32, #tpu.memory_space<vmem>> -> memref<1x128xi32, #tpu.memory_space<vmem>>
    %dma_start3A_202 = tpu.memref_squeeze %dma_start3A_201 : memref<1x128xi32, #tpu.memory_space<vmem>> -> memref<128xi32, #tpu.memory_space<vmem>>
    %dma_start3A_203 = arith.constant 0 : i32
    %dma_start3A_204 = arith.constant 0 : i32
    %dma_start3A_205 = tpu.memref_slice %arg2[%dma_start3A_203, %dma_start3A_204] : memref<524288x128xf32, #tpu.memory_space<hbm>> -> memref<524288x128xf32, #tpu.memory_space<hbm>>
    tpu.enqueue_indirect_dma source(%dma_start3A_205 : memref<524288x128xf32, #tpu.memory_space<hbm>>) target(%dma_start3A_199 : memref<128x128xf32, #tpu.memory_space<vmem>>) offsets(%dma_start3A_202 : memref<128xi32, #tpu.memory_space<vmem>>) semaphore(%arg17 : memref<!tpu.dma_semaphore, #tpu.memory_space<semaphore_mem>>)
    %dma_start3A_206 = arith.constant 1 : i32
    %dma_start3A_207 = arith.constant 128 : i32
    %dma_start3A_208 = arith.constant 0 : i32
    %dma_start3A_209 = tpu.memref_slice %arg9[%dma_start3A_207, %dma_start3A_208] : memref<384x128xf32, #tpu.memory_space<vmem>> -> memref<128x128xf32, #tpu.memory_space<vmem>>
    %dma_start3A_210 = arith.constant 0 : i32
    %dma_start3A_211 = tpu.memref_slice %arg7[%dma_start3A_206, %dma_start3A_210] : memref<3x128xi32, #tpu.memory_space<vmem>> -> memref<1x128xi32, #tpu.memory_space<vmem>>
    %dma_start3A_212 = tpu.memref_squeeze %dma_start3A_211 : memref<1x128xi32, #tpu.memory_space<vmem>> -> memref<128xi32, #tpu.memory_space<vmem>>
    %dma_start3A_213 = arith.constant 0 : i32
    %dma_start3A_214 = arith.constant 0 : i32
    %dma_start3A_215 = tpu.memref_slice %arg2[%dma_start3A_213, %dma_start3A_214] : memref<524288x128xf32, #tpu.memory_space<hbm>> -> memref<524288x128xf32, #tpu.memory_space<hbm>>
    tpu.enqueue_indirect_dma source(%dma_start3A_215 : memref<524288x128xf32, #tpu.memory_space<hbm>>) target(%dma_start3A_209 : memref<128x128xf32, #tpu.memory_space<vmem>>) offsets(%dma_start3A_212 : memref<128xi32, #tpu.memory_space<vmem>>) semaphore(%arg17 : memref<!tpu.dma_semaphore, #tpu.memory_space<semaphore_mem>>)
    %dma_start3A_216 = arith.constant 2 : i32
    %dma_start3A_217 = arith.constant 256 : i32
    %dma_start3A_218 = arith.constant 0 : i32
    %dma_start3A_219 = tpu.memref_slice %arg9[%dma_start3A_217, %dma_start3A_218] : memref<384x128xf32, #tpu.memory_space<vmem>> -> memref<128x128xf32, #tpu.memory_space<vmem>>
    %dma_start3A_220 = arith.constant 0 : i32
    %dma_start3A_221 = tpu.memref_slice %arg7[%dma_start3A_216, %dma_start3A_220] : memref<3x128xi32, #tpu.memory_space<vmem>> -> memref<1x128xi32, #tpu.memory_space<vmem>>
    %dma_start3A_222 = tpu.memref_squeeze %dma_start3A_221 : memref<1x128xi32, #tpu.memory_space<vmem>> -> memref<128xi32, #tpu.memory_space<vmem>>
    %dma_start3A_223 = arith.constant 0 : i32
    %dma_start3A_224 = arith.constant 0 : i32
    %dma_start3A_225 = tpu.memref_slice %arg2[%dma_start3A_223, %dma_start3A_224] : memref<524288x128xf32, #tpu.memory_space<hbm>> -> memref<524288x128xf32, #tpu.memory_space<hbm>>
    tpu.enqueue_indirect_dma source(%dma_start3A_225 : memref<524288x128xf32, #tpu.memory_space<hbm>>) target(%dma_start3A_219 : memref<128x128xf32, #tpu.memory_space<vmem>>) offsets(%dma_start3A_222 : memref<128xi32, #tpu.memory_space<vmem>>) semaphore(%arg17 : memref<!tpu.dma_semaphore, #tpu.memory_space<semaphore_mem>>)
    %mul3A_226 = arith.constant 2 : i32
    %mul3A_227 = arith.constant 192 : i32
    %mul3A_228 = arith.muli %mul3A_226, %mul3A_227 : i32
    %add3A_229 = arith.addi %mul3A_22, %mul3A_228 : i32
    %jit3A_230 = arith.constant 9216 : i32
    %div3A_231 = arith.divsi %add3A_229, %jit3A_230 : i32
    %sign3A_232 = arith.constant 0 : i32
    %sign3A_233 = arith.cmpi sgt, %add3A_229, %sign3A_232 : i32
    %sign3A_234 = arith.extui %sign3A_233 : i1 to i32
    %sign3A_235 = arith.constant 0 : i32
    %sign3A_236 = arith.cmpi slt, %add3A_229, %sign3A_235 : i32
    %sign3A_237 = arith.extui %sign3A_236 : i1 to i32
    %sign3A_238 = arith.subi %sign3A_234, %sign3A_237 : i32
    %sign3A_239 = arith.constant 0 : i32
    %sign3A_240 = arith.cmpi sgt, %jit3A_230, %sign3A_239 : i32
    %sign3A_241 = arith.extui %sign3A_240 : i1 to i32
    %sign3A_242 = arith.constant 0 : i32
    %sign3A_243 = arith.cmpi slt, %jit3A_230, %sign3A_242 : i32
    %sign3A_244 = arith.extui %sign3A_243 : i1 to i32
    %sign3A_245 = arith.subi %sign3A_241, %sign3A_244 : i32
    %ne3A_246 = arith.cmpi ne, %sign3A_238, %sign3A_245 : i32
    %rem3A_247 = arith.remsi %add3A_229, %jit3A_230 : i32
    %ne3A_248 = arith.constant 0 : i32
    %ne3A_249 = arith.cmpi ne, %rem3A_247, %ne3A_248 : i32
    %and3A_250 = arith.andi %ne3A_246, %ne3A_249 : i1
    %sub3A_251 = arith.constant 1 : i32
    %sub3A_252 = arith.subi %div3A_231, %sub3A_251 : i32
    %select_n3A_253 = arith.select %and3A_250, %sub3A_252, %div3A_231 : i32
    %mul3A_254 = arith.constant 9216 : i32
    %mul3A_255 = arith.muli %select_n3A_253, %mul3A_254 : i32
    %sub3A_256 = arith.subi %add3A_229, %mul3A_255 : i32
    %mul3A_257 = arith.constant 27648 : i32
    %mul3A_258 = arith.muli %select_n3A_253, %mul3A_257 : i32
    %add3A_259 = arith.addi %mul3A_258, %sub3A_256 : i32
    %add3A_260 = arith.constant 9216 : i32
    %add3A_261 = arith.addi %add3A_259, %add3A_260 : i32
    %add3A_262 = arith.constant 18432 : i32
    %add3A_263 = arith.addi %add3A_259, %add3A_262 : i32
    %dma_start3A_264 = arith.constant 0 : i32
    %dma_start3A_265 = tpu.memref_slice %arg5[%dma_start3A_264] : memref<576xf32, #tpu.memory_space<vmem>> -> memref<192xf32, #tpu.memory_space<vmem>>
    %dma_start3A_266 = tpu.memref_slice %arg3[%add3A_259] : memref<5308416xf32, #tpu.memory_space<hbm>> -> memref<192xf32, #tpu.memory_space<hbm>>
    %dma_start3A_267 = arith.constant 0 : i32
    %dma_start3A_268 = tpu.memref_slice %arg5[%dma_start3A_267] : memref<576xf32, #tpu.memory_space<vmem>> -> memref<192xf32, #tpu.memory_space<vmem>>
    %dma_start3A_269 = tpu.memref_slice %arg3[%add3A_259] : memref<5308416xf32, #tpu.memory_space<hbm>> -> memref<192xf32, #tpu.memory_space<hbm>>
    tpu.enqueue_dma source(%dma_start3A_269 : memref<192xf32, #tpu.memory_space<hbm>>) target(%dma_start3A_268 : memref<192xf32, #tpu.memory_space<vmem>>) target_semaphore(%arg19 : memref<!tpu.dma_semaphore, #tpu.memory_space<semaphore_mem>>)
    %dma_start3A_270 = arith.constant 192 : i32
    %dma_start3A_271 = tpu.memref_slice %arg5[%dma_start3A_270] : memref<576xf32, #tpu.memory_space<vmem>> -> memref<192xf32, #tpu.memory_space<vmem>>
    %dma_start3A_272 = tpu.memref_slice %arg3[%add3A_261] : memref<5308416xf32, #tpu.memory_space<hbm>> -> memref<192xf32, #tpu.memory_space<hbm>>
    %dma_start3A_273 = arith.constant 192 : i32
    %dma_start3A_274 = tpu.memref_slice %arg5[%dma_start3A_273] : memref<576xf32, #tpu.memory_space<vmem>> -> memref<192xf32, #tpu.memory_space<vmem>>
    %dma_start3A_275 = tpu.memref_slice %arg3[%add3A_261] : memref<5308416xf32, #tpu.memory_space<hbm>> -> memref<192xf32, #tpu.memory_space<hbm>>
    tpu.enqueue_dma source(%dma_start3A_275 : memref<192xf32, #tpu.memory_space<hbm>>) target(%dma_start3A_274 : memref<192xf32, #tpu.memory_space<vmem>>) target_semaphore(%arg19 : memref<!tpu.dma_semaphore, #tpu.memory_space<semaphore_mem>>)
    %dma_start3A_276 = arith.constant 384 : i32
    %dma_start3A_277 = tpu.memref_slice %arg5[%dma_start3A_276] : memref<576xf32, #tpu.memory_space<vmem>> -> memref<192xf32, #tpu.memory_space<vmem>>
    %dma_start3A_278 = tpu.memref_slice %arg3[%add3A_263] : memref<5308416xf32, #tpu.memory_space<hbm>> -> memref<192xf32, #tpu.memory_space<hbm>>
    %dma_start3A_279 = arith.constant 384 : i32
    %dma_start3A_280 = tpu.memref_slice %arg5[%dma_start3A_279] : memref<576xf32, #tpu.memory_space<vmem>> -> memref<192xf32, #tpu.memory_space<vmem>>
    %dma_start3A_281 = tpu.memref_slice %arg3[%add3A_263] : memref<5308416xf32, #tpu.memory_space<hbm>> -> memref<192xf32, #tpu.memory_space<hbm>>
    tpu.enqueue_dma source(%dma_start3A_281 : memref<192xf32, #tpu.memory_space<hbm>>) target(%dma_start3A_280 : memref<192xf32, #tpu.memory_space<vmem>>) target_semaphore(%arg19 : memref<!tpu.dma_semaphore, #tpu.memory_space<semaphore_mem>>)
    %mul3A_282 = arith.constant 1 : i32
    %mul3A_283 = arith.constant 192 : i32
    %mul3A_284 = arith.muli %mul3A_282, %mul3A_283 : i32
    %add3A_285 = arith.addi %mul3A_22, %mul3A_284 : i32
    %jit3A_286 = arith.constant 9216 : i32
    %div3A_287 = arith.divsi %add3A_285, %jit3A_286 : i32
    %sign3A_288 = arith.constant 0 : i32
    %sign3A_289 = arith.cmpi sgt, %add3A_285, %sign3A_288 : i32
    %sign3A_290 = arith.extui %sign3A_289 : i1 to i32
    %sign3A_291 = arith.constant 0 : i32
    %sign3A_292 = arith.cmpi slt, %add3A_285, %sign3A_291 : i32
    %sign3A_293 = arith.extui %sign3A_292 : i1 to i32
    %sign3A_294 = arith.subi %sign3A_290, %sign3A_293 : i32
    %sign3A_295 = arith.constant 0 : i32
    %sign3A_296 = arith.cmpi sgt, %jit3A_286, %sign3A_295 : i32
    %sign3A_297 = arith.extui %sign3A_296 : i1 to i32
    %sign3A_298 = arith.constant 0 : i32
    %sign3A_299 = arith.cmpi slt, %jit3A_286, %sign3A_298 : i32
    %sign3A_300 = arith.extui %sign3A_299 : i1 to i32
    %sign3A_301 = arith.subi %sign3A_297, %sign3A_300 : i32
    %ne3A_302 = arith.cmpi ne, %sign3A_294, %sign3A_301 : i32
    %rem3A_303 = arith.remsi %add3A_285, %jit3A_286 : i32
    %ne3A_304 = arith.constant 0 : i32
    %ne3A_305 = arith.cmpi ne, %rem3A_303, %ne3A_304 : i32
    %and3A_306 = arith.andi %ne3A_302, %ne3A_305 : i1
    %sub3A_307 = arith.constant 1 : i32
    %sub3A_308 = arith.subi %div3A_287, %sub3A_307 : i32
    %select_n3A_309 = arith.select %and3A_306, %sub3A_308, %div3A_287 : i32
    %mul3A_310 = arith.constant 9216 : i32
    %mul3A_311 = arith.muli %select_n3A_309, %mul3A_310 : i32
    %sub3A_312 = arith.subi %add3A_285, %mul3A_311 : i32
    %mul3A_313 = arith.constant 27648 : i32
    %mul3A_314 = arith.muli %select_n3A_309, %mul3A_313 : i32
    %add3A_315 = arith.addi %mul3A_314, %sub3A_312 : i32
    %add3A_316 = arith.constant 9216 : i32
    %add3A_317 = arith.addi %add3A_315, %add3A_316 : i32
    %add3A_318 = arith.constant 18432 : i32
    %add3A_319 = arith.addi %add3A_315, %add3A_318 : i32
    %dma_wait3A_320 = arith.constant 0 : i32
    %dma_wait3A_321 = tpu.memref_slice %arg6[%dma_wait3A_320] : memref<576xf32, #tpu.memory_space<vmem>> -> memref<192xf32, #tpu.memory_space<vmem>>
    %dma_wait3A_322 = tpu.memref_slice %arg3[%add3A_315] : memref<5308416xf32, #tpu.memory_space<hbm>> -> memref<192xf32, #tpu.memory_space<hbm>>
    %dma_wait3A_323 = arith.constant 0 : i32
    %dma_wait3A_324 = tpu.memref_slice %arg6[%dma_wait3A_323] : memref<576xf32, #tpu.memory_space<vmem>> -> memref<192xf32, #tpu.memory_space<vmem>>
    %dma_wait3A_325 = tpu.memref_slice %arg3[%add3A_315] : memref<5308416xf32, #tpu.memory_space<hbm>> -> memref<192xf32, #tpu.memory_space<hbm>>
    tpu.wait_dma2 semaphore(%arg20 : memref<!tpu.dma_semaphore, #tpu.memory_space<semaphore_mem>>) src(%dma_wait3A_325 : memref<192xf32, #tpu.memory_space<hbm>>) dst(%dma_wait3A_324 : memref<192xf32, #tpu.memory_space<vmem>>)
    %dma_wait3A_326 = arith.constant 192 : i32
    %dma_wait3A_327 = tpu.memref_slice %arg6[%dma_wait3A_326] : memref<576xf32, #tpu.memory_space<vmem>> -> memref<192xf32, #tpu.memory_space<vmem>>
    %dma_wait3A_328 = tpu.memref_slice %arg3[%add3A_317] : memref<5308416xf32, #tpu.memory_space<hbm>> -> memref<192xf32, #tpu.memory_space<hbm>>
    %dma_wait3A_329 = arith.constant 192 : i32
    %dma_wait3A_330 = tpu.memref_slice %arg6[%dma_wait3A_329] : memref<576xf32, #tpu.memory_space<vmem>> -> memref<192xf32, #tpu.memory_space<vmem>>
    %dma_wait3A_331 = tpu.memref_slice %arg3[%add3A_317] : memref<5308416xf32, #tpu.memory_space<hbm>> -> memref<192xf32, #tpu.memory_space<hbm>>
    tpu.wait_dma2 semaphore(%arg20 : memref<!tpu.dma_semaphore, #tpu.memory_space<semaphore_mem>>) src(%dma_wait3A_331 : memref<192xf32, #tpu.memory_space<hbm>>) dst(%dma_wait3A_330 : memref<192xf32, #tpu.memory_space<vmem>>)
    %dma_wait3A_332 = arith.constant 384 : i32
    %dma_wait3A_333 = tpu.memref_slice %arg6[%dma_wait3A_332] : memref<576xf32, #tpu.memory_space<vmem>> -> memref<192xf32, #tpu.memory_space<vmem>>
    %dma_wait3A_334 = tpu.memref_slice %arg3[%add3A_319] : memref<5308416xf32, #tpu.memory_space<hbm>> -> memref<192xf32, #tpu.memory_space<hbm>>
    %dma_wait3A_335 = arith.constant 384 : i32
    %dma_wait3A_336 = tpu.memref_slice %arg6[%dma_wait3A_335] : memref<576xf32, #tpu.memory_space<vmem>> -> memref<192xf32, #tpu.memory_space<vmem>>
    %dma_wait3A_337 = tpu.memref_slice %arg3[%add3A_319] : memref<5308416xf32, #tpu.memory_space<hbm>> -> memref<192xf32, #tpu.memory_space<hbm>>
    tpu.wait_dma2 semaphore(%arg20 : memref<!tpu.dma_semaphore, #tpu.memory_space<semaphore_mem>>) src(%dma_wait3A_337 : memref<192xf32, #tpu.memory_space<hbm>>) dst(%dma_wait3A_336 : memref<192xf32, #tpu.memory_space<vmem>>)
    %scan3A_338 = arith.constant 0 : i32
    %scan3A_339 = arith.constant 12 : i32
    %scan3A_340 = arith.addi %scan3A_338, %scan3A_339 : i32
    %scan3A_341 = arith.constant 1 : i32
    scf.for %scan3A_537 = %scan3A_338 to %scan3A_340 step %scan3A_341  : i32 {
      %mul3A_538 = arith.constant 1 : i32
      %mul3A_539 = arith.muli %scan3A_537, %mul3A_538 : i32
      %add3A_540 = arith.constant 0 : i32
      %add3A_541 = arith.addi %add3A_540, %mul3A_539 : i32
      %mul3A_542 = arith.constant 16 : i32
      %mul3A_543 = arith.muli %add3A_541, %mul3A_542 : i32
      %get3A = arith.index_cast %mul3A_543 : i32 to index
      %get3A_544 = tpu.vector_load %arg6[%get3A] {strides = array<i32>} : memref<576xf32, #tpu.memory_space<vmem>>, vector<16xf32>,
      %add3A_545 = arith.constant 192 : i32
      %add3A_546 = arith.addi %add3A_545, %mul3A_543 : i32
      %get3A_547 = arith.index_cast %add3A_546 : i32 to index
      %get3A_548 = tpu.vector_load %arg6[%get3A_547] {strides = array<i32>} : memref<576xf32, #tpu.memory_space<vmem>>, vector<16xf32>,
      %add3A_549 = arith.constant 384 : i32
      %add3A_550 = arith.addi %add3A_549, %mul3A_543 : i32
      %get3A_551 = arith.index_cast %add3A_550 : i32 to index
      %get3A_552 = tpu.vector_load %arg6[%get3A_551] {strides = array<i32>} : memref<576xf32, #tpu.memory_space<vmem>>, vector<16xf32>,
      %convert_element_type3A_553 = arith.fptosi %get3A_544 : vector<16xf32> to vector<16xi32>
      %convert_element_type3A_554 = arith.fptosi %get3A_548 : vector<16xf32> to vector<16xi32>
      %convert_element_type3A_555 = arith.fptosi %get3A_552 : vector<16xf32> to vector<16xi32>
      %jit3A_556 = arith.constant 0 : i32
      %jit3A_557 = arith.constant 127 : i32
      %max3A = vector.broadcast %jit3A_556 : i32 to vector<16xi32>
      %max3A_558 = arith.maxsi %max3A, %convert_element_type3A_553 : vector<16xi32>
      %min3A = vector.broadcast %jit3A_557 : i32 to vector<16xi32>
      %min3A_559 = arith.minsi %min3A, %max3A_558 : vector<16xi32>
      %add3A_560 = arith.constant 1 : i32
      %add3A_561 = vector.broadcast %add3A_560 : i32 to vector<16xi32>
      %add3A_562 = arith.addi %convert_element_type3A_553, %add3A_561 : vector<16xi32>
      %jit3A_563 = arith.constant 0 : i32
      %jit3A_564 = arith.constant 127 : i32
      %max3A_565 = vector.broadcast %jit3A_563 : i32 to vector<16xi32>
      %max3A_566 = arith.maxsi %max3A_565, %add3A_562 : vector<16xi32>
      %min3A_567 = vector.broadcast %jit3A_564 : i32 to vector<16xi32>
      %min3A_568 = arith.minsi %min3A_567, %max3A_566 : vector<16xi32>
      %jit3A_569 = arith.constant 0 : i32
      %jit3A_570 = arith.constant 127 : i32
      %max3A_571 = vector.broadcast %jit3A_569 : i32 to vector<16xi32>
      %max3A_572 = arith.maxsi %max3A_571, %convert_element_type3A_554 : vector<16xi32>
      %min3A_573 = vector.broadcast %jit3A_570 : i32 to vector<16xi32>
      %min3A_574 = arith.minsi %min3A_573, %max3A_572 : vector<16xi32>
      %jit3A_575 = arith.constant 0 : i32
      %jit3A_576 = arith.constant 127 : i32
      %max3A_577 = vector.broadcast %jit3A_575 : i32 to vector<16xi32>
      %max3A_578 = arith.maxsi %max3A_577, %convert_element_type3A_555 : vector<16xi32>
      %min3A_579 = vector.broadcast %jit3A_576 : i32 to vector<16xi32>
      %min3A_580 = arith.minsi %min3A_579, %max3A_578 : vector<16xi32>
      %mul3A_581 = arith.constant 128 : i32
      %mul3A_582 = vector.broadcast %mul3A_581 : i32 to vector<16xi32>
      %mul3A_583 = arith.muli %min3A_574, %mul3A_582 : vector<16xi32>
      %add3A_584 = arith.addi %mul3A_583, %min3A_580 : vector<16xi32>
      %add3A_585 = vector.broadcast %mul3A_20 : i32 to vector<16xi32>
      %add3A_586 = arith.addi %add3A_584, %add3A_585 : vector<16xi32>
      %mul3A_587 = arith.constant 16384 : i32
      %mul3A_588 = vector.broadcast %mul3A_587 : i32 to vector<16xi32>
      %mul3A_589 = arith.muli %min3A_559, %mul3A_588 : vector<16xi32>
      %add3A_590 = arith.addi %add3A_586, %mul3A_589 : vector<16xi32>
      %mul3A_591 = arith.constant 16384 : i32
      %mul3A_592 = vector.broadcast %mul3A_591 : i32 to vector<16xi32>
      %mul3A_593 = arith.muli %min3A_568, %mul3A_592 : vector<16xi32>
      %add3A_594 = arith.addi %add3A_586, %mul3A_593 : vector<16xi32>
      %add3A_595 = vector.broadcast %mul3A_543 : i32 to vector<16xi32>
      %add3A_596 = arith.addi %iota3A, %add3A_595 : vector<16xi32>
      %add3A_597 = arith.constant 192 : i32
      %add3A_598 = vector.broadcast %add3A_597 : i32 to vector<16xi32>
      %add3A_599 = arith.addi %add3A_596, %add3A_598 : vector<16xi32>
      %shift_right_arithmetic3A = arith.constant 7 : i32
      %shift_right_arithmetic3A_600 = vector.broadcast %shift_right_arithmetic3A : i32 to vector<16xi32>
      %shift_right_arithmetic3A_601 = arith.shrsi %add3A_596, %shift_right_arithmetic3A_600 : vector<16xi32>
      %and3A_602 = arith.constant 127 : i32
      %and3A_603 = vector.broadcast %and3A_602 : i32 to vector<16xi32>
      %and3A_604 = arith.andi %add3A_596, %and3A_603 : vector<16xi32>
      %shift_right_arithmetic3A_605 = arith.constant 3 : i32
      %shift_right_arithmetic3A_606 = vector.broadcast %shift_right_arithmetic3A_605 : i32 to vector<16xi32>
      %shift_right_arithmetic3A_607 = arith.shrsi %add3A_590, %shift_right_arithmetic3A_606 : vector<16xi32>
      tpu.vector_store_idx %arg8[%shift_right_arithmetic3A_601, %and3A_604], %shift_right_arithmetic3A_607 : memref<3x128xi32, #tpu.memory_space<vmem>>[vector<16xi32>, vector<16xi32>], vector<16xi32>,
      %shift_right_arithmetic3A_608 = arith.constant 7 : i32
      %shift_right_arithmetic3A_609 = vector.broadcast %shift_right_arithmetic3A_608 : i32 to vector<16xi32>
      %shift_right_arithmetic3A_610 = arith.shrsi %add3A_599, %shift_right_arithmetic3A_609 : vector<16xi32>
      %and3A_611 = arith.constant 127 : i32
      %and3A_612 = vector.broadcast %and3A_611 : i32 to vector<16xi32>
      %and3A_613 = arith.andi %add3A_599, %and3A_612 : vector<16xi32>
      %shift_right_arithmetic3A_614 = arith.constant 3 : i32
      %shift_right_arithmetic3A_615 = vector.broadcast %shift_right_arithmetic3A_614 : i32 to vector<16xi32>
      %shift_right_arithmetic3A_616 = arith.shrsi %add3A_594, %shift_right_arithmetic3A_615 : vector<16xi32>
      tpu.vector_store_idx %arg8[%shift_right_arithmetic3A_610, %and3A_613], %shift_right_arithmetic3A_616 : memref<3x128xi32, #tpu.memory_space<vmem>>[vector<16xi32>, vector<16xi32>], vector<16xi32>,
      %and3A_617 = arith.constant 7 : i32
      %and3A_618 = vector.broadcast %and3A_617 : i32 to vector<16xi32>
      %and3A_619 = arith.andi %add3A_590, %and3A_618 : vector<16xi32>
      %mul3A_620 = arith.constant 16 : i32
      %mul3A_621 = vector.broadcast %mul3A_620 : i32 to vector<16xi32>
      %mul3A_622 = arith.muli %and3A_619, %mul3A_621 : vector<16xi32>
      %swap3A = arith.index_cast %mul3A_543 : i32 to index
      %swap3A_623 = tpu.vector_load %arg14[%swap3A] {strides = array<i32>} : memref<384xi32, #tpu.memory_space<vmem>>, vector<16xi32>,
      tpu.vector_store %arg14[%swap3A], %mul3A_622 {strides = array<i32>} : memref<384xi32, #tpu.memory_space<vmem>>, vector<16xi32>,
      %and3A_624 = arith.constant 7 : i32
      %and3A_625 = vector.broadcast %and3A_624 : i32 to vector<16xi32>
      %and3A_626 = arith.andi %add3A_594, %and3A_625 : vector<16xi32>
      %mul3A_627 = arith.constant 16 : i32
      %mul3A_628 = vector.broadcast %mul3A_627 : i32 to vector<16xi32>
      %mul3A_629 = arith.muli %and3A_626, %mul3A_628 : vector<16xi32>
      %add3A_630 = arith.constant 192 : i32
      %add3A_631 = arith.addi %add3A_630, %mul3A_543 : i32
      %swap3A_632 = arith.index_cast %add3A_631 : i32 to index
      %swap3A_633 = tpu.vector_load %arg14[%swap3A_632] {strides = array<i32>} : memref<384xi32, #tpu.memory_space<vmem>>, vector<16xi32>,
      tpu.vector_store %arg14[%swap3A_632], %mul3A_629 {strides = array<i32>} : memref<384xi32, #tpu.memory_space<vmem>>, vector<16xi32>,
      %convert_element_type3A_634 = arith.fptosi %get3A_544 : vector<16xf32> to vector<16xi32>
      %convert_element_type3A_635 = arith.sitofp %convert_element_type3A_634 : vector<16xi32> to vector<16xf32>
      %sub3A_636 = arith.subf %get3A_544, %convert_element_type3A_635 : vector<16xf32>
      %swap3A_637 = arith.index_cast %mul3A_543 : i32 to index
      %swap3A_638 = tpu.vector_load %arg16[%swap3A_637] {strides = array<i32>} : memref<576xf32, #tpu.memory_space<vmem>>, vector<16xf32>,
      tpu.vector_store %arg16[%swap3A_637], %sub3A_636 {strides = array<i32>} : memref<576xf32, #tpu.memory_space<vmem>>, vector<16xf32>,
      %convert_element_type3A_639 = arith.fptosi %get3A_548 : vector<16xf32> to vector<16xi32>
      %convert_element_type3A_640 = arith.sitofp %convert_element_type3A_639 : vector<16xi32> to vector<16xf32>
      %sub3A_641 = arith.subf %get3A_548, %convert_element_type3A_640 : vector<16xf32>
      %add3A_642 = arith.constant 192 : i32
      %add3A_643 = arith.addi %add3A_642, %mul3A_543 : i32
      %swap3A_644 = arith.index_cast %add3A_643 : i32 to index
      %swap3A_645 = tpu.vector_load %arg16[%swap3A_644] {strides = array<i32>} : memref<576xf32, #tpu.memory_space<vmem>>, vector<16xf32>,
      tpu.vector_store %arg16[%swap3A_644], %sub3A_641 {strides = array<i32>} : memref<576xf32, #tpu.memory_space<vmem>>, vector<16xf32>,
      %convert_element_type3A_646 = arith.fptosi %get3A_552 : vector<16xf32> to vector<16xi32>
      %convert_element_type3A_647 = arith.sitofp %convert_element_type3A_646 : vector<16xi32> to vector<16xf32>
      %sub3A_648 = arith.subf %get3A_552, %convert_element_type3A_647 : vector<16xf32>
      %add3A_649 = arith.constant 384 : i32
      %add3A_650 = arith.addi %add3A_649, %mul3A_543 : i32
      %swap3A_651 = arith.index_cast %add3A_650 : i32 to index
      %swap3A_652 = tpu.vector_load %arg16[%swap3A_651] {strides = array<i32>} : memref<576xf32, #tpu.memory_space<vmem>>, vector<16xf32>,
      tpu.vector_store %arg16[%swap3A_651], %sub3A_648 {strides = array<i32>} : memref<576xf32, #tpu.memory_space<vmem>>, vector<16xf32>,
    }
    %scan3A_342 = arith.constant 12 : i32
    %dma_start3A_343 = arith.constant 0 : i32
    %dma_start3A_344 = arith.constant 0 : i32
    %dma_start3A_345 = arith.constant 0 : i32
    %dma_start3A_346 = tpu.memref_slice %arg10[%dma_start3A_344, %dma_start3A_345] : memref<384x128xf32, #tpu.memory_space<vmem>> -> memref<128x128xf32, #tpu.memory_space<vmem>>
    %dma_start3A_347 = arith.constant 0 : i32
    %dma_start3A_348 = tpu.memref_slice %arg8[%dma_start3A_343, %dma_start3A_347] : memref<3x128xi32, #tpu.memory_space<vmem>> -> memref<1x128xi32, #tpu.memory_space<vmem>>
    %dma_start3A_349 = tpu.memref_squeeze %dma_start3A_348 : memref<1x128xi32, #tpu.memory_space<vmem>> -> memref<128xi32, #tpu.memory_space<vmem>>
    %dma_start3A_350 = arith.constant 0 : i32
    %dma_start3A_351 = arith.constant 0 : i32
    %dma_start3A_352 = tpu.memref_slice %arg2[%dma_start3A_350, %dma_start3A_351] : memref<524288x128xf32, #tpu.memory_space<hbm>> -> memref<524288x128xf32, #tpu.memory_space<hbm>>
    tpu.enqueue_indirect_dma source(%dma_start3A_352 : memref<524288x128xf32, #tpu.memory_space<hbm>>) target(%dma_start3A_346 : memref<128x128xf32, #tpu.memory_space<vmem>>) offsets(%dma_start3A_349 : memref<128xi32, #tpu.memory_space<vmem>>) semaphore(%arg18 : memref<!tpu.dma_semaphore, #tpu.memory_space<semaphore_mem>>)
    %dma_start3A_353 = arith.constant 1 : i32
    %dma_start3A_354 = arith.constant 128 : i32
    %dma_start3A_355 = arith.constant 0 : i32
    %dma_start3A_356 = tpu.memref_slice %arg10[%dma_start3A_354, %dma_start3A_355] : memref<384x128xf32, #tpu.memory_space<vmem>> -> memref<128x128xf32, #tpu.memory_space<vmem>>
    %dma_start3A_357 = arith.constant 0 : i32
    %dma_start3A_358 = tpu.memref_slice %arg8[%dma_start3A_353, %dma_start3A_357] : memref<3x128xi32, #tpu.memory_space<vmem>> -> memref<1x128xi32, #tpu.memory_space<vmem>>
    %dma_start3A_359 = tpu.memref_squeeze %dma_start3A_358 : memref<1x128xi32, #tpu.memory_space<vmem>> -> memref<128xi32, #tpu.memory_space<vmem>>
    %dma_start3A_360 = arith.constant 0 : i32
    %dma_start3A_361 = arith.constant 0 : i32
    %dma_start3A_362 = tpu.memref_slice %arg2[%dma_start3A_360, %dma_start3A_361] : memref<524288x128xf32, #tpu.memory_space<hbm>> -> memref<524288x128xf32, #tpu.memory_space<hbm>>
    tpu.enqueue_indirect_dma source(%dma_start3A_362 : memref<524288x128xf32, #tpu.memory_space<hbm>>) target(%dma_start3A_356 : memref<128x128xf32, #tpu.memory_space<vmem>>) offsets(%dma_start3A_359 : memref<128xi32, #tpu.memory_space<vmem>>) semaphore(%arg18 : memref<!tpu.dma_semaphore, #tpu.memory_space<semaphore_mem>>)
    %dma_start3A_363 = arith.constant 2 : i32
    %dma_start3A_364 = arith.constant 256 : i32
    %dma_start3A_365 = arith.constant 0 : i32
    %dma_start3A_366 = tpu.memref_slice %arg10[%dma_start3A_364, %dma_start3A_365] : memref<384x128xf32, #tpu.memory_space<vmem>> -> memref<128x128xf32, #tpu.memory_space<vmem>>
    %dma_start3A_367 = arith.constant 0 : i32
    %dma_start3A_368 = tpu.memref_slice %arg8[%dma_start3A_363, %dma_start3A_367] : memref<3x128xi32, #tpu.memory_space<vmem>> -> memref<1x128xi32, #tpu.memory_space<vmem>>
    %dma_start3A_369 = tpu.memref_squeeze %dma_start3A_368 : memref<1x128xi32, #tpu.memory_space<vmem>> -> memref<128xi32, #tpu.memory_space<vmem>>
    %dma_start3A_370 = arith.constant 0 : i32
    %dma_start3A_371 = arith.constant 0 : i32
    %dma_start3A_372 = tpu.memref_slice %arg2[%dma_start3A_370, %dma_start3A_371] : memref<524288x128xf32, #tpu.memory_space<hbm>> -> memref<524288x128xf32, #tpu.memory_space<hbm>>
    tpu.enqueue_indirect_dma source(%dma_start3A_372 : memref<524288x128xf32, #tpu.memory_space<hbm>>) target(%dma_start3A_366 : memref<128x128xf32, #tpu.memory_space<vmem>>) offsets(%dma_start3A_369 : memref<128xi32, #tpu.memory_space<vmem>>) semaphore(%arg18 : memref<!tpu.dma_semaphore, #tpu.memory_space<semaphore_mem>>)
    %mul3A_373 = arith.constant 3 : i32
    %mul3A_374 = arith.constant 192 : i32
    %mul3A_375 = arith.muli %mul3A_373, %mul3A_374 : i32
    %add3A_376 = arith.addi %mul3A_22, %mul3A_375 : i32
    %jit3A_377 = arith.constant 9216 : i32
    %div3A_378 = arith.divsi %add3A_376, %jit3A_377 : i32
    %sign3A_379 = arith.constant 0 : i32
    %sign3A_380 = arith.cmpi sgt, %add3A_376, %sign3A_379 : i32
    %sign3A_381 = arith.extui %sign3A_380 : i1 to i32
    %sign3A_382 = arith.constant 0 : i32
    %sign3A_383 = arith.cmpi slt, %add3A_376, %sign3A_382 : i32
    %sign3A_384 = arith.extui %sign3A_383 : i1 to i32
    %sign3A_385 = arith.subi %sign3A_381, %sign3A_384 : i32
    %sign3A_386 = arith.constant 0 : i32
    %sign3A_387 = arith.cmpi sgt, %jit3A_377, %sign3A_386 : i32
    %sign3A_388 = arith.extui %sign3A_387 : i1 to i32
    %sign3A_389 = arith.constant 0 : i32
    %sign3A_390 = arith.cmpi slt, %jit3A_377, %sign3A_389 : i32
    %sign3A_391 = arith.extui %sign3A_390 : i1 to i32
    %sign3A_392 = arith.subi %sign3A_388, %sign3A_391 : i32
    %ne3A_393 = arith.cmpi ne, %sign3A_385, %sign3A_392 : i32
    %rem3A_394 = arith.remsi %add3A_376, %jit3A_377 : i32
    %ne3A_395 = arith.constant 0 : i32
    %ne3A_396 = arith.cmpi ne, %rem3A_394, %ne3A_395 : i32
    %and3A_397 = arith.andi %ne3A_393, %ne3A_396 : i1
    %sub3A_398 = arith.constant 1 : i32
    %sub3A_399 = arith.subi %div3A_378, %sub3A_398 : i32
    %select_n3A_400 = arith.select %and3A_397, %sub3A_399, %div3A_378 : i32
    %mul3A_401 = arith.constant 9216 : i32
    %mul3A_402 = arith.muli %select_n3A_400, %mul3A_401 : i32
    %sub3A_403 = arith.subi %add3A_376, %mul3A_402 : i32
    %mul3A_404 = arith.constant 27648 : i32
    %mul3A_405 = arith.muli %select_n3A_400, %mul3A_404 : i32
    %add3A_406 = arith.addi %mul3A_405, %sub3A_403 : i32
    %add3A_407 = arith.constant 9216 : i32
    %add3A_408 = arith.addi %add3A_406, %add3A_407 : i32
    %add3A_409 = arith.constant 18432 : i32
    %add3A_410 = arith.addi %add3A_406, %add3A_409 : i32
    %dma_start3A_411 = arith.constant 0 : i32
    %dma_start3A_412 = tpu.memref_slice %arg6[%dma_start3A_411] : memref<576xf32, #tpu.memory_space<vmem>> -> memref<192xf32, #tpu.memory_space<vmem>>
    %dma_start3A_413 = tpu.memref_slice %arg3[%add3A_406] : memref<5308416xf32, #tpu.memory_space<hbm>> -> memref<192xf32, #tpu.memory_space<hbm>>
    %dma_start3A_414 = arith.constant 0 : i32
    %dma_start3A_415 = tpu.memref_slice %arg6[%dma_start3A_414] : memref<576xf32, #tpu.memory_space<vmem>> -> memref<192xf32, #tpu.memory_space<vmem>>
    %dma_start3A_416 = tpu.memref_slice %arg3[%add3A_406] : memref<5308416xf32, #tpu.memory_space<hbm>> -> memref<192xf32, #tpu.memory_space<hbm>>
    tpu.enqueue_dma source(%dma_start3A_416 : memref<192xf32, #tpu.memory_space<hbm>>) target(%dma_start3A_415 : memref<192xf32, #tpu.memory_space<vmem>>) target_semaphore(%arg20 : memref<!tpu.dma_semaphore, #tpu.memory_space<semaphore_mem>>)
    %dma_start3A_417 = arith.constant 192 : i32
    %dma_start3A_418 = tpu.memref_slice %arg6[%dma_start3A_417] : memref<576xf32, #tpu.memory_space<vmem>> -> memref<192xf32, #tpu.memory_space<vmem>>
    %dma_start3A_419 = tpu.memref_slice %arg3[%add3A_408] : memref<5308416xf32, #tpu.memory_space<hbm>> -> memref<192xf32, #tpu.memory_space<hbm>>
    %dma_start3A_420 = arith.constant 192 : i32
    %dma_start3A_421 = tpu.memref_slice %arg6[%dma_start3A_420] : memref<576xf32, #tpu.memory_space<vmem>> -> memref<192xf32, #tpu.memory_space<vmem>>
    %dma_start3A_422 = tpu.memref_slice %arg3[%add3A_408] : memref<5308416xf32, #tpu.memory_space<hbm>> -> memref<192xf32, #tpu.memory_space<hbm>>
    tpu.enqueue_dma source(%dma_start3A_422 : memref<192xf32, #tpu.memory_space<hbm>>) target(%dma_start3A_421 : memref<192xf32, #tpu.memory_space<vmem>>) target_semaphore(%arg20 : memref<!tpu.dma_semaphore, #tpu.memory_space<semaphore_mem>>)
    %dma_start3A_423 = arith.constant 384 : i32
    %dma_start3A_424 = tpu.memref_slice %arg6[%dma_start3A_423] : memref<576xf32, #tpu.memory_space<vmem>> -> memref<192xf32, #tpu.memory_space<vmem>>
    %dma_start3A_425 = tpu.memref_slice %arg3[%add3A_410] : memref<5308416xf32, #tpu.memory_space<hbm>> -> memref<192xf32, #tpu.memory_space<hbm>>
    %dma_start3A_426 = arith.constant 384 : i32
    %dma_start3A_427 = tpu.memref_slice %arg6[%dma_start3A_426] : memref<576xf32, #tpu.memory_space<vmem>> -> memref<192xf32, #tpu.memory_space<vmem>>
    %dma_start3A_428 = tpu.memref_slice %arg3[%add3A_410] : memref<5308416xf32, #tpu.memory_space<hbm>> -> memref<192xf32, #tpu.memory_space<hbm>>
    tpu.enqueue_dma source(%dma_start3A_428 : memref<192xf32, #tpu.memory_space<hbm>>) target(%dma_start3A_427 : memref<192xf32, #tpu.memory_space<vmem>>) target_semaphore(%arg20 : memref<!tpu.dma_semaphore, #tpu.memory_space<semaphore_mem>>)
    %scan3A_429 = arith.constant 0 : i32
    %scan3A_430 = arith.constant 143 : i32
    %scan3A_431 = arith.addi %scan3A_429, %scan3A_430 : i32
    %scan3A_432 = arith.constant 1 : i32
    scf.for %scan3A_537 = %scan3A_429 to %scan3A_431 step %scan3A_432  : i32 {
      %mul3A_538 = arith.constant 1 : i32
      %mul3A_539 = arith.muli %scan3A_537, %mul3A_538 : i32
      %add3A_540 = arith.constant 0 : i32
      %add3A_541 = arith.addi %add3A_540, %mul3A_539 : i32
      %mul3A_542 = arith.constant 2 : i32
      %mul3A_543 = arith.muli %mul3A_542, %add3A_541 : i32
      %mul3A_544 = arith.constant 192 : i32
      %mul3A_545 = arith.muli %mul3A_543, %mul3A_544 : i32
      %add3A_546 = arith.addi %mul3A_22, %mul3A_545 : i32
      %dma_wait3A_547 = arith.constant 0 : i32
      %dma_wait3A_548 = arith.constant 0 : i32
      %dma_wait3A_549 = arith.constant 0 : i32
      %dma_wait3A_550 = tpu.memref_slice %arg9[%dma_wait3A_548, %dma_wait3A_549] : memref<384x128xf32, #tpu.memory_space<vmem>> -> memref<128x128xf32, #tpu.memory_space<vmem>>
      %dma_wait3A_551 = arith.constant 0 : i32
      %dma_wait3A_552 = tpu.memref_slice %arg7[%dma_wait3A_547, %dma_wait3A_551] : memref<3x128xi32, #tpu.memory_space<vmem>> -> memref<1x128xi32, #tpu.memory_space<vmem>>
      %dma_wait3A_553 = tpu.memref_squeeze %dma_wait3A_552 : memref<1x128xi32, #tpu.memory_space<vmem>> -> memref<128xi32, #tpu.memory_space<vmem>>
      %dma_wait3A_554 = arith.constant 0 : i32
      %dma_wait3A_555 = arith.constant 0 : i32
      %dma_wait3A_556 = tpu.memref_slice %arg2[%dma_wait3A_554, %dma_wait3A_555] : memref<524288x128xf32, #tpu.memory_space<hbm>> -> memref<524288x128xf32, #tpu.memory_space<hbm>>
      tpu.wait_indirect_dma semaphore(%arg17 : memref<!tpu.dma_semaphore, #tpu.memory_space<semaphore_mem>>) src(%dma_wait3A_556 : memref<524288x128xf32, #tpu.memory_space<hbm>>) dst(%dma_wait3A_550 : memref<128x128xf32, #tpu.memory_space<vmem>>)
      %dma_wait3A_557 = arith.constant 1 : i32
      %dma_wait3A_558 = arith.constant 128 : i32
      %dma_wait3A_559 = arith.constant 0 : i32
      %dma_wait3A_560 = tpu.memref_slice %arg9[%dma_wait3A_558, %dma_wait3A_559] : memref<384x128xf32, #tpu.memory_space<vmem>> -> memref<128x128xf32, #tpu.memory_space<vmem>>
      %dma_wait3A_561 = arith.constant 0 : i32
      %dma_wait3A_562 = tpu.memref_slice %arg7[%dma_wait3A_557, %dma_wait3A_561] : memref<3x128xi32, #tpu.memory_space<vmem>> -> memref<1x128xi32, #tpu.memory_space<vmem>>
      %dma_wait3A_563 = tpu.memref_squeeze %dma_wait3A_562 : memref<1x128xi32, #tpu.memory_space<vmem>> -> memref<128xi32, #tpu.memory_space<vmem>>
      %dma_wait3A_564 = arith.constant 0 : i32
      %dma_wait3A_565 = arith.constant 0 : i32
      %dma_wait3A_566 = tpu.memref_slice %arg2[%dma_wait3A_564, %dma_wait3A_565] : memref<524288x128xf32, #tpu.memory_space<hbm>> -> memref<524288x128xf32, #tpu.memory_space<hbm>>
      tpu.wait_indirect_dma semaphore(%arg17 : memref<!tpu.dma_semaphore, #tpu.memory_space<semaphore_mem>>) src(%dma_wait3A_566 : memref<524288x128xf32, #tpu.memory_space<hbm>>) dst(%dma_wait3A_560 : memref<128x128xf32, #tpu.memory_space<vmem>>)
      %dma_wait3A_567 = arith.constant 2 : i32
      %dma_wait3A_568 = arith.constant 256 : i32
      %dma_wait3A_569 = arith.constant 0 : i32
      %dma_wait3A_570 = tpu.memref_slice %arg9[%dma_wait3A_568, %dma_wait3A_569] : memref<384x128xf32, #tpu.memory_space<vmem>> -> memref<128x128xf32, #tpu.memory_space<vmem>>
      %dma_wait3A_571 = arith.constant 0 : i32
      %dma_wait3A_572 = tpu.memref_slice %arg7[%dma_wait3A_567, %dma_wait3A_571] : memref<3x128xi32, #tpu.memory_space<vmem>> -> memref<1x128xi32, #tpu.memory_space<vmem>>
      %dma_wait3A_573 = tpu.memref_squeeze %dma_wait3A_572 : memref<1x128xi32, #tpu.memory_space<vmem>> -> memref<128xi32, #tpu.memory_space<vmem>>
      %dma_wait3A_574 = arith.constant 0 : i32
      %dma_wait3A_575 = arith.constant 0 : i32
      %dma_wait3A_576 = tpu.memref_slice %arg2[%dma_wait3A_574, %dma_wait3A_575] : memref<524288x128xf32, #tpu.memory_space<hbm>> -> memref<524288x128xf32, #tpu.memory_space<hbm>>
      tpu.wait_indirect_dma semaphore(%arg17 : memref<!tpu.dma_semaphore, #tpu.memory_space<semaphore_mem>>) src(%dma_wait3A_576 : memref<524288x128xf32, #tpu.memory_space<hbm>>) dst(%dma_wait3A_570 : memref<128x128xf32, #tpu.memory_space<vmem>>)
      %ge3A_577 = arith.constant 2 : i32
      %ge3A_578 = arith.cmpi sge, %mul3A_543, %ge3A_577 : i32
      %convert_element_type3A_579 = arith.extui %ge3A_578 : i1 to i32
      %cond3A_580 = arith.constant 0 : i32
      %cond3A_581 = arith.cmpi ne, %convert_element_type3A_579, %cond3A_580 : i32
      scf.if %cond3A_581 {
        %dma_wait3A_837 = arith.constant 0 : i32
        %dma_wait3A_838 = tpu.memref_slice %arg4[%dma_wait3A_837] : memref<7077888xf32, #tpu.memory_space<hbm>> -> memref<768xf32, #tpu.memory_space<hbm>>
        %dma_wait3A_839 = arith.constant 0 : i32
        %dma_wait3A_840 = tpu.memref_slice %arg4[%dma_wait3A_839] : memref<7077888xf32, #tpu.memory_space<hbm>> -> memref<768xf32, #tpu.memory_space<hbm>>
        tpu.wait_dma2 semaphore(%arg21 : memref<!tpu.dma_semaphore, #tpu.memory_space<semaphore_mem>>) src(%arg11 : memref<768xf32, #tpu.memory_space<vmem>>) dst(%dma_wait3A_840 : memref<768xf32, #tpu.memory_space<hbm>>)
      } else {
      }
      %scan3A_582 = arith.constant 0 : i32
      %scan3A_583 = arith.constant 12 : i32
      %scan3A_584 = arith.addi %scan3A_582, %scan3A_583 : i32
      %scan3A_585 = arith.constant 1 : i32
      scf.for %scan3A_837 = %scan3A_582 to %scan3A_584 step %scan3A_585  : i32 {
        %mul3A_838 = arith.constant 1 : i32
        %mul3A_839 = arith.muli %scan3A_837, %mul3A_838 : i32
        %add3A_840 = arith.constant 0 : i32
        %add3A_841 = arith.addi %add3A_840, %mul3A_839 : i32
        %mul3A_842 = arith.constant 16 : i32
        %mul3A_843 = arith.muli %add3A_841, %mul3A_842 : i32
        %get3A = arith.index_cast %mul3A_843 : i32 to index
        %get3A_844 = tpu.vector_load %arg15[%get3A] {strides = array<i32>} : memref<576xf32, #tpu.memory_space<vmem>>, vector<16xf32>,
        %add3A_845 = arith.constant 192 : i32
        %add3A_846 = arith.addi %add3A_845, %mul3A_843 : i32
        %get3A_847 = arith.index_cast %add3A_846 : i32 to index
        %get3A_848 = tpu.vector_load %arg15[%get3A_847] {strides = array<i32>} : memref<576xf32, #tpu.memory_space<vmem>>, vector<16xf32>,
        %add3A_849 = arith.constant 384 : i32
        %add3A_850 = arith.addi %add3A_849, %mul3A_843 : i32
        %get3A_851 = arith.index_cast %add3A_850 : i32 to index
        %get3A_852 = tpu.vector_load %arg15[%get3A_851] {strides = array<i32>} : memref<576xf32, #tpu.memory_space<vmem>>, vector<16xf32>,
        %sub3A_853 = arith.subf %broadcast_in_dim3A_25, %get3A_844 : vector<16xf32>
        %sub3A_854 = arith.subf %broadcast_in_dim3A_25, %get3A_848 : vector<16xf32>
        %sub3A_855 = arith.subf %broadcast_in_dim3A_25, %get3A_852 : vector<16xf32>
        %mul3A_856 = arith.mulf %sub3A_854, %sub3A_855 : vector<16xf32>
        %mul3A_857 = arith.mulf %sub3A_854, %get3A_852 : vector<16xf32>
        %mul3A_858 = arith.mulf %get3A_848, %sub3A_855 : vector<16xf32>
        %mul3A_859 = arith.mulf %get3A_848, %get3A_852 : vector<16xf32>
        %add3A_860 = vector.broadcast %mul3A_843 : i32 to vector<16xi32>
        %add3A_861 = arith.addi %iota3A, %add3A_860 : vector<16xi32>
        %add3A_862 = arith.constant 192 : i32
        %add3A_863 = arith.addi %mul3A_843, %add3A_862 : i32
        %add3A_864 = vector.broadcast %add3A_863 : i32 to vector<16xi32>
        %add3A_865 = arith.addi %iota3A, %add3A_864 : vector<16xi32>
        %get3A_866 = arith.index_cast %mul3A_843 : i32 to index
        %get3A_867 = tpu.vector_load %arg13[%get3A_866] {strides = array<i32>} : memref<384xi32, #tpu.memory_space<vmem>>, vector<16xi32>,
        %add3A_868 = arith.constant 192 : i32
        %add3A_869 = arith.addi %add3A_868, %mul3A_843 : i32
        %get3A_870 = arith.index_cast %add3A_869 : i32 to index
        %get3A_871 = tpu.vector_load %arg13[%get3A_870] {strides = array<i32>} : memref<384xi32, #tpu.memory_space<vmem>>, vector<16xi32>,
        %add3A_872 = arith.constant 0 : i32
        %add3A_873 = vector.broadcast %add3A_872 : i32 to vector<16xi32>
        %add3A_874 = arith.addi %get3A_867, %add3A_873 : vector<16xi32>
        %gather3A = tpu.vector_load_idx %arg9[%add3A_861, %add3A_874] : memref<384x128xf32, #tpu.memory_space<vmem>>[vector<16xi32>, vector<16xi32>], vector<16xf32>,
        %mul3A_875 = arith.mulf %mul3A_856, %gather3A : vector<16xf32>
        %add3A_876 = arith.addf %broadcast_in_dim3A_23, %mul3A_875 : vector<16xf32>
        %add3A_877 = arith.constant 4 : i32
        %add3A_878 = vector.broadcast %add3A_877 : i32 to vector<16xi32>
        %add3A_879 = arith.addi %get3A_867, %add3A_878 : vector<16xi32>
        %gather3A_880 = tpu.vector_load_idx %arg9[%add3A_861, %add3A_879] : memref<384x128xf32, #tpu.memory_space<vmem>>[vector<16xi32>, vector<16xi32>], vector<16xf32>,
        %mul3A_881 = arith.mulf %mul3A_857, %gather3A_880 : vector<16xf32>
        %add3A_882 = arith.addf %add3A_876, %mul3A_881 : vector<16xf32>
        %add3A_883 = arith.constant 8 : i32
        %add3A_884 = vector.broadcast %add3A_883 : i32 to vector<16xi32>
        %add3A_885 = arith.addi %get3A_867, %add3A_884 : vector<16xi32>
        %gather3A_886 = tpu.vector_load_idx %arg9[%add3A_861, %add3A_885] : memref<384x128xf32, #tpu.memory_space<vmem>>[vector<16xi32>, vector<16xi32>], vector<16xf32>,
        %mul3A_887 = arith.mulf %mul3A_858, %gather3A_886 : vector<16xf32>
        %add3A_888 = arith.addf %add3A_882, %mul3A_887 : vector<16xf32>
        %add3A_889 = arith.constant 12 : i32
        %add3A_890 = vector.broadcast %add3A_889 : i32 to vector<16xi32>
        %add3A_891 = arith.addi %get3A_867, %add3A_890 : vector<16xi32>
        %gather3A_892 = tpu.vector_load_idx %arg9[%add3A_861, %add3A_891] : memref<384x128xf32, #tpu.memory_space<vmem>>[vector<16xi32>, vector<16xi32>], vector<16xf32>,
        %mul3A_893 = arith.mulf %mul3A_859, %gather3A_892 : vector<16xf32>
        %add3A_894 = arith.addf %add3A_888, %mul3A_893 : vector<16xf32>
        %mul3A_895 = arith.mulf %sub3A_853, %add3A_894 : vector<16xf32>
        %add3A_896 = arith.addf %broadcast_in_dim3A_23, %mul3A_895 : vector<16xf32>
        %add3A_897 = arith.constant 1 : i32
        %add3A_898 = vector.broadcast %add3A_897 : i32 to vector<16xi32>
        %add3A_899 = arith.addi %get3A_867, %add3A_898 : vector<16xi32>
        %gather3A_900 = tpu.vector_load_idx %arg9[%add3A_861, %add3A_899] : memref<384x128xf32, #tpu.memory_space<vmem>>[vector<16xi32>, vector<16xi32>], vector<16xf32>,
        %mul3A_901 = arith.mulf %mul3A_856, %gather3A_900 : vector<16xf32>
        %add3A_902 = arith.addf %broadcast_in_dim3A_23, %mul3A_901 : vector<16xf32>
        %add3A_903 = arith.constant 5 : i32
        %add3A_904 = vector.broadcast %add3A_903 : i32 to vector<16xi32>
        %add3A_905 = arith.addi %get3A_867, %add3A_904 : vector<16xi32>
        %gather3A_906 = tpu.vector_load_idx %arg9[%add3A_861, %add3A_905] : memref<384x128xf32, #tpu.memory_space<vmem>>[vector<16xi32>, vector<16xi32>], vector<16xf32>,
        %mul3A_907 = arith.mulf %mul3A_857, %gather3A_906 : vector<16xf32>
        %add3A_908 = arith.addf %add3A_902, %mul3A_907 : vector<16xf32>
        %add3A_909 = arith.constant 9 : i32
        %add3A_910 = vector.broadcast %add3A_909 : i32 to vector<16xi32>
        %add3A_911 = arith.addi %get3A_867, %add3A_910 : vector<16xi32>
        %gather3A_912 = tpu.vector_load_idx %arg9[%add3A_861, %add3A_911] : memref<384x128xf32, #tpu.memory_space<vmem>>[vector<16xi32>, vector<16xi32>], vector<16xf32>,
        %mul3A_913 = arith.mulf %mul3A_858, %gather3A_912 : vector<16xf32>
        %add3A_914 = arith.addf %add3A_908, %mul3A_913 : vector<16xf32>
        %add3A_915 = arith.constant 13 : i32
        %add3A_916 = vector.broadcast %add3A_915 : i32 to vector<16xi32>
        %add3A_917 = arith.addi %get3A_867, %add3A_916 : vector<16xi32>
        %gather3A_918 = tpu.vector_load_idx %arg9[%add3A_861, %add3A_917] : memref<384x128xf32, #tpu.memory_space<vmem>>[vector<16xi32>, vector<16xi32>], vector<16xf32>,
        %mul3A_919 = arith.mulf %mul3A_859, %gather3A_918 : vector<16xf32>
        %add3A_920 = arith.addf %add3A_914, %mul3A_919 : vector<16xf32>
        %mul3A_921 = arith.mulf %sub3A_853, %add3A_920 : vector<16xf32>
        %add3A_922 = arith.addf %broadcast_in_dim3A_23, %mul3A_921 : vector<16xf32>
        %add3A_923 = arith.constant 2 : i32
        %add3A_924 = vector.broadcast %add3A_923 : i32 to vector<16xi32>
        %add3A_925 = arith.addi %get3A_867, %add3A_924 : vector<16xi32>
        %gather3A_926 = tpu.vector_load_idx %arg9[%add3A_861, %add3A_925] : memref<384x128xf32, #tpu.memory_space<vmem>>[vector<16xi32>, vector<16xi32>], vector<16xf32>,
        %mul3A_927 = arith.mulf %mul3A_856, %gather3A_926 : vector<16xf32>
        %add3A_928 = arith.addf %broadcast_in_dim3A_23, %mul3A_927 : vector<16xf32>
        %add3A_929 = arith.constant 6 : i32
        %add3A_930 = vector.broadcast %add3A_929 : i32 to vector<16xi32>
        %add3A_931 = arith.addi %get3A_867, %add3A_930 : vector<16xi32>
        %gather3A_932 = tpu.vector_load_idx %arg9[%add3A_861, %add3A_931] : memref<384x128xf32, #tpu.memory_space<vmem>>[vector<16xi32>, vector<16xi32>], vector<16xf32>,
        %mul3A_933 = arith.mulf %mul3A_857, %gather3A_932 : vector<16xf32>
        %add3A_934 = arith.addf %add3A_928, %mul3A_933 : vector<16xf32>
        %add3A_935 = arith.constant 10 : i32
        %add3A_936 = vector.broadcast %add3A_935 : i32 to vector<16xi32>
        %add3A_937 = arith.addi %get3A_867, %add3A_936 : vector<16xi32>
        %gather3A_938 = tpu.vector_load_idx %arg9[%add3A_861, %add3A_937] : memref<384x128xf32, #tpu.memory_space<vmem>>[vector<16xi32>, vector<16xi32>], vector<16xf32>,
        %mul3A_939 = arith.mulf %mul3A_858, %gather3A_938 : vector<16xf32>
        %add3A_940 = arith.addf %add3A_934, %mul3A_939 : vector<16xf32>
        %add3A_941 = arith.constant 14 : i32
        %add3A_942 = vector.broadcast %add3A_941 : i32 to vector<16xi32>
        %add3A_943 = arith.addi %get3A_867, %add3A_942 : vector<16xi32>
        %gather3A_944 = tpu.vector_load_idx %arg9[%add3A_861, %add3A_943] : memref<384x128xf32, #tpu.memory_space<vmem>>[vector<16xi32>, vector<16xi32>], vector<16xf32>,
        %mul3A_945 = arith.mulf %mul3A_859, %gather3A_944 : vector<16xf32>
        %add3A_946 = arith.addf %add3A_940, %mul3A_945 : vector<16xf32>
        %mul3A_947 = arith.mulf %sub3A_853, %add3A_946 : vector<16xf32>
        %add3A_948 = arith.addf %broadcast_in_dim3A_23, %mul3A_947 : vector<16xf32>
        %add3A_949 = arith.constant 3 : i32
        %add3A_950 = vector.broadcast %add3A_949 : i32 to vector<16xi32>
        %add3A_951 = arith.addi %get3A_867, %add3A_950 : vector<16xi32>
        %gather3A_952 = tpu.vector_load_idx %arg9[%add3A_861, %add3A_951] : memref<384x128xf32, #tpu.memory_space<vmem>>[vector<16xi32>, vector<16xi32>], vector<16xf32>,
        %mul3A_953 = arith.mulf %mul3A_856, %gather3A_952 : vector<16xf32>
        %add3A_954 = arith.addf %broadcast_in_dim3A_23, %mul3A_953 : vector<16xf32>
        %add3A_955 = arith.constant 7 : i32
        %add3A_956 = vector.broadcast %add3A_955 : i32 to vector<16xi32>
        %add3A_957 = arith.addi %get3A_867, %add3A_956 : vector<16xi32>
        %gather3A_958 = tpu.vector_load_idx %arg9[%add3A_861, %add3A_957] : memref<384x128xf32, #tpu.memory_space<vmem>>[vector<16xi32>, vector<16xi32>], vector<16xf32>,
        %mul3A_959 = arith.mulf %mul3A_857, %gather3A_958 : vector<16xf32>
        %add3A_960 = arith.addf %add3A_954, %mul3A_959 : vector<16xf32>
        %add3A_961 = arith.constant 11 : i32
        %add3A_962 = vector.broadcast %add3A_961 : i32 to vector<16xi32>
        %add3A_963 = arith.addi %get3A_867, %add3A_962 : vector<16xi32>
        %gather3A_964 = tpu.vector_load_idx %arg9[%add3A_861, %add3A_963] : memref<384x128xf32, #tpu.memory_space<vmem>>[vector<16xi32>, vector<16xi32>], vector<16xf32>,
        %mul3A_965 = arith.mulf %mul3A_858, %gather3A_964 : vector<16xf32>
        %add3A_966 = arith.addf %add3A_960, %mul3A_965 : vector<16xf32>
        %add3A_967 = arith.constant 15 : i32
        %add3A_968 = vector.broadcast %add3A_967 : i32 to vector<16xi32>
        %add3A_969 = arith.addi %get3A_867, %add3A_968 : vector<16xi32>
        %gather3A_970 = tpu.vector_load_idx %arg9[%add3A_861, %add3A_969] : memref<384x128xf32, #tpu.memory_space<vmem>>[vector<16xi32>, vector<16xi32>], vector<16xf32>,
        %mul3A_971 = arith.mulf %mul3A_859, %gather3A_970 : vector<16xf32>
        %add3A_972 = arith.addf %add3A_966, %mul3A_971 : vector<16xf32>
        %mul3A_973 = arith.mulf %sub3A_853, %add3A_972 : vector<16xf32>
        %add3A_974 = arith.addf %broadcast_in_dim3A_23, %mul3A_973 : vector<16xf32>
        %add3A_975 = arith.constant 0 : i32
        %add3A_976 = vector.broadcast %add3A_975 : i32 to vector<16xi32>
        %add3A_977 = arith.addi %get3A_871, %add3A_976 : vector<16xi32>
        %gather3A_978 = tpu.vector_load_idx %arg9[%add3A_865, %add3A_977] : memref<384x128xf32, #tpu.memory_space<vmem>>[vector<16xi32>, vector<16xi32>], vector<16xf32>,
        %mul3A_979 = arith.mulf %mul3A_856, %gather3A_978 : vector<16xf32>
        %add3A_980 = arith.addf %broadcast_in_dim3A_23, %mul3A_979 : vector<16xf32>
        %add3A_981 = arith.constant 4 : i32
        %add3A_982 = vector.broadcast %add3A_981 : i32 to vector<16xi32>
        %add3A_983 = arith.addi %get3A_871, %add3A_982 : vector<16xi32>
        %gather3A_984 = tpu.vector_load_idx %arg9[%add3A_865, %add3A_983] : memref<384x128xf32, #tpu.memory_space<vmem>>[vector<16xi32>, vector<16xi32>], vector<16xf32>,
        %mul3A_985 = arith.mulf %mul3A_857, %gather3A_984 : vector<16xf32>
        %add3A_986 = arith.addf %add3A_980, %mul3A_985 : vector<16xf32>
        %add3A_987 = arith.constant 8 : i32
        %add3A_988 = vector.broadcast %add3A_987 : i32 to vector<16xi32>
        %add3A_989 = arith.addi %get3A_871, %add3A_988 : vector<16xi32>
        %gather3A_990 = tpu.vector_load_idx %arg9[%add3A_865, %add3A_989] : memref<384x128xf32, #tpu.memory_space<vmem>>[vector<16xi32>, vector<16xi32>], vector<16xf32>,
        %mul3A_991 = arith.mulf %mul3A_858, %gather3A_990 : vector<16xf32>
        %add3A_992 = arith.addf %add3A_986, %mul3A_991 : vector<16xf32>
        %add3A_993 = arith.constant 12 : i32
        %add3A_994 = vector.broadcast %add3A_993 : i32 to vector<16xi32>
        %add3A_995 = arith.addi %get3A_871, %add3A_994 : vector<16xi32>
        %gather3A_996 = tpu.vector_load_idx %arg9[%add3A_865, %add3A_995] : memref<384x128xf32, #tpu.memory_space<vmem>>[vector<16xi32>, vector<16xi32>], vector<16xf32>,
        %mul3A_997 = arith.mulf %mul3A_859, %gather3A_996 : vector<16xf32>
        %add3A_998 = arith.addf %add3A_992, %mul3A_997 : vector<16xf32>
        %mul3A_999 = arith.mulf %get3A_844, %add3A_998 : vector<16xf32>
        %add3A_1000 = arith.addf %add3A_896, %mul3A_999 : vector<16xf32>
        %add3A_1001 = arith.constant 1 : i32
        %add3A_1002 = vector.broadcast %add3A_1001 : i32 to vector<16xi32>
        %add3A_1003 = arith.addi %get3A_871, %add3A_1002 : vector<16xi32>
        %gather3A_1004 = tpu.vector_load_idx %arg9[%add3A_865, %add3A_1003] : memref<384x128xf32, #tpu.memory_space<vmem>>[vector<16xi32>, vector<16xi32>], vector<16xf32>,
        %mul3A_1005 = arith.mulf %mul3A_856, %gather3A_1004 : vector<16xf32>
        %add3A_1006 = arith.addf %broadcast_in_dim3A_23, %mul3A_1005 : vector<16xf32>
        %add3A_1007 = arith.constant 5 : i32
        %add3A_1008 = vector.broadcast %add3A_1007 : i32 to vector<16xi32>
        %add3A_1009 = arith.addi %get3A_871, %add3A_1008 : vector<16xi32>
        %gather3A_1010 = tpu.vector_load_idx %arg9[%add3A_865, %add3A_1009] : memref<384x128xf32, #tpu.memory_space<vmem>>[vector<16xi32>, vector<16xi32>], vector<16xf32>,
        %mul3A_1011 = arith.mulf %mul3A_857, %gather3A_1010 : vector<16xf32>
        %add3A_1012 = arith.addf %add3A_1006, %mul3A_1011 : vector<16xf32>
        %add3A_1013 = arith.constant 9 : i32
        %add3A_1014 = vector.broadcast %add3A_1013 : i32 to vector<16xi32>
        %add3A_1015 = arith.addi %get3A_871, %add3A_1014 : vector<16xi32>
        %gather3A_1016 = tpu.vector_load_idx %arg9[%add3A_865, %add3A_1015] : memref<384x128xf32, #tpu.memory_space<vmem>>[vector<16xi32>, vector<16xi32>], vector<16xf32>,
        %mul3A_1017 = arith.mulf %mul3A_858, %gather3A_1016 : vector<16xf32>
        %add3A_1018 = arith.addf %add3A_1012, %mul3A_1017 : vector<16xf32>
        %add3A_1019 = arith.constant 13 : i32
        %add3A_1020 = vector.broadcast %add3A_1019 : i32 to vector<16xi32>
        %add3A_1021 = arith.addi %get3A_871, %add3A_1020 : vector<16xi32>
        %gather3A_1022 = tpu.vector_load_idx %arg9[%add3A_865, %add3A_1021] : memref<384x128xf32, #tpu.memory_space<vmem>>[vector<16xi32>, vector<16xi32>], vector<16xf32>,
        %mul3A_1023 = arith.mulf %mul3A_859, %gather3A_1022 : vector<16xf32>
        %add3A_1024 = arith.addf %add3A_1018, %mul3A_1023 : vector<16xf32>
        %mul3A_1025 = arith.mulf %get3A_844, %add3A_1024 : vector<16xf32>
        %add3A_1026 = arith.addf %add3A_922, %mul3A_1025 : vector<16xf32>
        %add3A_1027 = arith.constant 2 : i32
        %add3A_1028 = vector.broadcast %add3A_1027 : i32 to vector<16xi32>
        %add3A_1029 = arith.addi %get3A_871, %add3A_1028 : vector<16xi32>
        %gather3A_1030 = tpu.vector_load_idx %arg9[%add3A_865, %add3A_1029] : memref<384x128xf32, #tpu.memory_space<vmem>>[vector<16xi32>, vector<16xi32>], vector<16xf32>,
        %mul3A_1031 = arith.mulf %mul3A_856, %gather3A_1030 : vector<16xf32>
        %add3A_1032 = arith.addf %broadcast_in_dim3A_23, %mul3A_1031 : vector<16xf32>
        %add3A_1033 = arith.constant 6 : i32
        %add3A_1034 = vector.broadcast %add3A_1033 : i32 to vector<16xi32>
        %add3A_1035 = arith.addi %get3A_871, %add3A_1034 : vector<16xi32>
        %gather3A_1036 = tpu.vector_load_idx %arg9[%add3A_865, %add3A_1035] : memref<384x128xf32, #tpu.memory_space<vmem>>[vector<16xi32>, vector<16xi32>], vector<16xf32>,
        %mul3A_1037 = arith.mulf %mul3A_857, %gather3A_1036 : vector<16xf32>
        %add3A_1038 = arith.addf %add3A_1032, %mul3A_1037 : vector<16xf32>
        %add3A_1039 = arith.constant 10 : i32
        %add3A_1040 = vector.broadcast %add3A_1039 : i32 to vector<16xi32>
        %add3A_1041 = arith.addi %get3A_871, %add3A_1040 : vector<16xi32>
        %gather3A_1042 = tpu.vector_load_idx %arg9[%add3A_865, %add3A_1041] : memref<384x128xf32, #tpu.memory_space<vmem>>[vector<16xi32>, vector<16xi32>], vector<16xf32>,
        %mul3A_1043 = arith.mulf %mul3A_858, %gather3A_1042 : vector<16xf32>
        %add3A_1044 = arith.addf %add3A_1038, %mul3A_1043 : vector<16xf32>
        %add3A_1045 = arith.constant 14 : i32
        %add3A_1046 = vector.broadcast %add3A_1045 : i32 to vector<16xi32>
        %add3A_1047 = arith.addi %get3A_871, %add3A_1046 : vector<16xi32>
        %gather3A_1048 = tpu.vector_load_idx %arg9[%add3A_865, %add3A_1047] : memref<384x128xf32, #tpu.memory_space<vmem>>[vector<16xi32>, vector<16xi32>], vector<16xf32>,
        %mul3A_1049 = arith.mulf %mul3A_859, %gather3A_1048 : vector<16xf32>
        %add3A_1050 = arith.addf %add3A_1044, %mul3A_1049 : vector<16xf32>
        %mul3A_1051 = arith.mulf %get3A_844, %add3A_1050 : vector<16xf32>
        %add3A_1052 = arith.addf %add3A_948, %mul3A_1051 : vector<16xf32>
        %add3A_1053 = arith.constant 3 : i32
        %add3A_1054 = vector.broadcast %add3A_1053 : i32 to vector<16xi32>
        %add3A_1055 = arith.addi %get3A_871, %add3A_1054 : vector<16xi32>
        %gather3A_1056 = tpu.vector_load_idx %arg9[%add3A_865, %add3A_1055] : memref<384x128xf32, #tpu.memory_space<vmem>>[vector<16xi32>, vector<16xi32>], vector<16xf32>,
        %mul3A_1057 = arith.mulf %mul3A_856, %gather3A_1056 : vector<16xf32>
        %add3A_1058 = arith.addf %broadcast_in_dim3A_23, %mul3A_1057 : vector<16xf32>
        %add3A_1059 = arith.constant 7 : i32
        %add3A_1060 = vector.broadcast %add3A_1059 : i32 to vector<16xi32>
        %add3A_1061 = arith.addi %get3A_871, %add3A_1060 : vector<16xi32>
        %gather3A_1062 = tpu.vector_load_idx %arg9[%add3A_865, %add3A_1061] : memref<384x128xf32, #tpu.memory_space<vmem>>[vector<16xi32>, vector<16xi32>], vector<16xf32>,
        %mul3A_1063 = arith.mulf %mul3A_857, %gather3A_1062 : vector<16xf32>
        %add3A_1064 = arith.addf %add3A_1058, %mul3A_1063 : vector<16xf32>
        %add3A_1065 = arith.constant 11 : i32
        %add3A_1066 = vector.broadcast %add3A_1065 : i32 to vector<16xi32>
        %add3A_1067 = arith.addi %get3A_871, %add3A_1066 : vector<16xi32>
        %gather3A_1068 = tpu.vector_load_idx %arg9[%add3A_865, %add3A_1067] : memref<384x128xf32, #tpu.memory_space<vmem>>[vector<16xi32>, vector<16xi32>], vector<16xf32>,
        %mul3A_1069 = arith.mulf %mul3A_858, %gather3A_1068 : vector<16xf32>
        %add3A_1070 = arith.addf %add3A_1064, %mul3A_1069 : vector<16xf32>
        %add3A_1071 = arith.constant 15 : i32
        %add3A_1072 = vector.broadcast %add3A_1071 : i32 to vector<16xi32>
        %add3A_1073 = arith.addi %get3A_871, %add3A_1072 : vector<16xi32>
        %gather3A_1074 = tpu.vector_load_idx %arg9[%add3A_865, %add3A_1073] : memref<384x128xf32, #tpu.memory_space<vmem>>[vector<16xi32>, vector<16xi32>], vector<16xf32>,
        %mul3A_1075 = arith.mulf %mul3A_859, %gather3A_1074 : vector<16xf32>
        %add3A_1076 = arith.addf %add3A_1070, %mul3A_1075 : vector<16xf32>
        %mul3A_1077 = arith.mulf %get3A_844, %add3A_1076 : vector<16xf32>
        %add3A_1078 = arith.addf %add3A_974, %mul3A_1077 : vector<16xf32>
        %jit3A_1079 = arith.constant 96 : i32
        %div3A_1080 = arith.divsi %mul3A_843, %jit3A_1079 : i32
        %sign3A_1081 = arith.constant 0 : i32
        %sign3A_1082 = arith.cmpi sgt, %mul3A_843, %sign3A_1081 : i32
        %sign3A_1083 = arith.extui %sign3A_1082 : i1 to i32
        %sign3A_1084 = arith.constant 0 : i32
        %sign3A_1085 = arith.cmpi slt, %mul3A_843, %sign3A_1084 : i32
        %sign3A_1086 = arith.extui %sign3A_1085 : i1 to i32
        %sign3A_1087 = arith.subi %sign3A_1083, %sign3A_1086 : i32
        %sign3A_1088 = arith.constant 0 : i32
        %sign3A_1089 = arith.cmpi sgt, %jit3A_1079, %sign3A_1088 : i32
        %sign3A_1090 = arith.extui %sign3A_1089 : i1 to i32
        %sign3A_1091 = arith.constant 0 : i32
        %sign3A_1092 = arith.cmpi slt, %jit3A_1079, %sign3A_1091 : i32
        %sign3A_1093 = arith.extui %sign3A_1092 : i1 to i32
        %sign3A_1094 = arith.subi %sign3A_1090, %sign3A_1093 : i32
        %ne3A_1095 = arith.cmpi ne, %sign3A_1087, %sign3A_1094 : i32
        %rem3A_1096 = arith.remsi %mul3A_843, %jit3A_1079 : i32
        %ne3A_1097 = arith.constant 0 : i32
        %ne3A_1098 = arith.cmpi ne, %rem3A_1096, %ne3A_1097 : i32
        %and3A_1099 = arith.andi %ne3A_1095, %ne3A_1098 : i1
        %sub3A_1100 = arith.constant 1 : i32
        %sub3A_1101 = arith.subi %div3A_1080, %sub3A_1100 : i32
        %select_n3A_1102 = arith.select %and3A_1099, %sub3A_1101, %div3A_1080 : i32
        %mul3A_1103 = arith.constant 96 : i32
        %mul3A_1104 = arith.muli %select_n3A_1102, %mul3A_1103 : i32
        %sub3A_1105 = arith.subi %mul3A_843, %mul3A_1104 : i32
        %mul3A_1106 = arith.constant 384 : i32
        %mul3A_1107 = arith.muli %select_n3A_1102, %mul3A_1106 : i32
        %add3A_1108 = arith.constant 0 : i32
        %add3A_1109 = arith.addi %mul3A_1107, %add3A_1108 : i32
        %add3A_1110 = arith.addi %add3A_1109, %sub3A_1105 : i32
        %swap3A = arith.index_cast %add3A_1110 : i32 to index
        %swap3A_1111 = tpu.vector_load %arg11[%swap3A] {strides = array<i32>} : memref<768xf32, #tpu.memory_space<vmem>>, vector<16xf32>,
        tpu.vector_store %arg11[%swap3A], %add3A_1000 {strides = array<i32>} : memref<768xf32, #tpu.memory_space<vmem>>, vector<16xf32>,
        %mul3A_1112 = arith.constant 384 : i32
        %mul3A_1113 = arith.muli %select_n3A_1102, %mul3A_1112 : i32
        %add3A_1114 = arith.constant 96 : i32
        %add3A_1115 = arith.addi %mul3A_1113, %add3A_1114 : i32
        %add3A_1116 = arith.addi %add3A_1115, %sub3A_1105 : i32
        %swap3A_1117 = arith.index_cast %add3A_1116 : i32 to index
        %swap3A_1118 = tpu.vector_load %arg11[%swap3A_1117] {strides = array<i32>} : memref<768xf32, #tpu.memory_space<vmem>>, vector<16xf32>,
        tpu.vector_store %arg11[%swap3A_1117], %add3A_1026 {strides = array<i32>} : memref<768xf32, #tpu.memory_space<vmem>>, vector<16xf32>,
        %mul3A_1119 = arith.constant 384 : i32
        %mul3A_1120 = arith.muli %select_n3A_1102, %mul3A_1119 : i32
        %add3A_1121 = arith.constant 192 : i32
        %add3A_1122 = arith.addi %mul3A_1120, %add3A_1121 : i32
        %add3A_1123 = arith.addi %add3A_1122, %sub3A_1105 : i32
        %swap3A_1124 = arith.index_cast %add3A_1123 : i32 to index
        %swap3A_1125 = tpu.vector_load %arg11[%swap3A_1124] {strides = array<i32>} : memref<768xf32, #tpu.memory_space<vmem>>, vector<16xf32>,
        tpu.vector_store %arg11[%swap3A_1124], %add3A_1052 {strides = array<i32>} : memref<768xf32, #tpu.memory_space<vmem>>, vector<16xf32>,
        %mul3A_1126 = arith.constant 384 : i32
        %mul3A_1127 = arith.muli %select_n3A_1102, %mul3A_1126 : i32
        %add3A_1128 = arith.constant 288 : i32
        %add3A_1129 = arith.addi %mul3A_1127, %add3A_1128 : i32
        %add3A_1130 = arith.addi %add3A_1129, %sub3A_1105 : i32
        %swap3A_1131 = arith.index_cast %add3A_1130 : i32 to index
        %swap3A_1132 = tpu.vector_load %arg11[%swap3A_1131] {strides = array<i32>} : memref<768xf32, #tpu.memory_space<vmem>>, vector<16xf32>,
        tpu.vector_store %arg11[%swap3A_1131], %add3A_1078 {strides = array<i32>} : memref<768xf32, #tpu.memory_space<vmem>>, vector<16xf32>,
      }
      %scan3A_586 = arith.constant 12 : i32
      %mul3A_587 = arith.constant 4 : i32
      %mul3A_588 = arith.muli %mul3A_587, %add3A_546 : i32
      %dma_start3A_589 = tpu.memref_slice %arg4[%mul3A_588] : memref<7077888xf32, #tpu.memory_space<hbm>> -> memref<768xf32, #tpu.memory_space<hbm>>
      %dma_start3A_590 = tpu.memref_slice %arg4[%mul3A_588] : memref<7077888xf32, #tpu.memory_space<hbm>> -> memref<768xf32, #tpu.memory_space<hbm>>
      tpu.enqueue_dma source(%arg11 : memref<768xf32, #tpu.memory_space<vmem>>) target(%dma_start3A_590 : memref<768xf32, #tpu.memory_space<hbm>>) target_semaphore(%arg21 : memref<!tpu.dma_semaphore, #tpu.memory_space<semaphore_mem>>)
      %add3A_591 = arith.constant 2 : i32
      %add3A_592 = arith.addi %mul3A_543, %add3A_591 : i32
      %mul3A_593 = arith.constant 192 : i32
      %mul3A_594 = arith.muli %add3A_592, %mul3A_593 : i32
      %add3A_595 = arith.addi %mul3A_22, %mul3A_594 : i32
      %jit3A_596 = arith.constant 9216 : i32
      %div3A_597 = arith.divsi %add3A_595, %jit3A_596 : i32
      %sign3A_598 = arith.constant 0 : i32
      %sign3A_599 = arith.cmpi sgt, %add3A_595, %sign3A_598 : i32
      %sign3A_600 = arith.extui %sign3A_599 : i1 to i32
      %sign3A_601 = arith.constant 0 : i32
      %sign3A_602 = arith.cmpi slt, %add3A_595, %sign3A_601 : i32
      %sign3A_603 = arith.extui %sign3A_602 : i1 to i32
      %sign3A_604 = arith.subi %sign3A_600, %sign3A_603 : i32
      %sign3A_605 = arith.constant 0 : i32
      %sign3A_606 = arith.cmpi sgt, %jit3A_596, %sign3A_605 : i32
      %sign3A_607 = arith.extui %sign3A_606 : i1 to i32
      %sign3A_608 = arith.constant 0 : i32
      %sign3A_609 = arith.cmpi slt, %jit3A_596, %sign3A_608 : i32
      %sign3A_610 = arith.extui %sign3A_609 : i1 to i32
      %sign3A_611 = arith.subi %sign3A_607, %sign3A_610 : i32
      %ne3A_612 = arith.cmpi ne, %sign3A_604, %sign3A_611 : i32
      %rem3A_613 = arith.remsi %add3A_595, %jit3A_596 : i32
      %ne3A_614 = arith.constant 0 : i32
      %ne3A_615 = arith.cmpi ne, %rem3A_613, %ne3A_614 : i32
      %and3A_616 = arith.andi %ne3A_612, %ne3A_615 : i1
      %sub3A_617 = arith.constant 1 : i32
      %sub3A_618 = arith.subi %div3A_597, %sub3A_617 : i32
      %select_n3A_619 = arith.select %and3A_616, %sub3A_618, %div3A_597 : i32
      %mul3A_620 = arith.constant 9216 : i32
      %mul3A_621 = arith.muli %select_n3A_619, %mul3A_620 : i32
      %sub3A_622 = arith.subi %add3A_595, %mul3A_621 : i32
      %mul3A_623 = arith.constant 27648 : i32
      %mul3A_624 = arith.muli %select_n3A_619, %mul3A_623 : i32
      %add3A_625 = arith.addi %mul3A_624, %sub3A_622 : i32
      %add3A_626 = arith.constant 9216 : i32
      %add3A_627 = arith.addi %add3A_625, %add3A_626 : i32
      %add3A_628 = arith.constant 18432 : i32
      %add3A_629 = arith.addi %add3A_625, %add3A_628 : i32
      %dma_wait3A_630 = arith.constant 0 : i32
      %dma_wait3A_631 = tpu.memref_slice %arg5[%dma_wait3A_630] : memref<576xf32, #tpu.memory_space<vmem>> -> memref<192xf32, #tpu.memory_space<vmem>>
      %dma_wait3A_632 = tpu.memref_slice %arg3[%add3A_625] : memref<5308416xf32, #tpu.memory_space<hbm>> -> memref<192xf32, #tpu.memory_space<hbm>>
      %dma_wait3A_633 = arith.constant 0 : i32
      %dma_wait3A_634 = tpu.memref_slice %arg5[%dma_wait3A_633] : memref<576xf32, #tpu.memory_space<vmem>> -> memref<192xf32, #tpu.memory_space<vmem>>
      %dma_wait3A_635 = tpu.memref_slice %arg3[%add3A_625] : memref<5308416xf32, #tpu.memory_space<hbm>> -> memref<192xf32, #tpu.memory_space<hbm>>
      tpu.wait_dma2 semaphore(%arg19 : memref<!tpu.dma_semaphore, #tpu.memory_space<semaphore_mem>>) src(%dma_wait3A_635 : memref<192xf32, #tpu.memory_space<hbm>>) dst(%dma_wait3A_634 : memref<192xf32, #tpu.memory_space<vmem>>)
      %dma_wait3A_636 = arith.constant 192 : i32
      %dma_wait3A_637 = tpu.memref_slice %arg5[%dma_wait3A_636] : memref<576xf32, #tpu.memory_space<vmem>> -> memref<192xf32, #tpu.memory_space<vmem>>
      %dma_wait3A_638 = tpu.memref_slice %arg3[%add3A_627] : memref<5308416xf32, #tpu.memory_space<hbm>> -> memref<192xf32, #tpu.memory_space<hbm>>
      %dma_wait3A_639 = arith.constant 192 : i32
      %dma_wait3A_640 = tpu.memref_slice %arg5[%dma_wait3A_639] : memref<576xf32, #tpu.memory_space<vmem>> -> memref<192xf32, #tpu.memory_space<vmem>>
      %dma_wait3A_641 = tpu.memref_slice %arg3[%add3A_627] : memref<5308416xf32, #tpu.memory_space<hbm>> -> memref<192xf32, #tpu.memory_space<hbm>>
      tpu.wait_dma2 semaphore(%arg19 : memref<!tpu.dma_semaphore, #tpu.memory_space<semaphore_mem>>) src(%dma_wait3A_641 : memref<192xf32, #tpu.memory_space<hbm>>) dst(%dma_wait3A_640 : memref<192xf32, #tpu.memory_space<vmem>>)
      %dma_wait3A_642 = arith.constant 384 : i32
      %dma_wait3A_643 = tpu.memref_slice %arg5[%dma_wait3A_642] : memref<576xf32, #tpu.memory_space<vmem>> -> memref<192xf32, #tpu.memory_space<vmem>>
      %dma_wait3A_644 = tpu.memref_slice %arg3[%add3A_629] : memref<5308416xf32, #tpu.memory_space<hbm>> -> memref<192xf32, #tpu.memory_space<hbm>>
      %dma_wait3A_645 = arith.constant 384 : i32
      %dma_wait3A_646 = tpu.memref_slice %arg5[%dma_wait3A_645] : memref<576xf32, #tpu.memory_space<vmem>> -> memref<192xf32, #tpu.memory_space<vmem>>
      %dma_wait3A_647 = tpu.memref_slice %arg3[%add3A_629] : memref<5308416xf32, #tpu.memory_space<hbm>> -> memref<192xf32, #tpu.memory_space<hbm>>
      tpu.wait_dma2 semaphore(%arg19 : memref<!tpu.dma_semaphore, #tpu.memory_space<semaphore_mem>>) src(%dma_wait3A_647 : memref<192xf32, #tpu.memory_space<hbm>>) dst(%dma_wait3A_646 : memref<192xf32, #tpu.memory_space<vmem>>)
      %scan3A_648 = arith.constant 0 : i32
      %scan3A_649 = arith.constant 12 : i32
      %scan3A_650 = arith.addi %scan3A_648, %scan3A_649 : i32
      %scan3A_651 = arith.constant 1 : i32
      scf.for %scan3A_837 = %scan3A_648 to %scan3A_650 step %scan3A_651  : i32 {
        %mul3A_838 = arith.constant 1 : i32
        %mul3A_839 = arith.muli %scan3A_837, %mul3A_838 : i32
        %add3A_840 = arith.constant 0 : i32
        %add3A_841 = arith.addi %add3A_840, %mul3A_839 : i32
        %mul3A_842 = arith.constant 16 : i32
        %mul3A_843 = arith.muli %add3A_841, %mul3A_842 : i32
        %get3A = arith.index_cast %mul3A_843 : i32 to index
        %get3A_844 = tpu.vector_load %arg5[%get3A] {strides = array<i32>} : memref<576xf32, #tpu.memory_space<vmem>>, vector<16xf32>,
        %add3A_845 = arith.constant 192 : i32
        %add3A_846 = arith.addi %add3A_845, %mul3A_843 : i32
        %get3A_847 = arith.index_cast %add3A_846 : i32 to index
        %get3A_848 = tpu.vector_load %arg5[%get3A_847] {strides = array<i32>} : memref<576xf32, #tpu.memory_space<vmem>>, vector<16xf32>,
        %add3A_849 = arith.constant 384 : i32
        %add3A_850 = arith.addi %add3A_849, %mul3A_843 : i32
        %get3A_851 = arith.index_cast %add3A_850 : i32 to index
        %get3A_852 = tpu.vector_load %arg5[%get3A_851] {strides = array<i32>} : memref<576xf32, #tpu.memory_space<vmem>>, vector<16xf32>,
        %convert_element_type3A_853 = arith.fptosi %get3A_844 : vector<16xf32> to vector<16xi32>
        %convert_element_type3A_854 = arith.fptosi %get3A_848 : vector<16xf32> to vector<16xi32>
        %convert_element_type3A_855 = arith.fptosi %get3A_852 : vector<16xf32> to vector<16xi32>
        %jit3A_856 = arith.constant 0 : i32
        %jit3A_857 = arith.constant 127 : i32
        %max3A = vector.broadcast %jit3A_856 : i32 to vector<16xi32>
        %max3A_858 = arith.maxsi %max3A, %convert_element_type3A_853 : vector<16xi32>
        %min3A = vector.broadcast %jit3A_857 : i32 to vector<16xi32>
        %min3A_859 = arith.minsi %min3A, %max3A_858 : vector<16xi32>
        %add3A_860 = arith.constant 1 : i32
        %add3A_861 = vector.broadcast %add3A_860 : i32 to vector<16xi32>
        %add3A_862 = arith.addi %convert_element_type3A_853, %add3A_861 : vector<16xi32>
        %jit3A_863 = arith.constant 0 : i32
        %jit3A_864 = arith.constant 127 : i32
        %max3A_865 = vector.broadcast %jit3A_863 : i32 to vector<16xi32>
        %max3A_866 = arith.maxsi %max3A_865, %add3A_862 : vector<16xi32>
        %min3A_867 = vector.broadcast %jit3A_864 : i32 to vector<16xi32>
        %min3A_868 = arith.minsi %min3A_867, %max3A_866 : vector<16xi32>
        %jit3A_869 = arith.constant 0 : i32
        %jit3A_870 = arith.constant 127 : i32
        %max3A_871 = vector.broadcast %jit3A_869 : i32 to vector<16xi32>
        %max3A_872 = arith.maxsi %max3A_871, %convert_element_type3A_854 : vector<16xi32>
        %min3A_873 = vector.broadcast %jit3A_870 : i32 to vector<16xi32>
        %min3A_874 = arith.minsi %min3A_873, %max3A_872 : vector<16xi32>
        %jit3A_875 = arith.constant 0 : i32
        %jit3A_876 = arith.constant 127 : i32
        %max3A_877 = vector.broadcast %jit3A_875 : i32 to vector<16xi32>
        %max3A_878 = arith.maxsi %max3A_877, %convert_element_type3A_855 : vector<16xi32>
        %min3A_879 = vector.broadcast %jit3A_876 : i32 to vector<16xi32>
        %min3A_880 = arith.minsi %min3A_879, %max3A_878 : vector<16xi32>
        %mul3A_881 = arith.constant 128 : i32
        %mul3A_882 = vector.broadcast %mul3A_881 : i32 to vector<16xi32>
        %mul3A_883 = arith.muli %min3A_874, %mul3A_882 : vector<16xi32>
        %add3A_884 = arith.addi %mul3A_883, %min3A_880 : vector<16xi32>
        %add3A_885 = vector.broadcast %mul3A_20 : i32 to vector<16xi32>
        %add3A_886 = arith.addi %add3A_884, %add3A_885 : vector<16xi32>
        %mul3A_887 = arith.constant 16384 : i32
        %mul3A_888 = vector.broadcast %mul3A_887 : i32 to vector<16xi32>
        %mul3A_889 = arith.muli %min3A_859, %mul3A_888 : vector<16xi32>
        %add3A_890 = arith.addi %add3A_886, %mul3A_889 : vector<16xi32>
        %mul3A_891 = arith.constant 16384 : i32
        %mul3A_892 = vector.broadcast %mul3A_891 : i32 to vector<16xi32>
        %mul3A_893 = arith.muli %min3A_868, %mul3A_892 : vector<16xi32>
        %add3A_894 = arith.addi %add3A_886, %mul3A_893 : vector<16xi32>
        %add3A_895 = vector.broadcast %mul3A_843 : i32 to vector<16xi32>
        %add3A_896 = arith.addi %iota3A, %add3A_895 : vector<16xi32>
        %add3A_897 = arith.constant 192 : i32
        %add3A_898 = vector.broadcast %add3A_897 : i32 to vector<16xi32>
        %add3A_899 = arith.addi %add3A_896, %add3A_898 : vector<16xi32>
        %shift_right_arithmetic3A = arith.constant 7 : i32
        %shift_right_arithmetic3A_900 = vector.broadcast %shift_right_arithmetic3A : i32 to vector<16xi32>
        %shift_right_arithmetic3A_901 = arith.shrsi %add3A_896, %shift_right_arithmetic3A_900 : vector<16xi32>
        %and3A_902 = arith.constant 127 : i32
        %and3A_903 = vector.broadcast %and3A_902 : i32 to vector<16xi32>
        %and3A_904 = arith.andi %add3A_896, %and3A_903 : vector<16xi32>
        %shift_right_arithmetic3A_905 = arith.constant 3 : i32
        %shift_right_arithmetic3A_906 = vector.broadcast %shift_right_arithmetic3A_905 : i32 to vector<16xi32>
        %shift_right_arithmetic3A_907 = arith.shrsi %add3A_890, %shift_right_arithmetic3A_906 : vector<16xi32>
        tpu.vector_store_idx %arg7[%shift_right_arithmetic3A_901, %and3A_904], %shift_right_arithmetic3A_907 : memref<3x128xi32, #tpu.memory_space<vmem>>[vector<16xi32>, vector<16xi32>], vector<16xi32>,
        %shift_right_arithmetic3A_908 = arith.constant 7 : i32
        %shift_right_arithmetic3A_909 = vector.broadcast %shift_right_arithmetic3A_908 : i32 to vector<16xi32>
        %shift_right_arithmetic3A_910 = arith.shrsi %add3A_899, %shift_right_arithmetic3A_909 : vector<16xi32>
        %and3A_911 = arith.constant 127 : i32
        %and3A_912 = vector.broadcast %and3A_911 : i32 to vector<16xi32>
        %and3A_913 = arith.andi %add3A_899, %and3A_912 : vector<16xi32>
        %shift_right_arithmetic3A_914 = arith.constant 3 : i32
        %shift_right_arithmetic3A_915 = vector.broadcast %shift_right_arithmetic3A_914 : i32 to vector<16xi32>
        %shift_right_arithmetic3A_916 = arith.shrsi %add3A_894, %shift_right_arithmetic3A_915 : vector<16xi32>
        tpu.vector_store_idx %arg7[%shift_right_arithmetic3A_910, %and3A_913], %shift_right_arithmetic3A_916 : memref<3x128xi32, #tpu.memory_space<vmem>>[vector<16xi32>, vector<16xi32>], vector<16xi32>,
        %and3A_917 = arith.constant 7 : i32
        %and3A_918 = vector.broadcast %and3A_917 : i32 to vector<16xi32>
        %and3A_919 = arith.andi %add3A_890, %and3A_918 : vector<16xi32>
        %mul3A_920 = arith.constant 16 : i32
        %mul3A_921 = vector.broadcast %mul3A_920 : i32 to vector<16xi32>
        %mul3A_922 = arith.muli %and3A_919, %mul3A_921 : vector<16xi32>
        %swap3A = arith.index_cast %mul3A_843 : i32 to index
        %swap3A_923 = tpu.vector_load %arg13[%swap3A] {strides = array<i32>} : memref<384xi32, #tpu.memory_space<vmem>>, vector<16xi32>,
        tpu.vector_store %arg13[%swap3A], %mul3A_922 {strides = array<i32>} : memref<384xi32, #tpu.memory_space<vmem>>, vector<16xi32>,
        %and3A_924 = arith.constant 7 : i32
        %and3A_925 = vector.broadcast %and3A_924 : i32 to vector<16xi32>
        %and3A_926 = arith.andi %add3A_894, %and3A_925 : vector<16xi32>
        %mul3A_927 = arith.constant 16 : i32
        %mul3A_928 = vector.broadcast %mul3A_927 : i32 to vector<16xi32>
        %mul3A_929 = arith.muli %and3A_926, %mul3A_928 : vector<16xi32>
        %add3A_930 = arith.constant 192 : i32
        %add3A_931 = arith.addi %add3A_930, %mul3A_843 : i32
        %swap3A_932 = arith.index_cast %add3A_931 : i32 to index
        %swap3A_933 = tpu.vector_load %arg13[%swap3A_932] {strides = array<i32>} : memref<384xi32, #tpu.memory_space<vmem>>, vector<16xi32>,
        tpu.vector_store %arg13[%swap3A_932], %mul3A_929 {strides = array<i32>} : memref<384xi32, #tpu.memory_space<vmem>>, vector<16xi32>,
        %convert_element_type3A_934 = arith.fptosi %get3A_844 : vector<16xf32> to vector<16xi32>
        %convert_element_type3A_935 = arith.sitofp %convert_element_type3A_934 : vector<16xi32> to vector<16xf32>
        %sub3A_936 = arith.subf %get3A_844, %convert_element_type3A_935 : vector<16xf32>
        %swap3A_937 = arith.index_cast %mul3A_843 : i32 to index
        %swap3A_938 = tpu.vector_load %arg15[%swap3A_937] {strides = array<i32>} : memref<576xf32, #tpu.memory_space<vmem>>, vector<16xf32>,
        tpu.vector_store %arg15[%swap3A_937], %sub3A_936 {strides = array<i32>} : memref<576xf32, #tpu.memory_space<vmem>>, vector<16xf32>,
        %convert_element_type3A_939 = arith.fptosi %get3A_848 : vector<16xf32> to vector<16xi32>
        %convert_element_type3A_940 = arith.sitofp %convert_element_type3A_939 : vector<16xi32> to vector<16xf32>
        %sub3A_941 = arith.subf %get3A_848, %convert_element_type3A_940 : vector<16xf32>
        %add3A_942 = arith.constant 192 : i32
        %add3A_943 = arith.addi %add3A_942, %mul3A_843 : i32
        %swap3A_944 = arith.index_cast %add3A_943 : i32 to index
        %swap3A_945 = tpu.vector_load %arg15[%swap3A_944] {strides = array<i32>} : memref<576xf32, #tpu.memory_space<vmem>>, vector<16xf32>,
        tpu.vector_store %arg15[%swap3A_944], %sub3A_941 {strides = array<i32>} : memref<576xf32, #tpu.memory_space<vmem>>, vector<16xf32>,
        %convert_element_type3A_946 = arith.fptosi %get3A_852 : vector<16xf32> to vector<16xi32>
        %convert_element_type3A_947 = arith.sitofp %convert_element_type3A_946 : vector<16xi32> to vector<16xf32>
        %sub3A_948 = arith.subf %get3A_852, %convert_element_type3A_947 : vector<16xf32>
        %add3A_949 = arith.constant 384 : i32
        %add3A_950 = arith.addi %add3A_949, %mul3A_843 : i32
        %swap3A_951 = arith.index_cast %add3A_950 : i32 to index
        %swap3A_952 = tpu.vector_load %arg15[%swap3A_951] {strides = array<i32>} : memref<576xf32, #tpu.memory_space<vmem>>, vector<16xf32>,
        tpu.vector_store %arg15[%swap3A_951], %sub3A_948 {strides = array<i32>} : memref<576xf32, #tpu.memory_space<vmem>>, vector<16xf32>,
      }
      %scan3A_652 = arith.constant 12 : i32
      %dma_start3A_653 = arith.constant 0 : i32
      %dma_start3A_654 = arith.constant 0 : i32
      %dma_start3A_655 = arith.constant 0 : i32
      %dma_start3A_656 = tpu.memref_slice %arg9[%dma_start3A_654, %dma_start3A_655] : memref<384x128xf32, #tpu.memory_space<vmem>> -> memref<128x128xf32, #tpu.memory_space<vmem>>
      %dma_start3A_657 = arith.constant 0 : i32
      %dma_start3A_658 = tpu.memref_slice %arg7[%dma_start3A_653, %dma_start3A_657] : memref<3x128xi32, #tpu.memory_space<vmem>> -> memref<1x128xi32, #tpu.memory_space<vmem>>
      %dma_start3A_659 = tpu.memref_squeeze %dma_start3A_658 : memref<1x128xi32, #tpu.memory_space<vmem>> -> memref<128xi32, #tpu.memory_space<vmem>>
      %dma_start3A_660 = arith.constant 0 : i32
      %dma_start3A_661 = arith.constant 0 : i32
      %dma_start3A_662 = tpu.memref_slice %arg2[%dma_start3A_660, %dma_start3A_661] : memref<524288x128xf32, #tpu.memory_space<hbm>> -> memref<524288x128xf32, #tpu.memory_space<hbm>>
      tpu.enqueue_indirect_dma source(%dma_start3A_662 : memref<524288x128xf32, #tpu.memory_space<hbm>>) target(%dma_start3A_656 : memref<128x128xf32, #tpu.memory_space<vmem>>) offsets(%dma_start3A_659 : memref<128xi32, #tpu.memory_space<vmem>>) semaphore(%arg17 : memref<!tpu.dma_semaphore, #tpu.memory_space<semaphore_mem>>)
      %dma_start3A_663 = arith.constant 1 : i32
      %dma_start3A_664 = arith.constant 128 : i32
      %dma_start3A_665 = arith.constant 0 : i32
      %dma_start3A_666 = tpu.memref_slice %arg9[%dma_start3A_664, %dma_start3A_665] : memref<384x128xf32, #tpu.memory_space<vmem>> -> memref<128x128xf32, #tpu.memory_space<vmem>>
      %dma_start3A_667 = arith.constant 0 : i32
      %dma_start3A_668 = tpu.memref_slice %arg7[%dma_start3A_663, %dma_start3A_667] : memref<3x128xi32, #tpu.memory_space<vmem>> -> memref<1x128xi32, #tpu.memory_space<vmem>>
      %dma_start3A_669 = tpu.memref_squeeze %dma_start3A_668 : memref<1x128xi32, #tpu.memory_space<vmem>> -> memref<128xi32, #tpu.memory_space<vmem>>
      %dma_start3A_670 = arith.constant 0 : i32
      %dma_start3A_671 = arith.constant 0 : i32
      %dma_start3A_672 = tpu.memref_slice %arg2[%dma_start3A_670, %dma_start3A_671] : memref<524288x128xf32, #tpu.memory_space<hbm>> -> memref<524288x128xf32, #tpu.memory_space<hbm>>
      tpu.enqueue_indirect_dma source(%dma_start3A_672 : memref<524288x128xf32, #tpu.memory_space<hbm>>) target(%dma_start3A_666 : memref<128x128xf32, #tpu.memory_space<vmem>>) offsets(%dma_start3A_669 : memref<128xi32, #tpu.memory_space<vmem>>) semaphore(%arg17 : memref<!tpu.dma_semaphore, #tpu.memory_space<semaphore_mem>>)
      %dma_start3A_673 = arith.constant 2 : i32
      %dma_start3A_674 = arith.constant 256 : i32
      %dma_start3A_675 = arith.constant 0 : i32
      %dma_start3A_676 = tpu.memref_slice %arg9[%dma_start3A_674, %dma_start3A_675] : memref<384x128xf32, #tpu.memory_space<vmem>> -> memref<128x128xf32, #tpu.memory_space<vmem>>
      %dma_start3A_677 = arith.constant 0 : i32
      %dma_start3A_678 = tpu.memref_slice %arg7[%dma_start3A_673, %dma_start3A_677] : memref<3x128xi32, #tpu.memory_space<vmem>> -> memref<1x128xi32, #tpu.memory_space<vmem>>
      %dma_start3A_679 = tpu.memref_squeeze %dma_start3A_678 : memref<1x128xi32, #tpu.memory_space<vmem>> -> memref<128xi32, #tpu.memory_space<vmem>>
      %dma_start3A_680 = arith.constant 0 : i32
      %dma_start3A_681 = arith.constant 0 : i32
      %dma_start3A_682 = tpu.memref_slice %arg2[%dma_start3A_680, %dma_start3A_681] : memref<524288x128xf32, #tpu.memory_space<hbm>> -> memref<524288x128xf32, #tpu.memory_space<hbm>>
      tpu.enqueue_indirect_dma source(%dma_start3A_682 : memref<524288x128xf32, #tpu.memory_space<hbm>>) target(%dma_start3A_676 : memref<128x128xf32, #tpu.memory_space<vmem>>) offsets(%dma_start3A_679 : memref<128xi32, #tpu.memory_space<vmem>>) semaphore(%arg17 : memref<!tpu.dma_semaphore, #tpu.memory_space<semaphore_mem>>)
      %add3A_683 = arith.constant 4 : i32
      %add3A_684 = arith.addi %mul3A_543, %add3A_683 : i32
      %lt3A = arith.constant 288 : i32
      %lt3A_685 = arith.cmpi slt, %add3A_684, %lt3A : i32
      %convert_element_type3A_686 = arith.extui %lt3A_685 : i1 to i32
      %cond3A_687 = arith.constant 0 : i32
      %cond3A_688 = arith.cmpi ne, %convert_element_type3A_686, %cond3A_687 : i32
      scf.if %cond3A_688 {
        %add3A_837 = arith.constant 4 : i32
        %add3A_838 = arith.addi %mul3A_543, %add3A_837 : i32
        %mul3A_839 = arith.constant 192 : i32
        %mul3A_840 = arith.muli %add3A_838, %mul3A_839 : i32
        %add3A_841 = arith.addi %mul3A_22, %mul3A_840 : i32
        %jit3A_842 = arith.constant 9216 : i32
        %div3A_843 = arith.divsi %add3A_841, %jit3A_842 : i32
        %sign3A_844 = arith.constant 0 : i32
        %sign3A_845 = arith.cmpi sgt, %add3A_841, %sign3A_844 : i32
        %sign3A_846 = arith.extui %sign3A_845 : i1 to i32
        %sign3A_847 = arith.constant 0 : i32
        %sign3A_848 = arith.cmpi slt, %add3A_841, %sign3A_847 : i32
        %sign3A_849 = arith.extui %sign3A_848 : i1 to i32
        %sign3A_850 = arith.subi %sign3A_846, %sign3A_849 : i32
        %sign3A_851 = arith.constant 0 : i32
        %sign3A_852 = arith.cmpi sgt, %jit3A_842, %sign3A_851 : i32
        %sign3A_853 = arith.extui %sign3A_852 : i1 to i32
        %sign3A_854 = arith.constant 0 : i32
        %sign3A_855 = arith.cmpi slt, %jit3A_842, %sign3A_854 : i32
        %sign3A_856 = arith.extui %sign3A_855 : i1 to i32
        %sign3A_857 = arith.subi %sign3A_853, %sign3A_856 : i32
        %ne3A_858 = arith.cmpi ne, %sign3A_850, %sign3A_857 : i32
        %rem3A_859 = arith.remsi %add3A_841, %jit3A_842 : i32
        %ne3A_860 = arith.constant 0 : i32
        %ne3A_861 = arith.cmpi ne, %rem3A_859, %ne3A_860 : i32
        %and3A_862 = arith.andi %ne3A_858, %ne3A_861 : i1
        %sub3A_863 = arith.constant 1 : i32
        %sub3A_864 = arith.subi %div3A_843, %sub3A_863 : i32
        %select_n3A_865 = arith.select %and3A_862, %sub3A_864, %div3A_843 : i32
        %mul3A_866 = arith.constant 9216 : i32
        %mul3A_867 = arith.muli %select_n3A_865, %mul3A_866 : i32
        %sub3A_868 = arith.subi %add3A_841, %mul3A_867 : i32
        %mul3A_869 = arith.constant 27648 : i32
        %mul3A_870 = arith.muli %select_n3A_865, %mul3A_869 : i32
        %add3A_871 = arith.addi %mul3A_870, %sub3A_868 : i32
        %add3A_872 = arith.constant 9216 : i32
        %add3A_873 = arith.addi %add3A_871, %add3A_872 : i32
        %add3A_874 = arith.constant 18432 : i32
        %add3A_875 = arith.addi %add3A_871, %add3A_874 : i32
        %dma_start3A_876 = arith.constant 0 : i32
        %dma_start3A_877 = tpu.memref_slice %arg5[%dma_start3A_876] : memref<576xf32, #tpu.memory_space<vmem>> -> memref<192xf32, #tpu.memory_space<vmem>>
        %dma_start3A_878 = tpu.memref_slice %arg3[%add3A_871] : memref<5308416xf32, #tpu.memory_space<hbm>> -> memref<192xf32, #tpu.memory_space<hbm>>
        %dma_start3A_879 = arith.constant 0 : i32
        %dma_start3A_880 = tpu.memref_slice %arg5[%dma_start3A_879] : memref<576xf32, #tpu.memory_space<vmem>> -> memref<192xf32, #tpu.memory_space<vmem>>
        %dma_start3A_881 = tpu.memref_slice %arg3[%add3A_871] : memref<5308416xf32, #tpu.memory_space<hbm>> -> memref<192xf32, #tpu.memory_space<hbm>>
        tpu.enqueue_dma source(%dma_start3A_881 : memref<192xf32, #tpu.memory_space<hbm>>) target(%dma_start3A_880 : memref<192xf32, #tpu.memory_space<vmem>>) target_semaphore(%arg19 : memref<!tpu.dma_semaphore, #tpu.memory_space<semaphore_mem>>)
        %dma_start3A_882 = arith.constant 192 : i32
        %dma_start3A_883 = tpu.memref_slice %arg5[%dma_start3A_882] : memref<576xf32, #tpu.memory_space<vmem>> -> memref<192xf32, #tpu.memory_space<vmem>>
        %dma_start3A_884 = tpu.memref_slice %arg3[%add3A_873] : memref<5308416xf32, #tpu.memory_space<hbm>> -> memref<192xf32, #tpu.memory_space<hbm>>
        %dma_start3A_885 = arith.constant 192 : i32
        %dma_start3A_886 = tpu.memref_slice %arg5[%dma_start3A_885] : memref<576xf32, #tpu.memory_space<vmem>> -> memref<192xf32, #tpu.memory_space<vmem>>
        %dma_start3A_887 = tpu.memref_slice %arg3[%add3A_873] : memref<5308416xf32, #tpu.memory_space<hbm>> -> memref<192xf32, #tpu.memory_space<hbm>>
        tpu.enqueue_dma source(%dma_start3A_887 : memref<192xf32, #tpu.memory_space<hbm>>) target(%dma_start3A_886 : memref<192xf32, #tpu.memory_space<vmem>>) target_semaphore(%arg19 : memref<!tpu.dma_semaphore, #tpu.memory_space<semaphore_mem>>)
        %dma_start3A_888 = arith.constant 384 : i32
        %dma_start3A_889 = tpu.memref_slice %arg5[%dma_start3A_888] : memref<576xf32, #tpu.memory_space<vmem>> -> memref<192xf32, #tpu.memory_space<vmem>>
        %dma_start3A_890 = tpu.memref_slice %arg3[%add3A_875] : memref<5308416xf32, #tpu.memory_space<hbm>> -> memref<192xf32, #tpu.memory_space<hbm>>
        %dma_start3A_891 = arith.constant 384 : i32
        %dma_start3A_892 = tpu.memref_slice %arg5[%dma_start3A_891] : memref<576xf32, #tpu.memory_space<vmem>> -> memref<192xf32, #tpu.memory_space<vmem>>
        %dma_start3A_893 = tpu.memref_slice %arg3[%add3A_875] : memref<5308416xf32, #tpu.memory_space<hbm>> -> memref<192xf32, #tpu.memory_space<hbm>>
        tpu.enqueue_dma source(%dma_start3A_893 : memref<192xf32, #tpu.memory_space<hbm>>) target(%dma_start3A_892 : memref<192xf32, #tpu.memory_space<vmem>>) target_semaphore(%arg19 : memref<!tpu.dma_semaphore, #tpu.memory_space<semaphore_mem>>)
      } else {
      }
      %add3A_689 = arith.constant 1 : i32
      %add3A_690 = arith.addi %mul3A_543, %add3A_689 : i32
      %mul3A_691 = arith.constant 192 : i32
      %mul3A_692 = arith.muli %add3A_690, %mul3A_691 : i32
      %add3A_693 = arith.addi %mul3A_22, %mul3A_692 : i32
      %dma_wait3A_694 = arith.constant 0 : i32
      %dma_wait3A_695 = arith.constant 0 : i32
      %dma_wait3A_696 = arith.constant 0 : i32
      %dma_wait3A_697 = tpu.memref_slice %arg10[%dma_wait3A_695, %dma_wait3A_696] : memref<384x128xf32, #tpu.memory_space<vmem>> -> memref<128x128xf32, #tpu.memory_space<vmem>>
      %dma_wait3A_698 = arith.constant 0 : i32
      %dma_wait3A_699 = tpu.memref_slice %arg8[%dma_wait3A_694, %dma_wait3A_698] : memref<3x128xi32, #tpu.memory_space<vmem>> -> memref<1x128xi32, #tpu.memory_space<vmem>>
      %dma_wait3A_700 = tpu.memref_squeeze %dma_wait3A_699 : memref<1x128xi32, #tpu.memory_space<vmem>> -> memref<128xi32, #tpu.memory_space<vmem>>
      %dma_wait3A_701 = arith.constant 0 : i32
      %dma_wait3A_702 = arith.constant 0 : i32
      %dma_wait3A_703 = tpu.memref_slice %arg2[%dma_wait3A_701, %dma_wait3A_702] : memref<524288x128xf32, #tpu.memory_space<hbm>> -> memref<524288x128xf32, #tpu.memory_space<hbm>>
      tpu.wait_indirect_dma semaphore(%arg18 : memref<!tpu.dma_semaphore, #tpu.memory_space<semaphore_mem>>) src(%dma_wait3A_703 : memref<524288x128xf32, #tpu.memory_space<hbm>>) dst(%dma_wait3A_697 : memref<128x128xf32, #tpu.memory_space<vmem>>)
      %dma_wait3A_704 = arith.constant 1 : i32
      %dma_wait3A_705 = arith.constant 128 : i32
      %dma_wait3A_706 = arith.constant 0 : i32
      %dma_wait3A_707 = tpu.memref_slice %arg10[%dma_wait3A_705, %dma_wait3A_706] : memref<384x128xf32, #tpu.memory_space<vmem>> -> memref<128x128xf32, #tpu.memory_space<vmem>>
      %dma_wait3A_708 = arith.constant 0 : i32
      %dma_wait3A_709 = tpu.memref_slice %arg8[%dma_wait3A_704, %dma_wait3A_708] : memref<3x128xi32, #tpu.memory_space<vmem>> -> memref<1x128xi32, #tpu.memory_space<vmem>>
      %dma_wait3A_710 = tpu.memref_squeeze %dma_wait3A_709 : memref<1x128xi32, #tpu.memory_space<vmem>> -> memref<128xi32, #tpu.memory_space<vmem>>
      %dma_wait3A_711 = arith.constant 0 : i32
      %dma_wait3A_712 = arith.constant 0 : i32
      %dma_wait3A_713 = tpu.memref_slice %arg2[%dma_wait3A_711, %dma_wait3A_712] : memref<524288x128xf32, #tpu.memory_space<hbm>> -> memref<524288x128xf32, #tpu.memory_space<hbm>>
      tpu.wait_indirect_dma semaphore(%arg18 : memref<!tpu.dma_semaphore, #tpu.memory_space<semaphore_mem>>) src(%dma_wait3A_713 : memref<524288x128xf32, #tpu.memory_space<hbm>>) dst(%dma_wait3A_707 : memref<128x128xf32, #tpu.memory_space<vmem>>)
      %dma_wait3A_714 = arith.constant 2 : i32
      %dma_wait3A_715 = arith.constant 256 : i32
      %dma_wait3A_716 = arith.constant 0 : i32
      %dma_wait3A_717 = tpu.memref_slice %arg10[%dma_wait3A_715, %dma_wait3A_716] : memref<384x128xf32, #tpu.memory_space<vmem>> -> memref<128x128xf32, #tpu.memory_space<vmem>>
      %dma_wait3A_718 = arith.constant 0 : i32
      %dma_wait3A_719 = tpu.memref_slice %arg8[%dma_wait3A_714, %dma_wait3A_718] : memref<3x128xi32, #tpu.memory_space<vmem>> -> memref<1x128xi32, #tpu.memory_space<vmem>>
      %dma_wait3A_720 = tpu.memref_squeeze %dma_wait3A_719 : memref<1x128xi32, #tpu.memory_space<vmem>> -> memref<128xi32, #tpu.memory_space<vmem>>
      %dma_wait3A_721 = arith.constant 0 : i32
      %dma_wait3A_722 = arith.constant 0 : i32
      %dma_wait3A_723 = tpu.memref_slice %arg2[%dma_wait3A_721, %dma_wait3A_722] : memref<524288x128xf32, #tpu.memory_space<hbm>> -> memref<524288x128xf32, #tpu.memory_space<hbm>>
      tpu.wait_indirect_dma semaphore(%arg18 : memref<!tpu.dma_semaphore, #tpu.memory_space<semaphore_mem>>) src(%dma_wait3A_723 : memref<524288x128xf32, #tpu.memory_space<hbm>>) dst(%dma_wait3A_717 : memref<128x128xf32, #tpu.memory_space<vmem>>)
      %ge3A_724 = arith.constant 2 : i32
      %ge3A_725 = arith.cmpi sge, %add3A_690, %ge3A_724 : i32
      %convert_element_type3A_726 = arith.extui %ge3A_725 : i1 to i32
      %cond3A_727 = arith.constant 0 : i32
      %cond3A_728 = arith.cmpi ne, %convert_element_type3A_726, %cond3A_727 : i32
      scf.if %cond3A_728 {
        %dma_wait3A_837 = arith.constant 0 : i32
        %dma_wait3A_838 = tpu.memref_slice %arg4[%dma_wait3A_837] : memref<7077888xf32, #tpu.memory_space<hbm>> -> memref<768xf32, #tpu.memory_space<hbm>>
        %dma_wait3A_839 = arith.constant 0 : i32
        %dma_wait3A_840 = tpu.memref_slice %arg4[%dma_wait3A_839] : memref<7077888xf32, #tpu.memory_space<hbm>> -> memref<768xf32, #tpu.memory_space<hbm>>
        tpu.wait_dma2 semaphore(%arg22 : memref<!tpu.dma_semaphore, #tpu.memory_space<semaphore_mem>>) src(%arg12 : memref<768xf32, #tpu.memory_space<vmem>>) dst(%dma_wait3A_840 : memref<768xf32, #tpu.memory_space<hbm>>)
      } else {
      }
      %scan3A_729 = arith.constant 0 : i32
      %scan3A_730 = arith.constant 12 : i32
      %scan3A_731 = arith.addi %scan3A_729, %scan3A_730 : i32
      %scan3A_732 = arith.constant 1 : i32
      scf.for %scan3A_837 = %scan3A_729 to %scan3A_731 step %scan3A_732  : i32 {
        %mul3A_838 = arith.constant 1 : i32
        %mul3A_839 = arith.muli %scan3A_837, %mul3A_838 : i32
        %add3A_840 = arith.constant 0 : i32
        %add3A_841 = arith.addi %add3A_840, %mul3A_839 : i32
        %mul3A_842 = arith.constant 16 : i32
        %mul3A_843 = arith.muli %add3A_841, %mul3A_842 : i32
        %get3A = arith.index_cast %mul3A_843 : i32 to index
        %get3A_844 = tpu.vector_load %arg16[%get3A] {strides = array<i32>} : memref<576xf32, #tpu.memory_space<vmem>>, vector<16xf32>,
        %add3A_845 = arith.constant 192 : i32
        %add3A_846 = arith.addi %add3A_845, %mul3A_843 : i32
        %get3A_847 = arith.index_cast %add3A_846 : i32 to index
        %get3A_848 = tpu.vector_load %arg16[%get3A_847] {strides = array<i32>} : memref<576xf32, #tpu.memory_space<vmem>>, vector<16xf32>,
        %add3A_849 = arith.constant 384 : i32
        %add3A_850 = arith.addi %add3A_849, %mul3A_843 : i32
        %get3A_851 = arith.index_cast %add3A_850 : i32 to index
        %get3A_852 = tpu.vector_load %arg16[%get3A_851] {strides = array<i32>} : memref<576xf32, #tpu.memory_space<vmem>>, vector<16xf32>,
        %sub3A_853 = arith.subf %broadcast_in_dim3A_25, %get3A_844 : vector<16xf32>
        %sub3A_854 = arith.subf %broadcast_in_dim3A_25, %get3A_848 : vector<16xf32>
        %sub3A_855 = arith.subf %broadcast_in_dim3A_25, %get3A_852 : vector<16xf32>
        %mul3A_856 = arith.mulf %sub3A_854, %sub3A_855 : vector<16xf32>
        %mul3A_857 = arith.mulf %sub3A_854, %get3A_852 : vector<16xf32>
        %mul3A_858 = arith.mulf %get3A_848, %sub3A_855 : vector<16xf32>
        %mul3A_859 = arith.mulf %get3A_848, %get3A_852 : vector<16xf32>
        %add3A_860 = vector.broadcast %mul3A_843 : i32 to vector<16xi32>
        %add3A_861 = arith.addi %iota3A, %add3A_860 : vector<16xi32>
        %add3A_862 = arith.constant 192 : i32
        %add3A_863 = arith.addi %mul3A_843, %add3A_862 : i32
        %add3A_864 = vector.broadcast %add3A_863 : i32 to vector<16xi32>
        %add3A_865 = arith.addi %iota3A, %add3A_864 : vector<16xi32>
        %get3A_866 = arith.index_cast %mul3A_843 : i32 to index
        %get3A_867 = tpu.vector_load %arg14[%get3A_866] {strides = array<i32>} : memref<384xi32, #tpu.memory_space<vmem>>, vector<16xi32>,
        %add3A_868 = arith.constant 192 : i32
        %add3A_869 = arith.addi %add3A_868, %mul3A_843 : i32
        %get3A_870 = arith.index_cast %add3A_869 : i32 to index
        %get3A_871 = tpu.vector_load %arg14[%get3A_870] {strides = array<i32>} : memref<384xi32, #tpu.memory_space<vmem>>, vector<16xi32>,
        %add3A_872 = arith.constant 0 : i32
        %add3A_873 = vector.broadcast %add3A_872 : i32 to vector<16xi32>
        %add3A_874 = arith.addi %get3A_867, %add3A_873 : vector<16xi32>
        %gather3A = tpu.vector_load_idx %arg10[%add3A_861, %add3A_874] : memref<384x128xf32, #tpu.memory_space<vmem>>[vector<16xi32>, vector<16xi32>], vector<16xf32>,
        %mul3A_875 = arith.mulf %mul3A_856, %gather3A : vector<16xf32>
        %add3A_876 = arith.addf %broadcast_in_dim3A_23, %mul3A_875 : vector<16xf32>
        %add3A_877 = arith.constant 4 : i32
        %add3A_878 = vector.broadcast %add3A_877 : i32 to vector<16xi32>
        %add3A_879 = arith.addi %get3A_867, %add3A_878 : vector<16xi32>
        %gather3A_880 = tpu.vector_load_idx %arg10[%add3A_861, %add3A_879] : memref<384x128xf32, #tpu.memory_space<vmem>>[vector<16xi32>, vector<16xi32>], vector<16xf32>,
        %mul3A_881 = arith.mulf %mul3A_857, %gather3A_880 : vector<16xf32>
        %add3A_882 = arith.addf %add3A_876, %mul3A_881 : vector<16xf32>
        %add3A_883 = arith.constant 8 : i32
        %add3A_884 = vector.broadcast %add3A_883 : i32 to vector<16xi32>
        %add3A_885 = arith.addi %get3A_867, %add3A_884 : vector<16xi32>
        %gather3A_886 = tpu.vector_load_idx %arg10[%add3A_861, %add3A_885] : memref<384x128xf32, #tpu.memory_space<vmem>>[vector<16xi32>, vector<16xi32>], vector<16xf32>,
        %mul3A_887 = arith.mulf %mul3A_858, %gather3A_886 : vector<16xf32>
        %add3A_888 = arith.addf %add3A_882, %mul3A_887 : vector<16xf32>
        %add3A_889 = arith.constant 12 : i32
        %add3A_890 = vector.broadcast %add3A_889 : i32 to vector<16xi32>
        %add3A_891 = arith.addi %get3A_867, %add3A_890 : vector<16xi32>
        %gather3A_892 = tpu.vector_load_idx %arg10[%add3A_861, %add3A_891] : memref<384x128xf32, #tpu.memory_space<vmem>>[vector<16xi32>, vector<16xi32>], vector<16xf32>,
        %mul3A_893 = arith.mulf %mul3A_859, %gather3A_892 : vector<16xf32>
        %add3A_894 = arith.addf %add3A_888, %mul3A_893 : vector<16xf32>
        %mul3A_895 = arith.mulf %sub3A_853, %add3A_894 : vector<16xf32>
        %add3A_896 = arith.addf %broadcast_in_dim3A_23, %mul3A_895 : vector<16xf32>
        %add3A_897 = arith.constant 1 : i32
        %add3A_898 = vector.broadcast %add3A_897 : i32 to vector<16xi32>
        %add3A_899 = arith.addi %get3A_867, %add3A_898 : vector<16xi32>
        %gather3A_900 = tpu.vector_load_idx %arg10[%add3A_861, %add3A_899] : memref<384x128xf32, #tpu.memory_space<vmem>>[vector<16xi32>, vector<16xi32>], vector<16xf32>,
        %mul3A_901 = arith.mulf %mul3A_856, %gather3A_900 : vector<16xf32>
        %add3A_902 = arith.addf %broadcast_in_dim3A_23, %mul3A_901 : vector<16xf32>
        %add3A_903 = arith.constant 5 : i32
        %add3A_904 = vector.broadcast %add3A_903 : i32 to vector<16xi32>
        %add3A_905 = arith.addi %get3A_867, %add3A_904 : vector<16xi32>
        %gather3A_906 = tpu.vector_load_idx %arg10[%add3A_861, %add3A_905] : memref<384x128xf32, #tpu.memory_space<vmem>>[vector<16xi32>, vector<16xi32>], vector<16xf32>,
        %mul3A_907 = arith.mulf %mul3A_857, %gather3A_906 : vector<16xf32>
        %add3A_908 = arith.addf %add3A_902, %mul3A_907 : vector<16xf32>
        %add3A_909 = arith.constant 9 : i32
        %add3A_910 = vector.broadcast %add3A_909 : i32 to vector<16xi32>
        %add3A_911 = arith.addi %get3A_867, %add3A_910 : vector<16xi32>
        %gather3A_912 = tpu.vector_load_idx %arg10[%add3A_861, %add3A_911] : memref<384x128xf32, #tpu.memory_space<vmem>>[vector<16xi32>, vector<16xi32>], vector<16xf32>,
        %mul3A_913 = arith.mulf %mul3A_858, %gather3A_912 : vector<16xf32>
        %add3A_914 = arith.addf %add3A_908, %mul3A_913 : vector<16xf32>
        %add3A_915 = arith.constant 13 : i32
        %add3A_916 = vector.broadcast %add3A_915 : i32 to vector<16xi32>
        %add3A_917 = arith.addi %get3A_867, %add3A_916 : vector<16xi32>
        %gather3A_918 = tpu.vector_load_idx %arg10[%add3A_861, %add3A_917] : memref<384x128xf32, #tpu.memory_space<vmem>>[vector<16xi32>, vector<16xi32>], vector<16xf32>,
        %mul3A_919 = arith.mulf %mul3A_859, %gather3A_918 : vector<16xf32>
        %add3A_920 = arith.addf %add3A_914, %mul3A_919 : vector<16xf32>
        %mul3A_921 = arith.mulf %sub3A_853, %add3A_920 : vector<16xf32>
        %add3A_922 = arith.addf %broadcast_in_dim3A_23, %mul3A_921 : vector<16xf32>
        %add3A_923 = arith.constant 2 : i32
        %add3A_924 = vector.broadcast %add3A_923 : i32 to vector<16xi32>
        %add3A_925 = arith.addi %get3A_867, %add3A_924 : vector<16xi32>
        %gather3A_926 = tpu.vector_load_idx %arg10[%add3A_861, %add3A_925] : memref<384x128xf32, #tpu.memory_space<vmem>>[vector<16xi32>, vector<16xi32>], vector<16xf32>,
        %mul3A_927 = arith.mulf %mul3A_856, %gather3A_926 : vector<16xf32>
        %add3A_928 = arith.addf %broadcast_in_dim3A_23, %mul3A_927 : vector<16xf32>
        %add3A_929 = arith.constant 6 : i32
        %add3A_930 = vector.broadcast %add3A_929 : i32 to vector<16xi32>
        %add3A_931 = arith.addi %get3A_867, %add3A_930 : vector<16xi32>
        %gather3A_932 = tpu.vector_load_idx %arg10[%add3A_861, %add3A_931] : memref<384x128xf32, #tpu.memory_space<vmem>>[vector<16xi32>, vector<16xi32>], vector<16xf32>,
        %mul3A_933 = arith.mulf %mul3A_857, %gather3A_932 : vector<16xf32>
        %add3A_934 = arith.addf %add3A_928, %mul3A_933 : vector<16xf32>
        %add3A_935 = arith.constant 10 : i32
        %add3A_936 = vector.broadcast %add3A_935 : i32 to vector<16xi32>
        %add3A_937 = arith.addi %get3A_867, %add3A_936 : vector<16xi32>
        %gather3A_938 = tpu.vector_load_idx %arg10[%add3A_861, %add3A_937] : memref<384x128xf32, #tpu.memory_space<vmem>>[vector<16xi32>, vector<16xi32>], vector<16xf32>,
        %mul3A_939 = arith.mulf %mul3A_858, %gather3A_938 : vector<16xf32>
        %add3A_940 = arith.addf %add3A_934, %mul3A_939 : vector<16xf32>
        %add3A_941 = arith.constant 14 : i32
        %add3A_942 = vector.broadcast %add3A_941 : i32 to vector<16xi32>
        %add3A_943 = arith.addi %get3A_867, %add3A_942 : vector<16xi32>
        %gather3A_944 = tpu.vector_load_idx %arg10[%add3A_861, %add3A_943] : memref<384x128xf32, #tpu.memory_space<vmem>>[vector<16xi32>, vector<16xi32>], vector<16xf32>,
        %mul3A_945 = arith.mulf %mul3A_859, %gather3A_944 : vector<16xf32>
        %add3A_946 = arith.addf %add3A_940, %mul3A_945 : vector<16xf32>
        %mul3A_947 = arith.mulf %sub3A_853, %add3A_946 : vector<16xf32>
        %add3A_948 = arith.addf %broadcast_in_dim3A_23, %mul3A_947 : vector<16xf32>
        %add3A_949 = arith.constant 3 : i32
        %add3A_950 = vector.broadcast %add3A_949 : i32 to vector<16xi32>
        %add3A_951 = arith.addi %get3A_867, %add3A_950 : vector<16xi32>
        %gather3A_952 = tpu.vector_load_idx %arg10[%add3A_861, %add3A_951] : memref<384x128xf32, #tpu.memory_space<vmem>>[vector<16xi32>, vector<16xi32>], vector<16xf32>,
        %mul3A_953 = arith.mulf %mul3A_856, %gather3A_952 : vector<16xf32>
        %add3A_954 = arith.addf %broadcast_in_dim3A_23, %mul3A_953 : vector<16xf32>
        %add3A_955 = arith.constant 7 : i32
        %add3A_956 = vector.broadcast %add3A_955 : i32 to vector<16xi32>
        %add3A_957 = arith.addi %get3A_867, %add3A_956 : vector<16xi32>
        %gather3A_958 = tpu.vector_load_idx %arg10[%add3A_861, %add3A_957] : memref<384x128xf32, #tpu.memory_space<vmem>>[vector<16xi32>, vector<16xi32>], vector<16xf32>,
        %mul3A_959 = arith.mulf %mul3A_857, %gather3A_958 : vector<16xf32>
        %add3A_960 = arith.addf %add3A_954, %mul3A_959 : vector<16xf32>
        %add3A_961 = arith.constant 11 : i32
        %add3A_962 = vector.broadcast %add3A_961 : i32 to vector<16xi32>
        %add3A_963 = arith.addi %get3A_867, %add3A_962 : vector<16xi32>
        %gather3A_964 = tpu.vector_load_idx %arg10[%add3A_861, %add3A_963] : memref<384x128xf32, #tpu.memory_space<vmem>>[vector<16xi32>, vector<16xi32>], vector<16xf32>,
        %mul3A_965 = arith.mulf %mul3A_858, %gather3A_964 : vector<16xf32>
        %add3A_966 = arith.addf %add3A_960, %mul3A_965 : vector<16xf32>
        %add3A_967 = arith.constant 15 : i32
        %add3A_968 = vector.broadcast %add3A_967 : i32 to vector<16xi32>
        %add3A_969 = arith.addi %get3A_867, %add3A_968 : vector<16xi32>
        %gather3A_970 = tpu.vector_load_idx %arg10[%add3A_861, %add3A_969] : memref<384x128xf32, #tpu.memory_space<vmem>>[vector<16xi32>, vector<16xi32>], vector<16xf32>,
        %mul3A_971 = arith.mulf %mul3A_859, %gather3A_970 : vector<16xf32>
        %add3A_972 = arith.addf %add3A_966, %mul3A_971 : vector<16xf32>
        %mul3A_973 = arith.mulf %sub3A_853, %add3A_972 : vector<16xf32>
        %add3A_974 = arith.addf %broadcast_in_dim3A_23, %mul3A_973 : vector<16xf32>
        %add3A_975 = arith.constant 0 : i32
        %add3A_976 = vector.broadcast %add3A_975 : i32 to vector<16xi32>
        %add3A_977 = arith.addi %get3A_871, %add3A_976 : vector<16xi32>
        %gather3A_978 = tpu.vector_load_idx %arg10[%add3A_865, %add3A_977] : memref<384x128xf32, #tpu.memory_space<vmem>>[vector<16xi32>, vector<16xi32>], vector<16xf32>,
        %mul3A_979 = arith.mulf %mul3A_856, %gather3A_978 : vector<16xf32>
        %add3A_980 = arith.addf %broadcast_in_dim3A_23, %mul3A_979 : vector<16xf32>
        %add3A_981 = arith.constant 4 : i32
        %add3A_982 = vector.broadcast %add3A_981 : i32 to vector<16xi32>
        %add3A_983 = arith.addi %get3A_871, %add3A_982 : vector<16xi32>
        %gather3A_984 = tpu.vector_load_idx %arg10[%add3A_865, %add3A_983] : memref<384x128xf32, #tpu.memory_space<vmem>>[vector<16xi32>, vector<16xi32>], vector<16xf32>,
        %mul3A_985 = arith.mulf %mul3A_857, %gather3A_984 : vector<16xf32>
        %add3A_986 = arith.addf %add3A_980, %mul3A_985 : vector<16xf32>
        %add3A_987 = arith.constant 8 : i32
        %add3A_988 = vector.broadcast %add3A_987 : i32 to vector<16xi32>
        %add3A_989 = arith.addi %get3A_871, %add3A_988 : vector<16xi32>
        %gather3A_990 = tpu.vector_load_idx %arg10[%add3A_865, %add3A_989] : memref<384x128xf32, #tpu.memory_space<vmem>>[vector<16xi32>, vector<16xi32>], vector<16xf32>,
        %mul3A_991 = arith.mulf %mul3A_858, %gather3A_990 : vector<16xf32>
        %add3A_992 = arith.addf %add3A_986, %mul3A_991 : vector<16xf32>
        %add3A_993 = arith.constant 12 : i32
        %add3A_994 = vector.broadcast %add3A_993 : i32 to vector<16xi32>
        %add3A_995 = arith.addi %get3A_871, %add3A_994 : vector<16xi32>
        %gather3A_996 = tpu.vector_load_idx %arg10[%add3A_865, %add3A_995] : memref<384x128xf32, #tpu.memory_space<vmem>>[vector<16xi32>, vector<16xi32>], vector<16xf32>,
        %mul3A_997 = arith.mulf %mul3A_859, %gather3A_996 : vector<16xf32>
        %add3A_998 = arith.addf %add3A_992, %mul3A_997 : vector<16xf32>
        %mul3A_999 = arith.mulf %get3A_844, %add3A_998 : vector<16xf32>
        %add3A_1000 = arith.addf %add3A_896, %mul3A_999 : vector<16xf32>
        %add3A_1001 = arith.constant 1 : i32
        %add3A_1002 = vector.broadcast %add3A_1001 : i32 to vector<16xi32>
        %add3A_1003 = arith.addi %get3A_871, %add3A_1002 : vector<16xi32>
        %gather3A_1004 = tpu.vector_load_idx %arg10[%add3A_865, %add3A_1003] : memref<384x128xf32, #tpu.memory_space<vmem>>[vector<16xi32>, vector<16xi32>], vector<16xf32>,
        %mul3A_1005 = arith.mulf %mul3A_856, %gather3A_1004 : vector<16xf32>
        %add3A_1006 = arith.addf %broadcast_in_dim3A_23, %mul3A_1005 : vector<16xf32>
        %add3A_1007 = arith.constant 5 : i32
        %add3A_1008 = vector.broadcast %add3A_1007 : i32 to vector<16xi32>
        %add3A_1009 = arith.addi %get3A_871, %add3A_1008 : vector<16xi32>
        %gather3A_1010 = tpu.vector_load_idx %arg10[%add3A_865, %add3A_1009] : memref<384x128xf32, #tpu.memory_space<vmem>>[vector<16xi32>, vector<16xi32>], vector<16xf32>,
        %mul3A_1011 = arith.mulf %mul3A_857, %gather3A_1010 : vector<16xf32>
        %add3A_1012 = arith.addf %add3A_1006, %mul3A_1011 : vector<16xf32>
        %add3A_1013 = arith.constant 9 : i32
        %add3A_1014 = vector.broadcast %add3A_1013 : i32 to vector<16xi32>
        %add3A_1015 = arith.addi %get3A_871, %add3A_1014 : vector<16xi32>
        %gather3A_1016 = tpu.vector_load_idx %arg10[%add3A_865, %add3A_1015] : memref<384x128xf32, #tpu.memory_space<vmem>>[vector<16xi32>, vector<16xi32>], vector<16xf32>,
        %mul3A_1017 = arith.mulf %mul3A_858, %gather3A_1016 : vector<16xf32>
        %add3A_1018 = arith.addf %add3A_1012, %mul3A_1017 : vector<16xf32>
        %add3A_1019 = arith.constant 13 : i32
        %add3A_1020 = vector.broadcast %add3A_1019 : i32 to vector<16xi32>
        %add3A_1021 = arith.addi %get3A_871, %add3A_1020 : vector<16xi32>
        %gather3A_1022 = tpu.vector_load_idx %arg10[%add3A_865, %add3A_1021] : memref<384x128xf32, #tpu.memory_space<vmem>>[vector<16xi32>, vector<16xi32>], vector<16xf32>,
        %mul3A_1023 = arith.mulf %mul3A_859, %gather3A_1022 : vector<16xf32>
        %add3A_1024 = arith.addf %add3A_1018, %mul3A_1023 : vector<16xf32>
        %mul3A_1025 = arith.mulf %get3A_844, %add3A_1024 : vector<16xf32>
        %add3A_1026 = arith.addf %add3A_922, %mul3A_1025 : vector<16xf32>
        %add3A_1027 = arith.constant 2 : i32
        %add3A_1028 = vector.broadcast %add3A_1027 : i32 to vector<16xi32>
        %add3A_1029 = arith.addi %get3A_871, %add3A_1028 : vector<16xi32>
        %gather3A_1030 = tpu.vector_load_idx %arg10[%add3A_865, %add3A_1029] : memref<384x128xf32, #tpu.memory_space<vmem>>[vector<16xi32>, vector<16xi32>], vector<16xf32>,
        %mul3A_1031 = arith.mulf %mul3A_856, %gather3A_1030 : vector<16xf32>
        %add3A_1032 = arith.addf %broadcast_in_dim3A_23, %mul3A_1031 : vector<16xf32>
        %add3A_1033 = arith.constant 6 : i32
        %add3A_1034 = vector.broadcast %add3A_1033 : i32 to vector<16xi32>
        %add3A_1035 = arith.addi %get3A_871, %add3A_1034 : vector<16xi32>
        %gather3A_1036 = tpu.vector_load_idx %arg10[%add3A_865, %add3A_1035] : memref<384x128xf32, #tpu.memory_space<vmem>>[vector<16xi32>, vector<16xi32>], vector<16xf32>,
        %mul3A_1037 = arith.mulf %mul3A_857, %gather3A_1036 : vector<16xf32>
        %add3A_1038 = arith.addf %add3A_1032, %mul3A_1037 : vector<16xf32>
        %add3A_1039 = arith.constant 10 : i32
        %add3A_1040 = vector.broadcast %add3A_1039 : i32 to vector<16xi32>
        %add3A_1041 = arith.addi %get3A_871, %add3A_1040 : vector<16xi32>
        %gather3A_1042 = tpu.vector_load_idx %arg10[%add3A_865, %add3A_1041] : memref<384x128xf32, #tpu.memory_space<vmem>>[vector<16xi32>, vector<16xi32>], vector<16xf32>,
        %mul3A_1043 = arith.mulf %mul3A_858, %gather3A_1042 : vector<16xf32>
        %add3A_1044 = arith.addf %add3A_1038, %mul3A_1043 : vector<16xf32>
        %add3A_1045 = arith.constant 14 : i32
        %add3A_1046 = vector.broadcast %add3A_1045 : i32 to vector<16xi32>
        %add3A_1047 = arith.addi %get3A_871, %add3A_1046 : vector<16xi32>
        %gather3A_1048 = tpu.vector_load_idx %arg10[%add3A_865, %add3A_1047] : memref<384x128xf32, #tpu.memory_space<vmem>>[vector<16xi32>, vector<16xi32>], vector<16xf32>,
        %mul3A_1049 = arith.mulf %mul3A_859, %gather3A_1048 : vector<16xf32>
        %add3A_1050 = arith.addf %add3A_1044, %mul3A_1049 : vector<16xf32>
        %mul3A_1051 = arith.mulf %get3A_844, %add3A_1050 : vector<16xf32>
        %add3A_1052 = arith.addf %add3A_948, %mul3A_1051 : vector<16xf32>
        %add3A_1053 = arith.constant 3 : i32
        %add3A_1054 = vector.broadcast %add3A_1053 : i32 to vector<16xi32>
        %add3A_1055 = arith.addi %get3A_871, %add3A_1054 : vector<16xi32>
        %gather3A_1056 = tpu.vector_load_idx %arg10[%add3A_865, %add3A_1055] : memref<384x128xf32, #tpu.memory_space<vmem>>[vector<16xi32>, vector<16xi32>], vector<16xf32>,
        %mul3A_1057 = arith.mulf %mul3A_856, %gather3A_1056 : vector<16xf32>
        %add3A_1058 = arith.addf %broadcast_in_dim3A_23, %mul3A_1057 : vector<16xf32>
        %add3A_1059 = arith.constant 7 : i32
        %add3A_1060 = vector.broadcast %add3A_1059 : i32 to vector<16xi32>
        %add3A_1061 = arith.addi %get3A_871, %add3A_1060 : vector<16xi32>
        %gather3A_1062 = tpu.vector_load_idx %arg10[%add3A_865, %add3A_1061] : memref<384x128xf32, #tpu.memory_space<vmem>>[vector<16xi32>, vector<16xi32>], vector<16xf32>,
        %mul3A_1063 = arith.mulf %mul3A_857, %gather3A_1062 : vector<16xf32>
        %add3A_1064 = arith.addf %add3A_1058, %mul3A_1063 : vector<16xf32>
        %add3A_1065 = arith.constant 11 : i32
        %add3A_1066 = vector.broadcast %add3A_1065 : i32 to vector<16xi32>
        %add3A_1067 = arith.addi %get3A_871, %add3A_1066 : vector<16xi32>
        %gather3A_1068 = tpu.vector_load_idx %arg10[%add3A_865, %add3A_1067] : memref<384x128xf32, #tpu.memory_space<vmem>>[vector<16xi32>, vector<16xi32>], vector<16xf32>,
        %mul3A_1069 = arith.mulf %mul3A_858, %gather3A_1068 : vector<16xf32>
        %add3A_1070 = arith.addf %add3A_1064, %mul3A_1069 : vector<16xf32>
        %add3A_1071 = arith.constant 15 : i32
        %add3A_1072 = vector.broadcast %add3A_1071 : i32 to vector<16xi32>
        %add3A_1073 = arith.addi %get3A_871, %add3A_1072 : vector<16xi32>
        %gather3A_1074 = tpu.vector_load_idx %arg10[%add3A_865, %add3A_1073] : memref<384x128xf32, #tpu.memory_space<vmem>>[vector<16xi32>, vector<16xi32>], vector<16xf32>,
        %mul3A_1075 = arith.mulf %mul3A_859, %gather3A_1074 : vector<16xf32>
        %add3A_1076 = arith.addf %add3A_1070, %mul3A_1075 : vector<16xf32>
        %mul3A_1077 = arith.mulf %get3A_844, %add3A_1076 : vector<16xf32>
        %add3A_1078 = arith.addf %add3A_974, %mul3A_1077 : vector<16xf32>
        %jit3A_1079 = arith.constant 96 : i32
        %div3A_1080 = arith.divsi %mul3A_843, %jit3A_1079 : i32
        %sign3A_1081 = arith.constant 0 : i32
        %sign3A_1082 = arith.cmpi sgt, %mul3A_843, %sign3A_1081 : i32
        %sign3A_1083 = arith.extui %sign3A_1082 : i1 to i32
        %sign3A_1084 = arith.constant 0 : i32
        %sign3A_1085 = arith.cmpi slt, %mul3A_843, %sign3A_1084 : i32
        %sign3A_1086 = arith.extui %sign3A_1085 : i1 to i32
        %sign3A_1087 = arith.subi %sign3A_1083, %sign3A_1086 : i32
        %sign3A_1088 = arith.constant 0 : i32
        %sign3A_1089 = arith.cmpi sgt, %jit3A_1079, %sign3A_1088 : i32
        %sign3A_1090 = arith.extui %sign3A_1089 : i1 to i32
        %sign3A_1091 = arith.constant 0 : i32
        %sign3A_1092 = arith.cmpi slt, %jit3A_1079, %sign3A_1091 : i32
        %sign3A_1093 = arith.extui %sign3A_1092 : i1 to i32
        %sign3A_1094 = arith.subi %sign3A_1090, %sign3A_1093 : i32
        %ne3A_1095 = arith.cmpi ne, %sign3A_1087, %sign3A_1094 : i32
        %rem3A_1096 = arith.remsi %mul3A_843, %jit3A_1079 : i32
        %ne3A_1097 = arith.constant 0 : i32
        %ne3A_1098 = arith.cmpi ne, %rem3A_1096, %ne3A_1097 : i32
        %and3A_1099 = arith.andi %ne3A_1095, %ne3A_1098 : i1
        %sub3A_1100 = arith.constant 1 : i32
        %sub3A_1101 = arith.subi %div3A_1080, %sub3A_1100 : i32
        %select_n3A_1102 = arith.select %and3A_1099, %sub3A_1101, %div3A_1080 : i32
        %mul3A_1103 = arith.constant 96 : i32
        %mul3A_1104 = arith.muli %select_n3A_1102, %mul3A_1103 : i32
        %sub3A_1105 = arith.subi %mul3A_843, %mul3A_1104 : i32
        %mul3A_1106 = arith.constant 384 : i32
        %mul3A_1107 = arith.muli %select_n3A_1102, %mul3A_1106 : i32
        %add3A_1108 = arith.constant 0 : i32
        %add3A_1109 = arith.addi %mul3A_1107, %add3A_1108 : i32
        %add3A_1110 = arith.addi %add3A_1109, %sub3A_1105 : i32
        %swap3A = arith.index_cast %add3A_1110 : i32 to index
        %swap3A_1111 = tpu.vector_load %arg12[%swap3A] {strides = array<i32>} : memref<768xf32, #tpu.memory_space<vmem>>, vector<16xf32>,
        tpu.vector_store %arg12[%swap3A], %add3A_1000 {strides = array<i32>} : memref<768xf32, #tpu.memory_space<vmem>>, vector<16xf32>,
        %mul3A_1112 = arith.constant 384 : i32
        %mul3A_1113 = arith.muli %select_n3A_1102, %mul3A_1112 : i32
        %add3A_1114 = arith.constant 96 : i32
        %add3A_1115 = arith.addi %mul3A_1113, %add3A_1114 : i32
        %add3A_1116 = arith.addi %add3A_1115, %sub3A_1105 : i32
        %swap3A_1117 = arith.index_cast %add3A_1116 : i32 to index
        %swap3A_1118 = tpu.vector_load %arg12[%swap3A_1117] {strides = array<i32>} : memref<768xf32, #tpu.memory_space<vmem>>, vector<16xf32>,
        tpu.vector_store %arg12[%swap3A_1117], %add3A_1026 {strides = array<i32>} : memref<768xf32, #tpu.memory_space<vmem>>, vector<16xf32>,
        %mul3A_1119 = arith.constant 384 : i32
        %mul3A_1120 = arith.muli %select_n3A_1102, %mul3A_1119 : i32
        %add3A_1121 = arith.constant 192 : i32
        %add3A_1122 = arith.addi %mul3A_1120, %add3A_1121 : i32
        %add3A_1123 = arith.addi %add3A_1122, %sub3A_1105 : i32
        %swap3A_1124 = arith.index_cast %add3A_1123 : i32 to index
        %swap3A_1125 = tpu.vector_load %arg12[%swap3A_1124] {strides = array<i32>} : memref<768xf32, #tpu.memory_space<vmem>>, vector<16xf32>,
        tpu.vector_store %arg12[%swap3A_1124], %add3A_1052 {strides = array<i32>} : memref<768xf32, #tpu.memory_space<vmem>>, vector<16xf32>,
        %mul3A_1126 = arith.constant 384 : i32
        %mul3A_1127 = arith.muli %select_n3A_1102, %mul3A_1126 : i32
        %add3A_1128 = arith.constant 288 : i32
        %add3A_1129 = arith.addi %mul3A_1127, %add3A_1128 : i32
        %add3A_1130 = arith.addi %add3A_1129, %sub3A_1105 : i32
        %swap3A_1131 = arith.index_cast %add3A_1130 : i32 to index
        %swap3A_1132 = tpu.vector_load %arg12[%swap3A_1131] {strides = array<i32>} : memref<768xf32, #tpu.memory_space<vmem>>, vector<16xf32>,
        tpu.vector_store %arg12[%swap3A_1131], %add3A_1078 {strides = array<i32>} : memref<768xf32, #tpu.memory_space<vmem>>, vector<16xf32>,
      }
      %scan3A_733 = arith.constant 12 : i32
      %mul3A_734 = arith.constant 4 : i32
      %mul3A_735 = arith.muli %mul3A_734, %add3A_693 : i32
      %dma_start3A_736 = tpu.memref_slice %arg4[%mul3A_735] : memref<7077888xf32, #tpu.memory_space<hbm>> -> memref<768xf32, #tpu.memory_space<hbm>>
      %dma_start3A_737 = tpu.memref_slice %arg4[%mul3A_735] : memref<7077888xf32, #tpu.memory_space<hbm>> -> memref<768xf32, #tpu.memory_space<hbm>>
      tpu.enqueue_dma source(%arg12 : memref<768xf32, #tpu.memory_space<vmem>>) target(%dma_start3A_737 : memref<768xf32, #tpu.memory_space<hbm>>) target_semaphore(%arg22 : memref<!tpu.dma_semaphore, #tpu.memory_space<semaphore_mem>>)
      %add3A_738 = arith.constant 3 : i32
      %add3A_739 = arith.addi %mul3A_543, %add3A_738 : i32
      %mul3A_740 = arith.constant 192 : i32
      %mul3A_741 = arith.muli %add3A_739, %mul3A_740 : i32
      %add3A_742 = arith.addi %mul3A_22, %mul3A_741 : i32
      %jit3A_743 = arith.constant 9216 : i32
      %div3A_744 = arith.divsi %add3A_742, %jit3A_743 : i32
      %sign3A_745 = arith.constant 0 : i32
      %sign3A_746 = arith.cmpi sgt, %add3A_742, %sign3A_745 : i32
      %sign3A_747 = arith.extui %sign3A_746 : i1 to i32
      %sign3A_748 = arith.constant 0 : i32
      %sign3A_749 = arith.cmpi slt, %add3A_742, %sign3A_748 : i32
      %sign3A_750 = arith.extui %sign3A_749 : i1 to i32
      %sign3A_751 = arith.subi %sign3A_747, %sign3A_750 : i32
      %sign3A_752 = arith.constant 0 : i32
      %sign3A_753 = arith.cmpi sgt, %jit3A_743, %sign3A_752 : i32
      %sign3A_754 = arith.extui %sign3A_753 : i1 to i32
      %sign3A_755 = arith.constant 0 : i32
      %sign3A_756 = arith.cmpi slt, %jit3A_743, %sign3A_755 : i32
      %sign3A_757 = arith.extui %sign3A_756 : i1 to i32
      %sign3A_758 = arith.subi %sign3A_754, %sign3A_757 : i32
      %ne3A_759 = arith.cmpi ne, %sign3A_751, %sign3A_758 : i32
      %rem3A_760 = arith.remsi %add3A_742, %jit3A_743 : i32
      %ne3A_761 = arith.constant 0 : i32
      %ne3A_762 = arith.cmpi ne, %rem3A_760, %ne3A_761 : i32
      %and3A_763 = arith.andi %ne3A_759, %ne3A_762 : i1
      %sub3A_764 = arith.constant 1 : i32
      %sub3A_765 = arith.subi %div3A_744, %sub3A_764 : i32
      %select_n3A_766 = arith.select %and3A_763, %sub3A_765, %div3A_744 : i32
      %mul3A_767 = arith.constant 9216 : i32
      %mul3A_768 = arith.muli %select_n3A_766, %mul3A_767 : i32
      %sub3A_769 = arith.subi %add3A_742, %mul3A_768 : i32
      %mul3A_770 = arith.constant 27648 : i32
      %mul3A_771 = arith.muli %select_n3A_766, %mul3A_770 : i32
      %add3A_772 = arith.addi %mul3A_771, %sub3A_769 : i32
      %add3A_773 = arith.constant 9216 : i32
      %add3A_774 = arith.addi %add3A_772, %add3A_773 : i32
      %add3A_775 = arith.constant 18432 : i32
      %add3A_776 = arith.addi %add3A_772, %add3A_775 : i32
      %dma_wait3A_777 = arith.constant 0 : i32
      %dma_wait3A_778 = tpu.memref_slice %arg6[%dma_wait3A_777] : memref<576xf32, #tpu.memory_space<vmem>> -> memref<192xf32, #tpu.memory_space<vmem>>
      %dma_wait3A_779 = tpu.memref_slice %arg3[%add3A_772] : memref<5308416xf32, #tpu.memory_space<hbm>> -> memref<192xf32, #tpu.memory_space<hbm>>
      %dma_wait3A_780 = arith.constant 0 : i32
      %dma_wait3A_781 = tpu.memref_slice %arg6[%dma_wait3A_780] : memref<576xf32, #tpu.memory_space<vmem>> -> memref<192xf32, #tpu.memory_space<vmem>>
      %dma_wait3A_782 = tpu.memref_slice %arg3[%add3A_772] : memref<5308416xf32, #tpu.memory_space<hbm>> -> memref<192xf32, #tpu.memory_space<hbm>>
      tpu.wait_dma2 semaphore(%arg20 : memref<!tpu.dma_semaphore, #tpu.memory_space<semaphore_mem>>) src(%dma_wait3A_782 : memref<192xf32, #tpu.memory_space<hbm>>) dst(%dma_wait3A_781 : memref<192xf32, #tpu.memory_space<vmem>>)
      %dma_wait3A_783 = arith.constant 192 : i32
      %dma_wait3A_784 = tpu.memref_slice %arg6[%dma_wait3A_783] : memref<576xf32, #tpu.memory_space<vmem>> -> memref<192xf32, #tpu.memory_space<vmem>>
      %dma_wait3A_785 = tpu.memref_slice %arg3[%add3A_774] : memref<5308416xf32, #tpu.memory_space<hbm>> -> memref<192xf32, #tpu.memory_space<hbm>>
      %dma_wait3A_786 = arith.constant 192 : i32
      %dma_wait3A_787 = tpu.memref_slice %arg6[%dma_wait3A_786] : memref<576xf32, #tpu.memory_space<vmem>> -> memref<192xf32, #tpu.memory_space<vmem>>
      %dma_wait3A_788 = tpu.memref_slice %arg3[%add3A_774] : memref<5308416xf32, #tpu.memory_space<hbm>> -> memref<192xf32, #tpu.memory_space<hbm>>
      tpu.wait_dma2 semaphore(%arg20 : memref<!tpu.dma_semaphore, #tpu.memory_space<semaphore_mem>>) src(%dma_wait3A_788 : memref<192xf32, #tpu.memory_space<hbm>>) dst(%dma_wait3A_787 : memref<192xf32, #tpu.memory_space<vmem>>)
      %dma_wait3A_789 = arith.constant 384 : i32
      %dma_wait3A_790 = tpu.memref_slice %arg6[%dma_wait3A_789] : memref<576xf32, #tpu.memory_space<vmem>> -> memref<192xf32, #tpu.memory_space<vmem>>
      %dma_wait3A_791 = tpu.memref_slice %arg3[%add3A_776] : memref<5308416xf32, #tpu.memory_space<hbm>> -> memref<192xf32, #tpu.memory_space<hbm>>
      %dma_wait3A_792 = arith.constant 384 : i32
      %dma_wait3A_793 = tpu.memref_slice %arg6[%dma_wait3A_792] : memref<576xf32, #tpu.memory_space<vmem>> -> memref<192xf32, #tpu.memory_space<vmem>>
      %dma_wait3A_794 = tpu.memref_slice %arg3[%add3A_776] : memref<5308416xf32, #tpu.memory_space<hbm>> -> memref<192xf32, #tpu.memory_space<hbm>>
      tpu.wait_dma2 semaphore(%arg20 : memref<!tpu.dma_semaphore, #tpu.memory_space<semaphore_mem>>) src(%dma_wait3A_794 : memref<192xf32, #tpu.memory_space<hbm>>) dst(%dma_wait3A_793 : memref<192xf32, #tpu.memory_space<vmem>>)
      %scan3A_795 = arith.constant 0 : i32
      %scan3A_796 = arith.constant 12 : i32
      %scan3A_797 = arith.addi %scan3A_795, %scan3A_796 : i32
      %scan3A_798 = arith.constant 1 : i32
      scf.for %scan3A_837 = %scan3A_795 to %scan3A_797 step %scan3A_798  : i32 {
        %mul3A_838 = arith.constant 1 : i32
        %mul3A_839 = arith.muli %scan3A_837, %mul3A_838 : i32
        %add3A_840 = arith.constant 0 : i32
        %add3A_841 = arith.addi %add3A_840, %mul3A_839 : i32
        %mul3A_842 = arith.constant 16 : i32
        %mul3A_843 = arith.muli %add3A_841, %mul3A_842 : i32
        %get3A = arith.index_cast %mul3A_843 : i32 to index
        %get3A_844 = tpu.vector_load %arg6[%get3A] {strides = array<i32>} : memref<576xf32, #tpu.memory_space<vmem>>, vector<16xf32>,
        %add3A_845 = arith.constant 192 : i32
        %add3A_846 = arith.addi %add3A_845, %mul3A_843 : i32
        %get3A_847 = arith.index_cast %add3A_846 : i32 to index
        %get3A_848 = tpu.vector_load %arg6[%get3A_847] {strides = array<i32>} : memref<576xf32, #tpu.memory_space<vmem>>, vector<16xf32>,
        %add3A_849 = arith.constant 384 : i32
        %add3A_850 = arith.addi %add3A_849, %mul3A_843 : i32
        %get3A_851 = arith.index_cast %add3A_850 : i32 to index
        %get3A_852 = tpu.vector_load %arg6[%get3A_851] {strides = array<i32>} : memref<576xf32, #tpu.memory_space<vmem>>, vector<16xf32>,
        %convert_element_type3A_853 = arith.fptosi %get3A_844 : vector<16xf32> to vector<16xi32>
        %convert_element_type3A_854 = arith.fptosi %get3A_848 : vector<16xf32> to vector<16xi32>
        %convert_element_type3A_855 = arith.fptosi %get3A_852 : vector<16xf32> to vector<16xi32>
        %jit3A_856 = arith.constant 0 : i32
        %jit3A_857 = arith.constant 127 : i32
        %max3A = vector.broadcast %jit3A_856 : i32 to vector<16xi32>
        %max3A_858 = arith.maxsi %max3A, %convert_element_type3A_853 : vector<16xi32>
        %min3A = vector.broadcast %jit3A_857 : i32 to vector<16xi32>
        %min3A_859 = arith.minsi %min3A, %max3A_858 : vector<16xi32>
        %add3A_860 = arith.constant 1 : i32
        %add3A_861 = vector.broadcast %add3A_860 : i32 to vector<16xi32>
        %add3A_862 = arith.addi %convert_element_type3A_853, %add3A_861 : vector<16xi32>
        %jit3A_863 = arith.constant 0 : i32
        %jit3A_864 = arith.constant 127 : i32
        %max3A_865 = vector.broadcast %jit3A_863 : i32 to vector<16xi32>
        %max3A_866 = arith.maxsi %max3A_865, %add3A_862 : vector<16xi32>
        %min3A_867 = vector.broadcast %jit3A_864 : i32 to vector<16xi32>
        %min3A_868 = arith.minsi %min3A_867, %max3A_866 : vector<16xi32>
        %jit3A_869 = arith.constant 0 : i32
        %jit3A_870 = arith.constant 127 : i32
        %max3A_871 = vector.broadcast %jit3A_869 : i32 to vector<16xi32>
        %max3A_872 = arith.maxsi %max3A_871, %convert_element_type3A_854 : vector<16xi32>
        %min3A_873 = vector.broadcast %jit3A_870 : i32 to vector<16xi32>
        %min3A_874 = arith.minsi %min3A_873, %max3A_872 : vector<16xi32>
        %jit3A_875 = arith.constant 0 : i32
        %jit3A_876 = arith.constant 127 : i32
        %max3A_877 = vector.broadcast %jit3A_875 : i32 to vector<16xi32>
        %max3A_878 = arith.maxsi %max3A_877, %convert_element_type3A_855 : vector<16xi32>
        %min3A_879 = vector.broadcast %jit3A_876 : i32 to vector<16xi32>
        %min3A_880 = arith.minsi %min3A_879, %max3A_878 : vector<16xi32>
        %mul3A_881 = arith.constant 128 : i32
        %mul3A_882 = vector.broadcast %mul3A_881 : i32 to vector<16xi32>
        %mul3A_883 = arith.muli %min3A_874, %mul3A_882 : vector<16xi32>
        %add3A_884 = arith.addi %mul3A_883, %min3A_880 : vector<16xi32>
        %add3A_885 = vector.broadcast %mul3A_20 : i32 to vector<16xi32>
        %add3A_886 = arith.addi %add3A_884, %add3A_885 : vector<16xi32>
        %mul3A_887 = arith.constant 16384 : i32
        %mul3A_888 = vector.broadcast %mul3A_887 : i32 to vector<16xi32>
        %mul3A_889 = arith.muli %min3A_859, %mul3A_888 : vector<16xi32>
        %add3A_890 = arith.addi %add3A_886, %mul3A_889 : vector<16xi32>
        %mul3A_891 = arith.constant 16384 : i32
        %mul3A_892 = vector.broadcast %mul3A_891 : i32 to vector<16xi32>
        %mul3A_893 = arith.muli %min3A_868, %mul3A_892 : vector<16xi32>
        %add3A_894 = arith.addi %add3A_886, %mul3A_893 : vector<16xi32>
        %add3A_895 = vector.broadcast %mul3A_843 : i32 to vector<16xi32>
        %add3A_896 = arith.addi %iota3A, %add3A_895 : vector<16xi32>
        %add3A_897 = arith.constant 192 : i32
        %add3A_898 = vector.broadcast %add3A_897 : i32 to vector<16xi32>
        %add3A_899 = arith.addi %add3A_896, %add3A_898 : vector<16xi32>
        %shift_right_arithmetic3A = arith.constant 7 : i32
        %shift_right_arithmetic3A_900 = vector.broadcast %shift_right_arithmetic3A : i32 to vector<16xi32>
        %shift_right_arithmetic3A_901 = arith.shrsi %add3A_896, %shift_right_arithmetic3A_900 : vector<16xi32>
        %and3A_902 = arith.constant 127 : i32
        %and3A_903 = vector.broadcast %and3A_902 : i32 to vector<16xi32>
        %and3A_904 = arith.andi %add3A_896, %and3A_903 : vector<16xi32>
        %shift_right_arithmetic3A_905 = arith.constant 3 : i32
        %shift_right_arithmetic3A_906 = vector.broadcast %shift_right_arithmetic3A_905 : i32 to vector<16xi32>
        %shift_right_arithmetic3A_907 = arith.shrsi %add3A_890, %shift_right_arithmetic3A_906 : vector<16xi32>
        tpu.vector_store_idx %arg8[%shift_right_arithmetic3A_901, %and3A_904], %shift_right_arithmetic3A_907 : memref<3x128xi32, #tpu.memory_space<vmem>>[vector<16xi32>, vector<16xi32>], vector<16xi32>,
        %shift_right_arithmetic3A_908 = arith.constant 7 : i32
        %shift_right_arithmetic3A_909 = vector.broadcast %shift_right_arithmetic3A_908 : i32 to vector<16xi32>
        %shift_right_arithmetic3A_910 = arith.shrsi %add3A_899, %shift_right_arithmetic3A_909 : vector<16xi32>
        %and3A_911 = arith.constant 127 : i32
        %and3A_912 = vector.broadcast %and3A_911 : i32 to vector<16xi32>
        %and3A_913 = arith.andi %add3A_899, %and3A_912 : vector<16xi32>
        %shift_right_arithmetic3A_914 = arith.constant 3 : i32
        %shift_right_arithmetic3A_915 = vector.broadcast %shift_right_arithmetic3A_914 : i32 to vector<16xi32>
        %shift_right_arithmetic3A_916 = arith.shrsi %add3A_894, %shift_right_arithmetic3A_915 : vector<16xi32>
        tpu.vector_store_idx %arg8[%shift_right_arithmetic3A_910, %and3A_913], %shift_right_arithmetic3A_916 : memref<3x128xi32, #tpu.memory_space<vmem>>[vector<16xi32>, vector<16xi32>], vector<16xi32>,
        %and3A_917 = arith.constant 7 : i32
        %and3A_918 = vector.broadcast %and3A_917 : i32 to vector<16xi32>
        %and3A_919 = arith.andi %add3A_890, %and3A_918 : vector<16xi32>
        %mul3A_920 = arith.constant 16 : i32
        %mul3A_921 = vector.broadcast %mul3A_920 : i32 to vector<16xi32>
        %mul3A_922 = arith.muli %and3A_919, %mul3A_921 : vector<16xi32>
        %swap3A = arith.index_cast %mul3A_843 : i32 to index
        %swap3A_923 = tpu.vector_load %arg14[%swap3A] {strides = array<i32>} : memref<384xi32, #tpu.memory_space<vmem>>, vector<16xi32>,
        tpu.vector_store %arg14[%swap3A], %mul3A_922 {strides = array<i32>} : memref<384xi32, #tpu.memory_space<vmem>>, vector<16xi32>,
        %and3A_924 = arith.constant 7 : i32
        %and3A_925 = vector.broadcast %and3A_924 : i32 to vector<16xi32>
        %and3A_926 = arith.andi %add3A_894, %and3A_925 : vector<16xi32>
        %mul3A_927 = arith.constant 16 : i32
        %mul3A_928 = vector.broadcast %mul3A_927 : i32 to vector<16xi32>
        %mul3A_929 = arith.muli %and3A_926, %mul3A_928 : vector<16xi32>
        %add3A_930 = arith.constant 192 : i32
        %add3A_931 = arith.addi %add3A_930, %mul3A_843 : i32
        %swap3A_932 = arith.index_cast %add3A_931 : i32 to index
        %swap3A_933 = tpu.vector_load %arg14[%swap3A_932] {strides = array<i32>} : memref<384xi32, #tpu.memory_space<vmem>>, vector<16xi32>,
        tpu.vector_store %arg14[%swap3A_932], %mul3A_929 {strides = array<i32>} : memref<384xi32, #tpu.memory_space<vmem>>, vector<16xi32>,
        %convert_element_type3A_934 = arith.fptosi %get3A_844 : vector<16xf32> to vector<16xi32>
        %convert_element_type3A_935 = arith.sitofp %convert_element_type3A_934 : vector<16xi32> to vector<16xf32>
        %sub3A_936 = arith.subf %get3A_844, %convert_element_type3A_935 : vector<16xf32>
        %swap3A_937 = arith.index_cast %mul3A_843 : i32 to index
        %swap3A_938 = tpu.vector_load %arg16[%swap3A_937] {strides = array<i32>} : memref<576xf32, #tpu.memory_space<vmem>>, vector<16xf32>,
        tpu.vector_store %arg16[%swap3A_937], %sub3A_936 {strides = array<i32>} : memref<576xf32, #tpu.memory_space<vmem>>, vector<16xf32>,
        %convert_element_type3A_939 = arith.fptosi %get3A_848 : vector<16xf32> to vector<16xi32>
        %convert_element_type3A_940 = arith.sitofp %convert_element_type3A_939 : vector<16xi32> to vector<16xf32>
        %sub3A_941 = arith.subf %get3A_848, %convert_element_type3A_940 : vector<16xf32>
        %add3A_942 = arith.constant 192 : i32
        %add3A_943 = arith.addi %add3A_942, %mul3A_843 : i32
        %swap3A_944 = arith.index_cast %add3A_943 : i32 to index
        %swap3A_945 = tpu.vector_load %arg16[%swap3A_944] {strides = array<i32>} : memref<576xf32, #tpu.memory_space<vmem>>, vector<16xf32>,
        tpu.vector_store %arg16[%swap3A_944], %sub3A_941 {strides = array<i32>} : memref<576xf32, #tpu.memory_space<vmem>>, vector<16xf32>,
        %convert_element_type3A_946 = arith.fptosi %get3A_852 : vector<16xf32> to vector<16xi32>
        %convert_element_type3A_947 = arith.sitofp %convert_element_type3A_946 : vector<16xi32> to vector<16xf32>
        %sub3A_948 = arith.subf %get3A_852, %convert_element_type3A_947 : vector<16xf32>
        %add3A_949 = arith.constant 384 : i32
        %add3A_950 = arith.addi %add3A_949, %mul3A_843 : i32
        %swap3A_951 = arith.index_cast %add3A_950 : i32 to index
        %swap3A_952 = tpu.vector_load %arg16[%swap3A_951] {strides = array<i32>} : memref<576xf32, #tpu.memory_space<vmem>>, vector<16xf32>,
        tpu.vector_store %arg16[%swap3A_951], %sub3A_948 {strides = array<i32>} : memref<576xf32, #tpu.memory_space<vmem>>, vector<16xf32>,
      }
      %scan3A_799 = arith.constant 12 : i32
      %dma_start3A_800 = arith.constant 0 : i32
      %dma_start3A_801 = arith.constant 0 : i32
      %dma_start3A_802 = arith.constant 0 : i32
      %dma_start3A_803 = tpu.memref_slice %arg10[%dma_start3A_801, %dma_start3A_802] : memref<384x128xf32, #tpu.memory_space<vmem>> -> memref<128x128xf32, #tpu.memory_space<vmem>>
      %dma_start3A_804 = arith.constant 0 : i32
      %dma_start3A_805 = tpu.memref_slice %arg8[%dma_start3A_800, %dma_start3A_804] : memref<3x128xi32, #tpu.memory_space<vmem>> -> memref<1x128xi32, #tpu.memory_space<vmem>>
      %dma_start3A_806 = tpu.memref_squeeze %dma_start3A_805 : memref<1x128xi32, #tpu.memory_space<vmem>> -> memref<128xi32, #tpu.memory_space<vmem>>
      %dma_start3A_807 = arith.constant 0 : i32
      %dma_start3A_808 = arith.constant 0 : i32
      %dma_start3A_809 = tpu.memref_slice %arg2[%dma_start3A_807, %dma_start3A_808] : memref<524288x128xf32, #tpu.memory_space<hbm>> -> memref<524288x128xf32, #tpu.memory_space<hbm>>
      tpu.enqueue_indirect_dma source(%dma_start3A_809 : memref<524288x128xf32, #tpu.memory_space<hbm>>) target(%dma_start3A_803 : memref<128x128xf32, #tpu.memory_space<vmem>>) offsets(%dma_start3A_806 : memref<128xi32, #tpu.memory_space<vmem>>) semaphore(%arg18 : memref<!tpu.dma_semaphore, #tpu.memory_space<semaphore_mem>>)
      %dma_start3A_810 = arith.constant 1 : i32
      %dma_start3A_811 = arith.constant 128 : i32
      %dma_start3A_812 = arith.constant 0 : i32
      %dma_start3A_813 = tpu.memref_slice %arg10[%dma_start3A_811, %dma_start3A_812] : memref<384x128xf32, #tpu.memory_space<vmem>> -> memref<128x128xf32, #tpu.memory_space<vmem>>
      %dma_start3A_814 = arith.constant 0 : i32
      %dma_start3A_815 = tpu.memref_slice %arg8[%dma_start3A_810, %dma_start3A_814] : memref<3x128xi32, #tpu.memory_space<vmem>> -> memref<1x128xi32, #tpu.memory_space<vmem>>
      %dma_start3A_816 = tpu.memref_squeeze %dma_start3A_815 : memref<1x128xi32, #tpu.memory_space<vmem>> -> memref<128xi32, #tpu.memory_space<vmem>>
      %dma_start3A_817 = arith.constant 0 : i32
      %dma_start3A_818 = arith.constant 0 : i32
      %dma_start3A_819 = tpu.memref_slice %arg2[%dma_start3A_817, %dma_start3A_818] : memref<524288x128xf32, #tpu.memory_space<hbm>> -> memref<524288x128xf32, #tpu.memory_space<hbm>>
      tpu.enqueue_indirect_dma source(%dma_start3A_819 : memref<524288x128xf32, #tpu.memory_space<hbm>>) target(%dma_start3A_813 : memref<128x128xf32, #tpu.memory_space<vmem>>) offsets(%dma_start3A_816 : memref<128xi32, #tpu.memory_space<vmem>>) semaphore(%arg18 : memref<!tpu.dma_semaphore, #tpu.memory_space<semaphore_mem>>)
      %dma_start3A_820 = arith.constant 2 : i32
      %dma_start3A_821 = arith.constant 256 : i32
      %dma_start3A_822 = arith.constant 0 : i32
      %dma_start3A_823 = tpu.memref_slice %arg10[%dma_start3A_821, %dma_start3A_822] : memref<384x128xf32, #tpu.memory_space<vmem>> -> memref<128x128xf32, #tpu.memory_space<vmem>>
      %dma_start3A_824 = arith.constant 0 : i32
      %dma_start3A_825 = tpu.memref_slice %arg8[%dma_start3A_820, %dma_start3A_824] : memref<3x128xi32, #tpu.memory_space<vmem>> -> memref<1x128xi32, #tpu.memory_space<vmem>>
      %dma_start3A_826 = tpu.memref_squeeze %dma_start3A_825 : memref<1x128xi32, #tpu.memory_space<vmem>> -> memref<128xi32, #tpu.memory_space<vmem>>
      %dma_start3A_827 = arith.constant 0 : i32
      %dma_start3A_828 = arith.constant 0 : i32
      %dma_start3A_829 = tpu.memref_slice %arg2[%dma_start3A_827, %dma_start3A_828] : memref<524288x128xf32, #tpu.memory_space<hbm>> -> memref<524288x128xf32, #tpu.memory_space<hbm>>
      tpu.enqueue_indirect_dma source(%dma_start3A_829 : memref<524288x128xf32, #tpu.memory_space<hbm>>) target(%dma_start3A_823 : memref<128x128xf32, #tpu.memory_space<vmem>>) offsets(%dma_start3A_826 : memref<128xi32, #tpu.memory_space<vmem>>) semaphore(%arg18 : memref<!tpu.dma_semaphore, #tpu.memory_space<semaphore_mem>>)
      %add3A_830 = arith.constant 5 : i32
      %add3A_831 = arith.addi %mul3A_543, %add3A_830 : i32
      %lt3A_832 = arith.constant 288 : i32
      %lt3A_833 = arith.cmpi slt, %add3A_831, %lt3A_832 : i32
      %convert_element_type3A_834 = arith.extui %lt3A_833 : i1 to i32
      %cond3A_835 = arith.constant 0 : i32
      %cond3A_836 = arith.cmpi ne, %convert_element_type3A_834, %cond3A_835 : i32
      scf.if %cond3A_836 {
        %add3A_837 = arith.constant 5 : i32
        %add3A_838 = arith.addi %mul3A_543, %add3A_837 : i32
        %mul3A_839 = arith.constant 192 : i32
        %mul3A_840 = arith.muli %add3A_838, %mul3A_839 : i32
        %add3A_841 = arith.addi %mul3A_22, %mul3A_840 : i32
        %jit3A_842 = arith.constant 9216 : i32
        %div3A_843 = arith.divsi %add3A_841, %jit3A_842 : i32
        %sign3A_844 = arith.constant 0 : i32
        %sign3A_845 = arith.cmpi sgt, %add3A_841, %sign3A_844 : i32
        %sign3A_846 = arith.extui %sign3A_845 : i1 to i32
        %sign3A_847 = arith.constant 0 : i32
        %sign3A_848 = arith.cmpi slt, %add3A_841, %sign3A_847 : i32
        %sign3A_849 = arith.extui %sign3A_848 : i1 to i32
        %sign3A_850 = arith.subi %sign3A_846, %sign3A_849 : i32
        %sign3A_851 = arith.constant 0 : i32
        %sign3A_852 = arith.cmpi sgt, %jit3A_842, %sign3A_851 : i32
        %sign3A_853 = arith.extui %sign3A_852 : i1 to i32
        %sign3A_854 = arith.constant 0 : i32
        %sign3A_855 = arith.cmpi slt, %jit3A_842, %sign3A_854 : i32
        %sign3A_856 = arith.extui %sign3A_855 : i1 to i32
        %sign3A_857 = arith.subi %sign3A_853, %sign3A_856 : i32
        %ne3A_858 = arith.cmpi ne, %sign3A_850, %sign3A_857 : i32
        %rem3A_859 = arith.remsi %add3A_841, %jit3A_842 : i32
        %ne3A_860 = arith.constant 0 : i32
        %ne3A_861 = arith.cmpi ne, %rem3A_859, %ne3A_860 : i32
        %and3A_862 = arith.andi %ne3A_858, %ne3A_861 : i1
        %sub3A_863 = arith.constant 1 : i32
        %sub3A_864 = arith.subi %div3A_843, %sub3A_863 : i32
        %select_n3A_865 = arith.select %and3A_862, %sub3A_864, %div3A_843 : i32
        %mul3A_866 = arith.constant 9216 : i32
        %mul3A_867 = arith.muli %select_n3A_865, %mul3A_866 : i32
        %sub3A_868 = arith.subi %add3A_841, %mul3A_867 : i32
        %mul3A_869 = arith.constant 27648 : i32
        %mul3A_870 = arith.muli %select_n3A_865, %mul3A_869 : i32
        %add3A_871 = arith.addi %mul3A_870, %sub3A_868 : i32
        %add3A_872 = arith.constant 9216 : i32
        %add3A_873 = arith.addi %add3A_871, %add3A_872 : i32
        %add3A_874 = arith.constant 18432 : i32
        %add3A_875 = arith.addi %add3A_871, %add3A_874 : i32
        %dma_start3A_876 = arith.constant 0 : i32
        %dma_start3A_877 = tpu.memref_slice %arg6[%dma_start3A_876] : memref<576xf32, #tpu.memory_space<vmem>> -> memref<192xf32, #tpu.memory_space<vmem>>
        %dma_start3A_878 = tpu.memref_slice %arg3[%add3A_871] : memref<5308416xf32, #tpu.memory_space<hbm>> -> memref<192xf32, #tpu.memory_space<hbm>>
        %dma_start3A_879 = arith.constant 0 : i32
        %dma_start3A_880 = tpu.memref_slice %arg6[%dma_start3A_879] : memref<576xf32, #tpu.memory_space<vmem>> -> memref<192xf32, #tpu.memory_space<vmem>>
        %dma_start3A_881 = tpu.memref_slice %arg3[%add3A_871] : memref<5308416xf32, #tpu.memory_space<hbm>> -> memref<192xf32, #tpu.memory_space<hbm>>
        tpu.enqueue_dma source(%dma_start3A_881 : memref<192xf32, #tpu.memory_space<hbm>>) target(%dma_start3A_880 : memref<192xf32, #tpu.memory_space<vmem>>) target_semaphore(%arg20 : memref<!tpu.dma_semaphore, #tpu.memory_space<semaphore_mem>>)
        %dma_start3A_882 = arith.constant 192 : i32
        %dma_start3A_883 = tpu.memref_slice %arg6[%dma_start3A_882] : memref<576xf32, #tpu.memory_space<vmem>> -> memref<192xf32, #tpu.memory_space<vmem>>
        %dma_start3A_884 = tpu.memref_slice %arg3[%add3A_873] : memref<5308416xf32, #tpu.memory_space<hbm>> -> memref<192xf32, #tpu.memory_space<hbm>>
        %dma_start3A_885 = arith.constant 192 : i32
        %dma_start3A_886 = tpu.memref_slice %arg6[%dma_start3A_885] : memref<576xf32, #tpu.memory_space<vmem>> -> memref<192xf32, #tpu.memory_space<vmem>>
        %dma_start3A_887 = tpu.memref_slice %arg3[%add3A_873] : memref<5308416xf32, #tpu.memory_space<hbm>> -> memref<192xf32, #tpu.memory_space<hbm>>
        tpu.enqueue_dma source(%dma_start3A_887 : memref<192xf32, #tpu.memory_space<hbm>>) target(%dma_start3A_886 : memref<192xf32, #tpu.memory_space<vmem>>) target_semaphore(%arg20 : memref<!tpu.dma_semaphore, #tpu.memory_space<semaphore_mem>>)
        %dma_start3A_888 = arith.constant 384 : i32
        %dma_start3A_889 = tpu.memref_slice %arg6[%dma_start3A_888] : memref<576xf32, #tpu.memory_space<vmem>> -> memref<192xf32, #tpu.memory_space<vmem>>
        %dma_start3A_890 = tpu.memref_slice %arg3[%add3A_875] : memref<5308416xf32, #tpu.memory_space<hbm>> -> memref<192xf32, #tpu.memory_space<hbm>>
        %dma_start3A_891 = arith.constant 384 : i32
        %dma_start3A_892 = tpu.memref_slice %arg6[%dma_start3A_891] : memref<576xf32, #tpu.memory_space<vmem>> -> memref<192xf32, #tpu.memory_space<vmem>>
        %dma_start3A_893 = tpu.memref_slice %arg3[%add3A_875] : memref<5308416xf32, #tpu.memory_space<hbm>> -> memref<192xf32, #tpu.memory_space<hbm>>
        tpu.enqueue_dma source(%dma_start3A_893 : memref<192xf32, #tpu.memory_space<hbm>>) target(%dma_start3A_892 : memref<192xf32, #tpu.memory_space<vmem>>) target_semaphore(%arg20 : memref<!tpu.dma_semaphore, #tpu.memory_space<semaphore_mem>>)
      } else {
      }
    }
    %scan3A_433 = arith.constant 143 : i32
    %mul3A_434 = arith.constant 286 : i32
    %mul3A_435 = arith.constant 192 : i32
    %mul3A_436 = arith.muli %mul3A_434, %mul3A_435 : i32
    %add3A_437 = arith.addi %mul3A_22, %mul3A_436 : i32
    %dma_wait3A_438 = arith.constant 0 : i32
    %dma_wait3A_439 = arith.constant 0 : i32
    %dma_wait3A_440 = arith.constant 0 : i32
    %dma_wait3A_441 = tpu.memref_slice %arg9[%dma_wait3A_439, %dma_wait3A_440] : memref<384x128xf32, #tpu.memory_space<vmem>> -> memref<128x128xf32, #tpu.memory_space<vmem>>
    %dma_wait3A_442 = arith.constant 0 : i32
    %dma_wait3A_443 = tpu.memref_slice %arg7[%dma_wait3A_438, %dma_wait3A_442] : memref<3x128xi32, #tpu.memory_space<vmem>> -> memref<1x128xi32, #tpu.memory_space<vmem>>
    %dma_wait3A_444 = tpu.memref_squeeze %dma_wait3A_443 : memref<1x128xi32, #tpu.memory_space<vmem>> -> memref<128xi32, #tpu.memory_space<vmem>>
    %dma_wait3A_445 = arith.constant 0 : i32
    %dma_wait3A_446 = arith.constant 0 : i32
    %dma_wait3A_447 = tpu.memref_slice %arg2[%dma_wait3A_445, %dma_wait3A_446] : memref<524288x128xf32, #tpu.memory_space<hbm>> -> memref<524288x128xf32, #tpu.memory_space<hbm>>
    tpu.wait_indirect_dma semaphore(%arg17 : memref<!tpu.dma_semaphore, #tpu.memory_space<semaphore_mem>>) src(%dma_wait3A_447 : memref<524288x128xf32, #tpu.memory_space<hbm>>) dst(%dma_wait3A_441 : memref<128x128xf32, #tpu.memory_space<vmem>>)
    %dma_wait3A_448 = arith.constant 1 : i32
    %dma_wait3A_449 = arith.constant 128 : i32
    %dma_wait3A_450 = arith.constant 0 : i32
    %dma_wait3A_451 = tpu.memref_slice %arg9[%dma_wait3A_449, %dma_wait3A_450] : memref<384x128xf32, #tpu.memory_space<vmem>> -> memref<128x128xf32, #tpu.memory_space<vmem>>
    %dma_wait3A_452 = arith.constant 0 : i32
    %dma_wait3A_453 = tpu.memref_slice %arg7[%dma_wait3A_448, %dma_wait3A_452] : memref<3x128xi32, #tpu.memory_space<vmem>> -> memref<1x128xi32, #tpu.memory_space<vmem>>
    %dma_wait3A_454 = tpu.memref_squeeze %dma_wait3A_453 : memref<1x128xi32, #tpu.memory_space<vmem>> -> memref<128xi32, #tpu.memory_space<vmem>>
    %dma_wait3A_455 = arith.constant 0 : i32
    %dma_wait3A_456 = arith.constant 0 : i32
    %dma_wait3A_457 = tpu.memref_slice %arg2[%dma_wait3A_455, %dma_wait3A_456] : memref<524288x128xf32, #tpu.memory_space<hbm>> -> memref<524288x128xf32, #tpu.memory_space<hbm>>
    tpu.wait_indirect_dma semaphore(%arg17 : memref<!tpu.dma_semaphore, #tpu.memory_space<semaphore_mem>>) src(%dma_wait3A_457 : memref<524288x128xf32, #tpu.memory_space<hbm>>) dst(%dma_wait3A_451 : memref<128x128xf32, #tpu.memory_space<vmem>>)
    %dma_wait3A_458 = arith.constant 2 : i32
    %dma_wait3A_459 = arith.constant 256 : i32
    %dma_wait3A_460 = arith.constant 0 : i32
    %dma_wait3A_461 = tpu.memref_slice %arg9[%dma_wait3A_459, %dma_wait3A_460] : memref<384x128xf32, #tpu.memory_space<vmem>> -> memref<128x128xf32, #tpu.memory_space<vmem>>
    %dma_wait3A_462 = arith.constant 0 : i32
    %dma_wait3A_463 = tpu.memref_slice %arg7[%dma_wait3A_458, %dma_wait3A_462] : memref<3x128xi32, #tpu.memory_space<vmem>> -> memref<1x128xi32, #tpu.memory_space<vmem>>
    %dma_wait3A_464 = tpu.memref_squeeze %dma_wait3A_463 : memref<1x128xi32, #tpu.memory_space<vmem>> -> memref<128xi32, #tpu.memory_space<vmem>>
    %dma_wait3A_465 = arith.constant 0 : i32
    %dma_wait3A_466 = arith.constant 0 : i32
    %dma_wait3A_467 = tpu.memref_slice %arg2[%dma_wait3A_465, %dma_wait3A_466] : memref<524288x128xf32, #tpu.memory_space<hbm>> -> memref<524288x128xf32, #tpu.memory_space<hbm>>
    tpu.wait_indirect_dma semaphore(%arg17 : memref<!tpu.dma_semaphore, #tpu.memory_space<semaphore_mem>>) src(%dma_wait3A_467 : memref<524288x128xf32, #tpu.memory_space<hbm>>) dst(%dma_wait3A_461 : memref<128x128xf32, #tpu.memory_space<vmem>>)
    %ge3A = arith.constant 286 : i32
    %ge3A_468 = arith.constant 2 : i32
    %ge3A_469 = arith.cmpi sge, %ge3A, %ge3A_468 : i32
    %convert_element_type3A = arith.extui %ge3A_469 : i1 to i32
    %cond3A = arith.constant 0 : i32
    %cond3A_470 = arith.cmpi ne, %convert_element_type3A, %cond3A : i32
    scf.if %cond3A_470 {
      %dma_wait3A_537 = arith.constant 0 : i32
      %dma_wait3A_538 = tpu.memref_slice %arg4[%dma_wait3A_537] : memref<7077888xf32, #tpu.memory_space<hbm>> -> memref<768xf32, #tpu.memory_space<hbm>>
      %dma_wait3A_539 = arith.constant 0 : i32
      %dma_wait3A_540 = tpu.memref_slice %arg4[%dma_wait3A_539] : memref<7077888xf32, #tpu.memory_space<hbm>> -> memref<768xf32, #tpu.memory_space<hbm>>
      tpu.wait_dma2 semaphore(%arg21 : memref<!tpu.dma_semaphore, #tpu.memory_space<semaphore_mem>>) src(%arg11 : memref<768xf32, #tpu.memory_space<vmem>>) dst(%dma_wait3A_540 : memref<768xf32, #tpu.memory_space<hbm>>)
    } else {
    }
    %scan3A_471 = arith.constant 0 : i32
    %scan3A_472 = arith.constant 12 : i32
    %scan3A_473 = arith.addi %scan3A_471, %scan3A_472 : i32
    %scan3A_474 = arith.constant 1 : i32
    scf.for %scan3A_537 = %scan3A_471 to %scan3A_473 step %scan3A_474  : i32 {
      %mul3A_538 = arith.constant 1 : i32
      %mul3A_539 = arith.muli %scan3A_537, %mul3A_538 : i32
      %add3A_540 = arith.constant 0 : i32
      %add3A_541 = arith.addi %add3A_540, %mul3A_539 : i32
      %mul3A_542 = arith.constant 16 : i32
      %mul3A_543 = arith.muli %add3A_541, %mul3A_542 : i32
      %get3A = arith.index_cast %mul3A_543 : i32 to index
      %get3A_544 = tpu.vector_load %arg15[%get3A] {strides = array<i32>} : memref<576xf32, #tpu.memory_space<vmem>>, vector<16xf32>,
      %add3A_545 = arith.constant 192 : i32
      %add3A_546 = arith.addi %add3A_545, %mul3A_543 : i32
      %get3A_547 = arith.index_cast %add3A_546 : i32 to index
      %get3A_548 = tpu.vector_load %arg15[%get3A_547] {strides = array<i32>} : memref<576xf32, #tpu.memory_space<vmem>>, vector<16xf32>,
      %add3A_549 = arith.constant 384 : i32
      %add3A_550 = arith.addi %add3A_549, %mul3A_543 : i32
      %get3A_551 = arith.index_cast %add3A_550 : i32 to index
      %get3A_552 = tpu.vector_load %arg15[%get3A_551] {strides = array<i32>} : memref<576xf32, #tpu.memory_space<vmem>>, vector<16xf32>,
      %sub3A_553 = arith.subf %broadcast_in_dim3A_25, %get3A_544 : vector<16xf32>
      %sub3A_554 = arith.subf %broadcast_in_dim3A_25, %get3A_548 : vector<16xf32>
      %sub3A_555 = arith.subf %broadcast_in_dim3A_25, %get3A_552 : vector<16xf32>
      %mul3A_556 = arith.mulf %sub3A_554, %sub3A_555 : vector<16xf32>
      %mul3A_557 = arith.mulf %sub3A_554, %get3A_552 : vector<16xf32>
      %mul3A_558 = arith.mulf %get3A_548, %sub3A_555 : vector<16xf32>
      %mul3A_559 = arith.mulf %get3A_548, %get3A_552 : vector<16xf32>
      %add3A_560 = vector.broadcast %mul3A_543 : i32 to vector<16xi32>
      %add3A_561 = arith.addi %iota3A, %add3A_560 : vector<16xi32>
      %add3A_562 = arith.constant 192 : i32
      %add3A_563 = arith.addi %mul3A_543, %add3A_562 : i32
      %add3A_564 = vector.broadcast %add3A_563 : i32 to vector<16xi32>
      %add3A_565 = arith.addi %iota3A, %add3A_564 : vector<16xi32>
      %get3A_566 = arith.index_cast %mul3A_543 : i32 to index
      %get3A_567 = tpu.vector_load %arg13[%get3A_566] {strides = array<i32>} : memref<384xi32, #tpu.memory_space<vmem>>, vector<16xi32>,
      %add3A_568 = arith.constant 192 : i32
      %add3A_569 = arith.addi %add3A_568, %mul3A_543 : i32
      %get3A_570 = arith.index_cast %add3A_569 : i32 to index
      %get3A_571 = tpu.vector_load %arg13[%get3A_570] {strides = array<i32>} : memref<384xi32, #tpu.memory_space<vmem>>, vector<16xi32>,
      %add3A_572 = arith.constant 0 : i32
      %add3A_573 = vector.broadcast %add3A_572 : i32 to vector<16xi32>
      %add3A_574 = arith.addi %get3A_567, %add3A_573 : vector<16xi32>
      %gather3A = tpu.vector_load_idx %arg9[%add3A_561, %add3A_574] : memref<384x128xf32, #tpu.memory_space<vmem>>[vector<16xi32>, vector<16xi32>], vector<16xf32>,
      %mul3A_575 = arith.mulf %mul3A_556, %gather3A : vector<16xf32>
      %add3A_576 = arith.addf %broadcast_in_dim3A_23, %mul3A_575 : vector<16xf32>
      %add3A_577 = arith.constant 4 : i32
      %add3A_578 = vector.broadcast %add3A_577 : i32 to vector<16xi32>
      %add3A_579 = arith.addi %get3A_567, %add3A_578 : vector<16xi32>
      %gather3A_580 = tpu.vector_load_idx %arg9[%add3A_561, %add3A_579] : memref<384x128xf32, #tpu.memory_space<vmem>>[vector<16xi32>, vector<16xi32>], vector<16xf32>,
      %mul3A_581 = arith.mulf %mul3A_557, %gather3A_580 : vector<16xf32>
      %add3A_582 = arith.addf %add3A_576, %mul3A_581 : vector<16xf32>
      %add3A_583 = arith.constant 8 : i32
      %add3A_584 = vector.broadcast %add3A_583 : i32 to vector<16xi32>
      %add3A_585 = arith.addi %get3A_567, %add3A_584 : vector<16xi32>
      %gather3A_586 = tpu.vector_load_idx %arg9[%add3A_561, %add3A_585] : memref<384x128xf32, #tpu.memory_space<vmem>>[vector<16xi32>, vector<16xi32>], vector<16xf32>,
      %mul3A_587 = arith.mulf %mul3A_558, %gather3A_586 : vector<16xf32>
      %add3A_588 = arith.addf %add3A_582, %mul3A_587 : vector<16xf32>
      %add3A_589 = arith.constant 12 : i32
      %add3A_590 = vector.broadcast %add3A_589 : i32 to vector<16xi32>
      %add3A_591 = arith.addi %get3A_567, %add3A_590 : vector<16xi32>
      %gather3A_592 = tpu.vector_load_idx %arg9[%add3A_561, %add3A_591] : memref<384x128xf32, #tpu.memory_space<vmem>>[vector<16xi32>, vector<16xi32>], vector<16xf32>,
      %mul3A_593 = arith.mulf %mul3A_559, %gather3A_592 : vector<16xf32>
      %add3A_594 = arith.addf %add3A_588, %mul3A_593 : vector<16xf32>
      %mul3A_595 = arith.mulf %sub3A_553, %add3A_594 : vector<16xf32>
      %add3A_596 = arith.addf %broadcast_in_dim3A_23, %mul3A_595 : vector<16xf32>
      %add3A_597 = arith.constant 1 : i32
      %add3A_598 = vector.broadcast %add3A_597 : i32 to vector<16xi32>
      %add3A_599 = arith.addi %get3A_567, %add3A_598 : vector<16xi32>
      %gather3A_600 = tpu.vector_load_idx %arg9[%add3A_561, %add3A_599] : memref<384x128xf32, #tpu.memory_space<vmem>>[vector<16xi32>, vector<16xi32>], vector<16xf32>,
      %mul3A_601 = arith.mulf %mul3A_556, %gather3A_600 : vector<16xf32>
      %add3A_602 = arith.addf %broadcast_in_dim3A_23, %mul3A_601 : vector<16xf32>
      %add3A_603 = arith.constant 5 : i32
      %add3A_604 = vector.broadcast %add3A_603 : i32 to vector<16xi32>
      %add3A_605 = arith.addi %get3A_567, %add3A_604 : vector<16xi32>
      %gather3A_606 = tpu.vector_load_idx %arg9[%add3A_561, %add3A_605] : memref<384x128xf32, #tpu.memory_space<vmem>>[vector<16xi32>, vector<16xi32>], vector<16xf32>,
      %mul3A_607 = arith.mulf %mul3A_557, %gather3A_606 : vector<16xf32>
      %add3A_608 = arith.addf %add3A_602, %mul3A_607 : vector<16xf32>
      %add3A_609 = arith.constant 9 : i32
      %add3A_610 = vector.broadcast %add3A_609 : i32 to vector<16xi32>
      %add3A_611 = arith.addi %get3A_567, %add3A_610 : vector<16xi32>
      %gather3A_612 = tpu.vector_load_idx %arg9[%add3A_561, %add3A_611] : memref<384x128xf32, #tpu.memory_space<vmem>>[vector<16xi32>, vector<16xi32>], vector<16xf32>,
      %mul3A_613 = arith.mulf %mul3A_558, %gather3A_612 : vector<16xf32>
      %add3A_614 = arith.addf %add3A_608, %mul3A_613 : vector<16xf32>
      %add3A_615 = arith.constant 13 : i32
      %add3A_616 = vector.broadcast %add3A_615 : i32 to vector<16xi32>
      %add3A_617 = arith.addi %get3A_567, %add3A_616 : vector<16xi32>
      %gather3A_618 = tpu.vector_load_idx %arg9[%add3A_561, %add3A_617] : memref<384x128xf32, #tpu.memory_space<vmem>>[vector<16xi32>, vector<16xi32>], vector<16xf32>,
      %mul3A_619 = arith.mulf %mul3A_559, %gather3A_618 : vector<16xf32>
      %add3A_620 = arith.addf %add3A_614, %mul3A_619 : vector<16xf32>
      %mul3A_621 = arith.mulf %sub3A_553, %add3A_620 : vector<16xf32>
      %add3A_622 = arith.addf %broadcast_in_dim3A_23, %mul3A_621 : vector<16xf32>
      %add3A_623 = arith.constant 2 : i32
      %add3A_624 = vector.broadcast %add3A_623 : i32 to vector<16xi32>
      %add3A_625 = arith.addi %get3A_567, %add3A_624 : vector<16xi32>
      %gather3A_626 = tpu.vector_load_idx %arg9[%add3A_561, %add3A_625] : memref<384x128xf32, #tpu.memory_space<vmem>>[vector<16xi32>, vector<16xi32>], vector<16xf32>,
      %mul3A_627 = arith.mulf %mul3A_556, %gather3A_626 : vector<16xf32>
      %add3A_628 = arith.addf %broadcast_in_dim3A_23, %mul3A_627 : vector<16xf32>
      %add3A_629 = arith.constant 6 : i32
      %add3A_630 = vector.broadcast %add3A_629 : i32 to vector<16xi32>
      %add3A_631 = arith.addi %get3A_567, %add3A_630 : vector<16xi32>
      %gather3A_632 = tpu.vector_load_idx %arg9[%add3A_561, %add3A_631] : memref<384x128xf32, #tpu.memory_space<vmem>>[vector<16xi32>, vector<16xi32>], vector<16xf32>,
      %mul3A_633 = arith.mulf %mul3A_557, %gather3A_632 : vector<16xf32>
      %add3A_634 = arith.addf %add3A_628, %mul3A_633 : vector<16xf32>
      %add3A_635 = arith.constant 10 : i32
      %add3A_636 = vector.broadcast %add3A_635 : i32 to vector<16xi32>
      %add3A_637 = arith.addi %get3A_567, %add3A_636 : vector<16xi32>
      %gather3A_638 = tpu.vector_load_idx %arg9[%add3A_561, %add3A_637] : memref<384x128xf32, #tpu.memory_space<vmem>>[vector<16xi32>, vector<16xi32>], vector<16xf32>,
      %mul3A_639 = arith.mulf %mul3A_558, %gather3A_638 : vector<16xf32>
      %add3A_640 = arith.addf %add3A_634, %mul3A_639 : vector<16xf32>
      %add3A_641 = arith.constant 14 : i32
      %add3A_642 = vector.broadcast %add3A_641 : i32 to vector<16xi32>
      %add3A_643 = arith.addi %get3A_567, %add3A_642 : vector<16xi32>
      %gather3A_644 = tpu.vector_load_idx %arg9[%add3A_561, %add3A_643] : memref<384x128xf32, #tpu.memory_space<vmem>>[vector<16xi32>, vector<16xi32>], vector<16xf32>,
      %mul3A_645 = arith.mulf %mul3A_559, %gather3A_644 : vector<16xf32>
      %add3A_646 = arith.addf %add3A_640, %mul3A_645 : vector<16xf32>
      %mul3A_647 = arith.mulf %sub3A_553, %add3A_646 : vector<16xf32>
      %add3A_648 = arith.addf %broadcast_in_dim3A_23, %mul3A_647 : vector<16xf32>
      %add3A_649 = arith.constant 3 : i32
      %add3A_650 = vector.broadcast %add3A_649 : i32 to vector<16xi32>
      %add3A_651 = arith.addi %get3A_567, %add3A_650 : vector<16xi32>
      %gather3A_652 = tpu.vector_load_idx %arg9[%add3A_561, %add3A_651] : memref<384x128xf32, #tpu.memory_space<vmem>>[vector<16xi32>, vector<16xi32>], vector<16xf32>,
      %mul3A_653 = arith.mulf %mul3A_556, %gather3A_652 : vector<16xf32>
      %add3A_654 = arith.addf %broadcast_in_dim3A_23, %mul3A_653 : vector<16xf32>
      %add3A_655 = arith.constant 7 : i32
      %add3A_656 = vector.broadcast %add3A_655 : i32 to vector<16xi32>
      %add3A_657 = arith.addi %get3A_567, %add3A_656 : vector<16xi32>
      %gather3A_658 = tpu.vector_load_idx %arg9[%add3A_561, %add3A_657] : memref<384x128xf32, #tpu.memory_space<vmem>>[vector<16xi32>, vector<16xi32>], vector<16xf32>,
      %mul3A_659 = arith.mulf %mul3A_557, %gather3A_658 : vector<16xf32>
      %add3A_660 = arith.addf %add3A_654, %mul3A_659 : vector<16xf32>
      %add3A_661 = arith.constant 11 : i32
      %add3A_662 = vector.broadcast %add3A_661 : i32 to vector<16xi32>
      %add3A_663 = arith.addi %get3A_567, %add3A_662 : vector<16xi32>
      %gather3A_664 = tpu.vector_load_idx %arg9[%add3A_561, %add3A_663] : memref<384x128xf32, #tpu.memory_space<vmem>>[vector<16xi32>, vector<16xi32>], vector<16xf32>,
      %mul3A_665 = arith.mulf %mul3A_558, %gather3A_664 : vector<16xf32>
      %add3A_666 = arith.addf %add3A_660, %mul3A_665 : vector<16xf32>
      %add3A_667 = arith.constant 15 : i32
      %add3A_668 = vector.broadcast %add3A_667 : i32 to vector<16xi32>
      %add3A_669 = arith.addi %get3A_567, %add3A_668 : vector<16xi32>
      %gather3A_670 = tpu.vector_load_idx %arg9[%add3A_561, %add3A_669] : memref<384x128xf32, #tpu.memory_space<vmem>>[vector<16xi32>, vector<16xi32>], vector<16xf32>,
      %mul3A_671 = arith.mulf %mul3A_559, %gather3A_670 : vector<16xf32>
      %add3A_672 = arith.addf %add3A_666, %mul3A_671 : vector<16xf32>
      %mul3A_673 = arith.mulf %sub3A_553, %add3A_672 : vector<16xf32>
      %add3A_674 = arith.addf %broadcast_in_dim3A_23, %mul3A_673 : vector<16xf32>
      %add3A_675 = arith.constant 0 : i32
      %add3A_676 = vector.broadcast %add3A_675 : i32 to vector<16xi32>
      %add3A_677 = arith.addi %get3A_571, %add3A_676 : vector<16xi32>
      %gather3A_678 = tpu.vector_load_idx %arg9[%add3A_565, %add3A_677] : memref<384x128xf32, #tpu.memory_space<vmem>>[vector<16xi32>, vector<16xi32>], vector<16xf32>,
      %mul3A_679 = arith.mulf %mul3A_556, %gather3A_678 : vector<16xf32>
      %add3A_680 = arith.addf %broadcast_in_dim3A_23, %mul3A_679 : vector<16xf32>
      %add3A_681 = arith.constant 4 : i32
      %add3A_682 = vector.broadcast %add3A_681 : i32 to vector<16xi32>
      %add3A_683 = arith.addi %get3A_571, %add3A_682 : vector<16xi32>
      %gather3A_684 = tpu.vector_load_idx %arg9[%add3A_565, %add3A_683] : memref<384x128xf32, #tpu.memory_space<vmem>>[vector<16xi32>, vector<16xi32>], vector<16xf32>,
      %mul3A_685 = arith.mulf %mul3A_557, %gather3A_684 : vector<16xf32>
      %add3A_686 = arith.addf %add3A_680, %mul3A_685 : vector<16xf32>
      %add3A_687 = arith.constant 8 : i32
      %add3A_688 = vector.broadcast %add3A_687 : i32 to vector<16xi32>
      %add3A_689 = arith.addi %get3A_571, %add3A_688 : vector<16xi32>
      %gather3A_690 = tpu.vector_load_idx %arg9[%add3A_565, %add3A_689] : memref<384x128xf32, #tpu.memory_space<vmem>>[vector<16xi32>, vector<16xi32>], vector<16xf32>,
      %mul3A_691 = arith.mulf %mul3A_558, %gather3A_690 : vector<16xf32>
      %add3A_692 = arith.addf %add3A_686, %mul3A_691 : vector<16xf32>
      %add3A_693 = arith.constant 12 : i32
      %add3A_694 = vector.broadcast %add3A_693 : i32 to vector<16xi32>
      %add3A_695 = arith.addi %get3A_571, %add3A_694 : vector<16xi32>
      %gather3A_696 = tpu.vector_load_idx %arg9[%add3A_565, %add3A_695] : memref<384x128xf32, #tpu.memory_space<vmem>>[vector<16xi32>, vector<16xi32>], vector<16xf32>,
      %mul3A_697 = arith.mulf %mul3A_559, %gather3A_696 : vector<16xf32>
      %add3A_698 = arith.addf %add3A_692, %mul3A_697 : vector<16xf32>
      %mul3A_699 = arith.mulf %get3A_544, %add3A_698 : vector<16xf32>
      %add3A_700 = arith.addf %add3A_596, %mul3A_699 : vector<16xf32>
      %add3A_701 = arith.constant 1 : i32
      %add3A_702 = vector.broadcast %add3A_701 : i32 to vector<16xi32>
      %add3A_703 = arith.addi %get3A_571, %add3A_702 : vector<16xi32>
      %gather3A_704 = tpu.vector_load_idx %arg9[%add3A_565, %add3A_703] : memref<384x128xf32, #tpu.memory_space<vmem>>[vector<16xi32>, vector<16xi32>], vector<16xf32>,
      %mul3A_705 = arith.mulf %mul3A_556, %gather3A_704 : vector<16xf32>
      %add3A_706 = arith.addf %broadcast_in_dim3A_23, %mul3A_705 : vector<16xf32>
      %add3A_707 = arith.constant 5 : i32
      %add3A_708 = vector.broadcast %add3A_707 : i32 to vector<16xi32>
      %add3A_709 = arith.addi %get3A_571, %add3A_708 : vector<16xi32>
      %gather3A_710 = tpu.vector_load_idx %arg9[%add3A_565, %add3A_709] : memref<384x128xf32, #tpu.memory_space<vmem>>[vector<16xi32>, vector<16xi32>], vector<16xf32>,
      %mul3A_711 = arith.mulf %mul3A_557, %gather3A_710 : vector<16xf32>
      %add3A_712 = arith.addf %add3A_706, %mul3A_711 : vector<16xf32>
      %add3A_713 = arith.constant 9 : i32
      %add3A_714 = vector.broadcast %add3A_713 : i32 to vector<16xi32>
      %add3A_715 = arith.addi %get3A_571, %add3A_714 : vector<16xi32>
      %gather3A_716 = tpu.vector_load_idx %arg9[%add3A_565, %add3A_715] : memref<384x128xf32, #tpu.memory_space<vmem>>[vector<16xi32>, vector<16xi32>], vector<16xf32>,
      %mul3A_717 = arith.mulf %mul3A_558, %gather3A_716 : vector<16xf32>
      %add3A_718 = arith.addf %add3A_712, %mul3A_717 : vector<16xf32>
      %add3A_719 = arith.constant 13 : i32
      %add3A_720 = vector.broadcast %add3A_719 : i32 to vector<16xi32>
      %add3A_721 = arith.addi %get3A_571, %add3A_720 : vector<16xi32>
      %gather3A_722 = tpu.vector_load_idx %arg9[%add3A_565, %add3A_721] : memref<384x128xf32, #tpu.memory_space<vmem>>[vector<16xi32>, vector<16xi32>], vector<16xf32>,
      %mul3A_723 = arith.mulf %mul3A_559, %gather3A_722 : vector<16xf32>
      %add3A_724 = arith.addf %add3A_718, %mul3A_723 : vector<16xf32>
      %mul3A_725 = arith.mulf %get3A_544, %add3A_724 : vector<16xf32>
      %add3A_726 = arith.addf %add3A_622, %mul3A_725 : vector<16xf32>
      %add3A_727 = arith.constant 2 : i32
      %add3A_728 = vector.broadcast %add3A_727 : i32 to vector<16xi32>
      %add3A_729 = arith.addi %get3A_571, %add3A_728 : vector<16xi32>
      %gather3A_730 = tpu.vector_load_idx %arg9[%add3A_565, %add3A_729] : memref<384x128xf32, #tpu.memory_space<vmem>>[vector<16xi32>, vector<16xi32>], vector<16xf32>,
      %mul3A_731 = arith.mulf %mul3A_556, %gather3A_730 : vector<16xf32>
      %add3A_732 = arith.addf %broadcast_in_dim3A_23, %mul3A_731 : vector<16xf32>
      %add3A_733 = arith.constant 6 : i32
      %add3A_734 = vector.broadcast %add3A_733 : i32 to vector<16xi32>
      %add3A_735 = arith.addi %get3A_571, %add3A_734 : vector<16xi32>
      %gather3A_736 = tpu.vector_load_idx %arg9[%add3A_565, %add3A_735] : memref<384x128xf32, #tpu.memory_space<vmem>>[vector<16xi32>, vector<16xi32>], vector<16xf32>,
      %mul3A_737 = arith.mulf %mul3A_557, %gather3A_736 : vector<16xf32>
      %add3A_738 = arith.addf %add3A_732, %mul3A_737 : vector<16xf32>
      %add3A_739 = arith.constant 10 : i32
      %add3A_740 = vector.broadcast %add3A_739 : i32 to vector<16xi32>
      %add3A_741 = arith.addi %get3A_571, %add3A_740 : vector<16xi32>
      %gather3A_742 = tpu.vector_load_idx %arg9[%add3A_565, %add3A_741] : memref<384x128xf32, #tpu.memory_space<vmem>>[vector<16xi32>, vector<16xi32>], vector<16xf32>,
      %mul3A_743 = arith.mulf %mul3A_558, %gather3A_742 : vector<16xf32>
      %add3A_744 = arith.addf %add3A_738, %mul3A_743 : vector<16xf32>
      %add3A_745 = arith.constant 14 : i32
      %add3A_746 = vector.broadcast %add3A_745 : i32 to vector<16xi32>
      %add3A_747 = arith.addi %get3A_571, %add3A_746 : vector<16xi32>
      %gather3A_748 = tpu.vector_load_idx %arg9[%add3A_565, %add3A_747] : memref<384x128xf32, #tpu.memory_space<vmem>>[vector<16xi32>, vector<16xi32>], vector<16xf32>,
      %mul3A_749 = arith.mulf %mul3A_559, %gather3A_748 : vector<16xf32>
      %add3A_750 = arith.addf %add3A_744, %mul3A_749 : vector<16xf32>
      %mul3A_751 = arith.mulf %get3A_544, %add3A_750 : vector<16xf32>
      %add3A_752 = arith.addf %add3A_648, %mul3A_751 : vector<16xf32>
      %add3A_753 = arith.constant 3 : i32
      %add3A_754 = vector.broadcast %add3A_753 : i32 to vector<16xi32>
      %add3A_755 = arith.addi %get3A_571, %add3A_754 : vector<16xi32>
      %gather3A_756 = tpu.vector_load_idx %arg9[%add3A_565, %add3A_755] : memref<384x128xf32, #tpu.memory_space<vmem>>[vector<16xi32>, vector<16xi32>], vector<16xf32>,
      %mul3A_757 = arith.mulf %mul3A_556, %gather3A_756 : vector<16xf32>
      %add3A_758 = arith.addf %broadcast_in_dim3A_23, %mul3A_757 : vector<16xf32>
      %add3A_759 = arith.constant 7 : i32
      %add3A_760 = vector.broadcast %add3A_759 : i32 to vector<16xi32>
      %add3A_761 = arith.addi %get3A_571, %add3A_760 : vector<16xi32>
      %gather3A_762 = tpu.vector_load_idx %arg9[%add3A_565, %add3A_761] : memref<384x128xf32, #tpu.memory_space<vmem>>[vector<16xi32>, vector<16xi32>], vector<16xf32>,
      %mul3A_763 = arith.mulf %mul3A_557, %gather3A_762 : vector<16xf32>
      %add3A_764 = arith.addf %add3A_758, %mul3A_763 : vector<16xf32>
      %add3A_765 = arith.constant 11 : i32
      %add3A_766 = vector.broadcast %add3A_765 : i32 to vector<16xi32>
      %add3A_767 = arith.addi %get3A_571, %add3A_766 : vector<16xi32>
      %gather3A_768 = tpu.vector_load_idx %arg9[%add3A_565, %add3A_767] : memref<384x128xf32, #tpu.memory_space<vmem>>[vector<16xi32>, vector<16xi32>], vector<16xf32>,
      %mul3A_769 = arith.mulf %mul3A_558, %gather3A_768 : vector<16xf32>
      %add3A_770 = arith.addf %add3A_764, %mul3A_769 : vector<16xf32>
      %add3A_771 = arith.constant 15 : i32
      %add3A_772 = vector.broadcast %add3A_771 : i32 to vector<16xi32>
      %add3A_773 = arith.addi %get3A_571, %add3A_772 : vector<16xi32>
      %gather3A_774 = tpu.vector_load_idx %arg9[%add3A_565, %add3A_773] : memref<384x128xf32, #tpu.memory_space<vmem>>[vector<16xi32>, vector<16xi32>], vector<16xf32>,
      %mul3A_775 = arith.mulf %mul3A_559, %gather3A_774 : vector<16xf32>
      %add3A_776 = arith.addf %add3A_770, %mul3A_775 : vector<16xf32>
      %mul3A_777 = arith.mulf %get3A_544, %add3A_776 : vector<16xf32>
      %add3A_778 = arith.addf %add3A_674, %mul3A_777 : vector<16xf32>
      %jit3A_779 = arith.constant 96 : i32
      %div3A_780 = arith.divsi %mul3A_543, %jit3A_779 : i32
      %sign3A_781 = arith.constant 0 : i32
      %sign3A_782 = arith.cmpi sgt, %mul3A_543, %sign3A_781 : i32
      %sign3A_783 = arith.extui %sign3A_782 : i1 to i32
      %sign3A_784 = arith.constant 0 : i32
      %sign3A_785 = arith.cmpi slt, %mul3A_543, %sign3A_784 : i32
      %sign3A_786 = arith.extui %sign3A_785 : i1 to i32
      %sign3A_787 = arith.subi %sign3A_783, %sign3A_786 : i32
      %sign3A_788 = arith.constant 0 : i32
      %sign3A_789 = arith.cmpi sgt, %jit3A_779, %sign3A_788 : i32
      %sign3A_790 = arith.extui %sign3A_789 : i1 to i32
      %sign3A_791 = arith.constant 0 : i32
      %sign3A_792 = arith.cmpi slt, %jit3A_779, %sign3A_791 : i32
      %sign3A_793 = arith.extui %sign3A_792 : i1 to i32
      %sign3A_794 = arith.subi %sign3A_790, %sign3A_793 : i32
      %ne3A_795 = arith.cmpi ne, %sign3A_787, %sign3A_794 : i32
      %rem3A_796 = arith.remsi %mul3A_543, %jit3A_779 : i32
      %ne3A_797 = arith.constant 0 : i32
      %ne3A_798 = arith.cmpi ne, %rem3A_796, %ne3A_797 : i32
      %and3A_799 = arith.andi %ne3A_795, %ne3A_798 : i1
      %sub3A_800 = arith.constant 1 : i32
      %sub3A_801 = arith.subi %div3A_780, %sub3A_800 : i32
      %select_n3A_802 = arith.select %and3A_799, %sub3A_801, %div3A_780 : i32
      %mul3A_803 = arith.constant 96 : i32
      %mul3A_804 = arith.muli %select_n3A_802, %mul3A_803 : i32
      %sub3A_805 = arith.subi %mul3A_543, %mul3A_804 : i32
      %mul3A_806 = arith.constant 384 : i32
      %mul3A_807 = arith.muli %select_n3A_802, %mul3A_806 : i32
      %add3A_808 = arith.constant 0 : i32
      %add3A_809 = arith.addi %mul3A_807, %add3A_808 : i32
      %add3A_810 = arith.addi %add3A_809, %sub3A_805 : i32
      %swap3A = arith.index_cast %add3A_810 : i32 to index
      %swap3A_811 = tpu.vector_load %arg11[%swap3A] {strides = array<i32>} : memref<768xf32, #tpu.memory_space<vmem>>, vector<16xf32>,
      tpu.vector_store %arg11[%swap3A], %add3A_700 {strides = array<i32>} : memref<768xf32, #tpu.memory_space<vmem>>, vector<16xf32>,
      %mul3A_812 = arith.constant 384 : i32
      %mul3A_813 = arith.muli %select_n3A_802, %mul3A_812 : i32
      %add3A_814 = arith.constant 96 : i32
      %add3A_815 = arith.addi %mul3A_813, %add3A_814 : i32
      %add3A_816 = arith.addi %add3A_815, %sub3A_805 : i32
      %swap3A_817 = arith.index_cast %add3A_816 : i32 to index
      %swap3A_818 = tpu.vector_load %arg11[%swap3A_817] {strides = array<i32>} : memref<768xf32, #tpu.memory_space<vmem>>, vector<16xf32>,
      tpu.vector_store %arg11[%swap3A_817], %add3A_726 {strides = array<i32>} : memref<768xf32, #tpu.memory_space<vmem>>, vector<16xf32>,
      %mul3A_819 = arith.constant 384 : i32
      %mul3A_820 = arith.muli %select_n3A_802, %mul3A_819 : i32
      %add3A_821 = arith.constant 192 : i32
      %add3A_822 = arith.addi %mul3A_820, %add3A_821 : i32
      %add3A_823 = arith.addi %add3A_822, %sub3A_805 : i32
      %swap3A_824 = arith.index_cast %add3A_823 : i32 to index
      %swap3A_825 = tpu.vector_load %arg11[%swap3A_824] {strides = array<i32>} : memref<768xf32, #tpu.memory_space<vmem>>, vector<16xf32>,
      tpu.vector_store %arg11[%swap3A_824], %add3A_752 {strides = array<i32>} : memref<768xf32, #tpu.memory_space<vmem>>, vector<16xf32>,
      %mul3A_826 = arith.constant 384 : i32
      %mul3A_827 = arith.muli %select_n3A_802, %mul3A_826 : i32
      %add3A_828 = arith.constant 288 : i32
      %add3A_829 = arith.addi %mul3A_827, %add3A_828 : i32
      %add3A_830 = arith.addi %add3A_829, %sub3A_805 : i32
      %swap3A_831 = arith.index_cast %add3A_830 : i32 to index
      %swap3A_832 = tpu.vector_load %arg11[%swap3A_831] {strides = array<i32>} : memref<768xf32, #tpu.memory_space<vmem>>, vector<16xf32>,
      tpu.vector_store %arg11[%swap3A_831], %add3A_778 {strides = array<i32>} : memref<768xf32, #tpu.memory_space<vmem>>, vector<16xf32>,
    }
    %scan3A_475 = arith.constant 12 : i32
    %mul3A_476 = arith.constant 4 : i32
    %mul3A_477 = arith.muli %mul3A_476, %add3A_437 : i32
    %dma_start3A_478 = tpu.memref_slice %arg4[%mul3A_477] : memref<7077888xf32, #tpu.memory_space<hbm>> -> memref<768xf32, #tpu.memory_space<hbm>>
    %dma_start3A_479 = tpu.memref_slice %arg4[%mul3A_477] : memref<7077888xf32, #tpu.memory_space<hbm>> -> memref<768xf32, #tpu.memory_space<hbm>>
    tpu.enqueue_dma source(%arg11 : memref<768xf32, #tpu.memory_space<vmem>>) target(%dma_start3A_479 : memref<768xf32, #tpu.memory_space<hbm>>) target_semaphore(%arg21 : memref<!tpu.dma_semaphore, #tpu.memory_space<semaphore_mem>>)
    %mul3A_480 = arith.constant 287 : i32
    %mul3A_481 = arith.constant 192 : i32
    %mul3A_482 = arith.muli %mul3A_480, %mul3A_481 : i32
    %add3A_483 = arith.addi %mul3A_22, %mul3A_482 : i32
    %dma_wait3A_484 = arith.constant 0 : i32
    %dma_wait3A_485 = arith.constant 0 : i32
    %dma_wait3A_486 = arith.constant 0 : i32
    %dma_wait3A_487 = tpu.memref_slice %arg10[%dma_wait3A_485, %dma_wait3A_486] : memref<384x128xf32, #tpu.memory_space<vmem>> -> memref<128x128xf32, #tpu.memory_space<vmem>>
    %dma_wait3A_488 = arith.constant 0 : i32
    %dma_wait3A_489 = tpu.memref_slice %arg8[%dma_wait3A_484, %dma_wait3A_488] : memref<3x128xi32, #tpu.memory_space<vmem>> -> memref<1x128xi32, #tpu.memory_space<vmem>>
    %dma_wait3A_490 = tpu.memref_squeeze %dma_wait3A_489 : memref<1x128xi32, #tpu.memory_space<vmem>> -> memref<128xi32, #tpu.memory_space<vmem>>
    %dma_wait3A_491 = arith.constant 0 : i32
    %dma_wait3A_492 = arith.constant 0 : i32
    %dma_wait3A_493 = tpu.memref_slice %arg2[%dma_wait3A_491, %dma_wait3A_492] : memref<524288x128xf32, #tpu.memory_space<hbm>> -> memref<524288x128xf32, #tpu.memory_space<hbm>>
    tpu.wait_indirect_dma semaphore(%arg18 : memref<!tpu.dma_semaphore, #tpu.memory_space<semaphore_mem>>) src(%dma_wait3A_493 : memref<524288x128xf32, #tpu.memory_space<hbm>>) dst(%dma_wait3A_487 : memref<128x128xf32, #tpu.memory_space<vmem>>)
    %dma_wait3A_494 = arith.constant 1 : i32
    %dma_wait3A_495 = arith.constant 128 : i32
    %dma_wait3A_496 = arith.constant 0 : i32
    %dma_wait3A_497 = tpu.memref_slice %arg10[%dma_wait3A_495, %dma_wait3A_496] : memref<384x128xf32, #tpu.memory_space<vmem>> -> memref<128x128xf32, #tpu.memory_space<vmem>>
    %dma_wait3A_498 = arith.constant 0 : i32
    %dma_wait3A_499 = tpu.memref_slice %arg8[%dma_wait3A_494, %dma_wait3A_498] : memref<3x128xi32, #tpu.memory_space<vmem>> -> memref<1x128xi32, #tpu.memory_space<vmem>>
    %dma_wait3A_500 = tpu.memref_squeeze %dma_wait3A_499 : memref<1x128xi32, #tpu.memory_space<vmem>> -> memref<128xi32, #tpu.memory_space<vmem>>
    %dma_wait3A_501 = arith.constant 0 : i32
    %dma_wait3A_502 = arith.constant 0 : i32
    %dma_wait3A_503 = tpu.memref_slice %arg2[%dma_wait3A_501, %dma_wait3A_502] : memref<524288x128xf32, #tpu.memory_space<hbm>> -> memref<524288x128xf32, #tpu.memory_space<hbm>>
    tpu.wait_indirect_dma semaphore(%arg18 : memref<!tpu.dma_semaphore, #tpu.memory_space<semaphore_mem>>) src(%dma_wait3A_503 : memref<524288x128xf32, #tpu.memory_space<hbm>>) dst(%dma_wait3A_497 : memref<128x128xf32, #tpu.memory_space<vmem>>)
    %dma_wait3A_504 = arith.constant 2 : i32
    %dma_wait3A_505 = arith.constant 256 : i32
    %dma_wait3A_506 = arith.constant 0 : i32
    %dma_wait3A_507 = tpu.memref_slice %arg10[%dma_wait3A_505, %dma_wait3A_506] : memref<384x128xf32, #tpu.memory_space<vmem>> -> memref<128x128xf32, #tpu.memory_space<vmem>>
    %dma_wait3A_508 = arith.constant 0 : i32
    %dma_wait3A_509 = tpu.memref_slice %arg8[%dma_wait3A_504, %dma_wait3A_508] : memref<3x128xi32, #tpu.memory_space<vmem>> -> memref<1x128xi32, #tpu.memory_space<vmem>>
    %dma_wait3A_510 = tpu.memref_squeeze %dma_wait3A_509 : memref<1x128xi32, #tpu.memory_space<vmem>> -> memref<128xi32, #tpu.memory_space<vmem>>
    %dma_wait3A_511 = arith.constant 0 : i32
    %dma_wait3A_512 = arith.constant 0 : i32
    %dma_wait3A_513 = tpu.memref_slice %arg2[%dma_wait3A_511, %dma_wait3A_512] : memref<524288x128xf32, #tpu.memory_space<hbm>> -> memref<524288x128xf32, #tpu.memory_space<hbm>>
    tpu.wait_indirect_dma semaphore(%arg18 : memref<!tpu.dma_semaphore, #tpu.memory_space<semaphore_mem>>) src(%dma_wait3A_513 : memref<524288x128xf32, #tpu.memory_space<hbm>>) dst(%dma_wait3A_507 : memref<128x128xf32, #tpu.memory_space<vmem>>)
    %ge3A_514 = arith.constant 287 : i32
    %ge3A_515 = arith.constant 2 : i32
    %ge3A_516 = arith.cmpi sge, %ge3A_514, %ge3A_515 : i32
    %convert_element_type3A_517 = arith.extui %ge3A_516 : i1 to i32
    %cond3A_518 = arith.constant 0 : i32
    %cond3A_519 = arith.cmpi ne, %convert_element_type3A_517, %cond3A_518 : i32
    scf.if %cond3A_519 {
      %dma_wait3A_537 = arith.constant 0 : i32
      %dma_wait3A_538 = tpu.memref_slice %arg4[%dma_wait3A_537] : memref<7077888xf32, #tpu.memory_space<hbm>> -> memref<768xf32, #tpu.memory_space<hbm>>
      %dma_wait3A_539 = arith.constant 0 : i32
      %dma_wait3A_540 = tpu.memref_slice %arg4[%dma_wait3A_539] : memref<7077888xf32, #tpu.memory_space<hbm>> -> memref<768xf32, #tpu.memory_space<hbm>>
      tpu.wait_dma2 semaphore(%arg22 : memref<!tpu.dma_semaphore, #tpu.memory_space<semaphore_mem>>) src(%arg12 : memref<768xf32, #tpu.memory_space<vmem>>) dst(%dma_wait3A_540 : memref<768xf32, #tpu.memory_space<hbm>>)
    } else {
    }
    %scan3A_520 = arith.constant 0 : i32
    %scan3A_521 = arith.constant 12 : i32
    %scan3A_522 = arith.addi %scan3A_520, %scan3A_521 : i32
    %scan3A_523 = arith.constant 1 : i32
    scf.for %scan3A_537 = %scan3A_520 to %scan3A_522 step %scan3A_523  : i32 {
      %mul3A_538 = arith.constant 1 : i32
      %mul3A_539 = arith.muli %scan3A_537, %mul3A_538 : i32
      %add3A_540 = arith.constant 0 : i32
      %add3A_541 = arith.addi %add3A_540, %mul3A_539 : i32
      %mul3A_542 = arith.constant 16 : i32
      %mul3A_543 = arith.muli %add3A_541, %mul3A_542 : i32
      %get3A = arith.index_cast %mul3A_543 : i32 to index
      %get3A_544 = tpu.vector_load %arg16[%get3A] {strides = array<i32>} : memref<576xf32, #tpu.memory_space<vmem>>, vector<16xf32>,
      %add3A_545 = arith.constant 192 : i32
      %add3A_546 = arith.addi %add3A_545, %mul3A_543 : i32
      %get3A_547 = arith.index_cast %add3A_546 : i32 to index
      %get3A_548 = tpu.vector_load %arg16[%get3A_547] {strides = array<i32>} : memref<576xf32, #tpu.memory_space<vmem>>, vector<16xf32>,
      %add3A_549 = arith.constant 384 : i32
      %add3A_550 = arith.addi %add3A_549, %mul3A_543 : i32
      %get3A_551 = arith.index_cast %add3A_550 : i32 to index
      %get3A_552 = tpu.vector_load %arg16[%get3A_551] {strides = array<i32>} : memref<576xf32, #tpu.memory_space<vmem>>, vector<16xf32>,
      %sub3A_553 = arith.subf %broadcast_in_dim3A_25, %get3A_544 : vector<16xf32>
      %sub3A_554 = arith.subf %broadcast_in_dim3A_25, %get3A_548 : vector<16xf32>
      %sub3A_555 = arith.subf %broadcast_in_dim3A_25, %get3A_552 : vector<16xf32>
      %mul3A_556 = arith.mulf %sub3A_554, %sub3A_555 : vector<16xf32>
      %mul3A_557 = arith.mulf %sub3A_554, %get3A_552 : vector<16xf32>
      %mul3A_558 = arith.mulf %get3A_548, %sub3A_555 : vector<16xf32>
      %mul3A_559 = arith.mulf %get3A_548, %get3A_552 : vector<16xf32>
      %add3A_560 = vector.broadcast %mul3A_543 : i32 to vector<16xi32>
      %add3A_561 = arith.addi %iota3A, %add3A_560 : vector<16xi32>
      %add3A_562 = arith.constant 192 : i32
      %add3A_563 = arith.addi %mul3A_543, %add3A_562 : i32
      %add3A_564 = vector.broadcast %add3A_563 : i32 to vector<16xi32>
      %add3A_565 = arith.addi %iota3A, %add3A_564 : vector<16xi32>
      %get3A_566 = arith.index_cast %mul3A_543 : i32 to index
      %get3A_567 = tpu.vector_load %arg14[%get3A_566] {strides = array<i32>} : memref<384xi32, #tpu.memory_space<vmem>>, vector<16xi32>,
      %add3A_568 = arith.constant 192 : i32
      %add3A_569 = arith.addi %add3A_568, %mul3A_543 : i32
      %get3A_570 = arith.index_cast %add3A_569 : i32 to index
      %get3A_571 = tpu.vector_load %arg14[%get3A_570] {strides = array<i32>} : memref<384xi32, #tpu.memory_space<vmem>>, vector<16xi32>,
      %add3A_572 = arith.constant 0 : i32
      %add3A_573 = vector.broadcast %add3A_572 : i32 to vector<16xi32>
      %add3A_574 = arith.addi %get3A_567, %add3A_573 : vector<16xi32>
      %gather3A = tpu.vector_load_idx %arg10[%add3A_561, %add3A_574] : memref<384x128xf32, #tpu.memory_space<vmem>>[vector<16xi32>, vector<16xi32>], vector<16xf32>,
      %mul3A_575 = arith.mulf %mul3A_556, %gather3A : vector<16xf32>
      %add3A_576 = arith.addf %broadcast_in_dim3A_23, %mul3A_575 : vector<16xf32>
      %add3A_577 = arith.constant 4 : i32
      %add3A_578 = vector.broadcast %add3A_577 : i32 to vector<16xi32>
      %add3A_579 = arith.addi %get3A_567, %add3A_578 : vector<16xi32>
      %gather3A_580 = tpu.vector_load_idx %arg10[%add3A_561, %add3A_579] : memref<384x128xf32, #tpu.memory_space<vmem>>[vector<16xi32>, vector<16xi32>], vector<16xf32>,
      %mul3A_581 = arith.mulf %mul3A_557, %gather3A_580 : vector<16xf32>
      %add3A_582 = arith.addf %add3A_576, %mul3A_581 : vector<16xf32>
      %add3A_583 = arith.constant 8 : i32
      %add3A_584 = vector.broadcast %add3A_583 : i32 to vector<16xi32>
      %add3A_585 = arith.addi %get3A_567, %add3A_584 : vector<16xi32>
      %gather3A_586 = tpu.vector_load_idx %arg10[%add3A_561, %add3A_585] : memref<384x128xf32, #tpu.memory_space<vmem>>[vector<16xi32>, vector<16xi32>], vector<16xf32>,
      %mul3A_587 = arith.mulf %mul3A_558, %gather3A_586 : vector<16xf32>
      %add3A_588 = arith.addf %add3A_582, %mul3A_587 : vector<16xf32>
      %add3A_589 = arith.constant 12 : i32
      %add3A_590 = vector.broadcast %add3A_589 : i32 to vector<16xi32>
      %add3A_591 = arith.addi %get3A_567, %add3A_590 : vector<16xi32>
      %gather3A_592 = tpu.vector_load_idx %arg10[%add3A_561, %add3A_591] : memref<384x128xf32, #tpu.memory_space<vmem>>[vector<16xi32>, vector<16xi32>], vector<16xf32>,
      %mul3A_593 = arith.mulf %mul3A_559, %gather3A_592 : vector<16xf32>
      %add3A_594 = arith.addf %add3A_588, %mul3A_593 : vector<16xf32>
      %mul3A_595 = arith.mulf %sub3A_553, %add3A_594 : vector<16xf32>
      %add3A_596 = arith.addf %broadcast_in_dim3A_23, %mul3A_595 : vector<16xf32>
      %add3A_597 = arith.constant 1 : i32
      %add3A_598 = vector.broadcast %add3A_597 : i32 to vector<16xi32>
      %add3A_599 = arith.addi %get3A_567, %add3A_598 : vector<16xi32>
      %gather3A_600 = tpu.vector_load_idx %arg10[%add3A_561, %add3A_599] : memref<384x128xf32, #tpu.memory_space<vmem>>[vector<16xi32>, vector<16xi32>], vector<16xf32>,
      %mul3A_601 = arith.mulf %mul3A_556, %gather3A_600 : vector<16xf32>
      %add3A_602 = arith.addf %broadcast_in_dim3A_23, %mul3A_601 : vector<16xf32>
      %add3A_603 = arith.constant 5 : i32
      %add3A_604 = vector.broadcast %add3A_603 : i32 to vector<16xi32>
      %add3A_605 = arith.addi %get3A_567, %add3A_604 : vector<16xi32>
      %gather3A_606 = tpu.vector_load_idx %arg10[%add3A_561, %add3A_605] : memref<384x128xf32, #tpu.memory_space<vmem>>[vector<16xi32>, vector<16xi32>], vector<16xf32>,
      %mul3A_607 = arith.mulf %mul3A_557, %gather3A_606 : vector<16xf32>
      %add3A_608 = arith.addf %add3A_602, %mul3A_607 : vector<16xf32>
      %add3A_609 = arith.constant 9 : i32
      %add3A_610 = vector.broadcast %add3A_609 : i32 to vector<16xi32>
      %add3A_611 = arith.addi %get3A_567, %add3A_610 : vector<16xi32>
      %gather3A_612 = tpu.vector_load_idx %arg10[%add3A_561, %add3A_611] : memref<384x128xf32, #tpu.memory_space<vmem>>[vector<16xi32>, vector<16xi32>], vector<16xf32>,
      %mul3A_613 = arith.mulf %mul3A_558, %gather3A_612 : vector<16xf32>
      %add3A_614 = arith.addf %add3A_608, %mul3A_613 : vector<16xf32>
      %add3A_615 = arith.constant 13 : i32
      %add3A_616 = vector.broadcast %add3A_615 : i32 to vector<16xi32>
      %add3A_617 = arith.addi %get3A_567, %add3A_616 : vector<16xi32>
      %gather3A_618 = tpu.vector_load_idx %arg10[%add3A_561, %add3A_617] : memref<384x128xf32, #tpu.memory_space<vmem>>[vector<16xi32>, vector<16xi32>], vector<16xf32>,
      %mul3A_619 = arith.mulf %mul3A_559, %gather3A_618 : vector<16xf32>
      %add3A_620 = arith.addf %add3A_614, %mul3A_619 : vector<16xf32>
      %mul3A_621 = arith.mulf %sub3A_553, %add3A_620 : vector<16xf32>
      %add3A_622 = arith.addf %broadcast_in_dim3A_23, %mul3A_621 : vector<16xf32>
      %add3A_623 = arith.constant 2 : i32
      %add3A_624 = vector.broadcast %add3A_623 : i32 to vector<16xi32>
      %add3A_625 = arith.addi %get3A_567, %add3A_624 : vector<16xi32>
      %gather3A_626 = tpu.vector_load_idx %arg10[%add3A_561, %add3A_625] : memref<384x128xf32, #tpu.memory_space<vmem>>[vector<16xi32>, vector<16xi32>], vector<16xf32>,
      %mul3A_627 = arith.mulf %mul3A_556, %gather3A_626 : vector<16xf32>
      %add3A_628 = arith.addf %broadcast_in_dim3A_23, %mul3A_627 : vector<16xf32>
      %add3A_629 = arith.constant 6 : i32
      %add3A_630 = vector.broadcast %add3A_629 : i32 to vector<16xi32>
      %add3A_631 = arith.addi %get3A_567, %add3A_630 : vector<16xi32>
      %gather3A_632 = tpu.vector_load_idx %arg10[%add3A_561, %add3A_631] : memref<384x128xf32, #tpu.memory_space<vmem>>[vector<16xi32>, vector<16xi32>], vector<16xf32>,
      %mul3A_633 = arith.mulf %mul3A_557, %gather3A_632 : vector<16xf32>
      %add3A_634 = arith.addf %add3A_628, %mul3A_633 : vector<16xf32>
      %add3A_635 = arith.constant 10 : i32
      %add3A_636 = vector.broadcast %add3A_635 : i32 to vector<16xi32>
      %add3A_637 = arith.addi %get3A_567, %add3A_636 : vector<16xi32>
      %gather3A_638 = tpu.vector_load_idx %arg10[%add3A_561, %add3A_637] : memref<384x128xf32, #tpu.memory_space<vmem>>[vector<16xi32>, vector<16xi32>], vector<16xf32>,
      %mul3A_639 = arith.mulf %mul3A_558, %gather3A_638 : vector<16xf32>
      %add3A_640 = arith.addf %add3A_634, %mul3A_639 : vector<16xf32>
      %add3A_641 = arith.constant 14 : i32
      %add3A_642 = vector.broadcast %add3A_641 : i32 to vector<16xi32>
      %add3A_643 = arith.addi %get3A_567, %add3A_642 : vector<16xi32>
      %gather3A_644 = tpu.vector_load_idx %arg10[%add3A_561, %add3A_643] : memref<384x128xf32, #tpu.memory_space<vmem>>[vector<16xi32>, vector<16xi32>], vector<16xf32>,
      %mul3A_645 = arith.mulf %mul3A_559, %gather3A_644 : vector<16xf32>
      %add3A_646 = arith.addf %add3A_640, %mul3A_645 : vector<16xf32>
      %mul3A_647 = arith.mulf %sub3A_553, %add3A_646 : vector<16xf32>
      %add3A_648 = arith.addf %broadcast_in_dim3A_23, %mul3A_647 : vector<16xf32>
      %add3A_649 = arith.constant 3 : i32
      %add3A_650 = vector.broadcast %add3A_649 : i32 to vector<16xi32>
      %add3A_651 = arith.addi %get3A_567, %add3A_650 : vector<16xi32>
      %gather3A_652 = tpu.vector_load_idx %arg10[%add3A_561, %add3A_651] : memref<384x128xf32, #tpu.memory_space<vmem>>[vector<16xi32>, vector<16xi32>], vector<16xf32>,
      %mul3A_653 = arith.mulf %mul3A_556, %gather3A_652 : vector<16xf32>
      %add3A_654 = arith.addf %broadcast_in_dim3A_23, %mul3A_653 : vector<16xf32>
      %add3A_655 = arith.constant 7 : i32
      %add3A_656 = vector.broadcast %add3A_655 : i32 to vector<16xi32>
      %add3A_657 = arith.addi %get3A_567, %add3A_656 : vector<16xi32>
      %gather3A_658 = tpu.vector_load_idx %arg10[%add3A_561, %add3A_657] : memref<384x128xf32, #tpu.memory_space<vmem>>[vector<16xi32>, vector<16xi32>], vector<16xf32>,
      %mul3A_659 = arith.mulf %mul3A_557, %gather3A_658 : vector<16xf32>
      %add3A_660 = arith.addf %add3A_654, %mul3A_659 : vector<16xf32>
      %add3A_661 = arith.constant 11 : i32
      %add3A_662 = vector.broadcast %add3A_661 : i32 to vector<16xi32>
      %add3A_663 = arith.addi %get3A_567, %add3A_662 : vector<16xi32>
      %gather3A_664 = tpu.vector_load_idx %arg10[%add3A_561, %add3A_663] : memref<384x128xf32, #tpu.memory_space<vmem>>[vector<16xi32>, vector<16xi32>], vector<16xf32>,
      %mul3A_665 = arith.mulf %mul3A_558, %gather3A_664 : vector<16xf32>
      %add3A_666 = arith.addf %add3A_660, %mul3A_665 : vector<16xf32>
      %add3A_667 = arith.constant 15 : i32
      %add3A_668 = vector.broadcast %add3A_667 : i32 to vector<16xi32>
      %add3A_669 = arith.addi %get3A_567, %add3A_668 : vector<16xi32>
      %gather3A_670 = tpu.vector_load_idx %arg10[%add3A_561, %add3A_669] : memref<384x128xf32, #tpu.memory_space<vmem>>[vector<16xi32>, vector<16xi32>], vector<16xf32>,
      %mul3A_671 = arith.mulf %mul3A_559, %gather3A_670 : vector<16xf32>
      %add3A_672 = arith.addf %add3A_666, %mul3A_671 : vector<16xf32>
      %mul3A_673 = arith.mulf %sub3A_553, %add3A_672 : vector<16xf32>
      %add3A_674 = arith.addf %broadcast_in_dim3A_23, %mul3A_673 : vector<16xf32>
      %add3A_675 = arith.constant 0 : i32
      %add3A_676 = vector.broadcast %add3A_675 : i32 to vector<16xi32>
      %add3A_677 = arith.addi %get3A_571, %add3A_676 : vector<16xi32>
      %gather3A_678 = tpu.vector_load_idx %arg10[%add3A_565, %add3A_677] : memref<384x128xf32, #tpu.memory_space<vmem>>[vector<16xi32>, vector<16xi32>], vector<16xf32>,
      %mul3A_679 = arith.mulf %mul3A_556, %gather3A_678 : vector<16xf32>
      %add3A_680 = arith.addf %broadcast_in_dim3A_23, %mul3A_679 : vector<16xf32>
      %add3A_681 = arith.constant 4 : i32
      %add3A_682 = vector.broadcast %add3A_681 : i32 to vector<16xi32>
      %add3A_683 = arith.addi %get3A_571, %add3A_682 : vector<16xi32>
      %gather3A_684 = tpu.vector_load_idx %arg10[%add3A_565, %add3A_683] : memref<384x128xf32, #tpu.memory_space<vmem>>[vector<16xi32>, vector<16xi32>], vector<16xf32>,
      %mul3A_685 = arith.mulf %mul3A_557, %gather3A_684 : vector<16xf32>
      %add3A_686 = arith.addf %add3A_680, %mul3A_685 : vector<16xf32>
      %add3A_687 = arith.constant 8 : i32
      %add3A_688 = vector.broadcast %add3A_687 : i32 to vector<16xi32>
      %add3A_689 = arith.addi %get3A_571, %add3A_688 : vector<16xi32>
      %gather3A_690 = tpu.vector_load_idx %arg10[%add3A_565, %add3A_689] : memref<384x128xf32, #tpu.memory_space<vmem>>[vector<16xi32>, vector<16xi32>], vector<16xf32>,
      %mul3A_691 = arith.mulf %mul3A_558, %gather3A_690 : vector<16xf32>
      %add3A_692 = arith.addf %add3A_686, %mul3A_691 : vector<16xf32>
      %add3A_693 = arith.constant 12 : i32
      %add3A_694 = vector.broadcast %add3A_693 : i32 to vector<16xi32>
      %add3A_695 = arith.addi %get3A_571, %add3A_694 : vector<16xi32>
      %gather3A_696 = tpu.vector_load_idx %arg10[%add3A_565, %add3A_695] : memref<384x128xf32, #tpu.memory_space<vmem>>[vector<16xi32>, vector<16xi32>], vector<16xf32>,
      %mul3A_697 = arith.mulf %mul3A_559, %gather3A_696 : vector<16xf32>
      %add3A_698 = arith.addf %add3A_692, %mul3A_697 : vector<16xf32>
      %mul3A_699 = arith.mulf %get3A_544, %add3A_698 : vector<16xf32>
      %add3A_700 = arith.addf %add3A_596, %mul3A_699 : vector<16xf32>
      %add3A_701 = arith.constant 1 : i32
      %add3A_702 = vector.broadcast %add3A_701 : i32 to vector<16xi32>
      %add3A_703 = arith.addi %get3A_571, %add3A_702 : vector<16xi32>
      %gather3A_704 = tpu.vector_load_idx %arg10[%add3A_565, %add3A_703] : memref<384x128xf32, #tpu.memory_space<vmem>>[vector<16xi32>, vector<16xi32>], vector<16xf32>,
      %mul3A_705 = arith.mulf %mul3A_556, %gather3A_704 : vector<16xf32>
      %add3A_706 = arith.addf %broadcast_in_dim3A_23, %mul3A_705 : vector<16xf32>
      %add3A_707 = arith.constant 5 : i32
      %add3A_708 = vector.broadcast %add3A_707 : i32 to vector<16xi32>
      %add3A_709 = arith.addi %get3A_571, %add3A_708 : vector<16xi32>
      %gather3A_710 = tpu.vector_load_idx %arg10[%add3A_565, %add3A_709] : memref<384x128xf32, #tpu.memory_space<vmem>>[vector<16xi32>, vector<16xi32>], vector<16xf32>,
      %mul3A_711 = arith.mulf %mul3A_557, %gather3A_710 : vector<16xf32>
      %add3A_712 = arith.addf %add3A_706, %mul3A_711 : vector<16xf32>
      %add3A_713 = arith.constant 9 : i32
      %add3A_714 = vector.broadcast %add3A_713 : i32 to vector<16xi32>
      %add3A_715 = arith.addi %get3A_571, %add3A_714 : vector<16xi32>
      %gather3A_716 = tpu.vector_load_idx %arg10[%add3A_565, %add3A_715] : memref<384x128xf32, #tpu.memory_space<vmem>>[vector<16xi32>, vector<16xi32>], vector<16xf32>,
      %mul3A_717 = arith.mulf %mul3A_558, %gather3A_716 : vector<16xf32>
      %add3A_718 = arith.addf %add3A_712, %mul3A_717 : vector<16xf32>
      %add3A_719 = arith.constant 13 : i32
      %add3A_720 = vector.broadcast %add3A_719 : i32 to vector<16xi32>
      %add3A_721 = arith.addi %get3A_571, %add3A_720 : vector<16xi32>
      %gather3A_722 = tpu.vector_load_idx %arg10[%add3A_565, %add3A_721] : memref<384x128xf32, #tpu.memory_space<vmem>>[vector<16xi32>, vector<16xi32>], vector<16xf32>,
      %mul3A_723 = arith.mulf %mul3A_559, %gather3A_722 : vector<16xf32>
      %add3A_724 = arith.addf %add3A_718, %mul3A_723 : vector<16xf32>
      %mul3A_725 = arith.mulf %get3A_544, %add3A_724 : vector<16xf32>
      %add3A_726 = arith.addf %add3A_622, %mul3A_725 : vector<16xf32>
      %add3A_727 = arith.constant 2 : i32
      %add3A_728 = vector.broadcast %add3A_727 : i32 to vector<16xi32>
      %add3A_729 = arith.addi %get3A_571, %add3A_728 : vector<16xi32>
      %gather3A_730 = tpu.vector_load_idx %arg10[%add3A_565, %add3A_729] : memref<384x128xf32, #tpu.memory_space<vmem>>[vector<16xi32>, vector<16xi32>], vector<16xf32>,
      %mul3A_731 = arith.mulf %mul3A_556, %gather3A_730 : vector<16xf32>
      %add3A_732 = arith.addf %broadcast_in_dim3A_23, %mul3A_731 : vector<16xf32>
      %add3A_733 = arith.constant 6 : i32
      %add3A_734 = vector.broadcast %add3A_733 : i32 to vector<16xi32>
      %add3A_735 = arith.addi %get3A_571, %add3A_734 : vector<16xi32>
      %gather3A_736 = tpu.vector_load_idx %arg10[%add3A_565, %add3A_735] : memref<384x128xf32, #tpu.memory_space<vmem>>[vector<16xi32>, vector<16xi32>], vector<16xf32>,
      %mul3A_737 = arith.mulf %mul3A_557, %gather3A_736 : vector<16xf32>
      %add3A_738 = arith.addf %add3A_732, %mul3A_737 : vector<16xf32>
      %add3A_739 = arith.constant 10 : i32
      %add3A_740 = vector.broadcast %add3A_739 : i32 to vector<16xi32>
      %add3A_741 = arith.addi %get3A_571, %add3A_740 : vector<16xi32>
      %gather3A_742 = tpu.vector_load_idx %arg10[%add3A_565, %add3A_741] : memref<384x128xf32, #tpu.memory_space<vmem>>[vector<16xi32>, vector<16xi32>], vector<16xf32>,
      %mul3A_743 = arith.mulf %mul3A_558, %gather3A_742 : vector<16xf32>
      %add3A_744 = arith.addf %add3A_738, %mul3A_743 : vector<16xf32>
      %add3A_745 = arith.constant 14 : i32
      %add3A_746 = vector.broadcast %add3A_745 : i32 to vector<16xi32>
      %add3A_747 = arith.addi %get3A_571, %add3A_746 : vector<16xi32>
      %gather3A_748 = tpu.vector_load_idx %arg10[%add3A_565, %add3A_747] : memref<384x128xf32, #tpu.memory_space<vmem>>[vector<16xi32>, vector<16xi32>], vector<16xf32>,
      %mul3A_749 = arith.mulf %mul3A_559, %gather3A_748 : vector<16xf32>
      %add3A_750 = arith.addf %add3A_744, %mul3A_749 : vector<16xf32>
      %mul3A_751 = arith.mulf %get3A_544, %add3A_750 : vector<16xf32>
      %add3A_752 = arith.addf %add3A_648, %mul3A_751 : vector<16xf32>
      %add3A_753 = arith.constant 3 : i32
      %add3A_754 = vector.broadcast %add3A_753 : i32 to vector<16xi32>
      %add3A_755 = arith.addi %get3A_571, %add3A_754 : vector<16xi32>
      %gather3A_756 = tpu.vector_load_idx %arg10[%add3A_565, %add3A_755] : memref<384x128xf32, #tpu.memory_space<vmem>>[vector<16xi32>, vector<16xi32>], vector<16xf32>,
      %mul3A_757 = arith.mulf %mul3A_556, %gather3A_756 : vector<16xf32>
      %add3A_758 = arith.addf %broadcast_in_dim3A_23, %mul3A_757 : vector<16xf32>
      %add3A_759 = arith.constant 7 : i32
      %add3A_760 = vector.broadcast %add3A_759 : i32 to vector<16xi32>
      %add3A_761 = arith.addi %get3A_571, %add3A_760 : vector<16xi32>
      %gather3A_762 = tpu.vector_load_idx %arg10[%add3A_565, %add3A_761] : memref<384x128xf32, #tpu.memory_space<vmem>>[vector<16xi32>, vector<16xi32>], vector<16xf32>,
      %mul3A_763 = arith.mulf %mul3A_557, %gather3A_762 : vector<16xf32>
      %add3A_764 = arith.addf %add3A_758, %mul3A_763 : vector<16xf32>
      %add3A_765 = arith.constant 11 : i32
      %add3A_766 = vector.broadcast %add3A_765 : i32 to vector<16xi32>
      %add3A_767 = arith.addi %get3A_571, %add3A_766 : vector<16xi32>
      %gather3A_768 = tpu.vector_load_idx %arg10[%add3A_565, %add3A_767] : memref<384x128xf32, #tpu.memory_space<vmem>>[vector<16xi32>, vector<16xi32>], vector<16xf32>,
      %mul3A_769 = arith.mulf %mul3A_558, %gather3A_768 : vector<16xf32>
      %add3A_770 = arith.addf %add3A_764, %mul3A_769 : vector<16xf32>
      %add3A_771 = arith.constant 15 : i32
      %add3A_772 = vector.broadcast %add3A_771 : i32 to vector<16xi32>
      %add3A_773 = arith.addi %get3A_571, %add3A_772 : vector<16xi32>
      %gather3A_774 = tpu.vector_load_idx %arg10[%add3A_565, %add3A_773] : memref<384x128xf32, #tpu.memory_space<vmem>>[vector<16xi32>, vector<16xi32>], vector<16xf32>,
      %mul3A_775 = arith.mulf %mul3A_559, %gather3A_774 : vector<16xf32>
      %add3A_776 = arith.addf %add3A_770, %mul3A_775 : vector<16xf32>
      %mul3A_777 = arith.mulf %get3A_544, %add3A_776 : vector<16xf32>
      %add3A_778 = arith.addf %add3A_674, %mul3A_777 : vector<16xf32>
      %jit3A_779 = arith.constant 96 : i32
      %div3A_780 = arith.divsi %mul3A_543, %jit3A_779 : i32
      %sign3A_781 = arith.constant 0 : i32
      %sign3A_782 = arith.cmpi sgt, %mul3A_543, %sign3A_781 : i32
      %sign3A_783 = arith.extui %sign3A_782 : i1 to i32
      %sign3A_784 = arith.constant 0 : i32
      %sign3A_785 = arith.cmpi slt, %mul3A_543, %sign3A_784 : i32
      %sign3A_786 = arith.extui %sign3A_785 : i1 to i32
      %sign3A_787 = arith.subi %sign3A_783, %sign3A_786 : i32
      %sign3A_788 = arith.constant 0 : i32
      %sign3A_789 = arith.cmpi sgt, %jit3A_779, %sign3A_788 : i32
      %sign3A_790 = arith.extui %sign3A_789 : i1 to i32
      %sign3A_791 = arith.constant 0 : i32
      %sign3A_792 = arith.cmpi slt, %jit3A_779, %sign3A_791 : i32
      %sign3A_793 = arith.extui %sign3A_792 : i1 to i32
      %sign3A_794 = arith.subi %sign3A_790, %sign3A_793 : i32
      %ne3A_795 = arith.cmpi ne, %sign3A_787, %sign3A_794 : i32
      %rem3A_796 = arith.remsi %mul3A_543, %jit3A_779 : i32
      %ne3A_797 = arith.constant 0 : i32
      %ne3A_798 = arith.cmpi ne, %rem3A_796, %ne3A_797 : i32
      %and3A_799 = arith.andi %ne3A_795, %ne3A_798 : i1
      %sub3A_800 = arith.constant 1 : i32
      %sub3A_801 = arith.subi %div3A_780, %sub3A_800 : i32
      %select_n3A_802 = arith.select %and3A_799, %sub3A_801, %div3A_780 : i32
      %mul3A_803 = arith.constant 96 : i32
      %mul3A_804 = arith.muli %select_n3A_802, %mul3A_803 : i32
      %sub3A_805 = arith.subi %mul3A_543, %mul3A_804 : i32
      %mul3A_806 = arith.constant 384 : i32
      %mul3A_807 = arith.muli %select_n3A_802, %mul3A_806 : i32
      %add3A_808 = arith.constant 0 : i32
      %add3A_809 = arith.addi %mul3A_807, %add3A_808 : i32
      %add3A_810 = arith.addi %add3A_809, %sub3A_805 : i32
      %swap3A = arith.index_cast %add3A_810 : i32 to index
      %swap3A_811 = tpu.vector_load %arg12[%swap3A] {strides = array<i32>} : memref<768xf32, #tpu.memory_space<vmem>>, vector<16xf32>,
      tpu.vector_store %arg12[%swap3A], %add3A_700 {strides = array<i32>} : memref<768xf32, #tpu.memory_space<vmem>>, vector<16xf32>,
      %mul3A_812 = arith.constant 384 : i32
      %mul3A_813 = arith.muli %select_n3A_802, %mul3A_812 : i32
      %add3A_814 = arith.constant 96 : i32
      %add3A_815 = arith.addi %mul3A_813, %add3A_814 : i32
      %add3A_816 = arith.addi %add3A_815, %sub3A_805 : i32
      %swap3A_817 = arith.index_cast %add3A_816 : i32 to index
      %swap3A_818 = tpu.vector_load %arg12[%swap3A_817] {strides = array<i32>} : memref<768xf32, #tpu.memory_space<vmem>>, vector<16xf32>,
      tpu.vector_store %arg12[%swap3A_817], %add3A_726 {strides = array<i32>} : memref<768xf32, #tpu.memory_space<vmem>>, vector<16xf32>,
      %mul3A_819 = arith.constant 384 : i32
      %mul3A_820 = arith.muli %select_n3A_802, %mul3A_819 : i32
      %add3A_821 = arith.constant 192 : i32
      %add3A_822 = arith.addi %mul3A_820, %add3A_821 : i32
      %add3A_823 = arith.addi %add3A_822, %sub3A_805 : i32
      %swap3A_824 = arith.index_cast %add3A_823 : i32 to index
      %swap3A_825 = tpu.vector_load %arg12[%swap3A_824] {strides = array<i32>} : memref<768xf32, #tpu.memory_space<vmem>>, vector<16xf32>,
      tpu.vector_store %arg12[%swap3A_824], %add3A_752 {strides = array<i32>} : memref<768xf32, #tpu.memory_space<vmem>>, vector<16xf32>,
      %mul3A_826 = arith.constant 384 : i32
      %mul3A_827 = arith.muli %select_n3A_802, %mul3A_826 : i32
      %add3A_828 = arith.constant 288 : i32
      %add3A_829 = arith.addi %mul3A_827, %add3A_828 : i32
      %add3A_830 = arith.addi %add3A_829, %sub3A_805 : i32
      %swap3A_831 = arith.index_cast %add3A_830 : i32 to index
      %swap3A_832 = tpu.vector_load %arg12[%swap3A_831] {strides = array<i32>} : memref<768xf32, #tpu.memory_space<vmem>>, vector<16xf32>,
      tpu.vector_store %arg12[%swap3A_831], %add3A_778 {strides = array<i32>} : memref<768xf32, #tpu.memory_space<vmem>>, vector<16xf32>,
    }
    %scan3A_524 = arith.constant 12 : i32
    %mul3A_525 = arith.constant 4 : i32
    %mul3A_526 = arith.muli %mul3A_525, %add3A_483 : i32
    %dma_start3A_527 = tpu.memref_slice %arg4[%mul3A_526] : memref<7077888xf32, #tpu.memory_space<hbm>> -> memref<768xf32, #tpu.memory_space<hbm>>
    %dma_start3A_528 = tpu.memref_slice %arg4[%mul3A_526] : memref<7077888xf32, #tpu.memory_space<hbm>> -> memref<768xf32, #tpu.memory_space<hbm>>
    tpu.enqueue_dma source(%arg12 : memref<768xf32, #tpu.memory_space<vmem>>) target(%dma_start3A_528 : memref<768xf32, #tpu.memory_space<hbm>>) target_semaphore(%arg22 : memref<!tpu.dma_semaphore, #tpu.memory_space<semaphore_mem>>)
    %dma_wait3A_529 = arith.constant 0 : i32
    %dma_wait3A_530 = tpu.memref_slice %arg4[%dma_wait3A_529] : memref<7077888xf32, #tpu.memory_space<hbm>> -> memref<768xf32, #tpu.memory_space<hbm>>
    %dma_wait3A_531 = arith.constant 0 : i32
    %dma_wait3A_532 = tpu.memref_slice %arg4[%dma_wait3A_531] : memref<7077888xf32, #tpu.memory_space<hbm>> -> memref<768xf32, #tpu.memory_space<hbm>>
    tpu.wait_dma2 semaphore(%arg21 : memref<!tpu.dma_semaphore, #tpu.memory_space<semaphore_mem>>) src(%arg11 : memref<768xf32, #tpu.memory_space<vmem>>) dst(%dma_wait3A_532 : memref<768xf32, #tpu.memory_space<hbm>>)
    %dma_wait3A_533 = arith.constant 0 : i32
    %dma_wait3A_534 = tpu.memref_slice %arg4[%dma_wait3A_533] : memref<7077888xf32, #tpu.memory_space<hbm>> -> memref<768xf32, #tpu.memory_space<hbm>>
    %dma_wait3A_535 = arith.constant 0 : i32
    %dma_wait3A_536 = tpu.memref_slice %arg4[%dma_wait3A_535] : memref<7077888xf32, #tpu.memory_space<hbm>> -> memref<768xf32, #tpu.memory_space<hbm>>
    tpu.wait_dma2 semaphore(%arg22 : memref<!tpu.dma_semaphore, #tpu.memory_space<semaphore_mem>>) src(%arg12 : memref<768xf32, #tpu.memory_space<vmem>>) dst(%dma_wait3A_536 : memref<768xf32, #tpu.memory_space<hbm>>)
    return
  }
}

</mosaic_0001>

<sc_bundles>
// kernel: kernel.4.cloned.1.call-start
scs
__scs_entry_jumppad:
0x0: {  	(pc) =	sbr.rel $0x88, $3  }
0x1: {  	(tag) =	ssettag $0x0;
	lr =	simm.s32 $0x1  }
0x2: {  	[smem:$0x3F9F] =	sst lr;
	_ =	strace $0xD0000000  }
0x3: {  	_ = 	snop  }
0x4: {  	_ = 	snop  }
0x5: {  	_ = 	snop  }
0x6: {  	_ = 	snop  }
0x7: {  	_ = 	snop  }
__scs_overlays_trampoline_lowered:
0x8: {  	[smem:$0x3FAE] =	sst s0  }
0x9: {  	[smem:$0x3FAF] =	sst s1  }
0xa: {  	[smem:$0x3FB0] =	sst s2  }
0xb: {  	[smem:$0x3FB1] =	sst s3  }
0xc: {  	[smem:$0x3FB2] =	sst s4  }
0xd: {  	[smem:$0x3FB3] =	sst s5  }
0xe: {  	[smem:$0x3FB4] =	sst s6  }
0xf: {  	[smem:$0x3FB5] =	sst s7  }
0x10: {  	[smem:$0x3FB6] =	sst s8  }
0x11: {  	[smem:$0x3FB7] =	sst s9;
	s0 =	simm.s32 @!p0 $0x0  }
0x12: {  	s1 =	sld [smem:$0x3F9D];
	s0 =	simm.s32 @p0 $0x1  }
0x13: {  	[smem:$0x3FB8] =	sst s0;
	s0 =	simm.s32 @!p1 $0x0  }
0x14: {  	s2 =	sld [smem:$0x3F9C];
	s0 =	simm.s32 @p1 $0x1  }
0x15: {  	[smem:$0x3FB9] =	sst s0;
	s0 =	simm.s32 @!p2 $0x0  }
0x16: {  	s3 =	sld [smem:$0x3FDB];
	s0 =	simm.s32 @p2 $0x1  }
0x17: {  	s4 =	simm.s32 $0x1BF5;
	[smem:$0x3FBB] =	sst s0  }
0x18: {  	s0 =	sld [smem:$0x3F9E];
	_ =	swait.ge [sflag:s4], $0x0  }
0x19: {  	s7 =	sld [smem:$0x3F9F]  }
0x1a: {  	s8 =	sadd.s32 $0xFFFFE003, lr  }
0x1b: {  	s9 =	sadd.s32 $0xFFFFFEF7, lr;
	s5 =	simm.s32 $0xFFFFFFFF;
	p2 =	slt.u32 s8, $0xFFFFF086  }
0x1c: {  	p1 =	slt.u32 s9, $0xF7A;
	s5 =	simm.s32 @!p2 $0x0  }
0x1d: {  	s5 =	simm.s32 @p1 $0x1;
	p0 =	seq.s32 s7, s2  }
0x1e: {  	s7 =	smul.u32 @!p0 $0xF7A, s2;
	p2 =	seq.s32 @!p0 s5, $0x0  }
0x1f: {  	s9 =	smul.u32 $0xF7A, s1;
	s8 =	simm.s32 @!p0 $0x1BF5;
	p2 =	por !p2, p0  }
0x20: {  	[sflag:s8] =	ssyncset.s32 @!p0 $0xFFFFF086;
	s6 =	sadd.s32 @!p0 s3, s7;
	s7 =	simm.s32 @!p0 $0x108  }
0x21: {  	s3 =	sadd.s32 s3, s9;
	s6 =	sadd.s32 @!p0 $0x88, s6;
	s7 =	simm.s32 @p2 $0x1082  }
0x22: {  	[simem:s7], [sflag:s8] =	dma.local @!p0 [hbm:s6], $0xF7A  }
0x23: {  	s9 =	sor.u32 $0xD0000000, s2;
	s6 =	simm.s32 $0x108;
	_ =	swait.ge @!p0 [sflag:s8], $0x0  }
0x24: {  	s3 =	sadd.s32 $0x88, s3;
	s6 =	simm.s32 @!p1 $0x1082;
	[sflag:s4] =	ssyncset.s32 $0xFFFFF086  }
0x25: {  	[simem:s6], [sflag:s4] =	dma.local [hbm:s3], $0xF7A  }
0x26: {  	[smem:$0x3F9F] =	sst s1;
	(tag) =	ssettag s2;
	_ =	strace s9  }
0x27: {  	s1 =	sld [smem:$0x3FAF]  }
0x28: {  	s2 =	sld [smem:$0x3FB0]  }
0x29: {  	s4 =	sld [smem:$0x3FB2]  }
0x2a: {  	p0 =	seq.s32 s5, $0x0;
	s5 =	sld [smem:$0x3FB3]  }
0x2b: {  	s6 =	sld [smem:$0x3FB4]  }
0x2c: {  	s7 =	sld [smem:$0x3FB5]  }
0x2d: {  	s3 =	simm.s32 $0x108;
	s8 =	sld [smem:$0x3FB6]  }
0x2e: {  	s3 =	simm.s32 @!p0 $0x1082;
	s9 =	sld [smem:$0x3FB7]  }
0x2f: {  	lr =	sadd.s32 s0, s3;
	s0 =	sld [smem:$0x3FAE]  }
0x30: {  	s3 =	sld [smem:$0x3FB1]  }
0x31: {  	[smem:$0x3FBA] =	sst s10  }
0x32: {  	s10 =	sld [smem:$0x3FB8];
	_ =	sdelay $0x3  }
0x33: {  	p0 =	seq.s32 s10, $0x1;
	s10 =	sld [smem:$0x3FBA];
	_ =	sdelay $0x3  }
0x34: {  	[smem:$0x3FBA] =	sst s10  }
0x35: {  	s10 =	sld [smem:$0x3FB9];
	_ =	sdelay $0x3  }
0x36: {  	p1 =	seq.s32 s10, $0x1;
	s10 =	sld [smem:$0x3FBA];
	_ =	sdelay $0x3  }
0x37: {  	[smem:$0x3FBA] =	sst s10  }
0x38: {  	s10 =	sld [smem:$0x3FBB]  }
0x39: {  	_ = 	snop;
	(pc) =	sbr.ind lr, $3  }
0x3a: {  	_ = 	snop  }
0x3b: {  	_ = 	snop  }
0x3c: {  	p2 =	seq.s32 s10, $0x1;
	s10 =	sld [smem:$0x3FBA]  }
0x3d: {  	_ =	shalt  }
0x3e: {  	_ =	shalt  }
0x3f: {  	_ =	shalt  }
0x40: {  	_ =	shalt  }
0x41: {  	_ =	shalt  }
0x42: {  	_ =	shalt  }
0x43: {  	_ =	shalt  }
0x44: {  	_ =	shalt  }
0x45: {  	_ =	shalt  }
0x46: {  	_ =	shalt  }
0x47: {  	_ =	shalt  }
0x48: {  	_ =	shalt  }
0x49: {  	_ =	shalt  }
0x4a: {  	_ =	shalt  }
0x4b: {  	_ =	shalt  }
0x4c: {  	_ =	shalt  }
0x4d: {  	_ =	shalt  }
0x4e: {  	_ =	shalt  }
0x4f: {  	_ =	shalt  }
0x50: {  	_ =	shalt  }
0x51: {  	_ =	shalt  }
0x52: {  	_ =	shalt  }
0x53: {  	_ =	shalt  }
0x54: {  	_ =	shalt  }
0x55: {  	_ =	shalt  }
0x56: {  	_ =	shalt  }
0x57: {  	_ =	shalt  }
0x58: {  	_ =	shalt  }
0x59: {  	_ =	shalt  }
0x5a: {  	_ =	shalt  }
0x5b: {  	_ =	shalt  }
0x5c: {  	_ =	shalt  }
0x5d: {  	_ =	shalt  }
0x5e: {  	_ =	shalt  }
0x5f: {  	_ =	shalt  }
0x60: {  	_ =	shalt  }
0x61: {  	_ =	shalt  }
0x62: {  	_ =	shalt  }
0x63: {  	_ =	shalt  }
0x64: {  	_ =	shalt  }
0x65: {  	_ =	shalt  }
0x66: {  	_ =	shalt  }
0x67: {  	_ =	shalt  }
0x68: {  	_ =	shalt  }
0x69: {  	_ =	shalt  }
0x6a: {  	_ =	shalt  }
0x6b: {  	_ =	shalt  }
0x6c: {  	_ =	shalt  }
0x6d: {  	_ =	shalt  }
0x6e: {  	_ =	shalt  }
0x6f: {  	_ =	shalt  }
0x70: {  	_ =	shalt  }
0x71: {  	_ =	shalt  }
0x72: {  	_ =	shalt  }
0x73: {  	_ =	shalt  }
0x74: {  	_ =	shalt  }
0x75: {  	_ =	shalt  }
0x76: {  	_ =	shalt  }
0x77: {  	_ =	shalt  }
0x78: {  	_ =	shalt  }
0x79: {  	_ =	shalt  }
0x7a: {  	_ =	shalt  }
0x7b: {  	_ =	shalt  }
0x7c: {  	_ =	shalt  }
0x7d: {  	_ =	shalt  }
0x7e: {  	_ =	shalt  }
0x7f: {  	_ =	shalt  }
0x80: {  	_ =	shalt  }
0x81: {  	_ =	shalt  }
0x82: {  	_ =	shalt  }
0x83: {  	_ =	shalt  }
0x84: {  	_ =	shalt  }
0x85: {  	_ =	shalt  }
0x86: {  	_ =	shalt  }
0x87: {  	_ =	shalt  }
.Lfunc_end0:
.L_simem_size_0:
called_computation_lowered:
.L_overlay_start_0:
0x88: {  	s2 =	sld [smem:$0x3FD9]  }
0x89: {  	s3 =	sld [smem:$0x3FFE];
	_ =	sdelay $0x1  }
0x8a: {  	s1 =	srdreg.scid  }
0x8b: {  	s0 =	sand.u32 $0x1, s1  }
0x8c: {  	s17 =	sshll.u32 s0, $0xA;
	s2 =	sadd.s32 s3, s2  }
0x8d: {  	s2 =	sadd.s32 s2, s17  }
0x8e: {  	[smem:$0x3FC6] =	sst s2  }
0x8f: {  	_ = 	snop  }
0x90: {  	s2 =	sld [smem:$0x3FC9];
	(tm) =	ssettm $0x1  }
0x91: {  	s18 =	sld [smem:$0x3FFB];
	_ =	sdelay $0x3  }
0x92: {  	_ =	strace s18  }
0x93: {  	s3 =	sld [smem:$0x3FFC];
	_ =	sdelay $0x3  }
0x94: {  	_ =	strace s3  }
0x95: {  	s3 =	sld [smem:$0x3FFD];
	_ =	sdelay $0x3  }
0x96: {  	_ =	strace s3  }
0x97: {  	_ =	strace $0x8FFFFFFF  }
0x98: {  	s19 =	sld [smem:$0x3FDB];
	_ =	sdelay $0x1  }
0x99: {  	s4 =	simm.s32 $_scs_section_size  }
0x9a: {  	s5 =	simm.s32 $_size__tile_overlayer_lowered;
	s6 =	simm.s32 $_tile_overlayer_lowered  }
0x9b: {  	s22 =	simm.s32 $0x1BFF;
	s21 =	sshll.u32 s6, $0x1;
	s3 =	sadd.s32 s4, s19  }
0x9c: {  	s7 =	simm.s32 $0x0;
	s20 =	sshll.u32 s5, $0x1;
	s5 =	sadd.s32 s21, s3  }
0x9d: {  	[timem:s7], [sflag:s22] =	dma.local [hbm:s5], s20  }
0x9e: {  	_ =	swait.ge [sflag:s22], s20  }
0x9f: {  	s4 =	ssub.s32 $0x0, s20;
	[sflag:s22] =	ssyncset.done $0x0  }
0xa0: {  	[sflag:s22] =	ssyncadd.s32 s4;
	_ =	sdelay $0x1  }
0xa1: {  	s23 =	simm.s32 $0x1B8B  }
0xa2: {  	_ =	swait.ge [sflag:s23], $0x1  }
0xa3: {  	[sflag:s23] =	ssyncset.done $0x0  }
0xa4: {  	s25 =	simm.s32 $0x1B8E;
	s24 =	sld [smem:$0x3FFE];
	[sflag:s23] =	ssyncadd.s32 $0xFFFFFFFF  }
0xa5: {  	s26 =	simm.s32 $execute0_lowered;
	[smem:$0x3FD2] =	sst s25  }
0xa6: {  	s5 =	sshll.u32 s26, $0x1;
	_ =	strace $0x80000046;
	[dreg:$0x1] =	wrdreg $0xFFFFFFFF  }
0xa7: {  	s28 =	simm.s32 $_size_execute0_lowered;
	s3 =	sadd.s32 s3, s5;
	[dreg:$0x0] =	wrdreg $0x0  }
0xa8: {  	s5 =	sshll.u32 s28, $0x1;
	[dreg:$0x2] =	wrdreg s3  }
0xa9: {  	[dreg:$0x3] =	wrdreg s5  }
0xaa: {  	[dreg:$0x4] =	wrdreg $0xC0  }
0xab: {  	_ =	task [dreg:s7], $0x5FFFF  }
0xac: {  	[dreg:$0x1] =	wrdreg $0xFFFFFFFF  }
0xad: {  	[dreg:$0x0] =	wrdreg $0x60  }
0xae: {  	[dreg:$0x2] =	wrdreg s2  }
0xaf: {  	[dreg:$0x3] =	wrdreg s24  }
0xb0: {  	[dreg:$0x4] =	wrdreg $0x9  }
0xb1: {  	_ =	task.clear_ibuf [dreg:s7], $0x5FFFF;
	_ =	strace $0x90000046  }
0xb2: {  	s29 =	simm.s32 $0x9;
	_ =	strace $0x80000048  }
0xb3: {  	_ =	swait.ge [sflag:s29], $0x1  }
0xb4: {  	[sflag:s29] =	ssyncadd.s32 $0xFFFFFFFF  }
0xb5: {  	_ =	strace $0x90000048  }
0xb6: {  	_ =	sfence  }
0xb7: {  	s30 =	sld [smem:$0x0];
	_ =	sdelay $0x2  }
0xb8: {  	s31 =	sshll.u32 s1, $0xD;
	s1 =	sshrl.u32 s1, $0x2  }
0xb9: {  	s3 =	sand.u32 $0x4000, s31;
	s1 =	sadd.s32 s1, s30  }
0xba: {  	s0 =	sor.u32 s3, s0;
	s1 =	sshll.u32 s1, $0x11  }
0xbb: {  	s0 =	sor.u32 s1, s0  }
0xbc: {  	s0 =	sadd.s32 $0x8F2B, s0  }
0xbd: {  	[sflag:s0] =	ssyncadd.remote.s32 $0x1  }
0xbe: {  	_ =	sfence.sel $0xFFFF  }
0xbf: {  	[dreg:$0x0] =	wrdreg $0xFFFFFFFF;
	(pc) =	sbr.abs _section_cstart, $3  }
0xc0: {  	[dreg:$0x1] =	wrdreg $0xFFFFFFFF  }
0xc1: {  	_ =	task.clear_ibuf [dreg:s7], $0x2FFFF;
	_ =	strace $0x9FFFFFFF  }
0xc2: {  	(tm) =	ssettm $0x7FFFFFFF  }
0xc3: {  	_ =	shalt  }
tec
execute0_lowered:
.L_overlay_start_1:
0x0: {  	(tag) =	ssettag $0x1  }
0x1: {  	v0 =	vimm.s32 $0x381  }
0x2: {  	vm14 =	vcmask $0x300;
	vm13 =	vcmask $0x704;
	vm12 =	vcmask $0xB08  }
0x3: {  	vm11 =	vcmask $0xF0C;
	vm10 =	vcmask $0x1310;
	v1 =	vimm.s32 $0x388  }
0x4: {  	vm9 =	vcmask $0x1714;
	vm8 =	vcmask $0x1B18;
	vm7 =	vcmask $0x1F1C  }
0x5: {  	vm6 =	vcmask $0x2320;
	vm4 =	vcmask $0x2724;
	vm0 =	vcmask $0x2B28  }
0x6: {  	vm3 =	vcmask $0x2F2C;
	vm1 =	vcmask $0x3330;
	v2 =	vimm.s32 $0x3F9  }
0x7: {  	vm2 =	vcmask $0x3734;
	vm5 =	vcmask $0x3B38;
	v3 =	vimm.s32 $0x3FA  }
0x8: {  	v4 =	vimm.s32 $0x3FB;
	v5 =	vimm.s32 $0x3FC;
	v6 =	vimm.s32 $0x3FD  }
0x9: {  	v7 =	vimm.s32 $0x3FE;
	v8 =	vimm.s32 $0x3FF;
	v10 =	vimm.s32 $0x181  }
0xa: {  	v11 =	vlaneseq.u32;
	v0 =	vsel vm14, $0x0, v0;
	v1 =	vsel vm14, $0x7, v1  }
0xb: {  	v2 =	vsel vm14, $0x78, v2;
	v3 =	vsel vm14, $0x79, v3;
	v4 =	vsel vm14, $0x7A, v4  }
0xc: {  	v5 =	vsel vm14, $0x7B, v5;
	v6 =	vsel vm14, $0x7C, v6;
	v7 =	vsel vm14, $0x7D, v7  }
0xd: {  	v9 =	vsel vm14, $0x7E, v8;
	v8 =	vsel vm14, $0x7F, v8;
	v10 =	vsel vm14, $0x0, v10  }
0xe: {  	v11 =	vshrl.u32 v11, $0x2;
	v0 =	vsel vm13, $0x80, v0;
	v1 =	vsel vm13, $0x87, v1  }
0xf: {  	v2 =	vsel vm13, $0xF8, v2;
	v3 =	vsel vm13, $0xF9, v3;
	v4 =	vsel vm13, $0xFA, v4  }
0x10: {  	v5 =	vsel vm13, $0xFB, v5;
	v6 =	vsel vm13, $0xFC, v6;
	v7 =	vsel vm13, $0xFD, v7  }
0x11: {  	v9 =	vsel vm13, $0xFE, v9;
	v8 =	vsel vm13, $0xFF, v8;
	v10 =	vsel vm13, $0x80, v10  }
0x12: {  	v11 =	vand.u32 $0x1, v11;
	v0 =	vsel vm12, $0x100, v0;
	v1 =	vsel vm12, $0x107, v1  }
0x13: {  	v2 =	vsel vm12, $0x178, v2;
	v3 =	vsel vm12, $0x179, v3;
	v4 =	vsel vm12, $0x17A, v4  }
0x14: {  	v5 =	vsel vm12, $0x17B, v5;
	v6 =	vsel vm12, $0x17C, v6;
	v7 =	vsel vm12, $0x17D, v7  }
0x15: {  	v9 =	vsel vm12, $0x17E, v9;
	v8 =	vsel vm12, $0x17F, v8;
	v10 =	vsel vm12, $0x100, v10  }
0x16: {  	v11 =	vmul.u32 $0xFFFFFFFF, v11;
	v0 =	vsel vm11, $0x180, v0;
	v1 =	vsel vm11, $0x187, v1  }
0x17: {  	v2 =	vsel vm11, $0x1F8, v2;
	v3 =	vsel vm11, $0x1F9, v3;
	v4 =	vsel vm11, $0x1FA, v4  }
0x18: {  	v5 =	vsel vm11, $0x1FB, v5;
	v6 =	vsel vm11, $0x1FC, v6;
	v7 =	vsel vm11, $0x1FD, v7  }
0x19: {  	v9 =	vsel vm11, $0x1FE, v9;
	v8 =	vsel vm11, $0x1FF, v8;
	v10 =	vsel vm11, $0x180, v10  }
0x1a: {  	v0 =	vsel vm10, $0x1, v0;
	v1 =	vsel vm10, $0x8, v1;
	v2 =	vsel vm10, $0x79, v2  }
0x1b: {  	v3 =	vsel vm10, $0x7A, v3;
	v4 =	vsel vm10, $0x7B, v4;
	v5 =	vsel vm10, $0x7C, v5  }
0x1c: {  	v6 =	vsel vm10, $0x7D, v6;
	v7 =	vsel vm10, $0x7E, v7;
	v9 =	vsel vm10, $0x7F, v9  }
0x1d: {  	v8 =	vsel vm10, $0x7F, v8;
	v10 =	vsel vm10, $0x1, v10;
	v0 =	vsel vm9, $0x81, v0  }
0x1e: {  	v1 =	vsel vm9, $0x88, v1;
	v2 =	vsel vm9, $0xF9, v2;
	v3 =	vsel vm9, $0xFA, v3  }
0x1f: {  	v4 =	vsel vm9, $0xFB, v4;
	v5 =	vsel vm9, $0xFC, v5;
	v6 =	vsel vm9, $0xFD, v6  }
0x20: {  	v7 =	vsel vm9, $0xFE, v7;
	v9 =	vsel vm9, $0xFF, v9;
	v8 =	vsel vm9, $0xFF, v8  }
0x21: {  	v10 =	vsel vm9, $0x81, v10;
	v0 =	vsel vm8, $0x101, v0;
	v1 =	vsel vm8, $0x108, v1  }
0x22: {  	v2 =	vsel vm8, $0x179, v2;
	v3 =	vsel vm8, $0x17A, v3;
	v4 =	vsel vm8, $0x17B, v4  }
0x23: {  	v5 =	vsel vm8, $0x17C, v5;
	v6 =	vsel vm8, $0x17D, v6;
	v7 =	vsel vm8, $0x17E, v7  }
0x24: {  	v9 =	vsel vm8, $0x17F, v9;
	v8 =	vsel vm8, $0x17F, v8;
	v10 =	vsel vm8, $0x101, v10  }
0x25: {  	v0 =	vsel vm7, $0x181, v0;
	v1 =	vsel vm7, $0x188, v1;
	v2 =	vsel vm7, $0x1F9, v2  }
0x26: {  	v3 =	vsel vm7, $0x1FA, v3;
	v4 =	vsel vm7, $0x1FB, v4;
	v5 =	vsel vm7, $0x1FC, v5  }
0x27: {  	v6 =	vsel vm7, $0x1FD, v6;
	v7 =	vsel vm7, $0x1FE, v7;
	v9 =	vsel vm7, $0x1FF, v9  }
0x28: {  	v8 =	vsel vm7, $0x1FF, v8;
	v10 =	vsel vm6, $0x0, v10;
	v0 =	vsel vm6, $0x200, v0  }
0x29: {  	v1 =	vsel vm6, $0x207, v1;
	v2 =	vsel vm6, $0x278, v2;
	v3 =	vsel vm6, $0x279, v3  }
0x2a: {  	v4 =	vsel vm6, $0x27A, v4;
	v5 =	vsel vm6, $0x27B, v5;
	v6 =	vsel vm6, $0x27C, v6  }
0x2b: {  	v7 =	vsel vm6, $0x27D, v7;
	v9 =	vsel vm6, $0x27E, v9;
	v8 =	vsel vm6, $0x27F, v8  }
0x2c: {  	v10 =	vsel vm4, $0x80, v10;
	v0 =	vsel vm4, $0x280, v0;
	v1 =	vsel vm4, $0x287, v1  }
0x2d: {  	v2 =	vsel vm4, $0x2F8, v2;
	v3 =	vsel vm4, $0x2F9, v3;
	v4 =	vsel vm4, $0x2FA, v4  }
0x2e: {  	v5 =	vsel vm4, $0x2FB, v5;
	v6 =	vsel vm4, $0x2FC, v6;
	v7 =	vsel vm4, $0x2FD, v7  }
0x2f: {  	v9 =	vsel vm4, $0x2FE, v9;
	v8 =	vsel vm4, $0x2FF, v8;
	v10 =	vsel vm0, $0x100, v10  }
0x30: {  	v0 =	vsel vm0, $0x300, v0;
	v1 =	vsel vm0, $0x307, v1;
	v2 =	vsel vm0, $0x378, v2  }
0x31: {  	v3 =	vsel vm0, $0x379, v3;
	v4 =	vsel vm0, $0x37A, v4;
	v5 =	vsel vm0, $0x37B, v5  }
0x32: {  	v6 =	vsel vm0, $0x37C, v6;
	v7 =	vsel vm0, $0x37D, v7;
	v9 =	vsel vm0, $0x37E, v9  }
0x33: {  	v8 =	vsel vm0, $0x37F, v8;
	v10 =	vsel vm3, $0x180, v10;
	v0 =	vsel vm3, $0x380, v0  }
0x34: {  	v1 =	vsel vm3, $0x387, v1;
	v2 =	vsel vm3, $0x3F8, v2;
	v3 =	vsel vm3, $0x3F9, v3  }
0x35: {  	v4 =	vsel vm3, $0x3FA, v4;
	v5 =	vsel vm3, $0x3FB, v5;
	v6 =	vsel vm3, $0x3FC, v6  }
0x36: {  	v7 =	vsel vm3, $0x3FD, v7;
	v9 =	vsel vm3, $0x3FE, v9;
	v12 =	vsel vm1, $0x27F, v8  }
0x37: {  	v10 =	vsel vm1, $0x1, v10;
	v0 =	vsel vm1, $0x201, v0;
	v1 =	vsel vm1, $0x208, v1  }
0x38: {  	v2 =	vsel vm1, $0x279, v2;
	v3 =	vsel vm1, $0x27A, v3;
	v4 =	vsel vm1, $0x27B, v4  }
0x39: {  	s0 =	rddreg [dreg:$0x0];
	v5 =	vsel vm1, $0x27C, v5;
	v6 =	vsel vm1, $0x27D, v6;
	v7 =	vsel vm1, $0x27E, v7  }
0x3a: {  	s4 =	rddreg [dreg:$0x1];
	v9 =	vsel vm1, $0x27F, v9;
	v12 =	vsel vm2, $0x2FF, v12;
	v13 =	vsel vm2, $0x81, v10  }
0x3b: {  	s3 =	srdreg.scid;
	s1 =	rddreg [dreg:$0x2];
	s2 =	simm.s32 $0x0;
	v0 =	vsel vm2, $0x281, v0;
	v1 =	vsel vm2, $0x288, v1;
	v2 =	vsel vm2, $0x2F9, v2  }
0x3c: {  	s8 =	simm.s32 $0x10000;
	s9 =	simm.s32 $0x12000;
	s10 =	simm.s32 $0x1;
	v3 =	vsel vm2, $0x2FA, v3;
	v4 =	vsel vm2, $0x2FB, v4;
	v5 =	vsel vm2, $0x2FC, v5  }
0x3d: {  	s11 =	simm.s32 $0x2;
	s12 =	simm.s32 $0x0;
	s5 =	sand.u32 $0x1, s3;
	v6 =	vsel vm2, $0x2FD, v6;
	v7 =	vsel vm2, $0x2FE, v7;
	v9 =	vsel vm2, $0x2FF, v9  }
0x3e: {  	[smem:$0x7FF] =	sst s2;
	s3 =	stileid.u32;
	s6 =	ssub.s32 $0x2, s5;
	v10 =	vsel vm5, $0x37F, v12;
	v0 =	vsel vm5, $0x301, v0;
	v1 =	vsel vm5, $0x308, v1  }
0x3f: {  	s4 =	sadd.s32 $0xA00, s4;
	_ =	strace $0x80000047;
	s7 =	sshrl.u32 s6, $0x1;
	v2 =	vsel vm5, $0x379, v2;
	v3 =	vsel vm5, $0x37A, v3;
	v4 =	vsel vm5, $0x37B, v4  }
0x40: {  	s5 =	sshll.u32 s5, $0xE;
	s31 =	sshll.u32 s3, $0xA;
	s6 =	ssub.s32 s6, s7;
	v5 =	vsel vm5, $0x37C, v5;
	v6 =	vsel vm5, $0x37D, v6;
	v7 =	vsel vm5, $0x37E, v7  }
0x41: {  	s5 =	sor.u32 s31, s5;
	s7 =	simm.s32 $0x3;
	s6 =	smax.u32 s6, $0x1;
	v8 =	vsel vm5, $0x37F, v9;
	v9 =	vadd.s32 $0x7F, v11;
	v11 =	vsel vm5, $0x101, v13  }
.LBB2_1:
0x42: {  	s13 =	simm.s32 $0x0  }
.LBB2_2:
0x43: {  	s14 =	sshll.u32 s13, $0x7  }
0x44: {  	s14 =	sadd.s32 s5, s14  }
0x45: {  	s15 =	sshll.u32 s14, $0x6  }
0x46: {  	s16 =	sadd.s32 s0, s15;
	s15 =	simm.s32 $0x0  }
0x47: {  	[tilespmem:s15], [sflag:$0x3] =	stream.linear.gather [hbm4b:s16+s15], $0x10000, $0x38;
	[tilespmem:$0x14000] =	vst v63  }
0x48: {  	_ =	swait.ge [sflag:s7], $0x10000  }
0x49: {  	s31 =	sshll.u32 s14, $0x8;
	[sflag:s7] =	ssyncset.done $0x0  }
0x4a: {  	s17 =	simm.s32 $0x0;
	s16 =	sadd.s32 s4, s31;
	[sflag:s7] =	ssyncadd.s32 $0xFFFF0000  }
.LBB2_3:
0x4b: {  	s18 =	sshll.u32 s17, $0xC  }
0x4c: {  	s19 =	sor.u32 s13, s17;
	v12 =	vor.u32 s18, v0  }
0x4d: {  	p0 =	seq.s32 s19, $0x0;
	v13 =	vor.u32 s15, v12  }
0x4e: {  	s19 =	simm.s32 @!p0 $0x1  }
0x4f: {  	_ =	swait.ge @!p0 [sflag:s19], $0x2000  }
0x50: {  	[sflag:s19] =	ssyncset.done @!p0 $0x0  }
0x51: {  	[sflag:s19] =	ssyncadd.s32 @!p0 $0xFFFFE000  }
0x52: {  	v14 =	vld.idx.msk [tilespmem:v13+s2+$0x0], $0xffff  }
0x53: {  	v15 =	vadd.s32 $0x1, v13;
	_ =	sdelay $0x2  }
0x54: {  	s19 =	simm.s32 $0x10040  }
0x55: {  	[tilespmem:s19+$0xFFFFFFC0] =	vst v14  }
0x56: {  	v14 =	vld.idx.msk [tilespmem:v15+s2+$0x0], $0xffff  }
0x57: {  	v15 =	vor.u32 $0x2, v13;
	_ =	sdelay $0x3  }
0x58: {  	[tilespmem:s19+$0xFFFFFFD0] =	vst v14  }
0x59: {  	v14 =	vld.idx.msk [tilespmem:v15+s2+$0x0], $0xffff  }
0x5a: {  	v15 =	vadd.s32 $0x3, v13;
	_ =	sdelay $0x3  }
0x5b: {  	[tilespmem:s19+$0xFFFFFFE0] =	vst v14  }
0x5c: {  	v14 =	vld.idx.msk [tilespmem:v15+s2+$0x0], $0xffff  }
0x5d: {  	v15 =	vor.u32 $0x4, v13;
	_ =	sdelay $0x3  }
0x5e: {  	[tilespmem:s19+$0xFFFFFFF0] =	vst v14  }
0x5f: {  	v14 =	vld.idx.msk [tilespmem:v15+s2+$0x0], $0xffff  }
0x60: {  	v15 =	vadd.s32 $0x5, v13;
	_ =	sdelay $0x3  }
0x61: {  	[tilespmem:s19+$0x0] =	vst v14  }
0x62: {  	v14 =	vld.idx.msk [tilespmem:v15+s2+$0x0], $0xffff  }
0x63: {  	v13 =	vor.u32 $0x6, v13;
	_ =	sdelay $0x3  }
0x64: {  	[tilespmem:s19+$0x10] =	vst v14  }
0x65: {  	v14 =	vor.u32 s18, v1;
	v13 =	vld.idx.msk [tilespmem:v13+s2+$0x0], $0xffff  }
0x66: {  	v15 =	vadd.s32 s15, v14;
	_ =	sdelay $0x3  }
0x67: {  	[tilespmem:s19+$0x20] =	vst v13  }
0x68: {  	s20 =	simm.s32 $0x8;
	v16 =	vld.idx.msk [tilespmem:v15+s2+$0x0], $0xffff  }
0x69: {  	s21 =	simm.s32 $0x10;
	v13 =	vmov s18;
	v15 =	vor.u32 s20, v12  }
.LBB2_4:
0x6a: {  	p1 =	sne.s32 s21, $0x70;
	_ =	sdelay $0x2  }
0x6b: {  	[tilespmem:s19+$0x30] =	vst v16  }
0x6c: {  	v16 =	vld.idx.msk [tilespmem:v15+s2+$0x0], $0xffff;
	_ =	sdelay $0x1  }
0x6d: {  	v17 =	vadd.s32 $0x1, v15;
	_ =	sdelay $0x2  }
0x6e: {  	s19 =	sadd.s32 $0x80, s19  }
0x6f: {  	[tilespmem:s19+$0xFFFFFFC0] =	vst v16  }
0x70: {  	v16 =	vld.idx.msk [tilespmem:v17+s2+$0x0], $0xffff;
	_ =	sdelay $0x1  }
0x71: {  	v17 =	vor.u32 $0x2, v15;
	_ =	sdelay $0x3  }
0x72: {  	[tilespmem:s19+$0xFFFFFFD0] =	vst v16  }
0x73: {  	v16 =	vld.idx.msk [tilespmem:v17+s2+$0x0], $0xffff;
	_ =	sdelay $0x1  }
0x74: {  	v17 =	vadd.s32 $0x3, v15;
	_ =	sdelay $0x3  }
0x75: {  	[tilespmem:s19+$0xFFFFFFE0] =	vst v16  }
0x76: {  	v16 =	vld.idx.msk [tilespmem:v17+s2+$0x0], $0xffff;
	_ =	sdelay $0x1  }
0x77: {  	v17 =	vor.u32 $0x4, v15;
	_ =	sdelay $0x3  }
0x78: {  	[tilespmem:s19+$0xFFFFFFF0] =	vst v16  }
0x79: {  	v16 =	vld.idx.msk [tilespmem:v17+s2+$0x0], $0xffff;
	_ =	sdelay $0x1  }
0x7a: {  	v17 =	vadd.s32 $0x5, v15;
	_ =	sdelay $0x3  }
0x7b: {  	[tilespmem:s19+$0x0] =	vst v16  }
0x7c: {  	v16 =	vld.idx.msk [tilespmem:v17+s2+$0x0], $0xffff;
	_ =	sdelay $0x1  }
0x7d: {  	v15 =	vor.u32 $0x6, v15;
	_ =	sdelay $0x3  }
0x7e: {  	[tilespmem:s19+$0x10] =	vst v16  }
0x7f: {  	v15 =	vld.idx.msk [tilespmem:v15+s2+$0x0], $0xffff;
	_ =	sdelay $0x1  }
0x80: {  	v16 =	vadd.s32 s20, v14;
	s20 =	smov.u32 s21;
	_ =	sdelay $0x2  }
.Ltmp0:
0x81: {  	(pc) =	sbr.rel @p1 .LBB2_4-.Ltmp0, $3  }
0x82: {  	[tilespmem:s19+$0x20] =	vst v15  }
0x83: {  	v16 =	vld.idx.msk [tilespmem:v16+s2+$0x0], $0xffff;
	_ =	sdelay $0x1  }
0x84: {  	s21 =	sadd.s32 $0x8, s21;
	v15 =	vor.u32 s20, v12  }
0x85: {  	_ =	sdelay $0x2  }
0x86: {  	[tilespmem:s19+$0x30] =	vst v16  }
0x87: {  	v16 =	vld.idx.msk [tilespmem:v15+s2+$0x0], $0xffff  }
0x88: {  	v17 =	vadd.s32 $0x1, v15;
	_ =	sdelay $0x2  }
0x89: {  	s30 =	sadd.s32 $0x80, s19  }
0x8a: {  	[tilespmem:s30+$0xFFFFFFC0] =	vst v16  }
0x8b: {  	v16 =	vld.idx.msk [tilespmem:v17+s2+$0x0], $0xffff  }
0x8c: {  	v17 =	vor.u32 $0x2, v15;
	_ =	sdelay $0x3  }
0x8d: {  	[tilespmem:s30+$0xFFFFFFD0] =	vst v16  }
0x8e: {  	v16 =	vld.idx.msk [tilespmem:v17+s2+$0x0], $0xffff  }
0x8f: {  	v17 =	vadd.s32 $0x3, v15;
	_ =	sdelay $0x3  }
0x90: {  	[tilespmem:s30+$0xFFFFFFE0] =	vst v16  }
0x91: {  	v16 =	vld.idx.msk [tilespmem:v17+s2+$0x0], $0xffff  }
0x92: {  	v17 =	vor.u32 $0x4, v15;
	_ =	sdelay $0x3  }
0x93: {  	[tilespmem:s30+$0xFFFFFFF0] =	vst v16  }
0x94: {  	v16 =	vld.idx.msk [tilespmem:v17+s2+$0x0], $0xffff  }
0x95: {  	v17 =	vadd.s32 $0x5, v15;
	_ =	sdelay $0x3  }
0x96: {  	[tilespmem:s30+$0x0] =	vst v16  }
0x97: {  	v16 =	vld.idx.msk [tilespmem:v17+s2+$0x0], $0xffff  }
0x98: {  	v15 =	vor.u32 $0x6, v15;
	_ =	sdelay $0x3  }
0x99: {  	[tilespmem:s30+$0x10] =	vst v16  }
0x9a: {  	v15 =	vld.idx.msk [tilespmem:v15+s2+$0x0], $0xffff  }
0x9b: {  	v14 =	vadd.s32 s20, v14;
	_ =	sdelay $0x3  }
0x9c: {  	[tilespmem:s30+$0x20] =	vst v15  }
0x9d: {  	v14 =	vld.idx.msk [tilespmem:v14+s2+$0x0], $0xffff  }
0x9e: {  	v15 =	vor.u32 v2, v13;
	_ =	sdelay $0x3  }
0x9f: {  	s31 =	simm.s32 $0x0;
	[tilespmem:s30+$0x30] =	vst v14  }
0xa0: {  	v14 =	vld.idx.msk [tilespmem:v15+s31+$0x0], $0xffff  }
0xa1: {  	v15 =	vor.u32 v3, v13;
	_ =	sdelay $0x3  }
0xa2: {  	[tilespmem:$0x10780] =	vst v14  }
0xa3: {  	v14 =	vld.idx.msk [tilespmem:v15+s31+$0x0], $0xffff  }
0xa4: {  	v15 =	vor.u32 v4, v13;
	_ =	sdelay $0x3  }
0xa5: {  	[tilespmem:$0x10790] =	vst v14  }
0xa6: {  	v14 =	vld.idx.msk [tilespmem:v15+s31+$0x0], $0xffff  }
0xa7: {  	v15 =	vor.u32 v5, v13;
	_ =	sdelay $0x3  }
0xa8: {  	[tilespmem:$0x107A0] =	vst v14  }
0xa9: {  	v14 =	vld.idx.msk [tilespmem:v15+s31+$0x0], $0xffff  }
0xaa: {  	v15 =	vor.u32 v6, v13;
	_ =	sdelay $0x3  }
0xab: {  	[tilespmem:$0x107B0] =	vst v14  }
0xac: {  	v14 =	vld.idx.msk [tilespmem:v15+s31+$0x0], $0xffff  }
0xad: {  	v15 =	vor.u32 v7, v13;
	_ =	sdelay $0x3  }
0xae: {  	[tilespmem:$0x107C0] =	vst v14  }
0xaf: {  	v14 =	vld.idx.msk [tilespmem:v15+s31+$0x0], $0xffff  }
0xb0: {  	v13 =	vor.u32 v8, v13;
	_ =	sdelay $0x3  }
0xb1: {  	[tilespmem:$0x107D0] =	vst v14  }
0xb2: {  	v13 =	vld.idx.msk [tilespmem:v13+s31+$0x0], $0xffff  }
0xb3: {  	v12 =	vadd.s32 v9, v12;
	_ =	sdelay $0x3  }
0xb4: {  	s21 =	sor.u32 $0x200, s18;
	[tilespmem:$0x107E0] =	vst v13  }
0xb5: {  	v13 =	vld.idx.msk [tilespmem:v12+s31+$0x0], $0xffff;
	v12 =	vadd.s32 s21, v0  }
0xb6: {  	v14 =	vor.u32 s31, v12;
	_ =	sdelay $0x3  }
0xb7: {  	[tilespmem:$0x107F0] =	vst v13  }
0xb8: {  	v13 =	vld.idx.msk [tilespmem:v14+s2+$0x0], $0xffff  }
0xb9: {  	v15 =	vadd.s32 $0x1, v14;
	_ =	sdelay $0x2  }
0xba: {  	s19 =	simm.s32 $0x10870  }
0xbb: {  	[tilespmem:s19+$0xFFFFFF90] =	vst v13  }
0xbc: {  	v13 =	vld.idx.msk [tilespmem:v15+s2+$0x0], $0xffff  }
0xbd: {  	v15 =	vor.u32 $0x2, v14;
	_ =	sdelay $0x3  }
0xbe: {  	[tilespmem:s19+$0xFFFFFFA0] =	vst v13  }
0xbf: {  	v13 =	vld.idx.msk [tilespmem:v15+s2+$0x0], $0xffff  }
0xc0: {  	v15 =	vadd.s32 $0x3, v14;
	_ =	sdelay $0x3  }
0xc1: {  	[tilespmem:s19+$0xFFFFFFB0] =	vst v13  }
0xc2: {  	v13 =	vld.idx.msk [tilespmem:v15+s2+$0x0], $0xffff  }
0xc3: {  	v15 =	vor.u32 $0x4, v14;
	_ =	sdelay $0x3  }
0xc4: {  	[tilespmem:s19+$0xFFFFFFC0] =	vst v13  }
0xc5: {  	v13 =	vld.idx.msk [tilespmem:v15+s2+$0x0], $0xffff  }
0xc6: {  	v15 =	vadd.s32 $0x5, v14;
	_ =	sdelay $0x3  }
0xc7: {  	[tilespmem:s19+$0xFFFFFFD0] =	vst v13  }
0xc8: {  	v13 =	vld.idx.msk [tilespmem:v15+s2+$0x0], $0xffff  }
0xc9: {  	v15 =	vor.u32 $0x6, v14;
	_ =	sdelay $0x3  }
0xca: {  	[tilespmem:s19+$0xFFFFFFE0] =	vst v13  }
0xcb: {  	v14 =	vadd.s32 s21, v1;
	v13 =	vld.idx.msk [tilespmem:v15+s2+$0x0], $0xffff  }
0xcc: {  	v15 =	vadd.s32 s31, v14;
	_ =	sdelay $0x3  }
0xcd: {  	[tilespmem:s19+$0xFFFFFFF0] =	vst v13  }
0xce: {  	s20 =	simm.s32 $0x8;
	v16 =	vld.idx.msk [tilespmem:v15+s2+$0x0], $0xffff  }
0xcf: {  	v13 =	vmov s21;
	s21 =	simm.s32 $0x10;
	v15 =	vor.u32 s20, v12  }
.LBB2_6:
0xd0: {  	p1 =	sne.s32 s21, $0x70;
	_ =	sdelay $0x2  }
0xd1: {  	[tilespmem:s19+$0x0] =	vst v16  }
0xd2: {  	v16 =	vld.idx.msk [tilespmem:v15+s2+$0x0], $0xffff;
	_ =	sdelay $0x1  }
0xd3: {  	v17 =	vadd.s32 $0x1, v15;
	_ =	sdelay $0x2  }
0xd4: {  	s19 =	sadd.s32 $0x80, s19  }
0xd5: {  	[tilespmem:s19+$0xFFFFFF90] =	vst v16  }
0xd6: {  	v16 =	vld.idx.msk [tilespmem:v17+s2+$0x0], $0xffff;
	_ =	sdelay $0x1  }
0xd7: {  	v17 =	vor.u32 $0x2, v15;
	_ =	sdelay $0x3  }
0xd8: {  	[tilespmem:s19+$0xFFFFFFA0] =	vst v16  }
0xd9: {  	v16 =	vld.idx.msk [tilespmem:v17+s2+$0x0], $0xffff;
	_ =	sdelay $0x1  }
0xda: {  	v17 =	vadd.s32 $0x3, v15;
	_ =	sdelay $0x3  }
0xdb: {  	[tilespmem:s19+$0xFFFFFFB0] =	vst v16  }
0xdc: {  	v16 =	vld.idx.msk [tilespmem:v17+s2+$0x0], $0xffff;
	_ =	sdelay $0x1  }
0xdd: {  	v17 =	vor.u32 $0x4, v15;
	_ =	sdelay $0x3  }
0xde: {  	[tilespmem:s19+$0xFFFFFFC0] =	vst v16  }
0xdf: {  	v16 =	vld.idx.msk [tilespmem:v17+s2+$0x0], $0xffff;
	_ =	sdelay $0x1  }
0xe0: {  	v17 =	vadd.s32 $0x5, v15;
	_ =	sdelay $0x3  }
0xe1: {  	[tilespmem:s19+$0xFFFFFFD0] =	vst v16  }
0xe2: {  	v16 =	vld.idx.msk [tilespmem:v17+s2+$0x0], $0xffff;
	_ =	sdelay $0x1  }
0xe3: {  	v15 =	vor.u32 $0x6, v15;
	_ =	sdelay $0x3  }
0xe4: {  	[tilespmem:s19+$0xFFFFFFE0] =	vst v16  }
0xe5: {  	v15 =	vld.idx.msk [tilespmem:v15+s2+$0x0], $0xffff;
	_ =	sdelay $0x1  }
0xe6: {  	v16 =	vadd.s32 s20, v14;
	s20 =	smov.u32 s21;
	_ =	sdelay $0x2  }
.Ltmp1:
0xe7: {  	(pc) =	sbr.rel @p1 .LBB2_6-.Ltmp1, $3  }
0xe8: {  	[tilespmem:s19+$0xFFFFFFF0] =	vst v15  }
0xe9: {  	v16 =	vld.idx.msk [tilespmem:v16+s2+$0x0], $0xffff;
	_ =	sdelay $0x1  }
0xea: {  	s21 =	sadd.s32 $0x8, s21;
	v15 =	vor.u32 s20, v12  }
0xeb: {  	_ =	sdelay $0x2  }
0xec: {  	[tilespmem:s19+$0x0] =	vst v16  }
0xed: {  	v16 =	vld.idx.msk [tilespmem:v15+s2+$0x0], $0xffff  }
0xee: {  	v17 =	vadd.s32 $0x1, v15;
	_ =	sdelay $0x2  }
0xef: {  	s30 =	sadd.s32 $0x80, s19  }
0xf0: {  	[tilespmem:s30+$0xFFFFFF90] =	vst v16  }
0xf1: {  	v16 =	vld.idx.msk [tilespmem:v17+s2+$0x0], $0xffff  }
0xf2: {  	v17 =	vor.u32 $0x2, v15;
	_ =	sdelay $0x3  }
0xf3: {  	[tilespmem:s30+$0xFFFFFFA0] =	vst v16  }
0xf4: {  	v16 =	vld.idx.msk [tilespmem:v17+s2+$0x0], $0xffff  }
0xf5: {  	v17 =	vadd.s32 $0x3, v15;
	_ =	sdelay $0x3  }
0xf6: {  	[tilespmem:s30+$0xFFFFFFB0] =	vst v16  }
0xf7: {  	v16 =	vld.idx.msk [tilespmem:v17+s2+$0x0], $0xffff  }
0xf8: {  	v17 =	vor.u32 $0x4, v15;
	_ =	sdelay $0x3  }
0xf9: {  	[tilespmem:s30+$0xFFFFFFC0] =	vst v16  }
0xfa: {  	v16 =	vld.idx.msk [tilespmem:v17+s2+$0x0], $0xffff  }
0xfb: {  	v17 =	vadd.s32 $0x5, v15;
	_ =	sdelay $0x3  }
0xfc: {  	[tilespmem:s30+$0xFFFFFFD0] =	vst v16  }
0xfd: {  	v16 =	vld.idx.msk [tilespmem:v17+s2+$0x0], $0xffff  }
0xfe: {  	v15 =	vor.u32 $0x6, v15;
	_ =	sdelay $0x3  }
0xff: {  	[tilespmem:s30+$0xFFFFFFE0] =	vst v16  }
0x100: {  	v15 =	vld.idx.msk [tilespmem:v15+s2+$0x0], $0xffff  }
0x101: {  	v14 =	vadd.s32 s20, v14;
	_ =	sdelay $0x3  }
0x102: {  	[tilespmem:s30+$0xFFFFFFF0] =	vst v15  }
0x103: {  	v14 =	vld.idx.msk [tilespmem:v14+s2+$0x0], $0xffff  }
0x104: {  	v15 =	vor.u32 $0x78, v12;
	_ =	sdelay $0x3  }
0x105: {  	s31 =	simm.s32 $0x0;
	[tilespmem:s30+$0x0] =	vst v14  }
0x106: {  	v14 =	vld.idx.msk [tilespmem:v15+s31+$0x0], $0xffff  }
0x107: {  	v15 =	vadd.s32 v3, v13;
	_ =	sdelay $0x3  }
0x108: {  	[tilespmem:$0x10F80] =	vst v14  }
0x109: {  	v14 =	vld.idx.msk [tilespmem:v15+s31+$0x0], $0xffff  }
0x10a: {  	v15 =	vor.u32 $0x7A, v12;
	_ =	sdelay $0x3  }
0x10b: {  	[tilespmem:$0x10F90] =	vst v14  }
0x10c: {  	v14 =	vld.idx.msk [tilespmem:v15+s31+$0x0], $0xffff  }
0x10d: {  	v15 =	vadd.s32 v5, v13;
	_ =	sdelay $0x3  }
0x10e: {  	[tilespmem:$0x10FA0] =	vst v14  }
0x10f: {  	v14 =	vld.idx.msk [tilespmem:v15+s31+$0x0], $0xffff  }
0x110: {  	v15 =	vor.u32 $0x7C, v12;
	_ =	sdelay $0x3  }
0x111: {  	[tilespmem:$0x10FB0] =	vst v14  }
0x112: {  	v14 =	vld.idx.msk [tilespmem:v15+s31+$0x0], $0xffff  }
0x113: {  	v15 =	vadd.s32 v7, v13;
	_ =	sdelay $0x3  }
0x114: {  	[tilespmem:$0x10FC0] =	vst v14  }
0x115: {  	v14 =	vld.idx.msk [tilespmem:v15+s31+$0x0], $0xffff  }
0x116: {  	v12 =	vor.u32 $0x7E, v12;
	_ =	sdelay $0x3  }
0x117: {  	[tilespmem:$0x10FD0] =	vst v14  }
0x118: {  	v12 =	vld.idx.msk [tilespmem:v12+s31+$0x0], $0xffff  }
0x119: {  	v13 =	vadd.s32 v10, v13;
	_ =	sdelay $0x3  }
0x11a: {  	s21 =	sor.u32 $0x400, s18;
	[tilespmem:$0x10FE0] =	vst v12  }
0x11b: {  	v12 =	vor.u32 s21, v0;
	v13 =	vld.idx.msk [tilespmem:v13+s31+$0x0], $0xffff  }
0x11c: {  	v14 =	vor.u32 s31, v12;
	_ =	sdelay $0x3  }
0x11d: {  	[tilespmem:$0x10FF0] =	vst v13  }
0x11e: {  	v13 =	vld.idx.msk [tilespmem:v14+s2+$0x0], $0xffff  }
0x11f: {  	v15 =	vadd.s32 $0x1, v14;
	_ =	sdelay $0x2  }
0x120: {  	s19 =	simm.s32 $0x11070  }
0x121: {  	[tilespmem:s19+$0xFFFFFF90] =	vst v13  }
0x122: {  	v13 =	vld.idx.msk [tilespmem:v15+s2+$0x0], $0xffff  }
0x123: {  	v15 =	vor.u32 $0x2, v14;
	_ =	sdelay $0x3  }
0x124: {  	[tilespmem:s19+$0xFFFFFFA0] =	vst v13  }
0x125: {  	v13 =	vld.idx.msk [tilespmem:v15+s2+$0x0], $0xffff  }
0x126: {  	v15 =	vadd.s32 $0x3, v14;
	_ =	sdelay $0x3  }
0x127: {  	[tilespmem:s19+$0xFFFFFFB0] =	vst v13  }
0x128: {  	v13 =	vld.idx.msk [tilespmem:v15+s2+$0x0], $0xffff  }
0x129: {  	v15 =	vor.u32 $0x4, v14;
	_ =	sdelay $0x3  }
0x12a: {  	[tilespmem:s19+$0xFFFFFFC0] =	vst v13  }
0x12b: {  	v13 =	vld.idx.msk [tilespmem:v15+s2+$0x0], $0xffff  }
0x12c: {  	v15 =	vadd.s32 $0x5, v14;
	_ =	sdelay $0x3  }
0x12d: {  	[tilespmem:s19+$0xFFFFFFD0] =	vst v13  }
0x12e: {  	v13 =	vld.idx.msk [tilespmem:v15+s2+$0x0], $0xffff  }
0x12f: {  	v15 =	vor.u32 $0x6, v14;
	_ =	sdelay $0x3  }
0x130: {  	[tilespmem:s19+$0xFFFFFFE0] =	vst v13  }
0x131: {  	v14 =	vor.u32 s21, v1;
	v13 =	vld.idx.msk [tilespmem:v15+s2+$0x0], $0xffff  }
0x132: {  	v15 =	vadd.s32 s31, v14;
	_ =	sdelay $0x3  }
0x133: {  	[tilespmem:s19+$0xFFFFFFF0] =	vst v13  }
0x134: {  	s20 =	simm.s32 $0x8;
	v16 =	vld.idx.msk [tilespmem:v15+s2+$0x0], $0xffff  }
0x135: {  	v13 =	vmov s21;
	s21 =	simm.s32 $0x10;
	v15 =	vor.u32 s20, v12  }
.LBB2_8:
0x136: {  	p1 =	sne.s32 s21, $0x70;
	_ =	sdelay $0x2  }
0x137: {  	[tilespmem:s19+$0x0] =	vst v16  }
0x138: {  	v16 =	vld.idx.msk [tilespmem:v15+s2+$0x0], $0xffff;
	_ =	sdelay $0x1  }
0x139: {  	v17 =	vadd.s32 $0x1, v15;
	_ =	sdelay $0x2  }
0x13a: {  	s19 =	sadd.s32 $0x80, s19  }
0x13b: {  	[tilespmem:s19+$0xFFFFFF90] =	vst v16  }
0x13c: {  	v16 =	vld.idx.msk [tilespmem:v17+s2+$0x0], $0xffff;
	_ =	sdelay $0x1  }
0x13d: {  	v17 =	vor.u32 $0x2, v15;
	_ =	sdelay $0x3  }
0x13e: {  	[tilespmem:s19+$0xFFFFFFA0] =	vst v16  }
0x13f: {  	v16 =	vld.idx.msk [tilespmem:v17+s2+$0x0], $0xffff;
	_ =	sdelay $0x1  }
0x140: {  	v17 =	vadd.s32 $0x3, v15;
	_ =	sdelay $0x3  }
0x141: {  	[tilespmem:s19+$0xFFFFFFB0] =	vst v16  }
0x142: {  	v16 =	vld.idx.msk [tilespmem:v17+s2+$0x0], $0xffff;
	_ =	sdelay $0x1  }
0x143: {  	v17 =	vor.u32 $0x4, v15;
	_ =	sdelay $0x3  }
0x144: {  	[tilespmem:s19+$0xFFFFFFC0] =	vst v16  }
0x145: {  	v16 =	vld.idx.msk [tilespmem:v17+s2+$0x0], $0xffff;
	_ =	sdelay $0x1  }
0x146: {  	v17 =	vadd.s32 $0x5, v15;
	_ =	sdelay $0x3  }
0x147: {  	[tilespmem:s19+$0xFFFFFFD0] =	vst v16  }
0x148: {  	v16 =	vld.idx.msk [tilespmem:v17+s2+$0x0], $0xffff;
	_ =	sdelay $0x1  }
0x149: {  	v15 =	vor.u32 $0x6, v15;
	_ =	sdelay $0x3  }
0x14a: {  	[tilespmem:s19+$0xFFFFFFE0] =	vst v16  }
0x14b: {  	v15 =	vld.idx.msk [tilespmem:v15+s2+$0x0], $0xffff;
	_ =	sdelay $0x1  }
0x14c: {  	v16 =	vadd.s32 s20, v14;
	s20 =	smov.u32 s21;
	_ =	sdelay $0x2  }
.Ltmp2:
0x14d: {  	(pc) =	sbr.rel @p1 .LBB2_8-.Ltmp2, $3  }
0x14e: {  	[tilespmem:s19+$0xFFFFFFF0] =	vst v15  }
0x14f: {  	v16 =	vld.idx.msk [tilespmem:v16+s2+$0x0], $0xffff;
	_ =	sdelay $0x1  }
0x150: {  	s21 =	sadd.s32 $0x8, s21;
	v15 =	vor.u32 s20, v12  }
0x151: {  	_ =	sdelay $0x2  }
0x152: {  	[tilespmem:s19+$0x0] =	vst v16  }
0x153: {  	v16 =	vld.idx.msk [tilespmem:v15+s2+$0x0], $0xffff  }
0x154: {  	v17 =	vadd.s32 $0x1, v15;
	_ =	sdelay $0x2  }
0x155: {  	s29 =	sadd.s32 $0x80, s19  }
0x156: {  	[tilespmem:s29+$0xFFFFFF90] =	vst v16  }
0x157: {  	v16 =	vld.idx.msk [tilespmem:v17+s2+$0x0], $0xffff  }
0x158: {  	v17 =	vor.u32 $0x2, v15;
	_ =	sdelay $0x3  }
0x159: {  	[tilespmem:s29+$0xFFFFFFA0] =	vst v16  }
0x15a: {  	v16 =	vld.idx.msk [tilespmem:v17+s2+$0x0], $0xffff  }
0x15b: {  	v17 =	vadd.s32 $0x3, v15;
	_ =	sdelay $0x3  }
0x15c: {  	[tilespmem:s29+$0xFFFFFFB0] =	vst v16  }
0x15d: {  	v16 =	vld.idx.msk [tilespmem:v17+s2+$0x0], $0xffff  }
0x15e: {  	v17 =	vor.u32 $0x4, v15;
	_ =	sdelay $0x3  }
0x15f: {  	[tilespmem:s29+$0xFFFFFFC0] =	vst v16  }
0x160: {  	v16 =	vld.idx.msk [tilespmem:v17+s2+$0x0], $0xffff  }
0x161: {  	v17 =	vadd.s32 $0x5, v15;
	_ =	sdelay $0x3  }
0x162: {  	[tilespmem:s29+$0xFFFFFFD0] =	vst v16  }
0x163: {  	v16 =	vld.idx.msk [tilespmem:v17+s2+$0x0], $0xffff  }
0x164: {  	v15 =	vor.u32 $0x6, v15;
	_ =	sdelay $0x3  }
0x165: {  	[tilespmem:s29+$0xFFFFFFE0] =	vst v16  }
0x166: {  	v15 =	vld.idx.msk [tilespmem:v15+s2+$0x0], $0xffff  }
0x167: {  	v14 =	vadd.s32 s20, v14;
	_ =	sdelay $0x3  }
0x168: {  	[tilespmem:s29+$0xFFFFFFF0] =	vst v15  }
0x169: {  	v14 =	vld.idx.msk [tilespmem:v14+s2+$0x0], $0xffff  }
0x16a: {  	v15 =	vor.u32 v2, v13;
	_ =	sdelay $0x3  }
0x16b: {  	s30 =	simm.s32 $0x0;
	[tilespmem:s29+$0x0] =	vst v14  }
0x16c: {  	v14 =	vld.idx.msk [tilespmem:v15+s30+$0x0], $0xffff  }
0x16d: {  	v15 =	vor.u32 v3, v13;
	_ =	sdelay $0x3  }
0x16e: {  	[tilespmem:$0x11780] =	vst v14  }
0x16f: {  	v14 =	vld.idx.msk [tilespmem:v15+s30+$0x0], $0xffff  }
0x170: {  	v15 =	vor.u32 v4, v13;
	_ =	sdelay $0x3  }
0x171: {  	[tilespmem:$0x11790] =	vst v14  }
0x172: {  	v14 =	vld.idx.msk [tilespmem:v15+s30+$0x0], $0xffff  }
0x173: {  	v15 =	vor.u32 v5, v13;
	_ =	sdelay $0x3  }
0x174: {  	[tilespmem:$0x117A0] =	vst v14  }
0x175: {  	v14 =	vld.idx.msk [tilespmem:v15+s30+$0x0], $0xffff  }
0x176: {  	v15 =	vor.u32 v6, v13;
	_ =	sdelay $0x3  }
0x177: {  	[tilespmem:$0x117B0] =	vst v14  }
0x178: {  	v14 =	vld.idx.msk [tilespmem:v15+s30+$0x0], $0xffff  }
0x179: {  	v15 =	vor.u32 v7, v13;
	_ =	sdelay $0x3  }
0x17a: {  	[tilespmem:$0x117C0] =	vst v14  }
0x17b: {  	v14 =	vld.idx.msk [tilespmem:v15+s30+$0x0], $0xffff  }
0x17c: {  	v13 =	vor.u32 v8, v13;
	_ =	sdelay $0x3  }
0x17d: {  	[tilespmem:$0x117D0] =	vst v14  }
0x17e: {  	v13 =	vld.idx.msk [tilespmem:v13+s30+$0x0], $0xffff  }
0x17f: {  	v12 =	vadd.s32 v9, v12;
	_ =	sdelay $0x3  }
0x180: {  	s31 =	sor.u32 $0x600, s18;
	[tilespmem:$0x117E0] =	vst v13  }
0x181: {  	v13 =	vld.idx.msk [tilespmem:v12+s30+$0x0], $0xffff;
	v12 =	vadd.s32 s31, v0  }
0x182: {  	v14 =	vor.u32 s30, v12;
	_ =	sdelay $0x3  }
0x183: {  	[tilespmem:$0x117F0] =	vst v13  }
0x184: {  	v13 =	vld.idx.msk [tilespmem:v14+s2+$0x0], $0xffff  }
0x185: {  	v15 =	vadd.s32 $0x1, v14;
	_ =	sdelay $0x2  }
0x186: {  	s18 =	simm.s32 $0x11870  }
0x187: {  	[tilespmem:s18+$0xFFFFFF90] =	vst v13  }
0x188: {  	v13 =	vld.idx.msk [tilespmem:v15+s2+$0x0], $0xffff  }
0x189: {  	v15 =	vor.u32 $0x2, v14;
	_ =	sdelay $0x3  }
0x18a: {  	[tilespmem:s18+$0xFFFFFFA0] =	vst v13  }
0x18b: {  	v13 =	vld.idx.msk [tilespmem:v15+s2+$0x0], $0xffff  }
0x18c: {  	v15 =	vadd.s32 $0x3, v14;
	_ =	sdelay $0x3  }
0x18d: {  	[tilespmem:s18+$0xFFFFFFB0] =	vst v13  }
0x18e: {  	v13 =	vld.idx.msk [tilespmem:v15+s2+$0x0], $0xffff  }
0x18f: {  	v15 =	vor.u32 $0x4, v14;
	_ =	sdelay $0x3  }
0x190: {  	[tilespmem:s18+$0xFFFFFFC0] =	vst v13  }
0x191: {  	v13 =	vld.idx.msk [tilespmem:v15+s2+$0x0], $0xffff  }
0x192: {  	v15 =	vadd.s32 $0x5, v14;
	_ =	sdelay $0x3  }
0x193: {  	[tilespmem:s18+$0xFFFFFFD0] =	vst v13  }
0x194: {  	v13 =	vld.idx.msk [tilespmem:v15+s2+$0x0], $0xffff  }
0x195: {  	v15 =	vor.u32 $0x6, v14;
	_ =	sdelay $0x3  }
0x196: {  	[tilespmem:s18+$0xFFFFFFE0] =	vst v13  }
0x197: {  	v14 =	vadd.s32 s31, v1;
	v13 =	vld.idx.msk [tilespmem:v15+s2+$0x0], $0xffff  }
0x198: {  	v15 =	vadd.s32 s30, v14;
	_ =	sdelay $0x3  }
0x199: {  	[tilespmem:s18+$0xFFFFFFF0] =	vst v13  }
0x19a: {  	s19 =	simm.s32 $0x8;
	v16 =	vld.idx.msk [tilespmem:v15+s2+$0x0], $0xffff  }
0x19b: {  	s20 =	simm.s32 $0x10;
	v13 =	vmov s31;
	v15 =	vor.u32 s19, v12  }
.LBB2_10:
0x19c: {  	p1 =	sne.s32 s20, $0x70;
	_ =	sdelay $0x2  }
0x19d: {  	[tilespmem:s18+$0x0] =	vst v16  }
0x19e: {  	v16 =	vld.idx.msk [tilespmem:v15+s2+$0x0], $0xffff;
	_ =	sdelay $0x1  }
0x19f: {  	v17 =	vadd.s32 $0x1, v15;
	_ =	sdelay $0x2  }
0x1a0: {  	s18 =	sadd.s32 $0x80, s18  }
0x1a1: {  	[tilespmem:s18+$0xFFFFFF90] =	vst v16  }
0x1a2: {  	v16 =	vld.idx.msk [tilespmem:v17+s2+$0x0], $0xffff;
	_ =	sdelay $0x1  }
0x1a3: {  	v17 =	vor.u32 $0x2, v15;
	_ =	sdelay $0x3  }
0x1a4: {  	[tilespmem:s18+$0xFFFFFFA0] =	vst v16  }
0x1a5: {  	v16 =	vld.idx.msk [tilespmem:v17+s2+$0x0], $0xffff;
	_ =	sdelay $0x1  }
0x1a6: {  	v17 =	vadd.s32 $0x3, v15;
	_ =	sdelay $0x3  }
0x1a7: {  	[tilespmem:s18+$0xFFFFFFB0] =	vst v16  }
0x1a8: {  	v16 =	vld.idx.msk [tilespmem:v17+s2+$0x0], $0xffff;
	_ =	sdelay $0x1  }
0x1a9: {  	v17 =	vor.u32 $0x4, v15;
	_ =	sdelay $0x3  }
0x1aa: {  	[tilespmem:s18+$0xFFFFFFC0] =	vst v16  }
0x1ab: {  	v16 =	vld.idx.msk [tilespmem:v17+s2+$0x0], $0xffff;
	_ =	sdelay $0x1  }
0x1ac: {  	v17 =	vadd.s32 $0x5, v15;
	_ =	sdelay $0x3  }
0x1ad: {  	[tilespmem:s18+$0xFFFFFFD0] =	vst v16  }
0x1ae: {  	v16 =	vld.idx.msk [tilespmem:v17+s2+$0x0], $0xffff;
	_ =	sdelay $0x1  }
0x1af: {  	v15 =	vor.u32 $0x6, v15;
	_ =	sdelay $0x3  }
0x1b0: {  	[tilespmem:s18+$0xFFFFFFE0] =	vst v16  }
0x1b1: {  	v15 =	vld.idx.msk [tilespmem:v15+s2+$0x0], $0xffff;
	_ =	sdelay $0x1  }
0x1b2: {  	v16 =	vadd.s32 s19, v14;
	s19 =	smov.u32 s20;
	_ =	sdelay $0x2  }
.Ltmp3:
0x1b3: {  	(pc) =	sbr.rel @p1 .LBB2_10-.Ltmp3, $3  }
0x1b4: {  	[tilespmem:s18+$0xFFFFFFF0] =	vst v15  }
0x1b5: {  	v16 =	vld.idx.msk [tilespmem:v16+s2+$0x0], $0xffff;
	_ =	sdelay $0x1  }
0x1b6: {  	s20 =	sadd.s32 $0x8, s20;
	v15 =	vor.u32 s19, v12  }
0x1b7: {  	_ =	sdelay $0x2  }
0x1b8: {  	[tilespmem:s18+$0x0] =	vst v16  }
0x1b9: {  	v16 =	vld.idx.msk [tilespmem:v15+s2+$0x0], $0xffff  }
0x1ba: {  	v17 =	vadd.s32 $0x1, v15;
	_ =	sdelay $0x2  }
0x1bb: {  	s30 =	sadd.s32 $0x80, s18  }
0x1bc: {  	[tilespmem:s30+$0xFFFFFF90] =	vst v16  }
0x1bd: {  	v16 =	vld.idx.msk [tilespmem:v17+s2+$0x0], $0xffff  }
0x1be: {  	v17 =	vor.u32 $0x2, v15;
	_ =	sdelay $0x3  }
0x1bf: {  	[tilespmem:s30+$0xFFFFFFA0] =	vst v16  }
0x1c0: {  	v16 =	vld.idx.msk [tilespmem:v17+s2+$0x0], $0xffff  }
0x1c1: {  	v17 =	vadd.s32 $0x3, v15;
	_ =	sdelay $0x3  }
0x1c2: {  	[tilespmem:s30+$0xFFFFFFB0] =	vst v16  }
0x1c3: {  	v16 =	vld.idx.msk [tilespmem:v17+s2+$0x0], $0xffff  }
0x1c4: {  	v17 =	vor.u32 $0x4, v15;
	_ =	sdelay $0x3  }
0x1c5: {  	[tilespmem:s30+$0xFFFFFFC0] =	vst v16  }
0x1c6: {  	v16 =	vld.idx.msk [tilespmem:v17+s2+$0x0], $0xffff  }
0x1c7: {  	v17 =	vadd.s32 $0x5, v15;
	_ =	sdelay $0x3  }
0x1c8: {  	[tilespmem:s30+$0xFFFFFFD0] =	vst v16  }
0x1c9: {  	v16 =	vld.idx.msk [tilespmem:v17+s2+$0x0], $0xffff  }
0x1ca: {  	v15 =	vor.u32 $0x6, v15;
	_ =	sdelay $0x3  }
0x1cb: {  	[tilespmem:s30+$0xFFFFFFE0] =	vst v16  }
0x1cc: {  	v15 =	vld.idx.msk [tilespmem:v15+s2+$0x0], $0xffff  }
0x1cd: {  	v14 =	vadd.s32 s19, v14;
	_ =	sdelay $0x3  }
0x1ce: {  	[tilespmem:s30+$0xFFFFFFF0] =	vst v15  }
0x1cf: {  	v14 =	vld.idx.msk [tilespmem:v14+s2+$0x0], $0xffff  }
0x1d0: {  	v15 =	vor.u32 $0x78, v12;
	_ =	sdelay $0x3  }
0x1d1: {  	[tilespmem:s30+$0x0] =	vst v14  }
0x1d2: {  	v14 =	vld.idx.msk [tilespmem:v15+s2+$0x0], $0xffff  }
0x1d3: {  	v15 =	vadd.s32 v3, v13;
	_ =	sdelay $0x3  }
0x1d4: {  	[tilespmem:$0x11F80] =	vst v14  }
0x1d5: {  	v14 =	vld.idx.msk [tilespmem:v15+s2+$0x0], $0xffff  }
0x1d6: {  	v15 =	vor.u32 $0x7A, v12;
	_ =	sdelay $0x3  }
0x1d7: {  	[tilespmem:$0x11F90] =	vst v14  }
0x1d8: {  	v14 =	vld.idx.msk [tilespmem:v15+s2+$0x0], $0xffff  }
0x1d9: {  	v15 =	vadd.s32 v5, v13;
	_ =	sdelay $0x3  }
0x1da: {  	[tilespmem:$0x11FA0] =	vst v14  }
0x1db: {  	v14 =	vld.idx.msk [tilespmem:v15+s2+$0x0], $0xffff  }
0x1dc: {  	v15 =	vor.u32 $0x7C, v12;
	_ =	sdelay $0x3  }
0x1dd: {  	[tilespmem:$0x11FB0] =	vst v14  }
0x1de: {  	v14 =	vld.idx.msk [tilespmem:v15+s2+$0x0], $0xffff  }
0x1df: {  	v15 =	vadd.s32 v7, v13;
	_ =	sdelay $0x3  }
0x1e0: {  	[tilespmem:$0x11FC0] =	vst v14  }
0x1e1: {  	v14 =	vld.idx.msk [tilespmem:v15+s2+$0x0], $0xffff  }
0x1e2: {  	v12 =	vor.u32 $0x7E, v12;
	_ =	sdelay $0x3  }
0x1e3: {  	[tilespmem:$0x11FD0] =	vst v14  }
0x1e4: {  	v12 =	vld.idx.msk [tilespmem:v12+s2+$0x0], $0xffff  }
0x1e5: {  	v13 =	vadd.s32 v10, v13;
	_ =	sdelay $0x3  }
0x1e6: {  	[tilespmem:$0x11FE0] =	vst v12  }
0x1e7: {  	v12 =	vld.idx.msk [tilespmem:v13+s2+$0x0], $0xffff;
	_ =	sdelay $0x2  }
0x1e8: {  	s31 =	sshllo.u32 s17, $0x1  }
0x1e9: {  	s20 =	sshll.u32 s17, $0xB;
	s19 =	sshll.u32 s31, $0xB  }
0x1ea: {  	s21 =	simm.s32 $0x0;
	s20 =	sadd.s32 s16, s20;
	[tilespmem:$0x11FF0] =	vst v12;
	v12 =	vor.u32 s19, v0  }
0x1eb: {  	[hbm4b:s20+s2] =	stream.linear.scatter [tilespmem:s8], [sflag:$0x1], $0x2000, $0x38;
	v13 =	vor.u32 s21, v12;
	[tilespmem:$0x14000] =	vst v63  }
0x1ec: {  	s20 =	simm.s32 @!p0 $0x2  }
0x1ed: {  	_ =	swait.ge @!p0 [sflag:s20], $0x2000  }
0x1ee: {  	[sflag:s20] =	ssyncset.done @!p0 $0x0  }
0x1ef: {  	[sflag:s20] =	ssyncadd.s32 @!p0 $0xFFFFE000  }
0x1f0: {  	v14 =	vld.idx.msk [tilespmem:v13+s2+$0x0], $0xffff  }
0x1f1: {  	v15 =	vadd.s32 $0x1, v13;
	_ =	sdelay $0x2  }
0x1f2: {  	s20 =	simm.s32 $0x12040  }
0x1f3: {  	[tilespmem:s20+$0xFFFFFFC0] =	vst v14  }
0x1f4: {  	v14 =	vld.idx.msk [tilespmem:v15+s2+$0x0], $0xffff  }
0x1f5: {  	v15 =	vor.u32 $0x2, v13;
	_ =	sdelay $0x3  }
0x1f6: {  	[tilespmem:s20+$0xFFFFFFD0] =	vst v14  }
0x1f7: {  	v14 =	vld.idx.msk [tilespmem:v15+s2+$0x0], $0xffff  }
0x1f8: {  	v15 =	vadd.s32 $0x3, v13;
	_ =	sdelay $0x3  }
0x1f9: {  	[tilespmem:s20+$0xFFFFFFE0] =	vst v14  }
0x1fa: {  	v14 =	vld.idx.msk [tilespmem:v15+s2+$0x0], $0xffff  }
0x1fb: {  	v15 =	vor.u32 $0x4, v13;
	_ =	sdelay $0x3  }
0x1fc: {  	[tilespmem:s20+$0xFFFFFFF0] =	vst v14  }
0x1fd: {  	v14 =	vld.idx.msk [tilespmem:v15+s2+$0x0], $0xffff  }
0x1fe: {  	v15 =	vadd.s32 $0x5, v13;
	_ =	sdelay $0x3  }
0x1ff: {  	[tilespmem:s20+$0x0] =	vst v14  }
0x200: {  	v14 =	vld.idx.msk [tilespmem:v15+s2+$0x0], $0xffff  }
0x201: {  	v13 =	vor.u32 $0x6, v13;
	_ =	sdelay $0x3  }
0x202: {  	[tilespmem:s20+$0x10] =	vst v14  }
0x203: {  	v14 =	vor.u32 s19, v1;
	v13 =	vld.idx.msk [tilespmem:v13+s2+$0x0], $0xffff  }
0x204: {  	v15 =	vadd.s32 s21, v14;
	_ =	sdelay $0x3  }
0x205: {  	[tilespmem:s20+$0x20] =	vst v13  }
0x206: {  	s21 =	simm.s32 $0x8;
	v16 =	vld.idx.msk [tilespmem:v15+s2+$0x0], $0xffff  }
0x207: {  	s22 =	simm.s32 $0x10;
	s18 =	sshll.u32 s31, $0x2;
	v13 =	vmov s19;
	v15 =	vor.u32 s21, v12  }
.LBB2_12:
0x208: {  	p0 =	sne.s32 s22, $0x70;
	_ =	sdelay $0x2  }
0x209: {  	[tilespmem:s20+$0x30] =	vst v16  }
0x20a: {  	v16 =	vld.idx.msk [tilespmem:v15+s2+$0x0], $0xffff;
	_ =	sdelay $0x1  }
0x20b: {  	v17 =	vadd.s32 $0x1, v15;
	_ =	sdelay $0x2  }
0x20c: {  	s20 =	sadd.s32 $0x80, s20  }
0x20d: {  	[tilespmem:s20+$0xFFFFFFC0] =	vst v16  }
0x20e: {  	v16 =	vld.idx.msk [tilespmem:v17+s2+$0x0], $0xffff;
	_ =	sdelay $0x1  }
0x20f: {  	v17 =	vor.u32 $0x2, v15;
	_ =	sdelay $0x3  }
0x210: {  	[tilespmem:s20+$0xFFFFFFD0] =	vst v16  }
0x211: {  	v16 =	vld.idx.msk [tilespmem:v17+s2+$0x0], $0xffff;
	_ =	sdelay $0x1  }
0x212: {  	v17 =	vadd.s32 $0x3, v15;
	_ =	sdelay $0x3  }
0x213: {  	[tilespmem:s20+$0xFFFFFFE0] =	vst v16  }
0x214: {  	v16 =	vld.idx.msk [tilespmem:v17+s2+$0x0], $0xffff;
	_ =	sdelay $0x1  }
0x215: {  	v17 =	vor.u32 $0x4, v15;
	_ =	sdelay $0x3  }
0x216: {  	[tilespmem:s20+$0xFFFFFFF0] =	vst v16  }
0x217: {  	v16 =	vld.idx.msk [tilespmem:v17+s2+$0x0], $0xffff;
	_ =	sdelay $0x1  }
0x218: {  	v17 =	vadd.s32 $0x5, v15;
	_ =	sdelay $0x3  }
0x219: {  	[tilespmem:s20+$0x0] =	vst v16  }
0x21a: {  	v16 =	vld.idx.msk [tilespmem:v17+s2+$0x0], $0xffff;
	_ =	sdelay $0x1  }
0x21b: {  	v15 =	vor.u32 $0x6, v15;
	_ =	sdelay $0x3  }
0x21c: {  	[tilespmem:s20+$0x10] =	vst v16  }
0x21d: {  	v15 =	vld.idx.msk [tilespmem:v15+s2+$0x0], $0xffff;
	_ =	sdelay $0x1  }
0x21e: {  	v16 =	vadd.s32 s21, v14;
	s21 =	smov.u32 s22;
	_ =	sdelay $0x2  }
.Ltmp4:
0x21f: {  	(pc) =	sbr.rel @p0 .LBB2_12-.Ltmp4, $3  }
0x220: {  	[tilespmem:s20+$0x20] =	vst v15  }
0x221: {  	v16 =	vld.idx.msk [tilespmem:v16+s2+$0x0], $0xffff;
	_ =	sdelay $0x1  }
0x222: {  	s22 =	sadd.s32 $0x8, s22;
	v15 =	vor.u32 s21, v12  }
0x223: {  	_ =	sdelay $0x2  }
0x224: {  	[tilespmem:s20+$0x30] =	vst v16  }
0x225: {  	v16 =	vld.idx.msk [tilespmem:v15+s2+$0x0], $0xffff  }
0x226: {  	v17 =	vadd.s32 $0x1, v15;
	_ =	sdelay $0x2  }
0x227: {  	s30 =	sadd.s32 $0x80, s20  }
0x228: {  	[tilespmem:s30+$0xFFFFFFC0] =	vst v16  }
0x229: {  	v16 =	vld.idx.msk [tilespmem:v17+s2+$0x0], $0xffff  }
0x22a: {  	v17 =	vor.u32 $0x2, v15;
	_ =	sdelay $0x3  }
0x22b: {  	[tilespmem:s30+$0xFFFFFFD0] =	vst v16  }
0x22c: {  	v16 =	vld.idx.msk [tilespmem:v17+s2+$0x0], $0xffff  }
0x22d: {  	v17 =	vadd.s32 $0x3, v15;
	_ =	sdelay $0x3  }
0x22e: {  	[tilespmem:s30+$0xFFFFFFE0] =	vst v16  }
0x22f: {  	v16 =	vld.idx.msk [tilespmem:v17+s2+$0x0], $0xffff  }
0x230: {  	v17 =	vor.u32 $0x4, v15;
	_ =	sdelay $0x3  }
0x231: {  	[tilespmem:s30+$0xFFFFFFF0] =	vst v16  }
0x232: {  	v16 =	vld.idx.msk [tilespmem:v17+s2+$0x0], $0xffff  }
0x233: {  	v17 =	vadd.s32 $0x5, v15;
	_ =	sdelay $0x3  }
0x234: {  	[tilespmem:s30+$0x0] =	vst v16  }
0x235: {  	v16 =	vld.idx.msk [tilespmem:v17+s2+$0x0], $0xffff  }
0x236: {  	v15 =	vor.u32 $0x6, v15;
	_ =	sdelay $0x3  }
0x237: {  	[tilespmem:s30+$0x10] =	vst v16  }
0x238: {  	v15 =	vld.idx.msk [tilespmem:v15+s2+$0x0], $0xffff  }
0x239: {  	v14 =	vadd.s32 s21, v14;
	_ =	sdelay $0x3  }
0x23a: {  	[tilespmem:s30+$0x20] =	vst v15  }
0x23b: {  	v14 =	vld.idx.msk [tilespmem:v14+s2+$0x0], $0xffff  }
0x23c: {  	v15 =	vor.u32 v2, v13;
	_ =	sdelay $0x3  }
0x23d: {  	s31 =	simm.s32 $0x0;
	[tilespmem:s30+$0x30] =	vst v14  }
0x23e: {  	v14 =	vld.idx.msk [tilespmem:v15+s31+$0x0], $0xffff  }
0x23f: {  	v15 =	vor.u32 v3, v13;
	_ =	sdelay $0x3  }
0x240: {  	[tilespmem:$0x12780] =	vst v14  }
0x241: {  	v14 =	vld.idx.msk [tilespmem:v15+s31+$0x0], $0xffff  }
0x242: {  	v15 =	vor.u32 v4, v13;
	_ =	sdelay $0x3  }
0x243: {  	[tilespmem:$0x12790] =	vst v14  }
0x244: {  	v14 =	vld.idx.msk [tilespmem:v15+s31+$0x0], $0xffff  }
0x245: {  	v15 =	vor.u32 v5, v13;
	_ =	sdelay $0x3  }
0x246: {  	[tilespmem:$0x127A0] =	vst v14  }
0x247: {  	v14 =	vld.idx.msk [tilespmem:v15+s31+$0x0], $0xffff  }
0x248: {  	v15 =	vor.u32 v6, v13;
	_ =	sdelay $0x3  }
0x249: {  	[tilespmem:$0x127B0] =	vst v14  }
0x24a: {  	v14 =	vld.idx.msk [tilespmem:v15+s31+$0x0], $0xffff  }
0x24b: {  	v15 =	vor.u32 v7, v13;
	_ =	sdelay $0x3  }
0x24c: {  	[tilespmem:$0x127C0] =	vst v14  }
0x24d: {  	v14 =	vld.idx.msk [tilespmem:v15+s31+$0x0], $0xffff  }
0x24e: {  	v13 =	vor.u32 v8, v13;
	_ =	sdelay $0x3  }
0x24f: {  	[tilespmem:$0x127D0] =	vst v14  }
0x250: {  	v13 =	vld.idx.msk [tilespmem:v13+s31+$0x0], $0xffff  }
0x251: {  	v12 =	vadd.s32 v9, v12;
	_ =	sdelay $0x3  }
0x252: {  	s22 =	sor.u32 $0x200, s19;
	[tilespmem:$0x127E0] =	vst v13  }
0x253: {  	v13 =	vld.idx.msk [tilespmem:v12+s31+$0x0], $0xffff;
	v12 =	vadd.s32 s22, v0  }
0x254: {  	v14 =	vor.u32 s31, v12;
	_ =	sdelay $0x3  }
0x255: {  	[tilespmem:$0x127F0] =	vst v13  }
0x256: {  	v13 =	vld.idx.msk [tilespmem:v14+s2+$0x0], $0xffff  }
0x257: {  	v15 =	vadd.s32 $0x1, v14;
	_ =	sdelay $0x2  }
0x258: {  	s20 =	simm.s32 $0x12870  }
0x259: {  	[tilespmem:s20+$0xFFFFFF90] =	vst v13  }
0x25a: {  	v13 =	vld.idx.msk [tilespmem:v15+s2+$0x0], $0xffff  }
0x25b: {  	v15 =	vor.u32 $0x2, v14;
	_ =	sdelay $0x3  }
0x25c: {  	[tilespmem:s20+$0xFFFFFFA0] =	vst v13  }
0x25d: {  	v13 =	vld.idx.msk [tilespmem:v15+s2+$0x0], $0xffff  }
0x25e: {  	v15 =	vadd.s32 $0x3, v14;
	_ =	sdelay $0x3  }
0x25f: {  	[tilespmem:s20+$0xFFFFFFB0] =	vst v13  }
0x260: {  	v13 =	vld.idx.msk [tilespmem:v15+s2+$0x0], $0xffff  }
0x261: {  	v15 =	vor.u32 $0x4, v14;
	_ =	sdelay $0x3  }
0x262: {  	[tilespmem:s20+$0xFFFFFFC0] =	vst v13  }
0x263: {  	v13 =	vld.idx.msk [tilespmem:v15+s2+$0x0], $0xffff  }
0x264: {  	v15 =	vadd.s32 $0x5, v14;
	_ =	sdelay $0x3  }
0x265: {  	[tilespmem:s20+$0xFFFFFFD0] =	vst v13  }
0x266: {  	v13 =	vld.idx.msk [tilespmem:v15+s2+$0x0], $0xffff  }
0x267: {  	v15 =	vor.u32 $0x6, v14;
	_ =	sdelay $0x3  }
0x268: {  	[tilespmem:s20+$0xFFFFFFE0] =	vst v13  }
0x269: {  	v14 =	vadd.s32 s22, v1;
	v13 =	vld.idx.msk [tilespmem:v15+s2+$0x0], $0xffff  }
0x26a: {  	v15 =	vadd.s32 s31, v14;
	_ =	sdelay $0x3  }
0x26b: {  	[tilespmem:s20+$0xFFFFFFF0] =	vst v13  }
0x26c: {  	s21 =	simm.s32 $0x8;
	v16 =	vld.idx.msk [tilespmem:v15+s2+$0x0], $0xffff  }
0x26d: {  	v13 =	vmov s22;
	s22 =	simm.s32 $0x10;
	v15 =	vor.u32 s21, v12  }
.LBB2_14:
0x26e: {  	p0 =	sne.s32 s22, $0x70;
	_ =	sdelay $0x2  }
0x26f: {  	[tilespmem:s20+$0x0] =	vst v16  }
0x270: {  	v16 =	vld.idx.msk [tilespmem:v15+s2+$0x0], $0xffff;
	_ =	sdelay $0x1  }
0x271: {  	v17 =	vadd.s32 $0x1, v15;
	_ =	sdelay $0x2  }
0x272: {  	s20 =	sadd.s32 $0x80, s20  }
0x273: {  	[tilespmem:s20+$0xFFFFFF90] =	vst v16  }
0x274: {  	v16 =	vld.idx.msk [tilespmem:v17+s2+$0x0], $0xffff;
	_ =	sdelay $0x1  }
0x275: {  	v17 =	vor.u32 $0x2, v15;
	_ =	sdelay $0x3  }
0x276: {  	[tilespmem:s20+$0xFFFFFFA0] =	vst v16  }
0x277: {  	v16 =	vld.idx.msk [tilespmem:v17+s2+$0x0], $0xffff;
	_ =	sdelay $0x1  }
0x278: {  	v17 =	vadd.s32 $0x3, v15;
	_ =	sdelay $0x3  }
0x279: {  	[tilespmem:s20+$0xFFFFFFB0] =	vst v16  }
0x27a: {  	v16 =	vld.idx.msk [tilespmem:v17+s2+$0x0], $0xffff;
	_ =	sdelay $0x1  }
0x27b: {  	v17 =	vor.u32 $0x4, v15;
	_ =	sdelay $0x3  }
0x27c: {  	[tilespmem:s20+$0xFFFFFFC0] =	vst v16  }
0x27d: {  	v16 =	vld.idx.msk [tilespmem:v17+s2+$0x0], $0xffff;
	_ =	sdelay $0x1  }
0x27e: {  	v17 =	vadd.s32 $0x5, v15;
	_ =	sdelay $0x3  }
0x27f: {  	[tilespmem:s20+$0xFFFFFFD0] =	vst v16  }
0x280: {  	v16 =	vld.idx.msk [tilespmem:v17+s2+$0x0], $0xffff;
	_ =	sdelay $0x1  }
0x281: {  	v15 =	vor.u32 $0x6, v15;
	_ =	sdelay $0x3  }
0x282: {  	[tilespmem:s20+$0xFFFFFFE0] =	vst v16  }
0x283: {  	v15 =	vld.idx.msk [tilespmem:v15+s2+$0x0], $0xffff;
	_ =	sdelay $0x1  }
0x284: {  	v16 =	vadd.s32 s21, v14;
	s21 =	smov.u32 s22;
	_ =	sdelay $0x2  }
.Ltmp5:
0x285: {  	(pc) =	sbr.rel @p0 .LBB2_14-.Ltmp5, $3  }
0x286: {  	[tilespmem:s20+$0xFFFFFFF0] =	vst v15  }
0x287: {  	v16 =	vld.idx.msk [tilespmem:v16+s2+$0x0], $0xffff;
	_ =	sdelay $0x1  }
0x288: {  	s22 =	sadd.s32 $0x8, s22;
	v15 =	vor.u32 s21, v12  }
0x289: {  	_ =	sdelay $0x2  }
0x28a: {  	[tilespmem:s20+$0x0] =	vst v16  }
0x28b: {  	v16 =	vld.idx.msk [tilespmem:v15+s2+$0x0], $0xffff  }
0x28c: {  	v17 =	vadd.s32 $0x1, v15;
	_ =	sdelay $0x2  }
0x28d: {  	s29 =	sadd.s32 $0x80, s20  }
0x28e: {  	[tilespmem:s29+$0xFFFFFF90] =	vst v16  }
0x28f: {  	v16 =	vld.idx.msk [tilespmem:v17+s2+$0x0], $0xffff  }
0x290: {  	v17 =	vor.u32 $0x2, v15;
	_ =	sdelay $0x3  }
0x291: {  	[tilespmem:s29+$0xFFFFFFA0] =	vst v16  }
0x292: {  	v16 =	vld.idx.msk [tilespmem:v17+s2+$0x0], $0xffff  }
0x293: {  	v17 =	vadd.s32 $0x3, v15;
	_ =	sdelay $0x3  }
0x294: {  	[tilespmem:s29+$0xFFFFFFB0] =	vst v16  }
0x295: {  	v16 =	vld.idx.msk [tilespmem:v17+s2+$0x0], $0xffff  }
0x296: {  	v17 =	vor.u32 $0x4, v15;
	_ =	sdelay $0x3  }
0x297: {  	[tilespmem:s29+$0xFFFFFFC0] =	vst v16  }
0x298: {  	v16 =	vld.idx.msk [tilespmem:v17+s2+$0x0], $0xffff  }
0x299: {  	v17 =	vadd.s32 $0x5, v15;
	_ =	sdelay $0x3  }
0x29a: {  	[tilespmem:s29+$0xFFFFFFD0] =	vst v16  }
0x29b: {  	v16 =	vld.idx.msk [tilespmem:v17+s2+$0x0], $0xffff  }
0x29c: {  	v15 =	vor.u32 $0x6, v15;
	_ =	sdelay $0x3  }
0x29d: {  	[tilespmem:s29+$0xFFFFFFE0] =	vst v16  }
0x29e: {  	v15 =	vld.idx.msk [tilespmem:v15+s2+$0x0], $0xffff  }
0x29f: {  	v14 =	vadd.s32 s21, v14;
	_ =	sdelay $0x3  }
0x2a0: {  	[tilespmem:s29+$0xFFFFFFF0] =	vst v15  }
0x2a1: {  	v14 =	vld.idx.msk [tilespmem:v14+s2+$0x0], $0xffff  }
0x2a2: {  	v15 =	vor.u32 $0x78, v12;
	_ =	sdelay $0x3  }
0x2a3: {  	s30 =	simm.s32 $0x0;
	[tilespmem:s29+$0x0] =	vst v14  }
0x2a4: {  	v14 =	vld.idx.msk [tilespmem:v15+s30+$0x0], $0xffff  }
0x2a5: {  	v15 =	vadd.s32 v3, v13;
	_ =	sdelay $0x3  }
0x2a6: {  	[tilespmem:$0x12F80] =	vst v14  }
0x2a7: {  	v14 =	vld.idx.msk [tilespmem:v15+s30+$0x0], $0xffff  }
0x2a8: {  	v15 =	vor.u32 $0x7A, v12;
	_ =	sdelay $0x3  }
0x2a9: {  	[tilespmem:$0x12F90] =	vst v14  }
0x2aa: {  	v14 =	vld.idx.msk [tilespmem:v15+s30+$0x0], $0xffff  }
0x2ab: {  	v15 =	vadd.s32 v5, v13;
	_ =	sdelay $0x3  }
0x2ac: {  	[tilespmem:$0x12FA0] =	vst v14  }
0x2ad: {  	v14 =	vld.idx.msk [tilespmem:v15+s30+$0x0], $0xffff  }
0x2ae: {  	v15 =	vor.u32 $0x7C, v12;
	_ =	sdelay $0x3  }
0x2af: {  	[tilespmem:$0x12FB0] =	vst v14  }
0x2b0: {  	v14 =	vld.idx.msk [tilespmem:v15+s30+$0x0], $0xffff  }
0x2b1: {  	v15 =	vadd.s32 v7, v13;
	_ =	sdelay $0x3  }
0x2b2: {  	[tilespmem:$0x12FC0] =	vst v14  }
0x2b3: {  	v14 =	vld.idx.msk [tilespmem:v15+s30+$0x0], $0xffff  }
0x2b4: {  	v12 =	vor.u32 $0x7E, v12;
	_ =	sdelay $0x3  }
0x2b5: {  	[tilespmem:$0x12FD0] =	vst v14  }
0x2b6: {  	v12 =	vld.idx.msk [tilespmem:v12+s30+$0x0], $0xffff  }
0x2b7: {  	v13 =	vadd.s32 v10, v13;
	_ =	sdelay $0x3  }
0x2b8: {  	s31 =	sor.u32 $0x400, s19;
	[tilespmem:$0x12FE0] =	vst v12  }
0x2b9: {  	v12 =	vor.u32 s31, v0;
	v13 =	vld.idx.msk [tilespmem:v13+s30+$0x0], $0xffff  }
0x2ba: {  	v14 =	vor.u32 s30, v12;
	_ =	sdelay $0x3  }
0x2bb: {  	[tilespmem:$0x12FF0] =	vst v13  }
0x2bc: {  	v13 =	vld.idx.msk [tilespmem:v14+s2+$0x0], $0xffff  }
0x2bd: {  	v15 =	vadd.s32 $0x1, v14;
	_ =	sdelay $0x2  }
0x2be: {  	s19 =	simm.s32 $0x13070  }
0x2bf: {  	[tilespmem:s19+$0xFFFFFF90] =	vst v13  }
0x2c0: {  	v13 =	vld.idx.msk [tilespmem:v15+s2+$0x0], $0xffff  }
0x2c1: {  	v15 =	vor.u32 $0x2, v14;
	_ =	sdelay $0x3  }
0x2c2: {  	[tilespmem:s19+$0xFFFFFFA0] =	vst v13  }
0x2c3: {  	v13 =	vld.idx.msk [tilespmem:v15+s2+$0x0], $0xffff  }
0x2c4: {  	v15 =	vadd.s32 $0x3, v14;
	_ =	sdelay $0x3  }
0x2c5: {  	[tilespmem:s19+$0xFFFFFFB0] =	vst v13  }
0x2c6: {  	v13 =	vld.idx.msk [tilespmem:v15+s2+$0x0], $0xffff  }
0x2c7: {  	v15 =	vor.u32 $0x4, v14;
	_ =	sdelay $0x3  }
0x2c8: {  	[tilespmem:s19+$0xFFFFFFC0] =	vst v13  }
0x2c9: {  	v13 =	vld.idx.msk [tilespmem:v15+s2+$0x0], $0xffff  }
0x2ca: {  	v15 =	vadd.s32 $0x5, v14;
	_ =	sdelay $0x3  }
0x2cb: {  	[tilespmem:s19+$0xFFFFFFD0] =	vst v13  }
0x2cc: {  	v13 =	vld.idx.msk [tilespmem:v15+s2+$0x0], $0xffff  }
0x2cd: {  	v15 =	vor.u32 $0x6, v14;
	_ =	sdelay $0x3  }
0x2ce: {  	[tilespmem:s19+$0xFFFFFFE0] =	vst v13  }
0x2cf: {  	v14 =	vor.u32 s31, v1;
	v13 =	vld.idx.msk [tilespmem:v15+s2+$0x0], $0xffff  }
0x2d0: {  	v15 =	vadd.s32 s30, v14;
	_ =	sdelay $0x3  }
0x2d1: {  	[tilespmem:s19+$0xFFFFFFF0] =	vst v13  }
0x2d2: {  	s20 =	simm.s32 $0x8;
	v16 =	vld.idx.msk [tilespmem:v15+s2+$0x0], $0xffff  }
0x2d3: {  	s21 =	simm.s32 $0x10;
	v13 =	vmov s31;
	v15 =	vor.u32 s20, v12  }
.LBB2_16:
0x2d4: {  	p0 =	sne.s32 s21, $0x70;
	_ =	sdelay $0x2  }
0x2d5: {  	[tilespmem:s19+$0x0] =	vst v16  }
0x2d6: {  	v16 =	vld.idx.msk [tilespmem:v15+s2+$0x0], $0xffff;
	_ =	sdelay $0x1  }
0x2d7: {  	v17 =	vadd.s32 $0x1, v15;
	_ =	sdelay $0x2  }
0x2d8: {  	s19 =	sadd.s32 $0x80, s19  }
0x2d9: {  	[tilespmem:s19+$0xFFFFFF90] =	vst v16  }
0x2da: {  	v16 =	vld.idx.msk [tilespmem:v17+s2+$0x0], $0xffff;
	_ =	sdelay $0x1  }
0x2db: {  	v17 =	vor.u32 $0x2, v15;
	_ =	sdelay $0x3  }
0x2dc: {  	[tilespmem:s19+$0xFFFFFFA0] =	vst v16  }
0x2dd: {  	v16 =	vld.idx.msk [tilespmem:v17+s2+$0x0], $0xffff;
	_ =	sdelay $0x1  }
0x2de: {  	v17 =	vadd.s32 $0x3, v15;
	_ =	sdelay $0x3  }
0x2df: {  	[tilespmem:s19+$0xFFFFFFB0] =	vst v16  }
0x2e0: {  	v16 =	vld.idx.msk [tilespmem:v17+s2+$0x0], $0xffff;
	_ =	sdelay $0x1  }
0x2e1: {  	v17 =	vor.u32 $0x4, v15;
	_ =	sdelay $0x3  }
0x2e2: {  	[tilespmem:s19+$0xFFFFFFC0] =	vst v16  }
0x2e3: {  	v16 =	vld.idx.msk [tilespmem:v17+s2+$0x0], $0xffff;
	_ =	sdelay $0x1  }
0x2e4: {  	v17 =	vadd.s32 $0x5, v15;
	_ =	sdelay $0x3  }
0x2e5: {  	[tilespmem:s19+$0xFFFFFFD0] =	vst v16  }
0x2e6: {  	v16 =	vld.idx.msk [tilespmem:v17+s2+$0x0], $0xffff;
	_ =	sdelay $0x1  }
0x2e7: {  	v15 =	vor.u32 $0x6, v15;
	_ =	sdelay $0x3  }
0x2e8: {  	[tilespmem:s19+$0xFFFFFFE0] =	vst v16  }
0x2e9: {  	v15 =	vld.idx.msk [tilespmem:v15+s2+$0x0], $0xffff;
	_ =	sdelay $0x1  }
0x2ea: {  	v16 =	vadd.s32 s20, v14;
	s20 =	smov.u32 s21;
	_ =	sdelay $0x2  }
.Ltmp6:
0x2eb: {  	(pc) =	sbr.rel @p0 .LBB2_16-.Ltmp6, $3  }
0x2ec: {  	[tilespmem:s19+$0xFFFFFFF0] =	vst v15  }
0x2ed: {  	v16 =	vld.idx.msk [tilespmem:v16+s2+$0x0], $0xffff;
	_ =	sdelay $0x1  }
0x2ee: {  	s21 =	sadd.s32 $0x8, s21;
	v15 =	vor.u32 s20, v12  }
0x2ef: {  	_ =	sdelay $0x2  }
0x2f0: {  	[tilespmem:s19+$0x0] =	vst v16  }
0x2f1: {  	v16 =	vld.idx.msk [tilespmem:v15+s2+$0x0], $0xffff  }
0x2f2: {  	v17 =	vadd.s32 $0x1, v15;
	_ =	sdelay $0x2  }
0x2f3: {  	s29 =	sadd.s32 $0x80, s19  }
0x2f4: {  	[tilespmem:s29+$0xFFFFFF90] =	vst v16  }
0x2f5: {  	v16 =	vld.idx.msk [tilespmem:v17+s2+$0x0], $0xffff  }
0x2f6: {  	v17 =	vor.u32 $0x2, v15;
	_ =	sdelay $0x3  }
0x2f7: {  	[tilespmem:s29+$0xFFFFFFA0] =	vst v16  }
0x2f8: {  	v16 =	vld.idx.msk [tilespmem:v17+s2+$0x0], $0xffff  }
0x2f9: {  	v17 =	vadd.s32 $0x3, v15;
	_ =	sdelay $0x3  }
0x2fa: {  	[tilespmem:s29+$0xFFFFFFB0] =	vst v16  }
0x2fb: {  	v16 =	vld.idx.msk [tilespmem:v17+s2+$0x0], $0xffff  }
0x2fc: {  	v17 =	vor.u32 $0x4, v15;
	_ =	sdelay $0x3  }
0x2fd: {  	[tilespmem:s29+$0xFFFFFFC0] =	vst v16  }
0x2fe: {  	v16 =	vld.idx.msk [tilespmem:v17+s2+$0x0], $0xffff  }
0x2ff: {  	v17 =	vadd.s32 $0x5, v15;
	_ =	sdelay $0x3  }
0x300: {  	[tilespmem:s29+$0xFFFFFFD0] =	vst v16  }
0x301: {  	v16 =	vld.idx.msk [tilespmem:v17+s2+$0x0], $0xffff  }
0x302: {  	v15 =	vor.u32 $0x6, v15;
	_ =	sdelay $0x3  }
0x303: {  	[tilespmem:s29+$0xFFFFFFE0] =	vst v16  }
0x304: {  	v15 =	vld.idx.msk [tilespmem:v15+s2+$0x0], $0xffff  }
0x305: {  	v14 =	vadd.s32 s20, v14;
	_ =	sdelay $0x3  }
0x306: {  	[tilespmem:s29+$0xFFFFFFF0] =	vst v15  }
0x307: {  	v14 =	vld.idx.msk [tilespmem:v14+s2+$0x0], $0xffff  }
0x308: {  	v15 =	vor.u32 v2, v13;
	_ =	sdelay $0x3  }
0x309: {  	s30 =	simm.s32 $0x0;
	[tilespmem:s29+$0x0] =	vst v14  }
0x30a: {  	v14 =	vld.idx.msk [tilespmem:v15+s30+$0x0], $0xffff  }
0x30b: {  	v15 =	vor.u32 v3, v13;
	_ =	sdelay $0x3  }
0x30c: {  	[tilespmem:$0x13780] =	vst v14  }
0x30d: {  	v14 =	vld.idx.msk [tilespmem:v15+s30+$0x0], $0xffff  }
0x30e: {  	v15 =	vor.u32 v4, v13;
	_ =	sdelay $0x3  }
0x30f: {  	[tilespmem:$0x13790] =	vst v14  }
0x310: {  	v14 =	vld.idx.msk [tilespmem:v15+s30+$0x0], $0xffff  }
0x311: {  	v15 =	vor.u32 v5, v13;
	_ =	sdelay $0x3  }
0x312: {  	[tilespmem:$0x137A0] =	vst v14  }
0x313: {  	v14 =	vld.idx.msk [tilespmem:v15+s30+$0x0], $0xffff  }
0x314: {  	v15 =	vor.u32 v6, v13;
	_ =	sdelay $0x3  }
0x315: {  	[tilespmem:$0x137B0] =	vst v14  }
0x316: {  	v14 =	vld.idx.msk [tilespmem:v15+s30+$0x0], $0xffff  }
0x317: {  	v15 =	vor.u32 v7, v13;
	_ =	sdelay $0x3  }
0x318: {  	[tilespmem:$0x137C0] =	vst v14  }
0x319: {  	v14 =	vld.idx.msk [tilespmem:v15+s30+$0x0], $0xffff  }
0x31a: {  	v13 =	vor.u32 v8, v13;
	_ =	sdelay $0x3  }
0x31b: {  	[tilespmem:$0x137D0] =	vst v14  }
0x31c: {  	v13 =	vld.idx.msk [tilespmem:v13+s30+$0x0], $0xffff  }
0x31d: {  	v12 =	vadd.s32 v9, v12;
	_ =	sdelay $0x1  }
0x31e: {  	s31 =	sor.u32 $0x3, s18  }
0x31f: {  	p0 =	slt.u32 s31, $0x7F  }
0x320: {  	s19 =	sshll.u32 s31, $0x9;
	[tilespmem:$0x137E0] =	vst v13;
	v13 =	vpsel p0, v0, v11  }
0x321: {  	v14 =	vld.idx.msk [tilespmem:v12+s30+$0x0], $0xffff;
	v12 =	vadd.s32 s19, v13  }
0x322: {  	v13 =	vor.u32 s30, v12;
	_ =	sdelay $0x3  }
0x323: {  	[tilespmem:$0x137F0] =	vst v14  }
0x324: {  	v14 =	vld.idx.msk [tilespmem:v13+s2+$0x0], $0xffff  }
0x325: {  	v15 =	vadd.s32 $0x1, v13;
	_ =	sdelay $0x2  }
0x326: {  	s19 =	simm.s32 $0x13870  }
0x327: {  	[tilespmem:s19+$0xFFFFFF90] =	vst v14  }
0x328: {  	v14 =	vld.idx.msk [tilespmem:v15+s2+$0x0], $0xffff  }
0x329: {  	v15 =	vor.u32 $0x2, v13;
	_ =	sdelay $0x3  }
0x32a: {  	[tilespmem:s19+$0xFFFFFFA0] =	vst v14  }
0x32b: {  	v14 =	vld.idx.msk [tilespmem:v15+s2+$0x0], $0xffff  }
0x32c: {  	v15 =	vadd.s32 $0x3, v13;
	_ =	sdelay $0x3  }
0x32d: {  	[tilespmem:s19+$0xFFFFFFB0] =	vst v14  }
0x32e: {  	v14 =	vld.idx.msk [tilespmem:v15+s2+$0x0], $0xffff  }
0x32f: {  	v15 =	vor.u32 $0x4, v13;
	_ =	sdelay $0x3  }
0x330: {  	[tilespmem:s19+$0xFFFFFFC0] =	vst v14  }
0x331: {  	v14 =	vld.idx.msk [tilespmem:v15+s2+$0x0], $0xffff  }
0x332: {  	v15 =	vadd.s32 $0x5, v13;
	_ =	sdelay $0x3  }
0x333: {  	[tilespmem:s19+$0xFFFFFFD0] =	vst v14  }
0x334: {  	v14 =	vld.idx.msk [tilespmem:v15+s2+$0x0], $0xffff  }
0x335: {  	v15 =	vor.u32 $0x6, v13;
	_ =	sdelay $0x3  }
0x336: {  	[tilespmem:s19+$0xFFFFFFE0] =	vst v14  }
0x337: {  	v13 =	vadd.s32 $0x7, v12;
	v14 =	vld.idx.msk [tilespmem:v15+s2+$0x0], $0xffff  }
0x338: {  	v15 =	vadd.s32 s30, v13;
	_ =	sdelay $0x3  }
0x339: {  	[tilespmem:s19+$0xFFFFFFF0] =	vst v14  }
0x33a: {  	s20 =	simm.s32 $0x8;
	v15 =	vld.idx.msk [tilespmem:v15+s2+$0x0], $0xffff  }
0x33b: {  	s21 =	simm.s32 $0x10;
	v14 =	vor.u32 s20, v12  }
.LBB2_18:
0x33c: {  	p0 =	sne.s32 s21, $0x70;
	_ =	sdelay $0x2  }
0x33d: {  	[tilespmem:s19+$0x0] =	vst v15  }
0x33e: {  	v15 =	vld.idx.msk [tilespmem:v14+s2+$0x0], $0xffff;
	_ =	sdelay $0x1  }
0x33f: {  	v16 =	vadd.s32 $0x1, v14;
	_ =	sdelay $0x2  }
0x340: {  	s19 =	sadd.s32 $0x80, s19  }
0x341: {  	[tilespmem:s19+$0xFFFFFF90] =	vst v15  }
0x342: {  	v15 =	vld.idx.msk [tilespmem:v16+s2+$0x0], $0xffff;
	_ =	sdelay $0x1  }
0x343: {  	v16 =	vor.u32 $0x2, v14;
	_ =	sdelay $0x3  }
0x344: {  	[tilespmem:s19+$0xFFFFFFA0] =	vst v15  }
0x345: {  	v15 =	vld.idx.msk [tilespmem:v16+s2+$0x0], $0xffff;
	_ =	sdelay $0x1  }
0x346: {  	v16 =	vadd.s32 $0x3, v14;
	_ =	sdelay $0x3  }
0x347: {  	[tilespmem:s19+$0xFFFFFFB0] =	vst v15  }
0x348: {  	v15 =	vld.idx.msk [tilespmem:v16+s2+$0x0], $0xffff;
	_ =	sdelay $0x1  }
0x349: {  	v16 =	vor.u32 $0x4, v14;
	_ =	sdelay $0x3  }
0x34a: {  	[tilespmem:s19+$0xFFFFFFC0] =	vst v15  }
0x34b: {  	v15 =	vld.idx.msk [tilespmem:v16+s2+$0x0], $0xffff;
	_ =	sdelay $0x1  }
0x34c: {  	v16 =	vadd.s32 $0x5, v14;
	_ =	sdelay $0x3  }
0x34d: {  	[tilespmem:s19+$0xFFFFFFD0] =	vst v15  }
0x34e: {  	v15 =	vld.idx.msk [tilespmem:v16+s2+$0x0], $0xffff;
	_ =	sdelay $0x1  }
0x34f: {  	v14 =	vor.u32 $0x6, v14;
	_ =	sdelay $0x3  }
0x350: {  	[tilespmem:s19+$0xFFFFFFE0] =	vst v15  }
0x351: {  	v14 =	vld.idx.msk [tilespmem:v14+s2+$0x0], $0xffff;
	_ =	sdelay $0x1  }
0x352: {  	v15 =	vadd.s32 s20, v13;
	s20 =	smov.u32 s21;
	_ =	sdelay $0x2  }
.Ltmp7:
0x353: {  	(pc) =	sbr.rel @p0 .LBB2_18-.Ltmp7, $3  }
0x354: {  	[tilespmem:s19+$0xFFFFFFF0] =	vst v14  }
0x355: {  	v15 =	vld.idx.msk [tilespmem:v15+s2+$0x0], $0xffff;
	_ =	sdelay $0x1  }
0x356: {  	s21 =	sadd.s32 $0x8, s21;
	v14 =	vor.u32 s20, v12  }
0x357: {  	_ =	sdelay $0x2  }
0x358: {  	[tilespmem:s19+$0x0] =	vst v15  }
0x359: {  	v15 =	vld.idx.msk [tilespmem:v14+s2+$0x0], $0xffff  }
0x35a: {  	v16 =	vadd.s32 $0x1, v14;
	_ =	sdelay $0x2  }
0x35b: {  	s31 =	sadd.s32 $0x80, s19  }
0x35c: {  	[tilespmem:s31+$0xFFFFFF90] =	vst v15  }
0x35d: {  	v15 =	vld.idx.msk [tilespmem:v16+s2+$0x0], $0xffff  }
0x35e: {  	v51 =	vor.u32 $0x2, v14;
	_ =	sdelay $0x3  }
0x35f: {  	[tilespmem:s31+$0xFFFFFFA0] =	vst v15  }
0x360: {  	v15 =	vld.idx.msk [tilespmem:v51+s2+$0x0], $0xffff  }
0x361: {  	v52 =	vadd.s32 $0x3, v14;
	_ =	sdelay $0x3  }
0x362: {  	[tilespmem:s31+$0xFFFFFFB0] =	vst v15  }
0x363: {  	v15 =	vld.idx.msk [tilespmem:v52+s2+$0x0], $0xffff  }
0x364: {  	v53 =	vor.u32 $0x4, v14;
	_ =	sdelay $0x3  }
0x365: {  	[tilespmem:s31+$0xFFFFFFC0] =	vst v15  }
0x366: {  	v15 =	vld.idx.msk [tilespmem:v53+s2+$0x0], $0xffff  }
0x367: {  	v54 =	vadd.s32 $0x5, v14;
	_ =	sdelay $0x3  }
0x368: {  	[tilespmem:s31+$0xFFFFFFD0] =	vst v15  }
0x369: {  	v15 =	vld.idx.msk [tilespmem:v54+s2+$0x0], $0xffff  }
0x36a: {  	v55 =	vor.u32 $0x6, v14;
	_ =	sdelay $0x3  }
0x36b: {  	[tilespmem:s31+$0xFFFFFFE0] =	vst v15  }
0x36c: {  	v14 =	vld.idx.msk [tilespmem:v55+s2+$0x0], $0xffff  }
0x36d: {  	v13 =	vadd.s32 s20, v13;
	_ =	sdelay $0x3  }
0x36e: {  	[tilespmem:s31+$0xFFFFFFF0] =	vst v14  }
0x36f: {  	v13 =	vld.idx.msk [tilespmem:v13+s2+$0x0], $0xffff  }
0x370: {  	v56 =	vor.u32 $0x78, v12;
	_ =	sdelay $0x3  }
0x371: {  	[tilespmem:s31+$0x0] =	vst v13  }
0x372: {  	v13 =	vld.idx.msk [tilespmem:v56+s2+$0x0], $0xffff  }
0x373: {  	v57 =	vadd.s32 $0x79, v12;
	_ =	sdelay $0x3  }
0x374: {  	[tilespmem:$0x13F80] =	vst v13  }
0x375: {  	v13 =	vld.idx.msk [tilespmem:v57+s2+$0x0], $0xffff  }
0x376: {  	v58 =	vor.u32 $0x7A, v12;
	_ =	sdelay $0x3  }
0x377: {  	[tilespmem:$0x13F90] =	vst v13  }
0x378: {  	v13 =	vld.idx.msk [tilespmem:v58+s2+$0x0], $0xffff  }
0x379: {  	v59 =	vadd.s32 $0x7B, v12;
	_ =	sdelay $0x3  }
0x37a: {  	[tilespmem:$0x13FA0] =	vst v13  }
0x37b: {  	v13 =	vld.idx.msk [tilespmem:v59+s2+$0x0], $0xffff  }
0x37c: {  	v60 =	vor.u32 $0x7C, v12;
	_ =	sdelay $0x3  }
0x37d: {  	[tilespmem:$0x13FB0] =	vst v13  }
0x37e: {  	v13 =	vld.idx.msk [tilespmem:v60+s2+$0x0], $0xffff  }
0x37f: {  	v61 =	vadd.s32 $0x7D, v12;
	_ =	sdelay $0x3  }
0x380: {  	[tilespmem:$0x13FC0] =	vst v13  }
0x381: {  	v13 =	vld.idx.msk [tilespmem:v61+s2+$0x0], $0xffff  }
0x382: {  	v62 =	vor.u32 $0x7E, v12;
	_ =	sdelay $0x3  }
0x383: {  	[tilespmem:$0x13FD0] =	vst v13  }
0x384: {  	v13 =	vld.idx.msk [tilespmem:v62+s2+$0x0], $0xffff  }
0x385: {  	v63 =	vadd.s32 v9, v12;
	_ =	sdelay $0x3  }
0x386: {  	[tilespmem:$0x13FE0] =	vst v13  }
0x387: {  	s17 =	sadd.s32 $0x1, s17;
	v12 =	vld.idx.msk [tilespmem:v63+s2+$0x0], $0xffff  }
0x388: {  	p0 =	sne.s32 s17, $0x10  }
.Ltmp8:
0x389: {  	s18 =	sadd.s32 s14, s18;
	(pc) =	sbr.rel @p0 .LBB2_3-.Ltmp8, $4  }
0x38a: {  	s18 =	sshll.u32 s18, $0x8  }
0x38b: {  	s18 =	sand.u32 $0x1FFFFC00, s18  }
0x38c: {  	s18 =	sadd.s32 s4, s18;
	[tilespmem:$0x13FF0] =	vst v12  }
0x38d: {  	[hbm4b:s18+s2] =	stream.linear.scatter [tilespmem:s9], [sflag:$0x2], $0x2000, $0x38;
	[tilespmem:$0x14000] =	vst v63  }
0x38e: {  	s13 =	sadd.s32 $0x1, s13  }
0x38f: {  	p0 =	sne.s32 s13, $0x8  }
.Ltmp9:
0x390: {  	_ = 	snop;
	(pc) =	sbr.rel @p0 .LBB2_2-.Ltmp9, $1  }
0x391: {  	_ =	sdelay $0x3  }
0x392: {  	s12 =	sadd.s32 $0x1, s12  }
0x393: {  	_ =	swait.ge [sflag:s10], $0x2000;
	p0 =	sne.s32 s12, s6  }
.Ltmp10:
0x394: {  	[sflag:s10] =	ssyncset.done $0x0;
	(pc) =	sbr.rel @p0 .LBB2_1-.Ltmp10, $4  }
0x395: {  	[sflag:s10] =	ssyncadd.s32 $0xFFFFE000  }
0x396: {  	_ =	swait.ge [sflag:s11], $0x2000  }
0x397: {  	[sflag:s11] =	ssyncset.done $0x0  }
0x398: {  	[sflag:s11] =	ssyncadd.s32 $0xFFFFE000  }
0x399: {  	_ =	sfence.sel $0x180000  }
0x39a: {  	[bflag:$0x0] =	sbarrier.arrive $0xFFFF  }
0x39b: {  	p0 =	sne.s32 s3, $0x0;
	_ =	strace $0x90000047  }
0x39c: {  	s0 =	sadd.s32 @!p0 $0x100000, s1;
	[bflag:$0x2] =	sbarrier.arrive $0xFFFF  }
0x39d: {  	[sflag:s0] =	ssyncadd.tile.s32 @!p0 $0x1;
	_ =	shalt  }
.Lfunc_end2:
_tile_overlayer_lowered:
.L_overlay_start_2:
0x39e: {  	(tag) =	ssettag $0x2  }
0x39f: {  	s0 =	rddreg [dreg:$0x0];
	s2 =	stileid.u32  }
0x3a0: {  	s1 =	rddreg [dreg:$0x1];
	p0 =	sne.s32 s2, $0x0  }
0x3a1: {  	s3 =	rddreg [dreg:$0x2];
	[bflag:$0x3] =	sbarrier.arrive $0xFFFF;
	s2 =	simm.s32 @!p0 $0x1C03  }
0x3a2: {  	[timem:s3], [sflag:s2] =	dma.local @!p0 [hbm:s0], s1  }
0x3a3: {  	s0 =	simm.s32 @!p0 $0x3  }
0x3a4: {  	_ =	swait.ge @!p0 [sflag:s0], s1  }
0x3a5: {  	s1 =	ssub.s32 @!p0 $0x0, s1;
	[sflag:s0] =	ssyncset.done @!p0 $0x0  }
0x3a6: {  	[sflag:s0] =	ssyncadd.s32 @!p0 s1  }
0x3a7: {  	[bflag:$0x3] =	sbarrier.arrive $0xFFFF  }
0x3a8: {  	_ =	shalt  }

// kernel: kernel.7.cloned.1.call-start
scs
__scs_entry_jumppad:
0x0: {  	(pc) =	sbr.rel $0x88, $3  }
0x1: {  	(tag) =	ssettag $0x0;
	lr =	simm.s32 $0x1  }
0x2: {  	[smem:$0x3F9F] =	sst lr;
	_ =	strace $0xD0000000  }
0x3: {  	_ = 	snop  }
0x4: {  	_ = 	snop  }
0x5: {  	_ = 	snop  }
0x6: {  	_ = 	snop  }
0x7: {  	_ = 	snop  }
__scs_overlays_trampoline_lowered:
0x8: {  	[smem:$0x3FAE] =	sst s0  }
0x9: {  	[smem:$0x3FAF] =	sst s1  }
0xa: {  	[smem:$0x3FB0] =	sst s2  }
0xb: {  	[smem:$0x3FB1] =	sst s3  }
0xc: {  	[smem:$0x3FB2] =	sst s4  }
0xd: {  	[smem:$0x3FB3] =	sst s5  }
0xe: {  	[smem:$0x3FB4] =	sst s6  }
0xf: {  	[smem:$0x3FB5] =	sst s7  }
0x10: {  	[smem:$0x3FB6] =	sst s8  }
0x11: {  	[smem:$0x3FB7] =	sst s9;
	s0 =	simm.s32 @!p0 $0x0  }
0x12: {  	s1 =	sld [smem:$0x3F9D];
	s0 =	simm.s32 @p0 $0x1  }
0x13: {  	[smem:$0x3FB8] =	sst s0;
	s0 =	simm.s32 @!p1 $0x0  }
0x14: {  	s2 =	sld [smem:$0x3F9C];
	s0 =	simm.s32 @p1 $0x1  }
0x15: {  	[smem:$0x3FB9] =	sst s0;
	s0 =	simm.s32 @!p2 $0x0  }
0x16: {  	s3 =	sld [smem:$0x3FDB];
	s0 =	simm.s32 @p2 $0x1  }
0x17: {  	s4 =	simm.s32 $0x1BF5;
	[smem:$0x3FBB] =	sst s0  }
0x18: {  	s0 =	sld [smem:$0x3F9E];
	_ =	swait.ge [sflag:s4], $0x0  }
0x19: {  	s7 =	sld [smem:$0x3F9F]  }
0x1a: {  	s8 =	sadd.s32 $0xFFFFE003, lr  }
0x1b: {  	s9 =	sadd.s32 $0xFFFFFEF7, lr;
	s5 =	simm.s32 $0xFFFFFFFF;
	p2 =	slt.u32 s8, $0xFFFFF086  }
0x1c: {  	p1 =	slt.u32 s9, $0xF7A;
	s5 =	simm.s32 @!p2 $0x0  }
0x1d: {  	s5 =	simm.s32 @p1 $0x1;
	p0 =	seq.s32 s7, s2  }
0x1e: {  	s7 =	smul.u32 @!p0 $0xF7A, s2;
	p2 =	seq.s32 @!p0 s5, $0x0  }
0x1f: {  	s9 =	smul.u32 $0xF7A, s1;
	s8 =	simm.s32 @!p0 $0x1BF5;
	p2 =	por !p2, p0  }
0x20: {  	[sflag:s8] =	ssyncset.s32 @!p0 $0xFFFFF086;
	s6 =	sadd.s32 @!p0 s3, s7;
	s7 =	simm.s32 @!p0 $0x108  }
0x21: {  	s3 =	sadd.s32 s3, s9;
	s6 =	sadd.s32 @!p0 $0x88, s6;
	s7 =	simm.s32 @p2 $0x1082  }
0x22: {  	[simem:s7], [sflag:s8] =	dma.local @!p0 [hbm:s6], $0xF7A  }
0x23: {  	s9 =	sor.u32 $0xD0000000, s2;
	s6 =	simm.s32 $0x108;
	_ =	swait.ge @!p0 [sflag:s8], $0x0  }
0x24: {  	s3 =	sadd.s32 $0x88, s3;
	s6 =	simm.s32 @!p1 $0x1082;
	[sflag:s4] =	ssyncset.s32 $0xFFFFF086  }
0x25: {  	[simem:s6], [sflag:s4] =	dma.local [hbm:s3], $0xF7A  }
0x26: {  	[smem:$0x3F9F] =	sst s1;
	(tag) =	ssettag s2;
	_ =	strace s9  }
0x27: {  	s1 =	sld [smem:$0x3FAF]  }
0x28: {  	s2 =	sld [smem:$0x3FB0]  }
0x29: {  	s4 =	sld [smem:$0x3FB2]  }
0x2a: {  	p0 =	seq.s32 s5, $0x0;
	s5 =	sld [smem:$0x3FB3]  }
0x2b: {  	s6 =	sld [smem:$0x3FB4]  }
0x2c: {  	s7 =	sld [smem:$0x3FB5]  }
0x2d: {  	s3 =	simm.s32 $0x108;
	s8 =	sld [smem:$0x3FB6]  }
0x2e: {  	s3 =	simm.s32 @!p0 $0x1082;
	s9 =	sld [smem:$0x3FB7]  }
0x2f: {  	lr =	sadd.s32 s0, s3;
	s0 =	sld [smem:$0x3FAE]  }
0x30: {  	s3 =	sld [smem:$0x3FB1]  }
0x31: {  	[smem:$0x3FBA] =	sst s10  }
0x32: {  	s10 =	sld [smem:$0x3FB8];
	_ =	sdelay $0x3  }
0x33: {  	p0 =	seq.s32 s10, $0x1;
	s10 =	sld [smem:$0x3FBA];
	_ =	sdelay $0x3  }
0x34: {  	[smem:$0x3FBA] =	sst s10  }
0x35: {  	s10 =	sld [smem:$0x3FB9];
	_ =	sdelay $0x3  }
0x36: {  	p1 =	seq.s32 s10, $0x1;
	s10 =	sld [smem:$0x3FBA];
	_ =	sdelay $0x3  }
0x37: {  	[smem:$0x3FBA] =	sst s10  }
0x38: {  	s10 =	sld [smem:$0x3FBB]  }
0x39: {  	_ = 	snop;
	(pc) =	sbr.ind lr, $3  }
0x3a: {  	_ = 	snop  }
0x3b: {  	_ = 	snop  }
0x3c: {  	p2 =	seq.s32 s10, $0x1;
	s10 =	sld [smem:$0x3FBA]  }
0x3d: {  	_ =	shalt  }
0x3e: {  	_ =	shalt  }
0x3f: {  	_ =	shalt  }
0x40: {  	_ =	shalt  }
0x41: {  	_ =	shalt  }
0x42: {  	_ =	shalt  }
0x43: {  	_ =	shalt  }
0x44: {  	_ =	shalt  }
0x45: {  	_ =	shalt  }
0x46: {  	_ =	shalt  }
0x47: {  	_ =	shalt  }
0x48: {  	_ =	shalt  }
0x49: {  	_ =	shalt  }
0x4a: {  	_ =	shalt  }
0x4b: {  	_ =	shalt  }
0x4c: {  	_ =	shalt  }
0x4d: {  	_ =	shalt  }
0x4e: {  	_ =	shalt  }
0x4f: {  	_ =	shalt  }
0x50: {  	_ =	shalt  }
0x51: {  	_ =	shalt  }
0x52: {  	_ =	shalt  }
0x53: {  	_ =	shalt  }
0x54: {  	_ =	shalt  }
0x55: {  	_ =	shalt  }
0x56: {  	_ =	shalt  }
0x57: {  	_ =	shalt  }
0x58: {  	_ =	shalt  }
0x59: {  	_ =	shalt  }
0x5a: {  	_ =	shalt  }
0x5b: {  	_ =	shalt  }
0x5c: {  	_ =	shalt  }
0x5d: {  	_ =	shalt  }
0x5e: {  	_ =	shalt  }
0x5f: {  	_ =	shalt  }
0x60: {  	_ =	shalt  }
0x61: {  	_ =	shalt  }
0x62: {  	_ =	shalt  }
0x63: {  	_ =	shalt  }
0x64: {  	_ =	shalt  }
0x65: {  	_ =	shalt  }
0x66: {  	_ =	shalt  }
0x67: {  	_ =	shalt  }
0x68: {  	_ =	shalt  }
0x69: {  	_ =	shalt  }
0x6a: {  	_ =	shalt  }
0x6b: {  	_ =	shalt  }
0x6c: {  	_ =	shalt  }
0x6d: {  	_ =	shalt  }
0x6e: {  	_ =	shalt  }
0x6f: {  	_ =	shalt  }
0x70: {  	_ =	shalt  }
0x71: {  	_ =	shalt  }
0x72: {  	_ =	shalt  }
0x73: {  	_ =	shalt  }
0x74: {  	_ =	shalt  }
0x75: {  	_ =	shalt  }
0x76: {  	_ =	shalt  }
0x77: {  	_ =	shalt  }
0x78: {  	_ =	shalt  }
0x79: {  	_ =	shalt  }
0x7a: {  	_ =	shalt  }
0x7b: {  	_ =	shalt  }
0x7c: {  	_ =	shalt  }
0x7d: {  	_ =	shalt  }
0x7e: {  	_ =	shalt  }
0x7f: {  	_ =	shalt  }
0x80: {  	_ =	shalt  }
0x81: {  	_ =	shalt  }
0x82: {  	_ =	shalt  }
0x83: {  	_ =	shalt  }
0x84: {  	_ =	shalt  }
0x85: {  	_ =	shalt  }
0x86: {  	_ =	shalt  }
0x87: {  	_ =	shalt  }
.Lfunc_end0:
.L_simem_size_0:
called_computation.1_lowered:
.L_overlay_start_0:
0x88: {  	s2 =	sld [smem:$0x3FD9]  }
0x89: {  	s3 =	sld [smem:$0x3FFE];
	_ =	sdelay $0x1  }
0x8a: {  	s1 =	srdreg.scid  }
0x8b: {  	s0 =	sand.u32 $0x1, s1  }
0x8c: {  	s17 =	sshll.u32 s0, $0xA;
	s2 =	sadd.s32 s3, s2  }
0x8d: {  	s2 =	sadd.s32 s2, s17  }
0x8e: {  	[smem:$0x3FC6] =	sst s2  }
0x8f: {  	_ = 	snop  }
0x90: {  	s2 =	sld [smem:$0x3FD0];
	(tm) =	ssettm $0x1  }
0x91: {  	s18 =	sld [smem:$0x3FFB];
	_ =	sdelay $0x3  }
0x92: {  	_ =	strace s18  }
0x93: {  	s3 =	sld [smem:$0x3FFC];
	_ =	sdelay $0x3  }
0x94: {  	_ =	strace s3  }
0x95: {  	s3 =	sld [smem:$0x3FFD];
	_ =	sdelay $0x3  }
0x96: {  	_ =	strace s3  }
0x97: {  	_ =	strace $0x8FFFFFFF  }
0x98: {  	s19 =	sld [smem:$0x3FDB];
	_ =	sdelay $0x1  }
0x99: {  	s4 =	simm.s32 $_scs_section_size  }
0x9a: {  	s5 =	simm.s32 $_size__tile_overlayer_lowered;
	s6 =	simm.s32 $_tile_overlayer_lowered  }
0x9b: {  	s22 =	simm.s32 $0x1BFF;
	s21 =	sshll.u32 s6, $0x1;
	s3 =	sadd.s32 s4, s19  }
0x9c: {  	s7 =	simm.s32 $0x0;
	s20 =	sshll.u32 s5, $0x1;
	s5 =	sadd.s32 s21, s3  }
0x9d: {  	[timem:s7], [sflag:s22] =	dma.local [hbm:s5], s20  }
0x9e: {  	_ =	swait.ge [sflag:s22], s20  }
0x9f: {  	s4 =	ssub.s32 $0x0, s20;
	[sflag:s22] =	ssyncset.done $0x0  }
0xa0: {  	[sflag:s22] =	ssyncadd.s32 s4;
	_ =	sdelay $0x1  }
0xa1: {  	s23 =	simm.s32 $0x1B8B  }
0xa2: {  	_ =	swait.ge [sflag:s23], $0x1  }
0xa3: {  	[sflag:s23] =	ssyncset.done $0x0  }
0xa4: {  	s25 =	simm.s32 $0x1B8E;
	s24 =	sld [smem:$0x3FFE];
	[sflag:s23] =	ssyncadd.s32 $0xFFFFFFFF  }
0xa5: {  	s26 =	simm.s32 $execute0_lowered;
	[smem:$0x3FD2] =	sst s25  }
0xa6: {  	s5 =	sshll.u32 s26, $0x1;
	_ =	strace $0x80000049;
	[dreg:$0x1] =	wrdreg $0xFFFFFFFF  }
0xa7: {  	s28 =	simm.s32 $_size_execute0_lowered;
	s3 =	sadd.s32 s3, s5;
	[dreg:$0x0] =	wrdreg $0x0  }
0xa8: {  	s5 =	sshll.u32 s28, $0x1;
	[dreg:$0x2] =	wrdreg s3  }
0xa9: {  	[dreg:$0x3] =	wrdreg s5  }
0xaa: {  	[dreg:$0x4] =	wrdreg $0xC0  }
0xab: {  	_ =	task [dreg:s7], $0x5FFFF  }
0xac: {  	[dreg:$0x1] =	wrdreg $0xFFFFFFFF  }
0xad: {  	[dreg:$0x0] =	wrdreg $0x60  }
0xae: {  	[dreg:$0x2] =	wrdreg s24  }
0xaf: {  	[dreg:$0x3] =	wrdreg s2  }
0xb0: {  	[dreg:$0x4] =	wrdreg $0x9  }
0xb1: {  	_ =	task.clear_ibuf [dreg:s7], $0x5FFFF;
	_ =	strace $0x90000049  }
0xb2: {  	s29 =	simm.s32 $0x9;
	_ =	strace $0x8000004B  }
0xb3: {  	_ =	swait.ge [sflag:s29], $0x1  }
0xb4: {  	[sflag:s29] =	ssyncadd.s32 $0xFFFFFFFF  }
0xb5: {  	_ =	strace $0x9000004B  }
0xb6: {  	_ =	sfence  }
0xb7: {  	s30 =	sld [smem:$0x0];
	_ =	sdelay $0x2  }
0xb8: {  	s31 =	sshll.u32 s1, $0xD;
	s1 =	sshrl.u32 s1, $0x2  }
0xb9: {  	s3 =	sand.u32 $0x4000, s31;
	s1 =	sadd.s32 s1, s30  }
0xba: {  	s0 =	sor.u32 s3, s0;
	s1 =	sshll.u32 s1, $0x11  }
0xbb: {  	s0 =	sor.u32 s1, s0  }
0xbc: {  	s0 =	sadd.s32 $0x8F2B, s0  }
0xbd: {  	[sflag:s0] =	ssyncadd.remote.s32 $0x1  }
0xbe: {  	_ =	sfence.sel $0xFFFF  }
0xbf: {  	[dreg:$0x0] =	wrdreg $0xFFFFFFFF;
	(pc) =	sbr.abs _section_cstart, $3  }
0xc0: {  	[dreg:$0x1] =	wrdreg $0xFFFFFFFF  }
0xc1: {  	_ =	task.clear_ibuf [dreg:s7], $0x2FFFF;
	_ =	strace $0x9FFFFFFF  }
0xc2: {  	(tm) =	ssettm $0x7FFFFFFF  }
0xc3: {  	_ =	shalt  }
tec
execute0_lowered:
.L_overlay_start_1:
0x0: {  	(tag) =	ssettag $0x1  }
0x1: {  	s1 =	rddreg [dreg:$0x0]  }
0x2: {  	s0 =	srdreg.scid;
	s2 =	rddreg [dreg:$0x1]  }
0x3: {  	s5 =	stileid.u32;
	s3 =	simm.s32 $0x0;
	s0 =	sand.u32 $0x1, s0  }
0x4: {  	s30 =	simm.s32 $0x3;
	s31 =	simm.s32 $0x500;
	s4 =	sshll.u32 s0, $0x4  }
0x5: {  	[smem:$0x7FF] =	sst s3;
	s6 =	sadd.s32 $0x800A00, s1;
	s7 =	sor.u32 s5, s4  }
0x6: {  	s29 =	simm.s32 $0xC0;
	_ =	strace $0x8000004A;
	s4 =	smul.u32 $0xD800, s7  }
0x7: {  	s9 =	ssub.s32 $0x2, s0;
	s11 =	sshll.u32 s0, $0x15;
	s8 =	smul.u32 $0x1B000, s7  }
0x8: {  	s5 =	sadd.s32 $0xA00, s1;
	s13 =	sshrl.u32 s9, $0x1;
	s10 =	smul.u32 $0x28800, s7  }
0x9: {  	s1 =	ssub.s32 s9, s13;
	s21 =	smul.u32 $0x36000, s7;
	s7 =	simm.s32 $0x1  }
0xa: {  	s13 =	simm.s32 $0x2;
	s28 =	smax.u32 s1, $0x1;
	s1 =	simm.s32 $0x900  }
0xb: {  	s8 =	sadd.s32 s8, s4;
	s14 =	sshrl.u32 s10, $0x3;
	[dreg:$0x11] =	wrdreg s28  }
0xc: {  	s15 =	sor.u32 $0xC0, s8;
	s9 =	sadd.s32 s2, s14;
	s19 =	sor.u32 $0x180, s8  }
0xd: {  	s8 =	sor.u32 $0x240, s8;
	s17 =	sadd.s32 $0x480, s9;
	[dreg:$0x3] =	wrdreg s9  }
0xe: {  	s16 =	sshrl.u32 s15, $0x3;
	s9 =	sadd.s32 $0x900, s9;
	[dreg:$0x4] =	wrdreg s17  }
0xf: {  	s8 =	sshrl.u32 s8, $0x3;
	[dreg:$0x5] =	wrdreg s9;
	s18 =	sadd.s32 s2, s16  }
0x10: {  	s10 =	simm.s32 $0x18900;
	s8 =	sadd.s32 s2, s8;
	[dreg:$0x6] =	wrdreg s18  }
0x11: {  	s14 =	simm.s32 $0x18C00;
	s0 =	sadd.s32 $0x480, s18;
	[dreg:$0xa] =	wrdreg s8  }
0x12: {  	s15 =	simm.s32 $0x4;
	s9 =	sadd.s32 $0x900, s18;
	[dreg:$0x7] =	wrdreg s0  }
0x13: {  	s16 =	simm.s32 $0x700;
	s24 =	sadd.s32 $0x480, s8;
	[dreg:$0x8] =	wrdreg s9  }
0x14: {  	s17 =	simm.s32 $0xC900;
	s25 =	sadd.s32 $0x900, s8;
	[dreg:$0xd] =	wrdreg s24  }
0x15: {  	s0 =	sshrl.u32 s19, $0x3;
	[dreg:$0xe] =	wrdreg s25;
	s19 =	sor.u32 $0x300, s4  }
0x16: {  	s24 =	simm.s32 $0x14900;
	s9 =	simm.s32 $0x0;
	s20 =	sadd.s32 s2, s0  }
0x17: {  	s0 =	sshrl.u32 s21, $0x3;
	s22 =	sadd.s32 $0x480, s20;
	[dreg:$0x9] =	wrdreg s20  }
0x18: {  	s23 =	sadd.s32 $0x900, s20;
	s0 =	sadd.s32 s6, s0;
	[dreg:$0xb] =	wrdreg s22  }
0x19: {  	s21 =	sor.u32 $0x3C0, s4;
	[dreg:$0xc] =	wrdreg s23;
	s26 =	sadd.s32 $0x6B40, s0  }
0x1a: {  	v0 =	vlaneseq.u32;
	s20 =	sor.u32 $0xC0, s4;
	s0 =	sadd.s32 $0x6BA0, s0;
	[dreg:$0xf] =	wrdreg s26  }
0x1b: {  	v2 =	vor.u32 $0xC0, v0;
	v3 =	vmul.u32 $0x80, v0;
	v1 =	vmov s11;
	s23 =	simm.s32 $0x180;
	[dreg:$0x10] =	wrdreg s0;
	s0 =	simm.s32 $0x80  }
.LBB2_1:
0x1c: {  	[dreg:$0x12] =	wrdreg s9  }
0x1d: {  	s8 =	rddreg [dreg:$0x3]  }
0x1e: {  	[tilespmem:s3], [sflag:$0x3] =	stream.linear.gather [hbm4b:s8+s3], $0xC0, $0x38;
	[tilespmem:$0x19700] =	vst v63  }
0x1f: {  	s26 =	rddreg [dreg:$0x4]  }
0x20: {  	[tilespmem:s29], [sflag:$0x3] =	stream.linear.gather [hbm4b:s26+s3], $0xC0, $0x38;
	[tilespmem:$0x19700] =	vst v63  }
0x21: {  	s9 =	rddreg [dreg:$0x5]  }
0x22: {  	[tilespmem:s23], [sflag:$0x3] =	stream.linear.gather [hbm4b:s9+s3], $0xC0, $0x38;
	[tilespmem:$0x19700] =	vst v63  }
0x23: {  	s11 =	rddreg [dreg:$0x6];
	s12 =	simm.s32 $0x280  }
0x24: {  	[tilespmem:s12], [sflag:$0x4] =	stream.linear.gather [hbm4b:s11+s3], $0xC0, $0x38;
	[tilespmem:$0x19700] =	vst v63  }
0x25: {  	s18 =	rddreg [dreg:$0x7];
	s22 =	simm.s32 $0x340  }
0x26: {  	[tilespmem:s22], [sflag:$0x4] =	stream.linear.gather [hbm4b:s18+s3], $0xC0, $0x38;
	[tilespmem:$0x19700] =	vst v63  }
0x27: {  	s25 =	rddreg [dreg:$0x8];
	s26 =	simm.s32 $0x400  }
0x28: {  	[tilespmem:s26], [sflag:$0x4] =	stream.linear.gather [hbm4b:s25+s3], $0xC0, $0x38;
	[tilespmem:$0x19700] =	vst v63  }
0x29: {  	_ =	swait.ge [sflag:s30], $0xC0  }
0x2a: {  	[sflag:s30] =	ssyncset.done $0x0  }
0x2b: {  	[sflag:s30] =	ssyncadd.s32 $0xFFFFFF40  }
0x2c: {  	_ =	swait.ge [sflag:s30], $0xC0  }
0x2d: {  	[sflag:s30] =	ssyncset.done $0x0  }
0x2e: {  	[sflag:s30] =	ssyncadd.s32 $0xFFFFFF40  }
0x2f: {  	_ =	swait.ge [sflag:s30], $0xC0  }
0x30: {  	[sflag:s30] =	ssyncset.done $0x0  }
0x31: {  	s8 =	sand.u32 $0xF0, s3;
	[sflag:s30] =	ssyncadd.s32 $0xFFFFFF40  }
0x32: {  	v7 =	vld [tilespmem:s8+$0x180]  }
0x33: {  	v4 =	vld [tilespmem:s29+$0xFFFFFF40]  }
0x34: {  	v5 =	vld [tilespmem:s29+$0x0];
	_ =	sdelay $0x2  }
0x35: {  	v6 =	vtrunc.f32 v7  }
0x36: {  	s28 =	simm.s32 $0x10;
	v8 =	vtrunc.f32 v4;
	v10 =	vcvt.f32.s32 v6  }
0x37: {  	s9 =	simm.s32 $0x19200;
	s11 =	simm.s32 $0x0;
	s12 =	simm.s32 $0x18F00;
	v6 =	vcvt.f32.s32 v8;
	v8 =	vtrunc.f32 v5  }
0x38: {  	s18 =	simm.s32 $0xC0;
	s25 =	simm.s32 $0x18F00;
	s26 =	simm.s32 $0x19200;
	v8 =	vcvt.f32.s32 v8;
	vm0 =	vgt.s32 v10, $0x0;
	v9 =	vcvt.s32.f32 v10  }
.LBB2_2:
0x39: {  	v11 =	vadd.s32 s11, v2;
	v12 =	vor.u32 s11, v0;
	s18 =	sadd.s32 $0x10, s18;
	s25 =	sadd.s32 $0x10, s25;
	s26 =	sadd.s32 $0x10, s26  }
0x3a: {  	p0 =	sne.s32 s28, $0xB0;
	s11 =	smov.u32 s28;
	s28 =	sadd.s32 $0x10, s28;
	vm1 =	vgt.s32 v8, $0x0;
	v13 =	vcvt.s32.f32 v8;
	v9 =	vsub.f32 v7, v9  }
0x3b: {  	v10 =	vnsel vm0, $0x0, v10;
	v7 =	vadd.s32 $0x1, v6;
	v8 =	vnsel vm1, $0x0, v8  }
0x3c: {  	vm0 =	vgt.s32 v6, $0x0;
	v10 =	vmin.u32 v10, $0x7F;
	v8 =	vmin.u32 v8, $0x7F  }
0x3d: {  	v14 =	vnsel vm0, $0x0, v6;
	vm0 =	vgt.s32 v7, $0x0;
	v8 =	vshll.u32 v8, $0x7  }
0x3e: {  	v14 =	vmin.u32 v14, $0x7F;
	v7 =	vnsel vm0, $0x0, v7;
	v8 =	vor.u32 v1, v8  }
0x3f: {  	v14 =	vshll.u32 v14, $0xE;
	v7 =	vmin.u32 v7, $0x7F;
	v8 =	vor.u32 v10, v8  }
0x40: {  	v7 =	vshll.u32 v7, $0xE;
	v10 =	vshll.u32 v10, $0x4;
	v14 =	vor.u32 v14, v8  }
0x41: {  	v5 =	vsub.f32 v5, v13;
	v7 =	vor.u32 v7, v8;
	v8 =	vshrl.u32 v14, $0x3  }
0x42: {  	v6 =	vcvt.s32.f32 v6;
	v7 =	vshrl.u32 v7, $0x3;
	[tilespmem:v12+s31+$0x0] =	vst.idx.msk $0xffff, v8  }
0x43: {  	[tilespmem:v11+s31+$0x0] =	vst.idx.msk $0xffff, v7;
	v7 =	vand.u32 $0x70, v10  }
0x44: {  	v4 =	vsub.f32 v4, v6;
	[tilespmem:s12+$0x0] =	vst v7  }
0x45: {  	[tilespmem:s12+$0xC0] =	vst v7;
	s12 =	smov.u32 s25  }
0x46: {  	[tilespmem:s9+$0x0] =	vst v4  }
0x47: {  	s22 =	sand.u32 $0xF0, s11;
	[tilespmem:s9+$0xC0] =	vst v5;
	s9 =	smov.u32 s26  }
0x48: {  	v7 =	vld [tilespmem:s22+$0x180];
	[tilespmem:s8+$0x19380] =	vst v9;
	s8 =	smov.u32 s22  }
0x49: {  	v4 =	vld [tilespmem:s18+$0xFFFFFF40]  }
0x4a: {  	v5 =	vld [tilespmem:s18+$0x0];
	_ =	sdelay $0x1  }
.Ltmp0:
0x4b: {  	(pc) =	sbr.rel @p0 .LBB2_2-.Ltmp0, $4  }
0x4c: {  	v6 =	vtrunc.f32 v7  }
0x4d: {  	v8 =	vtrunc.f32 v4;
	v10 =	vcvt.f32.s32 v6  }
0x4e: {  	v6 =	vcvt.f32.s32 v8;
	v8 =	vtrunc.f32 v5  }
0x4f: {  	v8 =	vcvt.f32.s32 v8;
	vm0 =	vgt.s32 v10, $0x0;
	v9 =	vcvt.s32.f32 v10  }
0x50: {  	_ = 	snop  }
0x51: {  	v11 =	vadd.s32 s11, v2;
	v12 =	vadd.s32 $0x1, v6;
	vm1 =	vgt.s32 v8, $0x0  }
0x52: {  	v10 =	vnsel vm0, $0x0, v10;
	v14 =	vor.u32 s11, v0;
	v13 =	vnsel vm1, $0x0, v8  }
0x53: {  	vm0 =	vgt.s32 v12, $0x0;
	vm1 =	vgt.s32 v6, $0x0;
	v13 =	vmin.u32 v13, $0x7F  }
0x54: {  	v10 =	vmin.u32 v10, $0x7F;
	v15 =	vnsel vm1, $0x0, v6;
	v13 =	vshll.u32 v13, $0x7  }
0x55: {  	v12 =	vnsel vm0, $0x0, v12;
	v15 =	vmin.u32 v15, $0x7F;
	v13 =	vor.u32 v1, v13  }
0x56: {  	v12 =	vmin.u32 v12, $0x7F;
	v15 =	vshll.u32 v15, $0xE;
	v13 =	vor.u32 v10, v13  }
0x57: {  	v12 =	vshll.u32 v12, $0xE;
	v15 =	vor.u32 v15, v13  }
0x58: {  	v12 =	vor.u32 v12, v13;
	v63 =	vshrl.u32 v15, $0x3  }
0x59: {  	v6 =	vcvt.s32.f32 v6;
	v10 =	vshll.u32 v10, $0x4;
	v12 =	vshrl.u32 v12, $0x3;
	[tilespmem:v14+s31+$0x0] =	vst.idx.msk $0xffff, v63  }
0x5a: {  	v8 =	vcvt.s32.f32 v8;
	v10 =	vand.u32 $0x70, v10;
	[tilespmem:v11+s31+$0x0] =	vst.idx.msk $0xffff, v12  }
0x5b: {  	v4 =	vsub.f32 v4, v6;
	[tilespmem:s12+$0x0] =	vst v10  }
0x5c: {  	v5 =	vsub.f32 v5, v8;
	[tilespmem:s12+$0xC0] =	vst v10  }
0x5d: {  	v6 =	vsub.f32 v7, v9;
	[tilespmem:s9+$0x0] =	vst v4  }
0x5e: {  	[tilespmem:s9+$0xC0] =	vst v5  }
0x5f: {  	[tilespmem:s8+$0x19380] =	vst v6  }
0x60: {  	[tilespmem:s1], [sflag:$0x1] =	stream.indirect.gather [hbm4b:s5+s0], $0x80, s31, s0, $0xb8;
	[tilespmem:$0x19700] =	vst v63  }
0x61: {  	s11 =	simm.s32 $0x4900;
	s9 =	simm.s32 $0x580  }
0x62: {  	[tilespmem:s11], [sflag:$0x1] =	stream.indirect.gather [hbm4b:s5+s0], $0x80, s9, s0, $0xb8;
	[tilespmem:$0x19700] =	vst v63  }
0x63: {  	s18 =	simm.s32 $0x8900;
	s12 =	simm.s32 $0x600  }
0x64: {  	[tilespmem:s18], [sflag:$0x1] =	stream.indirect.gather [hbm4b:s5+s0], $0x80, s12, s0, $0xb8;
	[tilespmem:$0x19700] =	vst v63  }
0x65: {  	s25 =	simm.s32 $0x0;
	s22 =	rddreg [dreg:$0x9]  }
0x66: {  	[tilespmem:s25], [sflag:$0x3] =	stream.linear.gather [hbm4b:s22+s25], $0xC0, $0x38;
	[tilespmem:$0x19700] =	vst v63  }
0x67: {  	s26 =	rddreg [dreg:$0xb]  }
0x68: {  	[tilespmem:s29], [sflag:$0x3] =	stream.linear.gather [hbm4b:s26+s25], $0xC0, $0x38;
	[tilespmem:$0x19700] =	vst v63  }
0x69: {  	s29 =	rddreg [dreg:$0xc]  }
0x6a: {  	[tilespmem:s23], [sflag:$0x3] =	stream.linear.gather [hbm4b:s29+s25], $0xC0, $0x38;
	[tilespmem:$0x19700] =	vst v63  }
0x6b: {  	_ =	swait.ge [sflag:s15], $0xC0  }
0x6c: {  	[sflag:s15] =	ssyncset.done $0x0  }
0x6d: {  	[sflag:s15] =	ssyncadd.s32 $0xFFFFFF40  }
0x6e: {  	_ =	swait.ge [sflag:s15], $0xC0  }
0x6f: {  	[sflag:s15] =	ssyncset.done $0x0  }
0x70: {  	[sflag:s15] =	ssyncadd.s32 $0xFFFFFF40  }
0x71: {  	_ =	swait.ge [sflag:s15], $0xC0  }
0x72: {  	[sflag:s15] =	ssyncset.done $0x0  }
0x73: {  	s8 =	sand.u32 $0xF0, s25;
	[sflag:s15] =	ssyncadd.s32 $0xFFFFFF40  }
0x74: {  	s26 =	simm.s32 $0x340;
	v7 =	vld [tilespmem:s8+$0x400]  }
0x75: {  	v4 =	vld [tilespmem:s26+$0xFFFFFF40]  }
0x76: {  	v5 =	vld [tilespmem:s26+$0x0];
	_ =	sdelay $0x2  }
0x77: {  	v6 =	vtrunc.f32 v7  }
0x78: {  	v8 =	vtrunc.f32 v4;
	v10 =	vcvt.f32.s32 v6  }
0x79: {  	s28 =	simm.s32 $0x19080;
	s11 =	simm.s32 $0x19480;
	v6 =	vcvt.f32.s32 v8;
	v8 =	vtrunc.f32 v5  }
0x7a: {  	s9 =	simm.s32 $0x19480;
	s18 =	simm.s32 $0x10;
	s12 =	simm.s32 $0x19080;
	v8 =	vcvt.f32.s32 v8;
	vm0 =	vgt.s32 v10, $0x0;
	v9 =	vcvt.s32.f32 v10  }
.LBB2_4:
0x7b: {  	v11 =	vadd.s32 s25, v2;
	v12 =	vor.u32 s25, v0;
	s26 =	sadd.s32 $0x10, s26;
	s28 =	sadd.s32 $0x10, s28;
	s11 =	sadd.s32 $0x10, s11  }
0x7c: {  	p0 =	sne.s32 s18, $0xB0;
	s25 =	smov.u32 s18;
	s18 =	sadd.s32 $0x10, s18;
	vm1 =	vgt.s32 v8, $0x0;
	v13 =	vcvt.s32.f32 v8;
	v9 =	vsub.f32 v7, v9  }
0x7d: {  	v10 =	vnsel vm0, $0x0, v10;
	v7 =	vadd.s32 $0x1, v6;
	v8 =	vnsel vm1, $0x0, v8  }
0x7e: {  	vm0 =	vgt.s32 v6, $0x0;
	v10 =	vmin.u32 v10, $0x7F;
	v8 =	vmin.u32 v8, $0x7F  }
0x7f: {  	v14 =	vnsel vm0, $0x0, v6;
	vm0 =	vgt.s32 v7, $0x0;
	v8 =	vshll.u32 v8, $0x7  }
0x80: {  	v14 =	vmin.u32 v14, $0x7F;
	v7 =	vnsel vm0, $0x0, v7;
	v8 =	vor.u32 v1, v8  }
0x81: {  	v14 =	vshll.u32 v14, $0xE;
	v7 =	vmin.u32 v7, $0x7F;
	v8 =	vor.u32 v10, v8  }
0x82: {  	v7 =	vshll.u32 v7, $0xE;
	v10 =	vshll.u32 v10, $0x4;
	v14 =	vor.u32 v14, v8  }
0x83: {  	v5 =	vsub.f32 v5, v13;
	v7 =	vor.u32 v7, v8;
	v8 =	vshrl.u32 v14, $0x3  }
0x84: {  	v6 =	vcvt.s32.f32 v6;
	v7 =	vshrl.u32 v7, $0x3;
	[tilespmem:v12+s16+$0x0] =	vst.idx.msk $0xffff, v8  }
0x85: {  	[tilespmem:v11+s16+$0x0] =	vst.idx.msk $0xffff, v7;
	v7 =	vand.u32 $0x70, v10  }
0x86: {  	v4 =	vsub.f32 v4, v6;
	[tilespmem:s12+$0x0] =	vst v7  }
0x87: {  	[tilespmem:s12+$0xC0] =	vst v7;
	s12 =	smov.u32 s28  }
0x88: {  	[tilespmem:s9+$0x0] =	vst v4  }
0x89: {  	s22 =	sand.u32 $0xF0, s25;
	[tilespmem:s9+$0xC0] =	vst v5;
	s9 =	smov.u32 s11  }
0x8a: {  	v7 =	vld [tilespmem:s22+$0x400];
	[tilespmem:s8+$0x19600] =	vst v9;
	s8 =	smov.u32 s22  }
0x8b: {  	v4 =	vld [tilespmem:s26+$0xFFFFFF40]  }
0x8c: {  	v5 =	vld [tilespmem:s26+$0x0];
	_ =	sdelay $0x1  }
.Ltmp1:
0x8d: {  	(pc) =	sbr.rel @p0 .LBB2_4-.Ltmp1, $4  }
0x8e: {  	v6 =	vtrunc.f32 v7  }
0x8f: {  	v8 =	vtrunc.f32 v4;
	v10 =	vcvt.f32.s32 v6  }
0x90: {  	v6 =	vcvt.f32.s32 v8;
	v8 =	vtrunc.f32 v5  }
0x91: {  	v8 =	vcvt.f32.s32 v8;
	vm0 =	vgt.s32 v10, $0x0;
	v9 =	vcvt.s32.f32 v10  }
0x92: {  	_ = 	snop  }
0x93: {  	v11 =	vadd.s32 s25, v2;
	v12 =	vadd.s32 $0x1, v6;
	vm1 =	vgt.s32 v8, $0x0  }
0x94: {  	v10 =	vnsel vm0, $0x0, v10;
	vm15 =	vgt.s32 v6, $0x0;
	v13 =	vnsel vm1, $0x0, v8  }
0x95: {  	v14 =	vor.u32 s25, v0;
	vm14 =	vgt.s32 v12, $0x0;
	v13 =	vmin.u32 v13, $0x7F  }
0x96: {  	v15 =	vnsel vm15, $0x0, v6;
	v10 =	vmin.u32 v10, $0x7F;
	v13 =	vshll.u32 v13, $0x7  }
0x97: {  	v12 =	vnsel vm14, $0x0, v12;
	v15 =	vmin.u32 v15, $0x7F;
	v13 =	vor.u32 v1, v13  }
0x98: {  	v12 =	vmin.u32 v12, $0x7F;
	v15 =	vshll.u32 v15, $0xE;
	v13 =	vor.u32 v10, v13  }
0x99: {  	v12 =	vshll.u32 v12, $0xE;
	v15 =	vor.u32 v15, v13  }
0x9a: {  	v12 =	vor.u32 v12, v13;
	v60 =	vshrl.u32 v15, $0x3  }
0x9b: {  	v61 =	vcvt.s32.f32 v6;
	v10 =	vshll.u32 v10, $0x4;
	v12 =	vshrl.u32 v12, $0x3;
	[tilespmem:v14+s16+$0x0] =	vst.idx.msk $0xffff, v60  }
0x9c: {  	v62 =	vcvt.s32.f32 v8;
	v10 =	vand.u32 $0x70, v10;
	[tilespmem:v11+s16+$0x0] =	vst.idx.msk $0xffff, v12  }
0x9d: {  	v4 =	vsub.f32 v4, v61;
	[tilespmem:s12+$0x0] =	vst v10  }
0x9e: {  	v5 =	vsub.f32 v5, v62;
	[tilespmem:s12+$0xC0] =	vst v10  }
0x9f: {  	v63 =	vsub.f32 v7, v9;
	[tilespmem:s9+$0x0] =	vst v4  }
0xa0: {  	[tilespmem:s9+$0xC0] =	vst v5  }
0xa1: {  	[tilespmem:s8+$0x19600] =	vst v63  }
0xa2: {  	[tilespmem:s17], [sflag:$0x2] =	stream.indirect.gather [hbm4b:s5+s0], $0x80, s16, s0, $0xb8;
	[tilespmem:$0x19700] =	vst v63  }
0xa3: {  	s11 =	simm.s32 $0x780;
	s12 =	simm.s32 $0x10900  }
0xa4: {  	[tilespmem:s12], [sflag:$0x2] =	stream.indirect.gather [hbm4b:s5+s0], $0x80, s11, s0, $0xb8;
	[tilespmem:$0x19700] =	vst v63  }
0xa5: {  	s18 =	simm.s32 $0x800  }
0xa6: {  	[tilespmem:s24], [sflag:$0x2] =	stream.indirect.gather [hbm4b:s5+s0], $0x80, s18, s0, $0xb8;
	[tilespmem:$0x19700] =	vst v63  }
0xa7: {  	s22 =	rddreg [dreg:$0xa];
	s23 =	simm.s32 $0x280;
	s12 =	simm.s32 $0x0  }
0xa8: {  	[tilespmem:s23], [sflag:$0x4] =	stream.linear.gather [hbm4b:s22+s12], $0xC0, $0x38;
	[tilespmem:$0x19700] =	vst v63  }
0xa9: {  	s25 =	rddreg [dreg:$0xd];
	s26 =	simm.s32 $0x340  }
0xaa: {  	[tilespmem:s26], [sflag:$0x4] =	stream.linear.gather [hbm4b:s25+s12], $0xC0, $0x38;
	[tilespmem:$0x19700] =	vst v63  }
0xab: {  	s28 =	rddreg [dreg:$0xe];
	s29 =	simm.s32 $0x400  }
0xac: {  	[tilespmem:s29], [sflag:$0x4] =	stream.linear.gather [hbm4b:s28+s12], $0xC0, $0x38;
	[tilespmem:$0x19700] =	vst v63  }
.LBB2_6:
0xad: {  	_ =	swait.ge [sflag:s7], $0x4000  }
0xae: {  	[sflag:s7] =	ssyncset.done $0x0  }
0xaf: {  	[sflag:s7] =	ssyncadd.s32 $0xFFFFC000  }
0xb0: {  	_ =	swait.ge [sflag:s7], $0x4000  }
0xb1: {  	[sflag:s7] =	ssyncset.done $0x0  }
0xb2: {  	[sflag:s7] =	ssyncadd.s32 $0xFFFFC000  }
0xb3: {  	_ =	swait.ge [sflag:s7], $0x4000  }
0xb4: {  	p0 =	seq.s32 s12, $0x0;
	[sflag:s7] =	ssyncset.done $0x0  }
0xb5: {  	s8 =	simm.s32 @!p0 $0x5;
	[sflag:s7] =	ssyncadd.s32 $0xFFFFC000  }
0xb6: {  	s26 =	smul.u32 $0x180, s12;
	s29 =	simm.s32 $0x192C0;
	_ =	swait.ge @!p0 [sflag:s8], $0x300  }
0xb7: {  	s25 =	simm.s32 $0x18FC0;
	s9 =	simm.s32 $0x0;
	[sflag:s8] =	ssyncset.done @!p0 $0x0  }
0xb8: {  	s28 =	sadd.s32 s4, s26;
	[sflag:s8] =	ssyncadd.s32 @!p0 $0xFFFFFD00;
	s8 =	simm.s32 $0x0  }
.LBB2_7:
0xb9: {  	v9 =	vld [tilespmem:s25+$0xFFFFFF40];
	_ =	sdelay $0x1  }
0xba: {  	v11 =	vld [tilespmem:s29+$0x0]  }
0xbb: {  	v4 =	vmov s8;
	s23 =	sadd.s32 $0xC0, s8  }
0xbc: {  	v4 =	vshll.u32 v4, $0x7;
	v19 =	vmov s23  }
0xbd: {  	v8 =	vor.u32 v3, v4;
	v5 =	vand.u32 $0xFFFFFF80, v9;
	v4 =	vand.u32 $0x7F, v9  }
0xbe: {  	v6 =	vadd.s32 $0x4, v9;
	v7 =	vadd.s32 $0x8, v9;
	v12 =	vadd.s32 $0x1, v9  }
0xbf: {  	v60 =	vadd.s32 $0x5, v9;
	v14 =	vadd.s32 $0xC, v9;
	v16 =	vsub.f32 $1.000000000e+00, v11  }
0xc0: {  	v22 =	vadd.s32 $0x9, v9;
	v24 =	vadd.s32 $0xD, v9;
	v26 =	vadd.s32 $0x2, v9  }
0xc1: {  	v29 =	vadd.s32 $0x6, v9;
	v5 =	vadd.s32 v8, v5;
	v10 =	vand.u32 $0xFFFFFF80, v7  }
0xc2: {  	v7 =	vand.u32 $0x7F, v7;
	v58 =	vand.u32 $0xFFFFFF80, v12;
	v59 =	vand.u32 $0x7F, v12  }
0xc3: {  	s11 =	sand.u32 $0xF0, s8;
	v4 =	vor.u32 v4, v5;
	v5 =	vand.u32 $0xFFFFFF80, v6;
	v10 =	vadd.s32 v8, v10  }
0xc4: {  	v13 =	vld [tilespmem:s11+$0x19380];
	v6 =	vand.u32 $0x7F, v6;
	v5 =	vadd.s32 v8, v5;
	v57 =	vor.u32 v7, v10  }
0xc5: {  	v61 =	vand.u32 $0xFFFFFF80, v60;
	v7 =	vadd.s32 v8, v58;
	v5 =	vor.u32 v6, v5  }
0xc6: {  	v12 =	vand.u32 $0x7F, v60;
	v10 =	vor.u32 v59, v7;
	v7 =	vadd.s32 v8, v61  }
0xc7: {  	v34 =	vadd.s32 $0x7, v9;
	v15 =	vand.u32 $0xFFFFFF80, v14;
	v12 =	vor.u32 v12, v7  }
0xc8: {  	v43 =	vadd.s32 $0xE, v9;
	v14 =	vand.u32 $0x7F, v14;
	v15 =	vadd.s32 v8, v15;
	v4 =	vld.idx.msk [tilespmem:v4+s1+$0x0], $0xffff  }
0xc9: {  	v17 =	vsub.f32 $1.000000000e+00, v13;
	v23 =	vand.u32 $0xFFFFFF80, v22;
	v14 =	vor.u32 v14, v15;
	v18 =	vld.idx.msk [tilespmem:v57+s1+$0x0], $0xffff  }
0xca: {  	v25 =	vand.u32 $0xFFFFFF80, v24;
	v27 =	vand.u32 $0xFFFFFF80, v26;
	v28 =	vand.u32 $0x7F, v26;
	v62 =	vld.idx.msk [tilespmem:v5+s1+$0x0], $0xffff  }
0xcb: {  	v30 =	vand.u32 $0xFFFFFF80, v29;
	v35 =	vand.u32 $0xFFFFFF80, v34;
	v7 =	vmul.f32 v17, v16;
	v10 =	vld.idx.msk [tilespmem:v10+s1+$0x0], $0xffff  }
0xcc: {  	v47 =	vand.u32 $0xFFFFFF80, v43;
	v6 =	vmul.f32 v13, v16;
	v5 =	vmul.f32 v17, v11;
	v12 =	vld.idx.msk [tilespmem:v12+s1+$0x0], $0xffff  }
0xcd: {  	v16 =	vand.u32 $0x7F, v24;
	v17 =	vadd.s32 v8, v25;
	v4 =	vmul.f32 v4, v7  }
0xce: {  	v14 =	vld.idx.msk [tilespmem:v14+s1+$0x0], $0xffff;
	v16 =	vor.u32 v16, v17;
	v21 =	vmul.f32 v18, v5;
	v18 =	vand.u32 $0x7F, v29  }
0xcf: {  	v63 =	vadd.f32 $0.0e+00, v4;
	v15 =	vmul.f32 v62, v6;
	v4 =	vmul.f32 v13, v11  }
0xd0: {  	v10 =	vmul.f32 v10, v7;
	v11 =	vshll.u32 v19, $0x7;
	v19 =	vadd.s32 $0xA, v9  }
0xd1: {  	v12 =	vmul.f32 v12, v6;
	v31 =	vand.u32 $0xFFFFFF80, v19;
	v19 =	vand.u32 $0x7F, v19  }
0xd2: {  	v20 =	vadd.f32 v15, v63;
	v15 =	vand.u32 $0x7F, v22;
	v22 =	vadd.s32 $0x3, v9  }
0xd3: {  	v10 =	vadd.f32 $0.0e+00, v10;
	v14 =	vmul.f32 v14, v4;
	v32 =	vand.u32 $0xFFFFFF80, v22  }
0xd4: {  	v33 =	vand.u32 $0x7F, v22;
	v22 =	vand.u32 $0x7F, v34;
	v13 =	vadd.f32 v21, v20  }
0xd5: {  	v12 =	vadd.f32 v12, v10;
	v10 =	vadd.s32 v8, v23;
	v20 =	vadd.s32 v8, v30  }
0xd6: {  	v16 =	vld.idx.msk [tilespmem:v16+s1+$0x0], $0xffff;
	v21 =	vadd.s32 v8, v31;
	v15 =	vor.u32 v15, v10;
	v10 =	vadd.s32 v8, v27  }
0xd7: {  	v23 =	vadd.s32 $0xB, v9;
	v9 =	vadd.s32 $0xF, v9;
	v17 =	vor.u32 v28, v10;
	v10 =	vld [tilespmem:s25+$0x0]  }
0xd8: {  	v18 =	vor.u32 v18, v20;
	v19 =	vor.u32 v19, v21;
	v20 =	vadd.s32 v8, v32  }
0xd9: {  	v21 =	vadd.s32 v8, v35;
	v24 =	vand.u32 $0xFFFFFF80, v23;
	v36 =	vand.u32 $0x7F, v23  }
0xda: {  	v50 =	vand.u32 $0xFFFFFF80, v9;
	v9 =	vand.u32 $0x7F, v9;
	v20 =	vor.u32 v33, v20  }
0xdb: {  	v21 =	vor.u32 v22, v21;
	v37 =	vadd.s32 v8, v24;
	v24 =	vor.u32 v3, v11  }
0xdc: {  	v16 =	vmul.f32 v16, v4;
	v22 =	vor.u32 v36, v37;
	v38 =	vand.u32 $0xFFFFFF80, v10  }
0xdd: {  	v39 =	vand.u32 $0x7F, v10;
	v25 =	vadd.s32 $0x4, v10;
	v51 =	vadd.s32 $0x8, v10  }
0xde: {  	v55 =	vadd.s32 $0xC, v10;
	v58 =	vadd.s32 $0x1, v10;
	v60 =	vadd.s32 $0x5, v10  }
0xdf: {  	v62 =	vadd.s32 $0x9, v10;
	v33 =	vadd.s32 $0xD, v10;
	v35 =	vadd.s32 $0x2, v10  }
0xe0: {  	v15 =	vld.idx.msk [tilespmem:v15+s1+$0x0], $0xffff;
	v26 =	vadd.s32 $0x6, v10;
	v28 =	vadd.s32 $0xE, v10;
	v29 =	vadd.s32 $0x3, v10  }
0xe1: {  	v18 =	vld.idx.msk [tilespmem:v18+s1+$0x0], $0xffff;
	v23 =	vadd.s32 v24, v38;
	v40 =	vand.u32 $0xFFFFFF80, v25;
	v25 =	vand.u32 $0x7F, v25  }
0xe2: {  	v19 =	vld.idx.msk [tilespmem:v19+s1+$0x0], $0xffff;
	v54 =	vand.u32 $0xFFFFFF80, v51;
	v56 =	vand.u32 $0xFFFFFF80, v55;
	v57 =	vand.u32 $0x7F, v55  }
0xe3: {  	v17 =	vld.idx.msk [tilespmem:v17+s1+$0x0], $0xffff;
	v59 =	vand.u32 $0xFFFFFF80, v58;
	v61 =	vand.u32 $0xFFFFFF80, v60;
	v31 =	vand.u32 $0xFFFFFF80, v62  }
0xe4: {  	v41 =	vld.idx.msk [tilespmem:v22+s1+$0x0], $0xffff;
	v32 =	vand.u32 $0x7F, v62;
	v34 =	vand.u32 $0xFFFFFF80, v33;
	v22 =	vand.u32 $0x7F, v33  }
0xe5: {  	v20 =	vld.idx.msk [tilespmem:v20+s1+$0x0], $0xffff;
	v36 =	vand.u32 $0xFFFFFF80, v35;
	v38 =	vand.u32 $0xFFFFFF80, v26;
	v30 =	vand.u32 $0xFFFFFF80, v29  }
0xe6: {  	v21 =	vld.idx.msk [tilespmem:v21+s1+$0x0], $0xffff;
	v29 =	vand.u32 $0x7F, v29;
	v23 =	vor.u32 v39, v23;
	v11 =	vadd.s32 v24, v40  }
0xe7: {  	v39 =	vand.u32 $0x7F, v26;
	v40 =	vadd.s32 $0xA, v10;
	v30 =	vadd.s32 v24, v30  }
0xe8: {  	v25 =	vor.u32 v25, v11;
	v26 =	vand.u32 $0x7F, v40;
	v15 =	vmul.f32 v15, v5  }
0xe9: {  	v29 =	vor.u32 v29, v30;
	v18 =	vmul.f32 v18, v6;
	v46 =	vmul.f32 v19, v5  }
0xea: {  	v19 =	vadd.s32 v8, v47;
	v8 =	vadd.s32 v8, v50;
	v17 =	vmul.f32 v17, v7  }
0xeb: {  	v44 =	vmul.f32 v20, v7;
	v48 =	vmul.f32 v21, v6;
	v8 =	vor.u32 v9, v8  }
0xec: {  	v9 =	vand.u32 $0x7F, v51;
	v20 =	vand.u32 $0x7F, v60;
	v21 =	vadd.s32 v24, v61  }
0xed: {  	v15 =	vadd.f32 v15, v12;
	v12 =	vadd.f32 v14, v13;
	v13 =	vmul.f32 v41, v5  }
0xee: {  	v63 =	vor.u32 v20, v21;
	v20 =	vadd.s32 v24, v31;
	v21 =	vadd.s32 v24, v34  }
0xef: {  	v41 =	vand.u32 $0xFFFFFF80, v40;
	v31 =	vadd.s32 $0x7, v10;
	v17 =	vadd.f32 $0.0e+00, v17  }
0xf0: {  	v45 =	vld.idx.msk [tilespmem:v23+s1+$0x0], $0xffff;
	v20 =	vor.u32 v32, v20;
	v23 =	vand.u32 $0x7F, v35;
	v21 =	vor.u32 v22, v21  }
0xf1: {  	v32 =	vadd.s32 $0xB, v10;
	v10 =	vadd.s32 $0xF, v10;
	v11 =	vadd.f32 v16, v15  }
0xf2: {  	v15 =	vand.u32 $0x7F, v43;
	v16 =	vadd.f32 $0.0e+00, v44;
	v49 =	vld.idx.msk [tilespmem:v25+s1+$0x0], $0xffff;
	v25 =	vadd.s32 v24, v36  }
0xf3: {  	v43 =	vand.u32 $0xFFFFFF80, v31;
	v31 =	vand.u32 $0x7F, v31;
	v44 =	vand.u32 $0xFFFFFF80, v32  }
0xf4: {  	v32 =	vand.u32 $0x7F, v32;
	v42 =	vadd.f32 v18, v17;
	v15 =	vor.u32 v15, v19  }
0xf5: {  	v27 =	vld [tilespmem:s29+$0xFFFFFF40];
	v18 =	vadd.s32 v24, v54;
	v19 =	vand.u32 $0x7F, v58;
	v37 =	vor.u32 v23, v25  }
0xf6: {  	v29 =	vld.idx.msk [tilespmem:v29+s1+$0x0], $0xffff;
	v23 =	vadd.s32 v24, v38;
	v25 =	vadd.s32 v24, v41;
	v30 =	vadd.s32 v24, v43  }
0xf7: {  	v16 =	vadd.f32 v48, v16;
	v9 =	vor.u32 v9, v18;
	v18 =	vadd.s32 v24, v59;
	v8 =	vld.idx.msk [tilespmem:v8+s1+$0x0], $0xffff  }
0xf8: {  	v23 =	vor.u32 v39, v23;
	v25 =	vor.u32 v26, v25;
	v18 =	vor.u32 v19, v18;
	v19 =	vld.idx.msk [tilespmem:v63+s1+$0x0], $0xffff  }
0xf9: {  	v30 =	vor.u32 v31, v30;
	v31 =	vadd.s32 v24, v44;
	v14 =	vadd.f32 v46, v42;
	v20 =	vld.idx.msk [tilespmem:v20+s1+$0x0], $0xffff  }
0xfa: {  	v42 =	vand.u32 $0xFFFFFF80, v28;
	v28 =	vand.u32 $0x7F, v28;
	v46 =	vand.u32 $0xFFFFFF80, v10;
	v48 =	vld.idx.msk [tilespmem:v21+s1+$0x0], $0xffff  }
0xfb: {  	v10 =	vand.u32 $0x7F, v10;
	v17 =	vmul.f32 v45, v7;
	v13 =	vadd.f32 v13, v16;
	v15 =	vld.idx.msk [tilespmem:v15+s1+$0x0], $0xffff  }
0xfc: {  	v26 =	vadd.s32 v24, v42;
	v45 =	vor.u32 v32, v31;
	v53 =	vmul.f32 v49, v6;
	v22 =	vld.idx.msk [tilespmem:v37+s1+$0x0], $0xffff  }
0xfd: {  	v26 =	vor.u32 v28, v26;
	v52 =	vadd.f32 $0.0e+00, v17;
	v17 =	vadd.s32 v24, v56;
	v9 =	vld.idx.msk [tilespmem:v9+s1+$0x0], $0xffff  }
0xfe: {  	v24 =	vadd.s32 v24, v46;
	v17 =	vor.u32 v57, v17;
	v8 =	vmul.f32 v8, v4;
	v23 =	vld.idx.msk [tilespmem:v23+s1+$0x0], $0xffff  }
0xff: {  	v16 =	vadd.f32 v53, v52;
	v18 =	vld.idx.msk [tilespmem:v18+s1+$0x0], $0xffff;
	v19 =	vmul.f32 v19, v6;
	v52 =	vsub.f32 $1.000000000e+00, v27  }
0x100: {  	v47 =	vld.idx.msk [tilespmem:v30+s1+$0x0], $0xffff;
	v8 =	vadd.f32 v8, v13;
	v20 =	vmul.f32 v20, v5;
	v13 =	vmul.f32 v48, v4  }
0x101: {  	v10 =	vor.u32 v10, v24;
	v51 =	vld.idx.msk [tilespmem:v25+s1+$0x0], $0xffff;
	v12 =	vmul.f32 v12, v52;
	v56 =	vmul.f32 v11, v52  }
0x102: {  	v53 =	vld.idx.msk [tilespmem:v45+s1+$0x0], $0xffff;
	v15 =	vmul.f32 v15, v4;
	v50 =	vmul.f32 v22, v7  }
0x103: {  	v8 =	vmul.f32 v8, v52;
	v17 =	vld.idx.msk [tilespmem:v17+s1+$0x0], $0xffff;
	v9 =	vmul.f32 v9, v5  }
0x104: {  	v55 =	vld.idx.msk [tilespmem:v26+s1+$0x0], $0xffff;
	v54 =	vmul.f32 v23, v6;
	v18 =	vmul.f32 v18, v7  }
0x105: {  	v7 =	vmul.f32 v29, v7;
	v9 =	vadd.f32 v9, v16;
	v16 =	vadd.f32 $0.0e+00, v50  }
0x106: {  	v6 =	vmul.f32 v47, v6;
	v10 =	vld.idx.msk [tilespmem:v10+s1+$0x0], $0xffff;
	v14 =	vadd.f32 v15, v14;
	v18 =	vadd.f32 $0.0e+00, v18  }
0x107: {  	v57 =	vmul.f32 v51, v5;
	v7 =	vadd.f32 $0.0e+00, v7;
	v16 =	vadd.f32 v54, v16  }
0x108: {  	v5 =	vmul.f32 v53, v5;
	v49 =	vadd.f32 v19, v18;
	v17 =	vmul.f32 v17, v4  }
0x109: {  	v58 =	vmul.f32 v55, v4;
	v6 =	vadd.f32 v6, v7;
	v11 =	vadd.f32 v57, v16  }
0x10a: {  	p1 =	sgt.u32 s9, $0x5;
	s11 =	simm.s32 $0xFFFFFFA0;
	v59 =	vmul.f32 v14, v52;
	v9 =	vadd.f32 v17, v9;
	v15 =	vadd.f32 v20, v49  }
0x10b: {  	s18 =	simm.s32 $0x180;
	s11 =	simm.s32 @!p1 $0x0;
	v4 =	vmul.f32 v10, v4;
	v5 =	vadd.f32 v5, v6;
	v60 =	vadd.f32 v58, v11  }
0x10c: {  	s18 =	simm.s32 @!p1 $0x0;
	s11 =	sadd.s32 s8, s11;
	v12 =	vadd.f32 $0.0e+00, v12;
	v13 =	vadd.f32 v13, v15;
	v9 =	vmul.f32 v9, v27  }
0x10d: {  	s18 =	sadd.s32 s11, s18;
	v4 =	vadd.f32 v4, v5;
	v5 =	vadd.f32 $0.0e+00, v59;
	v63 =	vmul.f32 v60, v27  }
0x10e: {  	p1 =	sne.s32 s9, $0xB;
	s11 =	sand.u32 $0x70, s11;
	s22 =	sand.u32 $0xFFFFFF80, s18;
	v7 =	vadd.f32 $0.0e+00, v56;
	v61 =	vmul.f32 v13, v27;
	v62 =	vadd.f32 v9, v12  }
.Ltmp2:
0x10f: {  	s11 =	sor.u32 s11, s22;
	v8 =	vadd.f32 $0.0e+00, v8;
	v4 =	vmul.f32 v4, v27;
	v5 =	vadd.f32 v63, v5;
	(pc) =	sbr.rel @p1 .LBB2_7-.Ltmp2, $4  }
0x110: {  	v7 =	vadd.f32 v61, v7;
	[tilespmem:s11+$0x18900] =	vst v62  }
0x111: {  	v4 =	vadd.f32 v4, v8;
	[tilespmem:s18+$0x189C0] =	vst v5  }
0x112: {  	s9 =	sadd.s32 $0x1, s9;
	[tilespmem:s18+$0x18960] =	vst v7  }
0x113: {  	s8 =	sadd.s32 $0x10, s8;
	s29 =	sadd.s32 $0x10, s29;
	s25 =	sadd.s32 $0x10, s25;
	[tilespmem:s18+$0x18A20] =	vst v4  }
0x114: {  	s8 =	sshrl.u32 s28, $0x1  }
0x115: {  	s28 =	simm.s32 $0x0;
	s8 =	sadd.s32 s6, s8  }
0x116: {  	[hbm4b:s8+s28] =	stream.linear.scatter [tilespmem:s10], [sflag:$0x5], $0x300, $0x38;
	[tilespmem:$0x19700] =	vst v63  }
0x117: {  	_ =	swait.ge [sflag:s30], $0xC0  }
0x118: {  	[sflag:s30] =	ssyncset.done $0x0  }
0x119: {  	[sflag:s30] =	ssyncadd.s32 $0xFFFFFF40  }
0x11a: {  	_ =	swait.ge [sflag:s30], $0xC0  }
0x11b: {  	[sflag:s30] =	ssyncset.done $0x0  }
0x11c: {  	[sflag:s30] =	ssyncadd.s32 $0xFFFFFF40  }
0x11d: {  	_ =	swait.ge [sflag:s30], $0xC0  }
0x11e: {  	[sflag:s30] =	ssyncset.done $0x0  }
0x11f: {  	s8 =	sand.u32 $0xF0, s28;
	[sflag:s30] =	ssyncadd.s32 $0xFFFFFF40  }
0x120: {  	s29 =	simm.s32 $0xC0;
	v7 =	vld [tilespmem:s8+$0x180]  }
0x121: {  	v4 =	vld [tilespmem:s29+$0xFFFFFF40]  }
0x122: {  	v5 =	vld [tilespmem:s29+$0x0];
	_ =	sdelay $0x2  }
0x123: {  	v6 =	vtrunc.f32 v7  }
0x124: {  	v8 =	vtrunc.f32 v4;
	v10 =	vcvt.f32.s32 v6  }
0x125: {  	s11 =	simm.s32 $0x18F00;
	s18 =	simm.s32 $0x19200;
	v6 =	vcvt.f32.s32 v8;
	v8 =	vtrunc.f32 v5  }
0x126: {  	s22 =	simm.s32 $0x10;
	s25 =	simm.s32 $0x18F00;
	s9 =	simm.s32 $0x19200;
	v8 =	vcvt.f32.s32 v8;
	vm0 =	vgt.s32 v10, $0x0;
	v9 =	vcvt.s32.f32 v10  }
.LBB2_9:
0x127: {  	v11 =	vadd.s32 s28, v2;
	v12 =	vor.u32 s28, v0;
	s29 =	sadd.s32 $0x10, s29;
	s11 =	sadd.s32 $0x10, s11;
	s18 =	sadd.s32 $0x10, s18  }
0x128: {  	p1 =	sne.s32 s22, $0xB0;
	s28 =	smov.u32 s22;
	s22 =	sadd.s32 $0x10, s22;
	vm1 =	vgt.s32 v8, $0x0;
	v13 =	vcvt.s32.f32 v8;
	v9 =	vsub.f32 v7, v9  }
0x129: {  	v10 =	vnsel vm0, $0x0, v10;
	v7 =	vadd.s32 $0x1, v6;
	v8 =	vnsel vm1, $0x0, v8  }
0x12a: {  	vm0 =	vgt.s32 v6, $0x0;
	v10 =	vmin.u32 v10, $0x7F;
	v8 =	vmin.u32 v8, $0x7F  }
0x12b: {  	v14 =	vnsel vm0, $0x0, v6;
	vm0 =	vgt.s32 v7, $0x0;
	v8 =	vshll.u32 v8, $0x7  }
0x12c: {  	v14 =	vmin.u32 v14, $0x7F;
	v7 =	vnsel vm0, $0x0, v7;
	v8 =	vor.u32 v1, v8  }
0x12d: {  	v14 =	vshll.u32 v14, $0xE;
	v7 =	vmin.u32 v7, $0x7F;
	v8 =	vor.u32 v10, v8  }
0x12e: {  	v7 =	vshll.u32 v7, $0xE;
	v10 =	vshll.u32 v10, $0x4;
	v14 =	vor.u32 v14, v8  }
0x12f: {  	v5 =	vsub.f32 v5, v13;
	v7 =	vor.u32 v7, v8;
	v8 =	vshrl.u32 v14, $0x3  }
0x130: {  	v6 =	vcvt.s32.f32 v6;
	v7 =	vshrl.u32 v7, $0x3;
	[tilespmem:v12+s31+$0x0] =	vst.idx.msk $0xffff, v8  }
0x131: {  	[tilespmem:v11+s31+$0x0] =	vst.idx.msk $0xffff, v7;
	v7 =	vand.u32 $0x70, v10  }
0x132: {  	v4 =	vsub.f32 v4, v6;
	[tilespmem:s25+$0x0] =	vst v7  }
0x133: {  	[tilespmem:s25+$0xC0] =	vst v7;
	s25 =	smov.u32 s11  }
0x134: {  	[tilespmem:s9+$0x0] =	vst v4  }
0x135: {  	s23 =	sand.u32 $0xF0, s28;
	[tilespmem:s9+$0xC0] =	vst v5;
	s9 =	smov.u32 s18  }
0x136: {  	v7 =	vld [tilespmem:s23+$0x180];
	[tilespmem:s8+$0x19380] =	vst v9;
	s8 =	smov.u32 s23  }
0x137: {  	v4 =	vld [tilespmem:s29+$0xFFFFFF40]  }
0x138: {  	v5 =	vld [tilespmem:s29+$0x0];
	_ =	sdelay $0x1  }
.Ltmp3:
0x139: {  	(pc) =	sbr.rel @p1 .LBB2_9-.Ltmp3, $4  }
0x13a: {  	v6 =	vtrunc.f32 v7  }
0x13b: {  	v8 =	vtrunc.f32 v4;
	v10 =	vcvt.f32.s32 v6  }
0x13c: {  	v6 =	vcvt.f32.s32 v8;
	v8 =	vtrunc.f32 v5  }
0x13d: {  	v8 =	vcvt.f32.s32 v8;
	vm0 =	vgt.s32 v10, $0x0;
	v9 =	vcvt.s32.f32 v10  }
0x13e: {  	_ = 	snop  }
0x13f: {  	v11 =	vadd.s32 s28, v2;
	v12 =	vadd.s32 $0x1, v6;
	vm1 =	vgt.s32 v8, $0x0  }
0x140: {  	v10 =	vnsel vm0, $0x0, v10;
	vm15 =	vgt.s32 v6, $0x0;
	v13 =	vnsel vm1, $0x0, v8  }
0x141: {  	v14 =	vor.u32 s28, v0;
	vm14 =	vgt.s32 v12, $0x0;
	v13 =	vmin.u32 v13, $0x7F  }
0x142: {  	v15 =	vnsel vm15, $0x0, v6;
	v10 =	vmin.u32 v10, $0x7F;
	v13 =	vshll.u32 v13, $0x7  }
0x143: {  	v12 =	vnsel vm14, $0x0, v12;
	v15 =	vmin.u32 v15, $0x7F;
	v13 =	vor.u32 v1, v13  }
0x144: {  	v12 =	vmin.u32 v12, $0x7F;
	v15 =	vshll.u32 v15, $0xE;
	v13 =	vor.u32 v10, v13  }
0x145: {  	v12 =	vshll.u32 v12, $0xE;
	v15 =	vor.u32 v15, v13  }
0x146: {  	v12 =	vor.u32 v12, v13;
	v60 =	vshrl.u32 v15, $0x3  }
0x147: {  	v61 =	vcvt.s32.f32 v6;
	v10 =	vshll.u32 v10, $0x4;
	v12 =	vshrl.u32 v12, $0x3;
	[tilespmem:v14+s31+$0x0] =	vst.idx.msk $0xffff, v60  }
0x148: {  	v62 =	vcvt.s32.f32 v8;
	v10 =	vand.u32 $0x70, v10;
	[tilespmem:v11+s31+$0x0] =	vst.idx.msk $0xffff, v12  }
0x149: {  	v4 =	vsub.f32 v4, v61;
	[tilespmem:s25+$0x0] =	vst v10  }
0x14a: {  	v5 =	vsub.f32 v5, v62;
	[tilespmem:s25+$0xC0] =	vst v10  }
0x14b: {  	v63 =	vsub.f32 v7, v9;
	[tilespmem:s9+$0x0] =	vst v4  }
0x14c: {  	p1 =	seq.s32 s12, $0x8E;
	[tilespmem:s9+$0xC0] =	vst v5  }
0x14d: {  	[tilespmem:s8+$0x19380] =	vst v63;
	s8 =	sadd.s32 @!p1 s26, s19  }
0x14e: {  	[tilespmem:s1], [sflag:$0x1] =	stream.indirect.gather [hbm4b:s5+s0], $0x80, s31, s0, $0xb8;
	[tilespmem:$0x19700] =	vst v63  }
0x14f: {  	s11 =	simm.s32 $0x580;
	s18 =	simm.s32 $0x4900;
	s9 =	smulhi.u32 @!p1 $0x38E38E39, s8  }
0x150: {  	[tilespmem:s18], [sflag:$0x1] =	stream.indirect.gather [hbm4b:s5+s0], $0x80, s11, s0, $0xb8;
	[tilespmem:$0x19700] =	vst v63  }
0x151: {  	s9 =	sshrl.u32 @!p1 s9, $0xB  }
0x152: {  	s23 =	simm.s32 $0x600;
	s25 =	simm.s32 $0x8900;
	s9 =	smul.u32 @!p1 $0x4800, s9  }
0x153: {  	[tilespmem:s25], [sflag:$0x1] =	stream.indirect.gather [hbm4b:s5+s0], $0x80, s23, s0, $0xb8;
	[tilespmem:$0x19700] =	vst v63  }
0x154: {  	s8 =	sadd.s32 @!p1 s8, s9  }
0x155: {  	s9 =	sshrl.u32 @!p1 s8, $0x3  }
0x156: {  	s18 =	simm.s32 @!p1 $0x0;
	s11 =	sadd.s32 @!p1 $0x2400, s8;
	s9 =	sadd.s32 @!p1 s2, s9  }
0x157: {  	[tilespmem:s18], [sflag:$0x3] =	stream.linear.gather @!p1 [hbm4b:s9+s18], $0xC0, $0x38;
	[tilespmem:$0x19700] =	vst v63  }
0x158: {  	s8 =	sadd.s32 @!p1 $0x4800, s8;
	s9 =	sshrl.u32 @!p1 s11, $0x3  }
0x159: {  	s8 =	sshrl.u32 @!p1 s8, $0x3;
	s11 =	simm.s32 @!p1 $0xC0;
	s9 =	sadd.s32 @!p1 s2, s9  }
0x15a: {  	[tilespmem:s11], [sflag:$0x3] =	stream.linear.gather @!p1 [hbm4b:s9+s18], $0xC0, $0x38;
	[tilespmem:$0x19700] =	vst v63  }
0x15b: {  	s8 =	sadd.s32 @!p1 s2, s8;
	s9 =	simm.s32 @!p1 $0x180  }
0x15c: {  	[tilespmem:s9], [sflag:$0x3] =	stream.linear.gather @!p1 [hbm4b:s8+s18], $0xC0, $0x38;
	[tilespmem:$0x19700] =	vst v63  }
0x15d: {  	_ =	swait.ge [sflag:s13], $0x4000  }
0x15e: {  	[sflag:s13] =	ssyncset.done $0x0  }
0x15f: {  	[sflag:s13] =	ssyncadd.s32 $0xFFFFC000  }
0x160: {  	_ =	swait.ge [sflag:s13], $0x4000  }
0x161: {  	[sflag:s13] =	ssyncset.done $0x0  }
0x162: {  	[sflag:s13] =	ssyncadd.s32 $0xFFFFC000  }
0x163: {  	_ =	swait.ge [sflag:s13], $0x4000  }
0x164: {  	[sflag:s13] =	ssyncset.done $0x0  }
0x165: {  	s8 =	simm.s32 @!p0 $0x6;
	[sflag:s13] =	ssyncadd.s32 $0xFFFFC000  }
0x166: {  	s28 =	sadd.s32 s26, s20;
	_ =	swait.ge @!p0 [sflag:s8], $0x300  }
0x167: {  	s29 =	simm.s32 $0x0;
	s25 =	simm.s32 $0x19540;
	[sflag:s8] =	ssyncset.done @!p0 $0x0  }
0x168: {  	s9 =	simm.s32 $0x0;
	[sflag:s8] =	ssyncadd.s32 @!p0 $0xFFFFFD00;
	s8 =	simm.s32 $0x19140  }
.LBB2_11:
0x169: {  	v9 =	vld [tilespmem:s8+$0xFFFFFF40];
	_ =	sdelay $0x1  }
0x16a: {  	v11 =	vld [tilespmem:s25+$0x0]  }
0x16b: {  	v4 =	vmov s29;
	s23 =	sadd.s32 $0xC0, s29  }
0x16c: {  	v4 =	vshll.u32 v4, $0x7;
	v19 =	vmov s23  }
0x16d: {  	v8 =	vor.u32 v3, v4;
	v5 =	vand.u32 $0xFFFFFF80, v9;
	v4 =	vand.u32 $0x7F, v9  }
0x16e: {  	v6 =	vadd.s32 $0x4, v9;
	v7 =	vadd.s32 $0x8, v9;
	v12 =	vadd.s32 $0x1, v9  }
0x16f: {  	v60 =	vadd.s32 $0x5, v9;
	v14 =	vadd.s32 $0xC, v9;
	v16 =	vsub.f32 $1.000000000e+00, v11  }
0x170: {  	v22 =	vadd.s32 $0x9, v9;
	v24 =	vadd.s32 $0xD, v9;
	v26 =	vadd.s32 $0x2, v9  }
0x171: {  	v29 =	vadd.s32 $0x6, v9;
	v5 =	vadd.s32 v8, v5;
	v10 =	vand.u32 $0xFFFFFF80, v7  }
0x172: {  	v7 =	vand.u32 $0x7F, v7;
	v58 =	vand.u32 $0xFFFFFF80, v12;
	v59 =	vand.u32 $0x7F, v12  }
0x173: {  	s11 =	sand.u32 $0xF0, s29;
	v4 =	vor.u32 v4, v5;
	v5 =	vand.u32 $0xFFFFFF80, v6;
	v10 =	vadd.s32 v8, v10  }
0x174: {  	v13 =	vld [tilespmem:s11+$0x19600];
	v6 =	vand.u32 $0x7F, v6;
	v5 =	vadd.s32 v8, v5;
	v57 =	vor.u32 v7, v10  }
0x175: {  	v61 =	vand.u32 $0xFFFFFF80, v60;
	v7 =	vadd.s32 v8, v58;
	v5 =	vor.u32 v6, v5  }
0x176: {  	v12 =	vand.u32 $0x7F, v60;
	v10 =	vor.u32 v59, v7;
	v7 =	vadd.s32 v8, v61  }
0x177: {  	v34 =	vadd.s32 $0x7, v9;
	v15 =	vand.u32 $0xFFFFFF80, v14;
	v12 =	vor.u32 v12, v7  }
0x178: {  	v43 =	vadd.s32 $0xE, v9;
	v14 =	vand.u32 $0x7F, v14;
	v15 =	vadd.s32 v8, v15;
	v4 =	vld.idx.msk [tilespmem:v4+s17+$0x0], $0xffff  }
0x179: {  	v17 =	vsub.f32 $1.000000000e+00, v13;
	v23 =	vand.u32 $0xFFFFFF80, v22;
	v14 =	vor.u32 v14, v15;
	v18 =	vld.idx.msk [tilespmem:v57+s17+$0x0], $0xffff  }
0x17a: {  	v25 =	vand.u32 $0xFFFFFF80, v24;
	v27 =	vand.u32 $0xFFFFFF80, v26;
	v28 =	vand.u32 $0x7F, v26;
	v62 =	vld.idx.msk [tilespmem:v5+s17+$0x0], $0xffff  }
0x17b: {  	v30 =	vand.u32 $0xFFFFFF80, v29;
	v35 =	vand.u32 $0xFFFFFF80, v34;
	v7 =	vmul.f32 v17, v16;
	v10 =	vld.idx.msk [tilespmem:v10+s17+$0x0], $0xffff  }
0x17c: {  	v47 =	vand.u32 $0xFFFFFF80, v43;
	v6 =	vmul.f32 v13, v16;
	v5 =	vmul.f32 v17, v11;
	v12 =	vld.idx.msk [tilespmem:v12+s17+$0x0], $0xffff  }
0x17d: {  	v16 =	vand.u32 $0x7F, v24;
	v17 =	vadd.s32 v8, v25;
	v4 =	vmul.f32 v4, v7  }
0x17e: {  	v14 =	vld.idx.msk [tilespmem:v14+s17+$0x0], $0xffff;
	v16 =	vor.u32 v16, v17;
	v21 =	vmul.f32 v18, v5;
	v18 =	vand.u32 $0x7F, v29  }
0x17f: {  	v63 =	vadd.f32 $0.0e+00, v4;
	v15 =	vmul.f32 v62, v6;
	v4 =	vmul.f32 v13, v11  }
0x180: {  	v10 =	vmul.f32 v10, v7;
	v11 =	vshll.u32 v19, $0x7;
	v19 =	vadd.s32 $0xA, v9  }
0x181: {  	v12 =	vmul.f32 v12, v6;
	v31 =	vand.u32 $0xFFFFFF80, v19;
	v19 =	vand.u32 $0x7F, v19  }
0x182: {  	v20 =	vadd.f32 v15, v63;
	v15 =	vand.u32 $0x7F, v22;
	v22 =	vadd.s32 $0x3, v9  }
0x183: {  	v10 =	vadd.f32 $0.0e+00, v10;
	v14 =	vmul.f32 v14, v4;
	v32 =	vand.u32 $0xFFFFFF80, v22  }
0x184: {  	v33 =	vand.u32 $0x7F, v22;
	v22 =	vand.u32 $0x7F, v34;
	v13 =	vadd.f32 v21, v20  }
0x185: {  	v12 =	vadd.f32 v12, v10;
	v10 =	vadd.s32 v8, v23;
	v20 =	vadd.s32 v8, v30  }
0x186: {  	v16 =	vld.idx.msk [tilespmem:v16+s17+$0x0], $0xffff;
	v21 =	vadd.s32 v8, v31;
	v15 =	vor.u32 v15, v10;
	v10 =	vadd.s32 v8, v27  }
0x187: {  	v23 =	vadd.s32 $0xB, v9;
	v9 =	vadd.s32 $0xF, v9;
	v17 =	vor.u32 v28, v10;
	v10 =	vld [tilespmem:s8+$0x0]  }
0x188: {  	v18 =	vor.u32 v18, v20;
	v19 =	vor.u32 v19, v21;
	v20 =	vadd.s32 v8, v32  }
0x189: {  	v21 =	vadd.s32 v8, v35;
	v24 =	vand.u32 $0xFFFFFF80, v23;
	v36 =	vand.u32 $0x7F, v23  }
0x18a: {  	v50 =	vand.u32 $0xFFFFFF80, v9;
	v9 =	vand.u32 $0x7F, v9;
	v20 =	vor.u32 v33, v20  }
0x18b: {  	v21 =	vor.u32 v22, v21;
	v37 =	vadd.s32 v8, v24;
	v24 =	vor.u32 v3, v11  }
0x18c: {  	v16 =	vmul.f32 v16, v4;
	v22 =	vor.u32 v36, v37;
	v38 =	vand.u32 $0xFFFFFF80, v10  }
0x18d: {  	v39 =	vand.u32 $0x7F, v10;
	v25 =	vadd.s32 $0x4, v10;
	v51 =	vadd.s32 $0x8, v10  }
0x18e: {  	v55 =	vadd.s32 $0xC, v10;
	v58 =	vadd.s32 $0x1, v10;
	v60 =	vadd.s32 $0x5, v10  }
0x18f: {  	v62 =	vadd.s32 $0x9, v10;
	v33 =	vadd.s32 $0xD, v10;
	v35 =	vadd.s32 $0x2, v10  }
0x190: {  	v15 =	vld.idx.msk [tilespmem:v15+s17+$0x0], $0xffff;
	v26 =	vadd.s32 $0x6, v10;
	v28 =	vadd.s32 $0xE, v10;
	v29 =	vadd.s32 $0x3, v10  }
0x191: {  	v18 =	vld.idx.msk [tilespmem:v18+s17+$0x0], $0xffff;
	v23 =	vadd.s32 v24, v38;
	v40 =	vand.u32 $0xFFFFFF80, v25;
	v25 =	vand.u32 $0x7F, v25  }
0x192: {  	v19 =	vld.idx.msk [tilespmem:v19+s17+$0x0], $0xffff;
	v54 =	vand.u32 $0xFFFFFF80, v51;
	v56 =	vand.u32 $0xFFFFFF80, v55;
	v57 =	vand.u32 $0x7F, v55  }
0x193: {  	v17 =	vld.idx.msk [tilespmem:v17+s17+$0x0], $0xffff;
	v59 =	vand.u32 $0xFFFFFF80, v58;
	v61 =	vand.u32 $0xFFFFFF80, v60;
	v31 =	vand.u32 $0xFFFFFF80, v62  }
0x194: {  	v41 =	vld.idx.msk [tilespmem:v22+s17+$0x0], $0xffff;
	v32 =	vand.u32 $0x7F, v62;
	v34 =	vand.u32 $0xFFFFFF80, v33;
	v22 =	vand.u32 $0x7F, v33  }
0x195: {  	v20 =	vld.idx.msk [tilespmem:v20+s17+$0x0], $0xffff;
	v36 =	vand.u32 $0xFFFFFF80, v35;
	v38 =	vand.u32 $0xFFFFFF80, v26;
	v30 =	vand.u32 $0xFFFFFF80, v29  }
0x196: {  	v21 =	vld.idx.msk [tilespmem:v21+s17+$0x0], $0xffff;
	v29 =	vand.u32 $0x7F, v29;
	v23 =	vor.u32 v39, v23;
	v11 =	vadd.s32 v24, v40  }
0x197: {  	v39 =	vand.u32 $0x7F, v26;
	v40 =	vadd.s32 $0xA, v10;
	v30 =	vadd.s32 v24, v30  }
0x198: {  	v25 =	vor.u32 v25, v11;
	v26 =	vand.u32 $0x7F, v40;
	v15 =	vmul.f32 v15, v5  }
0x199: {  	v29 =	vor.u32 v29, v30;
	v18 =	vmul.f32 v18, v6;
	v46 =	vmul.f32 v19, v5  }
0x19a: {  	v19 =	vadd.s32 v8, v47;
	v8 =	vadd.s32 v8, v50;
	v17 =	vmul.f32 v17, v7  }
0x19b: {  	v44 =	vmul.f32 v20, v7;
	v48 =	vmul.f32 v21, v6;
	v8 =	vor.u32 v9, v8  }
0x19c: {  	v9 =	vand.u32 $0x7F, v51;
	v20 =	vand.u32 $0x7F, v60;
	v21 =	vadd.s32 v24, v61  }
0x19d: {  	v15 =	vadd.f32 v15, v12;
	v12 =	vadd.f32 v14, v13;
	v13 =	vmul.f32 v41, v5  }
0x19e: {  	v63 =	vor.u32 v20, v21;
	v20 =	vadd.s32 v24, v31;
	v21 =	vadd.s32 v24, v34  }
0x19f: {  	v41 =	vand.u32 $0xFFFFFF80, v40;
	v31 =	vadd.s32 $0x7, v10;
	v17 =	vadd.f32 $0.0e+00, v17  }
0x1a0: {  	v45 =	vld.idx.msk [tilespmem:v23+s17+$0x0], $0xffff;
	v20 =	vor.u32 v32, v20;
	v23 =	vand.u32 $0x7F, v35;
	v21 =	vor.u32 v22, v21  }
0x1a1: {  	v32 =	vadd.s32 $0xB, v10;
	v10 =	vadd.s32 $0xF, v10;
	v11 =	vadd.f32 v16, v15  }
0x1a2: {  	v15 =	vand.u32 $0x7F, v43;
	v16 =	vadd.f32 $0.0e+00, v44;
	v49 =	vld.idx.msk [tilespmem:v25+s17+$0x0], $0xffff;
	v25 =	vadd.s32 v24, v36  }
0x1a3: {  	v43 =	vand.u32 $0xFFFFFF80, v31;
	v31 =	vand.u32 $0x7F, v31;
	v44 =	vand.u32 $0xFFFFFF80, v32  }
0x1a4: {  	v32 =	vand.u32 $0x7F, v32;
	v42 =	vadd.f32 v18, v17;
	v15 =	vor.u32 v15, v19  }
0x1a5: {  	v27 =	vld [tilespmem:s25+$0xFFFFFF40];
	v18 =	vadd.s32 v24, v54;
	v19 =	vand.u32 $0x7F, v58;
	v37 =	vor.u32 v23, v25  }
0x1a6: {  	v29 =	vld.idx.msk [tilespmem:v29+s17+$0x0], $0xffff;
	v23 =	vadd.s32 v24, v38;
	v25 =	vadd.s32 v24, v41;
	v30 =	vadd.s32 v24, v43  }
0x1a7: {  	v16 =	vadd.f32 v48, v16;
	v9 =	vor.u32 v9, v18;
	v18 =	vadd.s32 v24, v59;
	v8 =	vld.idx.msk [tilespmem:v8+s17+$0x0], $0xffff  }
0x1a8: {  	v23 =	vor.u32 v39, v23;
	v25 =	vor.u32 v26, v25;
	v18 =	vor.u32 v19, v18;
	v19 =	vld.idx.msk [tilespmem:v63+s17+$0x0], $0xffff  }
0x1a9: {  	v30 =	vor.u32 v31, v30;
	v31 =	vadd.s32 v24, v44;
	v14 =	vadd.f32 v46, v42;
	v20 =	vld.idx.msk [tilespmem:v20+s17+$0x0], $0xffff  }
0x1aa: {  	v42 =	vand.u32 $0xFFFFFF80, v28;
	v28 =	vand.u32 $0x7F, v28;
	v46 =	vand.u32 $0xFFFFFF80, v10;
	v48 =	vld.idx.msk [tilespmem:v21+s17+$0x0], $0xffff  }
0x1ab: {  	v10 =	vand.u32 $0x7F, v10;
	v17 =	vmul.f32 v45, v7;
	v13 =	vadd.f32 v13, v16;
	v15 =	vld.idx.msk [tilespmem:v15+s17+$0x0], $0xffff  }
0x1ac: {  	v26 =	vadd.s32 v24, v42;
	v45 =	vor.u32 v32, v31;
	v53 =	vmul.f32 v49, v6;
	v22 =	vld.idx.msk [tilespmem:v37+s17+$0x0], $0xffff  }
0x1ad: {  	v26 =	vor.u32 v28, v26;
	v52 =	vadd.f32 $0.0e+00, v17;
	v17 =	vadd.s32 v24, v56;
	v9 =	vld.idx.msk [tilespmem:v9+s17+$0x0], $0xffff  }
0x1ae: {  	v24 =	vadd.s32 v24, v46;
	v17 =	vor.u32 v57, v17;
	v8 =	vmul.f32 v8, v4;
	v23 =	vld.idx.msk [tilespmem:v23+s17+$0x0], $0xffff  }
0x1af: {  	v16 =	vadd.f32 v53, v52;
	v18 =	vld.idx.msk [tilespmem:v18+s17+$0x0], $0xffff;
	v19 =	vmul.f32 v19, v6;
	v52 =	vsub.f32 $1.000000000e+00, v27  }
0x1b0: {  	v47 =	vld.idx.msk [tilespmem:v30+s17+$0x0], $0xffff;
	v8 =	vadd.f32 v8, v13;
	v20 =	vmul.f32 v20, v5;
	v13 =	vmul.f32 v48, v4  }
0x1b1: {  	v10 =	vor.u32 v10, v24;
	v51 =	vld.idx.msk [tilespmem:v25+s17+$0x0], $0xffff;
	v12 =	vmul.f32 v12, v52;
	v56 =	vmul.f32 v11, v52  }
0x1b2: {  	v53 =	vld.idx.msk [tilespmem:v45+s17+$0x0], $0xffff;
	v15 =	vmul.f32 v15, v4;
	v50 =	vmul.f32 v22, v7  }
0x1b3: {  	v8 =	vmul.f32 v8, v52;
	v17 =	vld.idx.msk [tilespmem:v17+s17+$0x0], $0xffff;
	v9 =	vmul.f32 v9, v5  }
0x1b4: {  	v55 =	vld.idx.msk [tilespmem:v26+s17+$0x0], $0xffff;
	v54 =	vmul.f32 v23, v6;
	v18 =	vmul.f32 v18, v7  }
0x1b5: {  	v7 =	vmul.f32 v29, v7;
	v9 =	vadd.f32 v9, v16;
	v16 =	vadd.f32 $0.0e+00, v50  }
0x1b6: {  	v6 =	vmul.f32 v47, v6;
	v10 =	vld.idx.msk [tilespmem:v10+s17+$0x0], $0xffff;
	v14 =	vadd.f32 v15, v14;
	v18 =	vadd.f32 $0.0e+00, v18  }
0x1b7: {  	v57 =	vmul.f32 v51, v5;
	v7 =	vadd.f32 $0.0e+00, v7;
	v16 =	vadd.f32 v54, v16  }
0x1b8: {  	v5 =	vmul.f32 v53, v5;
	v49 =	vadd.f32 v19, v18;
	v17 =	vmul.f32 v17, v4  }
0x1b9: {  	v58 =	vmul.f32 v55, v4;
	v6 =	vadd.f32 v6, v7;
	v11 =	vadd.f32 v57, v16  }
0x1ba: {  	p0 =	sgt.u32 s9, $0x5;
	s11 =	simm.s32 $0xFFFFFFA0;
	v59 =	vmul.f32 v14, v52;
	v9 =	vadd.f32 v17, v9;
	v15 =	vadd.f32 v20, v49  }
0x1bb: {  	s18 =	simm.s32 $0x180;
	s11 =	simm.s32 @!p0 $0x0;
	v4 =	vmul.f32 v10, v4;
	v5 =	vadd.f32 v5, v6;
	v60 =	vadd.f32 v58, v11  }
0x1bc: {  	s18 =	simm.s32 @!p0 $0x0;
	s11 =	sadd.s32 s29, s11;
	v12 =	vadd.f32 $0.0e+00, v12;
	v13 =	vadd.f32 v13, v15;
	v9 =	vmul.f32 v9, v27  }
0x1bd: {  	s18 =	sadd.s32 s11, s18;
	v4 =	vadd.f32 v4, v5;
	v5 =	vadd.f32 $0.0e+00, v59;
	v63 =	vmul.f32 v60, v27  }
0x1be: {  	p0 =	sne.s32 s9, $0xB;
	s11 =	sand.u32 $0x70, s11;
	s22 =	sand.u32 $0xFFFFFF80, s18;
	v7 =	vadd.f32 $0.0e+00, v56;
	v61 =	vmul.f32 v13, v27;
	v62 =	vadd.f32 v9, v12  }
.Ltmp4:
0x1bf: {  	s11 =	sor.u32 s11, s22;
	v8 =	vadd.f32 $0.0e+00, v8;
	v4 =	vmul.f32 v4, v27;
	v5 =	vadd.f32 v63, v5;
	(pc) =	sbr.rel @p0 .LBB2_11-.Ltmp4, $4  }
0x1c0: {  	v7 =	vadd.f32 v61, v7;
	[tilespmem:s11+$0x18C00] =	vst v62  }
0x1c1: {  	v4 =	vadd.f32 v4, v8;
	[tilespmem:s18+$0x18CC0] =	vst v5  }
0x1c2: {  	s9 =	sadd.s32 $0x1, s9;
	[tilespmem:s18+$0x18C60] =	vst v7  }
0x1c3: {  	s29 =	sadd.s32 $0x10, s29;
	s25 =	sadd.s32 $0x10, s25;
	s8 =	sadd.s32 $0x10, s8;
	[tilespmem:s18+$0x18D20] =	vst v4  }
0x1c4: {  	s8 =	sshrl.u32 s28, $0x1  }
0x1c5: {  	s28 =	simm.s32 $0x0;
	s8 =	sadd.s32 s6, s8  }
0x1c6: {  	[hbm4b:s8+s28] =	stream.linear.scatter [tilespmem:s14], [sflag:$0x6], $0x300, $0x38;
	[tilespmem:$0x19700] =	vst v63  }
0x1c7: {  	_ =	swait.ge [sflag:s15], $0xC0  }
0x1c8: {  	[sflag:s15] =	ssyncset.done $0x0  }
0x1c9: {  	[sflag:s15] =	ssyncadd.s32 $0xFFFFFF40  }
0x1ca: {  	_ =	swait.ge [sflag:s15], $0xC0  }
0x1cb: {  	[sflag:s15] =	ssyncset.done $0x0  }
0x1cc: {  	[sflag:s15] =	ssyncadd.s32 $0xFFFFFF40  }
0x1cd: {  	_ =	swait.ge [sflag:s15], $0xC0  }
0x1ce: {  	[sflag:s15] =	ssyncset.done $0x0  }
0x1cf: {  	s8 =	sand.u32 $0xF0, s28;
	[sflag:s15] =	ssyncadd.s32 $0xFFFFFF40  }
0x1d0: {  	s29 =	simm.s32 $0x340;
	v7 =	vld [tilespmem:s8+$0x400]  }
0x1d1: {  	v4 =	vld [tilespmem:s29+$0xFFFFFF40]  }
0x1d2: {  	v5 =	vld [tilespmem:s29+$0x0];
	_ =	sdelay $0x2  }
0x1d3: {  	v6 =	vtrunc.f32 v7  }
0x1d4: {  	v8 =	vtrunc.f32 v4;
	v10 =	vcvt.f32.s32 v6  }
0x1d5: {  	s11 =	simm.s32 $0x19080;
	s18 =	simm.s32 $0x19480;
	v6 =	vcvt.f32.s32 v8;
	v8 =	vtrunc.f32 v5  }
0x1d6: {  	s22 =	simm.s32 $0x10;
	s25 =	simm.s32 $0x19080;
	s9 =	simm.s32 $0x19480;
	v8 =	vcvt.f32.s32 v8;
	vm0 =	vgt.s32 v10, $0x0;
	v9 =	vcvt.s32.f32 v10  }
.LBB2_13:
0x1d7: {  	v11 =	vadd.s32 s28, v2;
	v12 =	vor.u32 s28, v0;
	s29 =	sadd.s32 $0x10, s29;
	s11 =	sadd.s32 $0x10, s11;
	s18 =	sadd.s32 $0x10, s18  }
0x1d8: {  	p0 =	sne.s32 s22, $0xB0;
	s28 =	smov.u32 s22;
	s22 =	sadd.s32 $0x10, s22;
	vm1 =	vgt.s32 v8, $0x0;
	v13 =	vcvt.s32.f32 v8;
	v9 =	vsub.f32 v7, v9  }
0x1d9: {  	v10 =	vnsel vm0, $0x0, v10;
	v7 =	vadd.s32 $0x1, v6;
	v8 =	vnsel vm1, $0x0, v8  }
0x1da: {  	vm0 =	vgt.s32 v6, $0x0;
	v10 =	vmin.u32 v10, $0x7F;
	v8 =	vmin.u32 v8, $0x7F  }
0x1db: {  	v14 =	vnsel vm0, $0x0, v6;
	vm0 =	vgt.s32 v7, $0x0;
	v8 =	vshll.u32 v8, $0x7  }
0x1dc: {  	v14 =	vmin.u32 v14, $0x7F;
	v7 =	vnsel vm0, $0x0, v7;
	v8 =	vor.u32 v1, v8  }
0x1dd: {  	v14 =	vshll.u32 v14, $0xE;
	v7 =	vmin.u32 v7, $0x7F;
	v8 =	vor.u32 v10, v8  }
0x1de: {  	v7 =	vshll.u32 v7, $0xE;
	v10 =	vshll.u32 v10, $0x4;
	v14 =	vor.u32 v14, v8  }
0x1df: {  	v5 =	vsub.f32 v5, v13;
	v7 =	vor.u32 v7, v8;
	v8 =	vshrl.u32 v14, $0x3  }
0x1e0: {  	v6 =	vcvt.s32.f32 v6;
	v7 =	vshrl.u32 v7, $0x3;
	[tilespmem:v12+s16+$0x0] =	vst.idx.msk $0xffff, v8  }
0x1e1: {  	[tilespmem:v11+s16+$0x0] =	vst.idx.msk $0xffff, v7;
	v7 =	vand.u32 $0x70, v10  }
0x1e2: {  	v4 =	vsub.f32 v4, v6;
	[tilespmem:s25+$0x0] =	vst v7  }
0x1e3: {  	[tilespmem:s25+$0xC0] =	vst v7;
	s25 =	smov.u32 s11  }
0x1e4: {  	[tilespmem:s9+$0x0] =	vst v4  }
0x1e5: {  	s23 =	sand.u32 $0xF0, s28;
	[tilespmem:s9+$0xC0] =	vst v5;
	s9 =	smov.u32 s18  }
0x1e6: {  	v7 =	vld [tilespmem:s23+$0x400];
	[tilespmem:s8+$0x19600] =	vst v9;
	s8 =	smov.u32 s23  }
0x1e7: {  	v4 =	vld [tilespmem:s29+$0xFFFFFF40]  }
0x1e8: {  	v5 =	vld [tilespmem:s29+$0x0];
	_ =	sdelay $0x1  }
.Ltmp5:
0x1e9: {  	(pc) =	sbr.rel @p0 .LBB2_13-.Ltmp5, $4  }
0x1ea: {  	v6 =	vtrunc.f32 v7  }
0x1eb: {  	v8 =	vtrunc.f32 v4;
	v10 =	vcvt.f32.s32 v6  }
0x1ec: {  	v6 =	vcvt.f32.s32 v8;
	v8 =	vtrunc.f32 v5  }
0x1ed: {  	v8 =	vcvt.f32.s32 v8;
	vm0 =	vgt.s32 v10, $0x0;
	v9 =	vcvt.s32.f32 v10  }
0x1ee: {  	_ = 	snop  }
0x1ef: {  	v11 =	vadd.s32 s28, v2;
	v12 =	vadd.s32 $0x1, v6;
	vm1 =	vgt.s32 v8, $0x0  }
0x1f0: {  	v10 =	vnsel vm0, $0x0, v10;
	vm15 =	vgt.s32 v6, $0x0;
	v13 =	vnsel vm1, $0x0, v8  }
0x1f1: {  	v14 =	vor.u32 s28, v0;
	vm14 =	vgt.s32 v12, $0x0;
	v13 =	vmin.u32 v13, $0x7F  }
0x1f2: {  	v15 =	vnsel vm15, $0x0, v6;
	v10 =	vmin.u32 v10, $0x7F;
	v13 =	vshll.u32 v13, $0x7  }
0x1f3: {  	v12 =	vnsel vm14, $0x0, v12;
	v15 =	vmin.u32 v15, $0x7F;
	v13 =	vor.u32 v1, v13  }
0x1f4: {  	v12 =	vmin.u32 v12, $0x7F;
	v15 =	vshll.u32 v15, $0xE;
	v13 =	vor.u32 v10, v13  }
0x1f5: {  	v12 =	vshll.u32 v12, $0xE;
	v15 =	vor.u32 v15, v13  }
0x1f6: {  	v12 =	vor.u32 v12, v13;
	v60 =	vshrl.u32 v15, $0x3  }
0x1f7: {  	v61 =	vcvt.s32.f32 v6;
	v10 =	vshll.u32 v10, $0x4;
	v12 =	vshrl.u32 v12, $0x3;
	[tilespmem:v14+s16+$0x0] =	vst.idx.msk $0xffff, v60  }
0x1f8: {  	v62 =	vcvt.s32.f32 v8;
	v10 =	vand.u32 $0x70, v10;
	[tilespmem:v11+s16+$0x0] =	vst.idx.msk $0xffff, v12  }
0x1f9: {  	v4 =	vsub.f32 v4, v61;
	[tilespmem:s25+$0x0] =	vst v10  }
0x1fa: {  	v5 =	vsub.f32 v5, v62;
	[tilespmem:s25+$0xC0] =	vst v10  }
0x1fb: {  	v63 =	vsub.f32 v7, v9;
	[tilespmem:s9+$0x0] =	vst v4  }
0x1fc: {  	[tilespmem:s9+$0xC0] =	vst v5  }
0x1fd: {  	[tilespmem:s8+$0x19600] =	vst v63  }
0x1fe: {  	[tilespmem:s17], [sflag:$0x2] =	stream.indirect.gather [hbm4b:s5+s0], $0x80, s16, s0, $0xb8;
	[tilespmem:$0x19700] =	vst v63  }
.Ltmp6:
0x1ff: {  	_ = 	snop;
	(pc) =	sbr.rel @p1 .LBB2_16-.Ltmp6, $4  }
0x200: {  	s28 =	simm.s32 $0x10900;
	s25 =	simm.s32 $0x780  }
0x201: {  	[tilespmem:s28], [sflag:$0x2] =	stream.indirect.gather [hbm4b:s5+s0], $0x80, s25, s0, $0xb8;
	[tilespmem:$0x19700] =	vst v63  }
0x202: {  	s29 =	simm.s32 $0x800  }
0x203: {  	[tilespmem:s24], [sflag:$0x2] =	stream.indirect.gather [hbm4b:s5+s0], $0x80, s29, s0, $0xb8;
	[tilespmem:$0x19700] =	vst v63  }
0x204: {  	s8 =	sadd.s32 s26, s21  }
0x205: {  	s9 =	smulhi.u32 $0x38E38E39, s8;
	_ =	sdelay $0x1  }
0x206: {  	s9 =	sshrl.u32 s9, $0xB  }
0x207: {  	s9 =	smul.u32 $0x4800, s9;
	_ =	sdelay $0x1  }
0x208: {  	s8 =	sadd.s32 s8, s9  }
0x209: {  	s9 =	sshrl.u32 s8, $0x3  }
0x20a: {  	s18 =	simm.s32 $0x280;
	s11 =	sadd.s32 $0x2400, s8;
	s9 =	sadd.s32 s2, s9  }
0x20b: {  	[tilespmem:s18], [sflag:$0x4] =	stream.linear.gather [hbm4b:s9+s3], $0xC0, $0x38;
	[tilespmem:$0x19700] =	vst v63  }
.Ltmp7:
0x20c: {  	s8 =	sadd.s32 $0x4800, s8;
	s26 =	sshrl.u32 s11, $0x3;
	(pc) =	sbr.rel .LBB2_6-.Ltmp7, $4  }
0x20d: {  	s28 =	simm.s32 $0x340;
	s8 =	sshrl.u32 s8, $0x3;
	s9 =	sadd.s32 s2, s26  }
0x20e: {  	[tilespmem:s28], [sflag:$0x4] =	stream.linear.gather [hbm4b:s9+s3], $0xC0, $0x38;
	[tilespmem:$0x19700] =	vst v63  }
0x20f: {  	s29 =	simm.s32 $0x400;
	s12 =	sadd.s32 $0x1, s12;
	s8 =	sadd.s32 s2, s8  }
0x210: {  	[tilespmem:s29], [sflag:$0x4] =	stream.linear.gather [hbm4b:s8+s3], $0xC0, $0x38;
	[tilespmem:$0x19700] =	vst v63  }
.LBB2_16:
0x211: {  	_ =	swait.ge [sflag:s7], $0x4000  }
0x212: {  	[sflag:s7] =	ssyncset.done $0x0  }
0x213: {  	[sflag:s7] =	ssyncadd.s32 $0xFFFFC000  }
0x214: {  	_ =	swait.ge [sflag:s7], $0x4000  }
0x215: {  	[sflag:s7] =	ssyncset.done $0x0  }
0x216: {  	[sflag:s7] =	ssyncadd.s32 $0xFFFFC000  }
0x217: {  	_ =	swait.ge [sflag:s7], $0x4000  }
0x218: {  	[sflag:s7] =	ssyncset.done $0x0  }
0x219: {  	s26 =	simm.s32 $0x5;
	[sflag:s7] =	ssyncadd.s32 $0xFFFFC000  }
0x21a: {  	s12 =	simm.s32 $0x0;
	_ =	swait.ge [sflag:s26], $0x300  }
0x21b: {  	s25 =	simm.s32 $0x192C0;
	s8 =	simm.s32 $0x18FC0;
	[sflag:s26] =	ssyncset.done $0x0  }
0x21c: {  	s9 =	simm.s32 $0x0;
	s28 =	simm.s32 $0x6;
	[sflag:s26] =	ssyncadd.s32 $0xFFFFFD00  }
.LBB2_17:
0x21d: {  	v9 =	vld [tilespmem:s8+$0xFFFFFF40];
	_ =	sdelay $0x1  }
0x21e: {  	v11 =	vld [tilespmem:s25+$0x0]  }
0x21f: {  	v4 =	vmov s12;
	s29 =	sadd.s32 $0xC0, s12  }
0x220: {  	v4 =	vshll.u32 v4, $0x7;
	v19 =	vmov s29  }
0x221: {  	v8 =	vor.u32 v3, v4;
	v5 =	vand.u32 $0xFFFFFF80, v9;
	v4 =	vand.u32 $0x7F, v9  }
0x222: {  	v6 =	vadd.s32 $0x4, v9;
	v7 =	vadd.s32 $0x8, v9;
	v12 =	vadd.s32 $0x1, v9  }
0x223: {  	v60 =	vadd.s32 $0x5, v9;
	v14 =	vadd.s32 $0xC, v9;
	v16 =	vsub.f32 $1.000000000e+00, v11  }
0x224: {  	v22 =	vadd.s32 $0x9, v9;
	v24 =	vadd.s32 $0xD, v9;
	v26 =	vadd.s32 $0x2, v9  }
0x225: {  	v29 =	vadd.s32 $0x6, v9;
	v5 =	vadd.s32 v8, v5;
	v10 =	vand.u32 $0xFFFFFF80, v7  }
0x226: {  	v7 =	vand.u32 $0x7F, v7;
	v58 =	vand.u32 $0xFFFFFF80, v12;
	v59 =	vand.u32 $0x7F, v12  }
0x227: {  	s11 =	sand.u32 $0xF0, s12;
	v4 =	vor.u32 v4, v5;
	v5 =	vand.u32 $0xFFFFFF80, v6;
	v10 =	vadd.s32 v8, v10  }
0x228: {  	v13 =	vld [tilespmem:s11+$0x19380];
	v6 =	vand.u32 $0x7F, v6;
	v5 =	vadd.s32 v8, v5;
	v57 =	vor.u32 v7, v10  }
0x229: {  	v61 =	vand.u32 $0xFFFFFF80, v60;
	v7 =	vadd.s32 v8, v58;
	v5 =	vor.u32 v6, v5  }
0x22a: {  	v12 =	vand.u32 $0x7F, v60;
	v10 =	vor.u32 v59, v7;
	v7 =	vadd.s32 v8, v61  }
0x22b: {  	v34 =	vadd.s32 $0x7, v9;
	v15 =	vand.u32 $0xFFFFFF80, v14;
	v12 =	vor.u32 v12, v7  }
0x22c: {  	v43 =	vadd.s32 $0xE, v9;
	v14 =	vand.u32 $0x7F, v14;
	v15 =	vadd.s32 v8, v15;
	v4 =	vld.idx.msk [tilespmem:v4+s1+$0x0], $0xffff  }
0x22d: {  	v17 =	vsub.f32 $1.000000000e+00, v13;
	v23 =	vand.u32 $0xFFFFFF80, v22;
	v14 =	vor.u32 v14, v15;
	v18 =	vld.idx.msk [tilespmem:v57+s1+$0x0], $0xffff  }
0x22e: {  	v25 =	vand.u32 $0xFFFFFF80, v24;
	v27 =	vand.u32 $0xFFFFFF80, v26;
	v28 =	vand.u32 $0x7F, v26;
	v62 =	vld.idx.msk [tilespmem:v5+s1+$0x0], $0xffff  }
0x22f: {  	v30 =	vand.u32 $0xFFFFFF80, v29;
	v35 =	vand.u32 $0xFFFFFF80, v34;
	v7 =	vmul.f32 v17, v16;
	v10 =	vld.idx.msk [tilespmem:v10+s1+$0x0], $0xffff  }
0x230: {  	v47 =	vand.u32 $0xFFFFFF80, v43;
	v6 =	vmul.f32 v13, v16;
	v5 =	vmul.f32 v17, v11;
	v12 =	vld.idx.msk [tilespmem:v12+s1+$0x0], $0xffff  }
0x231: {  	v16 =	vand.u32 $0x7F, v24;
	v17 =	vadd.s32 v8, v25;
	v4 =	vmul.f32 v4, v7  }
0x232: {  	v14 =	vld.idx.msk [tilespmem:v14+s1+$0x0], $0xffff;
	v16 =	vor.u32 v16, v17;
	v21 =	vmul.f32 v18, v5;
	v18 =	vand.u32 $0x7F, v29  }
0x233: {  	v63 =	vadd.f32 $0.0e+00, v4;
	v15 =	vmul.f32 v62, v6;
	v4 =	vmul.f32 v13, v11  }
0x234: {  	v10 =	vmul.f32 v10, v7;
	v11 =	vshll.u32 v19, $0x7;
	v19 =	vadd.s32 $0xA, v9  }
0x235: {  	v12 =	vmul.f32 v12, v6;
	v31 =	vand.u32 $0xFFFFFF80, v19;
	v19 =	vand.u32 $0x7F, v19  }
0x236: {  	v20 =	vadd.f32 v15, v63;
	v15 =	vand.u32 $0x7F, v22;
	v22 =	vadd.s32 $0x3, v9  }
0x237: {  	v10 =	vadd.f32 $0.0e+00, v10;
	v14 =	vmul.f32 v14, v4;
	v32 =	vand.u32 $0xFFFFFF80, v22  }
0x238: {  	v33 =	vand.u32 $0x7F, v22;
	v22 =	vand.u32 $0x7F, v34;
	v13 =	vadd.f32 v21, v20  }
0x239: {  	v12 =	vadd.f32 v12, v10;
	v10 =	vadd.s32 v8, v23;
	v20 =	vadd.s32 v8, v30  }
0x23a: {  	v16 =	vld.idx.msk [tilespmem:v16+s1+$0x0], $0xffff;
	v21 =	vadd.s32 v8, v31;
	v15 =	vor.u32 v15, v10;
	v10 =	vadd.s32 v8, v27  }
0x23b: {  	v23 =	vadd.s32 $0xB, v9;
	v9 =	vadd.s32 $0xF, v9;
	v17 =	vor.u32 v28, v10;
	v10 =	vld [tilespmem:s8+$0x0]  }
0x23c: {  	v18 =	vor.u32 v18, v20;
	v19 =	vor.u32 v19, v21;
	v20 =	vadd.s32 v8, v32  }
0x23d: {  	v21 =	vadd.s32 v8, v35;
	v24 =	vand.u32 $0xFFFFFF80, v23;
	v36 =	vand.u32 $0x7F, v23  }
0x23e: {  	v50 =	vand.u32 $0xFFFFFF80, v9;
	v9 =	vand.u32 $0x7F, v9;
	v20 =	vor.u32 v33, v20  }
0x23f: {  	v21 =	vor.u32 v22, v21;
	v37 =	vadd.s32 v8, v24;
	v24 =	vor.u32 v3, v11  }
0x240: {  	v16 =	vmul.f32 v16, v4;
	v22 =	vor.u32 v36, v37;
	v38 =	vand.u32 $0xFFFFFF80, v10  }
0x241: {  	v39 =	vand.u32 $0x7F, v10;
	v25 =	vadd.s32 $0x4, v10;
	v51 =	vadd.s32 $0x8, v10  }
0x242: {  	v55 =	vadd.s32 $0xC, v10;
	v58 =	vadd.s32 $0x1, v10;
	v60 =	vadd.s32 $0x5, v10  }
0x243: {  	v62 =	vadd.s32 $0x9, v10;
	v33 =	vadd.s32 $0xD, v10;
	v35 =	vadd.s32 $0x2, v10  }
0x244: {  	v15 =	vld.idx.msk [tilespmem:v15+s1+$0x0], $0xffff;
	v26 =	vadd.s32 $0x6, v10;
	v28 =	vadd.s32 $0xE, v10;
	v29 =	vadd.s32 $0x3, v10  }
0x245: {  	v18 =	vld.idx.msk [tilespmem:v18+s1+$0x0], $0xffff;
	v23 =	vadd.s32 v24, v38;
	v40 =	vand.u32 $0xFFFFFF80, v25;
	v25 =	vand.u32 $0x7F, v25  }
0x246: {  	v19 =	vld.idx.msk [tilespmem:v19+s1+$0x0], $0xffff;
	v54 =	vand.u32 $0xFFFFFF80, v51;
	v56 =	vand.u32 $0xFFFFFF80, v55;
	v57 =	vand.u32 $0x7F, v55  }
0x247: {  	v17 =	vld.idx.msk [tilespmem:v17+s1+$0x0], $0xffff;
	v59 =	vand.u32 $0xFFFFFF80, v58;
	v61 =	vand.u32 $0xFFFFFF80, v60;
	v31 =	vand.u32 $0xFFFFFF80, v62  }
0x248: {  	v41 =	vld.idx.msk [tilespmem:v22+s1+$0x0], $0xffff;
	v32 =	vand.u32 $0x7F, v62;
	v34 =	vand.u32 $0xFFFFFF80, v33;
	v22 =	vand.u32 $0x7F, v33  }
0x249: {  	v20 =	vld.idx.msk [tilespmem:v20+s1+$0x0], $0xffff;
	v36 =	vand.u32 $0xFFFFFF80, v35;
	v38 =	vand.u32 $0xFFFFFF80, v26;
	v30 =	vand.u32 $0xFFFFFF80, v29  }
0x24a: {  	v21 =	vld.idx.msk [tilespmem:v21+s1+$0x0], $0xffff;
	v29 =	vand.u32 $0x7F, v29;
	v23 =	vor.u32 v39, v23;
	v11 =	vadd.s32 v24, v40  }
0x24b: {  	v39 =	vand.u32 $0x7F, v26;
	v40 =	vadd.s32 $0xA, v10;
	v30 =	vadd.s32 v24, v30  }
0x24c: {  	v25 =	vor.u32 v25, v11;
	v26 =	vand.u32 $0x7F, v40;
	v15 =	vmul.f32 v15, v5  }
0x24d: {  	v29 =	vor.u32 v29, v30;
	v18 =	vmul.f32 v18, v6;
	v46 =	vmul.f32 v19, v5  }
0x24e: {  	v19 =	vadd.s32 v8, v47;
	v8 =	vadd.s32 v8, v50;
	v17 =	vmul.f32 v17, v7  }
0x24f: {  	v44 =	vmul.f32 v20, v7;
	v48 =	vmul.f32 v21, v6;
	v8 =	vor.u32 v9, v8  }
0x250: {  	v9 =	vand.u32 $0x7F, v51;
	v20 =	vand.u32 $0x7F, v60;
	v21 =	vadd.s32 v24, v61  }
0x251: {  	v15 =	vadd.f32 v15, v12;
	v12 =	vadd.f32 v14, v13;
	v13 =	vmul.f32 v41, v5  }
0x252: {  	v63 =	vor.u32 v20, v21;
	v20 =	vadd.s32 v24, v31;
	v21 =	vadd.s32 v24, v34  }
0x253: {  	v41 =	vand.u32 $0xFFFFFF80, v40;
	v31 =	vadd.s32 $0x7, v10;
	v17 =	vadd.f32 $0.0e+00, v17  }
0x254: {  	v45 =	vld.idx.msk [tilespmem:v23+s1+$0x0], $0xffff;
	v20 =	vor.u32 v32, v20;
	v23 =	vand.u32 $0x7F, v35;
	v21 =	vor.u32 v22, v21  }
0x255: {  	v32 =	vadd.s32 $0xB, v10;
	v10 =	vadd.s32 $0xF, v10;
	v11 =	vadd.f32 v16, v15  }
0x256: {  	v15 =	vand.u32 $0x7F, v43;
	v16 =	vadd.f32 $0.0e+00, v44;
	v49 =	vld.idx.msk [tilespmem:v25+s1+$0x0], $0xffff;
	v25 =	vadd.s32 v24, v36  }
0x257: {  	v43 =	vand.u32 $0xFFFFFF80, v31;
	v31 =	vand.u32 $0x7F, v31;
	v44 =	vand.u32 $0xFFFFFF80, v32  }
0x258: {  	v32 =	vand.u32 $0x7F, v32;
	v42 =	vadd.f32 v18, v17;
	v15 =	vor.u32 v15, v19  }
0x259: {  	v27 =	vld [tilespmem:s25+$0xFFFFFF40];
	v18 =	vadd.s32 v24, v54;
	v19 =	vand.u32 $0x7F, v58;
	v37 =	vor.u32 v23, v25  }
0x25a: {  	v29 =	vld.idx.msk [tilespmem:v29+s1+$0x0], $0xffff;
	v23 =	vadd.s32 v24, v38;
	v25 =	vadd.s32 v24, v41;
	v30 =	vadd.s32 v24, v43  }
0x25b: {  	v16 =	vadd.f32 v48, v16;
	v9 =	vor.u32 v9, v18;
	v18 =	vadd.s32 v24, v59;
	v8 =	vld.idx.msk [tilespmem:v8+s1+$0x0], $0xffff  }
0x25c: {  	v23 =	vor.u32 v39, v23;
	v25 =	vor.u32 v26, v25;
	v18 =	vor.u32 v19, v18;
	v19 =	vld.idx.msk [tilespmem:v63+s1+$0x0], $0xffff  }
0x25d: {  	v30 =	vor.u32 v31, v30;
	v31 =	vadd.s32 v24, v44;
	v14 =	vadd.f32 v46, v42;
	v20 =	vld.idx.msk [tilespmem:v20+s1+$0x0], $0xffff  }
0x25e: {  	v42 =	vand.u32 $0xFFFFFF80, v28;
	v28 =	vand.u32 $0x7F, v28;
	v46 =	vand.u32 $0xFFFFFF80, v10;
	v48 =	vld.idx.msk [tilespmem:v21+s1+$0x0], $0xffff  }
0x25f: {  	v10 =	vand.u32 $0x7F, v10;
	v17 =	vmul.f32 v45, v7;
	v13 =	vadd.f32 v13, v16;
	v15 =	vld.idx.msk [tilespmem:v15+s1+$0x0], $0xffff  }
0x260: {  	v26 =	vadd.s32 v24, v42;
	v45 =	vor.u32 v32, v31;
	v53 =	vmul.f32 v49, v6;
	v22 =	vld.idx.msk [tilespmem:v37+s1+$0x0], $0xffff  }
0x261: {  	v26 =	vor.u32 v28, v26;
	v52 =	vadd.f32 $0.0e+00, v17;
	v17 =	vadd.s32 v24, v56;
	v9 =	vld.idx.msk [tilespmem:v9+s1+$0x0], $0xffff  }
0x262: {  	v24 =	vadd.s32 v24, v46;
	v17 =	vor.u32 v57, v17;
	v8 =	vmul.f32 v8, v4;
	v23 =	vld.idx.msk [tilespmem:v23+s1+$0x0], $0xffff  }
0x263: {  	v16 =	vadd.f32 v53, v52;
	v18 =	vld.idx.msk [tilespmem:v18+s1+$0x0], $0xffff;
	v19 =	vmul.f32 v19, v6;
	v52 =	vsub.f32 $1.000000000e+00, v27  }
0x264: {  	v47 =	vld.idx.msk [tilespmem:v30+s1+$0x0], $0xffff;
	v8 =	vadd.f32 v8, v13;
	v20 =	vmul.f32 v20, v5;
	v13 =	vmul.f32 v48, v4  }
0x265: {  	v10 =	vor.u32 v10, v24;
	v51 =	vld.idx.msk [tilespmem:v25+s1+$0x0], $0xffff;
	v12 =	vmul.f32 v12, v52;
	v56 =	vmul.f32 v11, v52  }
0x266: {  	v53 =	vld.idx.msk [tilespmem:v45+s1+$0x0], $0xffff;
	v15 =	vmul.f32 v15, v4;
	v50 =	vmul.f32 v22, v7  }
0x267: {  	v8 =	vmul.f32 v8, v52;
	v17 =	vld.idx.msk [tilespmem:v17+s1+$0x0], $0xffff;
	v9 =	vmul.f32 v9, v5  }
0x268: {  	v55 =	vld.idx.msk [tilespmem:v26+s1+$0x0], $0xffff;
	v54 =	vmul.f32 v23, v6;
	v18 =	vmul.f32 v18, v7  }
0x269: {  	v7 =	vmul.f32 v29, v7;
	v9 =	vadd.f32 v9, v16;
	v16 =	vadd.f32 $0.0e+00, v50  }
0x26a: {  	v6 =	vmul.f32 v47, v6;
	v10 =	vld.idx.msk [tilespmem:v10+s1+$0x0], $0xffff;
	v14 =	vadd.f32 v15, v14;
	v18 =	vadd.f32 $0.0e+00, v18  }
0x26b: {  	v57 =	vmul.f32 v51, v5;
	v7 =	vadd.f32 $0.0e+00, v7;
	v16 =	vadd.f32 v54, v16  }
0x26c: {  	v5 =	vmul.f32 v53, v5;
	v49 =	vadd.f32 v19, v18;
	v17 =	vmul.f32 v17, v4  }
0x26d: {  	v58 =	vmul.f32 v55, v4;
	v6 =	vadd.f32 v6, v7;
	v11 =	vadd.f32 v57, v16  }
0x26e: {  	p0 =	sgt.u32 s9, $0x5;
	s11 =	simm.s32 $0xFFFFFFA0;
	v59 =	vmul.f32 v14, v52;
	v9 =	vadd.f32 v17, v9;
	v15 =	vadd.f32 v20, v49  }
0x26f: {  	s18 =	simm.s32 $0x180;
	s11 =	simm.s32 @!p0 $0x0;
	v4 =	vmul.f32 v10, v4;
	v5 =	vadd.f32 v5, v6;
	v60 =	vadd.f32 v58, v11  }
0x270: {  	s18 =	simm.s32 @!p0 $0x0;
	s11 =	sadd.s32 s12, s11;
	v12 =	vadd.f32 $0.0e+00, v12;
	v13 =	vadd.f32 v13, v15;
	v9 =	vmul.f32 v9, v27  }
0x271: {  	s18 =	sadd.s32 s11, s18;
	v4 =	vadd.f32 v4, v5;
	v5 =	vadd.f32 $0.0e+00, v59;
	v63 =	vmul.f32 v60, v27  }
0x272: {  	p0 =	sne.s32 s9, $0xB;
	s11 =	sand.u32 $0x70, s11;
	s22 =	sand.u32 $0xFFFFFF80, s18;
	v7 =	vadd.f32 $0.0e+00, v56;
	v61 =	vmul.f32 v13, v27;
	v62 =	vadd.f32 v9, v12  }
.Ltmp8:
0x273: {  	s11 =	sor.u32 s11, s22;
	v8 =	vadd.f32 $0.0e+00, v8;
	v4 =	vmul.f32 v4, v27;
	v5 =	vadd.f32 v63, v5;
	(pc) =	sbr.rel @p0 .LBB2_17-.Ltmp8, $4  }
0x274: {  	v7 =	vadd.f32 v61, v7;
	[tilespmem:s11+$0x18900] =	vst v62  }
0x275: {  	v4 =	vadd.f32 v4, v8;
	[tilespmem:s18+$0x189C0] =	vst v5  }
0x276: {  	s9 =	sadd.s32 $0x1, s9;
	[tilespmem:s18+$0x18960] =	vst v7  }
0x277: {  	s12 =	sadd.s32 $0x10, s12;
	s25 =	sadd.s32 $0x10, s25;
	s8 =	sadd.s32 $0x10, s8;
	[tilespmem:s18+$0x18A20] =	vst v4  }
0x278: {  	s12 =	simm.s32 $0x0;
	s8 =	rddreg [dreg:$0xf]  }
0x279: {  	[hbm4b:s8+s12] =	stream.linear.scatter [tilespmem:s10], [sflag:$0x5], $0x300, $0x38;
	[tilespmem:$0x19700] =	vst v63  }
0x27a: {  	_ =	swait.ge [sflag:s13], $0x4000  }
0x27b: {  	[sflag:s13] =	ssyncset.done $0x0  }
0x27c: {  	[sflag:s13] =	ssyncadd.s32 $0xFFFFC000  }
0x27d: {  	_ =	swait.ge [sflag:s13], $0x4000  }
0x27e: {  	[sflag:s13] =	ssyncset.done $0x0  }
0x27f: {  	[sflag:s13] =	ssyncadd.s32 $0xFFFFC000  }
0x280: {  	_ =	swait.ge [sflag:s13], $0x4000  }
0x281: {  	[sflag:s13] =	ssyncset.done $0x0  }
0x282: {  	[sflag:s13] =	ssyncadd.s32 $0xFFFFC000  }
0x283: {  	s25 =	simm.s32 $0x19540;
	_ =	swait.ge [sflag:s28], $0x300  }
0x284: {  	s9 =	simm.s32 $0x0;
	s23 =	simm.s32 $0x180;
	[sflag:s28] =	ssyncset.done $0x0  }
0x285: {  	s29 =	simm.s32 $0xC0;
	s8 =	simm.s32 $0x19140;
	[sflag:s28] =	ssyncadd.s32 $0xFFFFFD00  }
.LBB2_19:
0x286: {  	v9 =	vld [tilespmem:s8+$0xFFFFFF40];
	_ =	sdelay $0x1  }
0x287: {  	v11 =	vld [tilespmem:s25+$0x0]  }
0x288: {  	v4 =	vmov s12;
	s22 =	sadd.s32 $0xC0, s12  }
0x289: {  	v4 =	vshll.u32 v4, $0x7;
	v19 =	vmov s22  }
0x28a: {  	v8 =	vor.u32 v3, v4;
	v5 =	vand.u32 $0xFFFFFF80, v9;
	v4 =	vand.u32 $0x7F, v9  }
0x28b: {  	v6 =	vadd.s32 $0x4, v9;
	v7 =	vadd.s32 $0x8, v9;
	v12 =	vadd.s32 $0x1, v9  }
0x28c: {  	v60 =	vadd.s32 $0x5, v9;
	v14 =	vadd.s32 $0xC, v9;
	v16 =	vsub.f32 $1.000000000e+00, v11  }
0x28d: {  	v22 =	vadd.s32 $0x9, v9;
	v24 =	vadd.s32 $0xD, v9;
	v26 =	vadd.s32 $0x2, v9  }
0x28e: {  	v29 =	vadd.s32 $0x6, v9;
	v5 =	vadd.s32 v8, v5;
	v10 =	vand.u32 $0xFFFFFF80, v7  }
0x28f: {  	v7 =	vand.u32 $0x7F, v7;
	v58 =	vand.u32 $0xFFFFFF80, v12;
	v59 =	vand.u32 $0x7F, v12  }
0x290: {  	s11 =	sand.u32 $0xF0, s12;
	v4 =	vor.u32 v4, v5;
	v5 =	vand.u32 $0xFFFFFF80, v6;
	v10 =	vadd.s32 v8, v10  }
0x291: {  	v13 =	vld [tilespmem:s11+$0x19600];
	v6 =	vand.u32 $0x7F, v6;
	v5 =	vadd.s32 v8, v5;
	v57 =	vor.u32 v7, v10  }
0x292: {  	v61 =	vand.u32 $0xFFFFFF80, v60;
	v7 =	vadd.s32 v8, v58;
	v5 =	vor.u32 v6, v5  }
0x293: {  	v12 =	vand.u32 $0x7F, v60;
	v10 =	vor.u32 v59, v7;
	v7 =	vadd.s32 v8, v61  }
0x294: {  	v34 =	vadd.s32 $0x7, v9;
	v15 =	vand.u32 $0xFFFFFF80, v14;
	v12 =	vor.u32 v12, v7  }
0x295: {  	v43 =	vadd.s32 $0xE, v9;
	v14 =	vand.u32 $0x7F, v14;
	v15 =	vadd.s32 v8, v15;
	v4 =	vld.idx.msk [tilespmem:v4+s17+$0x0], $0xffff  }
0x296: {  	v17 =	vsub.f32 $1.000000000e+00, v13;
	v23 =	vand.u32 $0xFFFFFF80, v22;
	v14 =	vor.u32 v14, v15;
	v18 =	vld.idx.msk [tilespmem:v57+s17+$0x0], $0xffff  }
0x297: {  	v25 =	vand.u32 $0xFFFFFF80, v24;
	v27 =	vand.u32 $0xFFFFFF80, v26;
	v28 =	vand.u32 $0x7F, v26;
	v62 =	vld.idx.msk [tilespmem:v5+s17+$0x0], $0xffff  }
0x298: {  	v30 =	vand.u32 $0xFFFFFF80, v29;
	v35 =	vand.u32 $0xFFFFFF80, v34;
	v7 =	vmul.f32 v17, v16;
	v10 =	vld.idx.msk [tilespmem:v10+s17+$0x0], $0xffff  }
0x299: {  	v47 =	vand.u32 $0xFFFFFF80, v43;
	v6 =	vmul.f32 v13, v16;
	v5 =	vmul.f32 v17, v11;
	v12 =	vld.idx.msk [tilespmem:v12+s17+$0x0], $0xffff  }
0x29a: {  	v16 =	vand.u32 $0x7F, v24;
	v17 =	vadd.s32 v8, v25;
	v4 =	vmul.f32 v4, v7  }
0x29b: {  	v14 =	vld.idx.msk [tilespmem:v14+s17+$0x0], $0xffff;
	v16 =	vor.u32 v16, v17;
	v21 =	vmul.f32 v18, v5;
	v18 =	vand.u32 $0x7F, v29  }
0x29c: {  	v63 =	vadd.f32 $0.0e+00, v4;
	v15 =	vmul.f32 v62, v6;
	v4 =	vmul.f32 v13, v11  }
0x29d: {  	v10 =	vmul.f32 v10, v7;
	v11 =	vshll.u32 v19, $0x7;
	v19 =	vadd.s32 $0xA, v9  }
0x29e: {  	v12 =	vmul.f32 v12, v6;
	v31 =	vand.u32 $0xFFFFFF80, v19;
	v19 =	vand.u32 $0x7F, v19  }
0x29f: {  	v20 =	vadd.f32 v15, v63;
	v15 =	vand.u32 $0x7F, v22;
	v22 =	vadd.s32 $0x3, v9  }
0x2a0: {  	v10 =	vadd.f32 $0.0e+00, v10;
	v14 =	vmul.f32 v14, v4;
	v32 =	vand.u32 $0xFFFFFF80, v22  }
0x2a1: {  	v33 =	vand.u32 $0x7F, v22;
	v22 =	vand.u32 $0x7F, v34;
	v13 =	vadd.f32 v21, v20  }
0x2a2: {  	v12 =	vadd.f32 v12, v10;
	v10 =	vadd.s32 v8, v23;
	v20 =	vadd.s32 v8, v30  }
0x2a3: {  	v16 =	vld.idx.msk [tilespmem:v16+s17+$0x0], $0xffff;
	v21 =	vadd.s32 v8, v31;
	v15 =	vor.u32 v15, v10;
	v10 =	vadd.s32 v8, v27  }
0x2a4: {  	v23 =	vadd.s32 $0xB, v9;
	v9 =	vadd.s32 $0xF, v9;
	v17 =	vor.u32 v28, v10;
	v10 =	vld [tilespmem:s8+$0x0]  }
0x2a5: {  	v18 =	vor.u32 v18, v20;
	v19 =	vor.u32 v19, v21;
	v20 =	vadd.s32 v8, v32  }
0x2a6: {  	v21 =	vadd.s32 v8, v35;
	v24 =	vand.u32 $0xFFFFFF80, v23;
	v36 =	vand.u32 $0x7F, v23  }
0x2a7: {  	v50 =	vand.u32 $0xFFFFFF80, v9;
	v9 =	vand.u32 $0x7F, v9;
	v20 =	vor.u32 v33, v20  }
0x2a8: {  	v21 =	vor.u32 v22, v21;
	v37 =	vadd.s32 v8, v24;
	v24 =	vor.u32 v3, v11  }
0x2a9: {  	v16 =	vmul.f32 v16, v4;
	v22 =	vor.u32 v36, v37;
	v38 =	vand.u32 $0xFFFFFF80, v10  }
0x2aa: {  	v39 =	vand.u32 $0x7F, v10;
	v25 =	vadd.s32 $0x4, v10;
	v51 =	vadd.s32 $0x8, v10  }
0x2ab: {  	v55 =	vadd.s32 $0xC, v10;
	v58 =	vadd.s32 $0x1, v10;
	v60 =	vadd.s32 $0x5, v10  }
0x2ac: {  	v62 =	vadd.s32 $0x9, v10;
	v33 =	vadd.s32 $0xD, v10;
	v35 =	vadd.s32 $0x2, v10  }
0x2ad: {  	v15 =	vld.idx.msk [tilespmem:v15+s17+$0x0], $0xffff;
	v26 =	vadd.s32 $0x6, v10;
	v28 =	vadd.s32 $0xE, v10;
	v29 =	vadd.s32 $0x3, v10  }
0x2ae: {  	v18 =	vld.idx.msk [tilespmem:v18+s17+$0x0], $0xffff;
	v23 =	vadd.s32 v24, v38;
	v40 =	vand.u32 $0xFFFFFF80, v25;
	v25 =	vand.u32 $0x7F, v25  }
0x2af: {  	v19 =	vld.idx.msk [tilespmem:v19+s17+$0x0], $0xffff;
	v54 =	vand.u32 $0xFFFFFF80, v51;
	v56 =	vand.u32 $0xFFFFFF80, v55;
	v57 =	vand.u32 $0x7F, v55  }
0x2b0: {  	v17 =	vld.idx.msk [tilespmem:v17+s17+$0x0], $0xffff;
	v59 =	vand.u32 $0xFFFFFF80, v58;
	v61 =	vand.u32 $0xFFFFFF80, v60;
	v31 =	vand.u32 $0xFFFFFF80, v62  }
0x2b1: {  	v41 =	vld.idx.msk [tilespmem:v22+s17+$0x0], $0xffff;
	v32 =	vand.u32 $0x7F, v62;
	v34 =	vand.u32 $0xFFFFFF80, v33;
	v22 =	vand.u32 $0x7F, v33  }
0x2b2: {  	v20 =	vld.idx.msk [tilespmem:v20+s17+$0x0], $0xffff;
	v36 =	vand.u32 $0xFFFFFF80, v35;
	v38 =	vand.u32 $0xFFFFFF80, v26;
	v30 =	vand.u32 $0xFFFFFF80, v29  }
0x2b3: {  	v21 =	vld.idx.msk [tilespmem:v21+s17+$0x0], $0xffff;
	v29 =	vand.u32 $0x7F, v29;
	v23 =	vor.u32 v39, v23;
	v11 =	vadd.s32 v24, v40  }
0x2b4: {  	v39 =	vand.u32 $0x7F, v26;
	v40 =	vadd.s32 $0xA, v10;
	v30 =	vadd.s32 v24, v30  }
0x2b5: {  	v25 =	vor.u32 v25, v11;
	v26 =	vand.u32 $0x7F, v40;
	v15 =	vmul.f32 v15, v5  }
0x2b6: {  	v29 =	vor.u32 v29, v30;
	v18 =	vmul.f32 v18, v6;
	v46 =	vmul.f32 v19, v5  }
0x2b7: {  	v19 =	vadd.s32 v8, v47;
	v8 =	vadd.s32 v8, v50;
	v17 =	vmul.f32 v17, v7  }
0x2b8: {  	v44 =	vmul.f32 v20, v7;
	v48 =	vmul.f32 v21, v6;
	v8 =	vor.u32 v9, v8  }
0x2b9: {  	v9 =	vand.u32 $0x7F, v51;
	v20 =	vand.u32 $0x7F, v60;
	v21 =	vadd.s32 v24, v61  }
0x2ba: {  	v15 =	vadd.f32 v15, v12;
	v12 =	vadd.f32 v14, v13;
	v13 =	vmul.f32 v41, v5  }
0x2bb: {  	v63 =	vor.u32 v20, v21;
	v20 =	vadd.s32 v24, v31;
	v21 =	vadd.s32 v24, v34  }
0x2bc: {  	v41 =	vand.u32 $0xFFFFFF80, v40;
	v31 =	vadd.s32 $0x7, v10;
	v17 =	vadd.f32 $0.0e+00, v17  }
0x2bd: {  	v45 =	vld.idx.msk [tilespmem:v23+s17+$0x0], $0xffff;
	v20 =	vor.u32 v32, v20;
	v23 =	vand.u32 $0x7F, v35;
	v21 =	vor.u32 v22, v21  }
0x2be: {  	v32 =	vadd.s32 $0xB, v10;
	v10 =	vadd.s32 $0xF, v10;
	v11 =	vadd.f32 v16, v15  }
0x2bf: {  	v15 =	vand.u32 $0x7F, v43;
	v16 =	vadd.f32 $0.0e+00, v44;
	v49 =	vld.idx.msk [tilespmem:v25+s17+$0x0], $0xffff;
	v25 =	vadd.s32 v24, v36  }
0x2c0: {  	v43 =	vand.u32 $0xFFFFFF80, v31;
	v31 =	vand.u32 $0x7F, v31;
	v44 =	vand.u32 $0xFFFFFF80, v32  }
0x2c1: {  	v32 =	vand.u32 $0x7F, v32;
	v42 =	vadd.f32 v18, v17;
	v15 =	vor.u32 v15, v19  }
0x2c2: {  	v27 =	vld [tilespmem:s25+$0xFFFFFF40];
	v18 =	vadd.s32 v24, v54;
	v19 =	vand.u32 $0x7F, v58;
	v37 =	vor.u32 v23, v25  }
0x2c3: {  	v29 =	vld.idx.msk [tilespmem:v29+s17+$0x0], $0xffff;
	v23 =	vadd.s32 v24, v38;
	v25 =	vadd.s32 v24, v41;
	v30 =	vadd.s32 v24, v43  }
0x2c4: {  	v16 =	vadd.f32 v48, v16;
	v9 =	vor.u32 v9, v18;
	v18 =	vadd.s32 v24, v59;
	v8 =	vld.idx.msk [tilespmem:v8+s17+$0x0], $0xffff  }
0x2c5: {  	v23 =	vor.u32 v39, v23;
	v25 =	vor.u32 v26, v25;
	v18 =	vor.u32 v19, v18;
	v19 =	vld.idx.msk [tilespmem:v63+s17+$0x0], $0xffff  }
0x2c6: {  	v30 =	vor.u32 v31, v30;
	v31 =	vadd.s32 v24, v44;
	v14 =	vadd.f32 v46, v42;
	v20 =	vld.idx.msk [tilespmem:v20+s17+$0x0], $0xffff  }
0x2c7: {  	v42 =	vand.u32 $0xFFFFFF80, v28;
	v28 =	vand.u32 $0x7F, v28;
	v46 =	vand.u32 $0xFFFFFF80, v10;
	v48 =	vld.idx.msk [tilespmem:v21+s17+$0x0], $0xffff  }
0x2c8: {  	v10 =	vand.u32 $0x7F, v10;
	v17 =	vmul.f32 v45, v7;
	v13 =	vadd.f32 v13, v16;
	v15 =	vld.idx.msk [tilespmem:v15+s17+$0x0], $0xffff  }
0x2c9: {  	v26 =	vadd.s32 v24, v42;
	v45 =	vor.u32 v32, v31;
	v53 =	vmul.f32 v49, v6;
	v22 =	vld.idx.msk [tilespmem:v37+s17+$0x0], $0xffff  }
0x2ca: {  	v26 =	vor.u32 v28, v26;
	v52 =	vadd.f32 $0.0e+00, v17;
	v17 =	vadd.s32 v24, v56;
	v9 =	vld.idx.msk [tilespmem:v9+s17+$0x0], $0xffff  }
0x2cb: {  	v24 =	vadd.s32 v24, v46;
	v17 =	vor.u32 v57, v17;
	v8 =	vmul.f32 v8, v4;
	v23 =	vld.idx.msk [tilespmem:v23+s17+$0x0], $0xffff  }
0x2cc: {  	v16 =	vadd.f32 v53, v52;
	v18 =	vld.idx.msk [tilespmem:v18+s17+$0x0], $0xffff;
	v19 =	vmul.f32 v19, v6;
	v52 =	vsub.f32 $1.000000000e+00, v27  }
0x2cd: {  	v47 =	vld.idx.msk [tilespmem:v30+s17+$0x0], $0xffff;
	v8 =	vadd.f32 v8, v13;
	v20 =	vmul.f32 v20, v5;
	v13 =	vmul.f32 v48, v4  }
0x2ce: {  	v10 =	vor.u32 v10, v24;
	v51 =	vld.idx.msk [tilespmem:v25+s17+$0x0], $0xffff;
	v12 =	vmul.f32 v12, v52;
	v56 =	vmul.f32 v11, v52  }
0x2cf: {  	v53 =	vld.idx.msk [tilespmem:v45+s17+$0x0], $0xffff;
	v15 =	vmul.f32 v15, v4;
	v50 =	vmul.f32 v22, v7  }
0x2d0: {  	v8 =	vmul.f32 v8, v52;
	v17 =	vld.idx.msk [tilespmem:v17+s17+$0x0], $0xffff;
	v9 =	vmul.f32 v9, v5  }
0x2d1: {  	v55 =	vld.idx.msk [tilespmem:v26+s17+$0x0], $0xffff;
	v54 =	vmul.f32 v23, v6;
	v18 =	vmul.f32 v18, v7  }
0x2d2: {  	v7 =	vmul.f32 v29, v7;
	v9 =	vadd.f32 v9, v16;
	v16 =	vadd.f32 $0.0e+00, v50  }
0x2d3: {  	v6 =	vmul.f32 v47, v6;
	v10 =	vld.idx.msk [tilespmem:v10+s17+$0x0], $0xffff;
	v14 =	vadd.f32 v15, v14;
	v18 =	vadd.f32 $0.0e+00, v18  }
0x2d4: {  	v57 =	vmul.f32 v51, v5;
	v7 =	vadd.f32 $0.0e+00, v7;
	v16 =	vadd.f32 v54, v16  }
0x2d5: {  	v5 =	vmul.f32 v53, v5;
	v49 =	vadd.f32 v19, v18;
	v17 =	vmul.f32 v17, v4  }
0x2d6: {  	v58 =	vmul.f32 v55, v4;
	v6 =	vadd.f32 v6, v7;
	v11 =	vadd.f32 v57, v16  }
0x2d7: {  	p0 =	sgt.u32 s9, $0x5;
	s11 =	simm.s32 $0xFFFFFFA0;
	v59 =	vmul.f32 v14, v52;
	v9 =	vadd.f32 v17, v9;
	v15 =	vadd.f32 v20, v49  }
0x2d8: {  	s18 =	simm.s32 $0x180;
	s11 =	simm.s32 @!p0 $0x0;
	v4 =	vmul.f32 v10, v4;
	v5 =	vadd.f32 v5, v6;
	v60 =	vadd.f32 v58, v11  }
0x2d9: {  	s18 =	simm.s32 @!p0 $0x0;
	s11 =	sadd.s32 s12, s11;
	v12 =	vadd.f32 $0.0e+00, v12;
	v13 =	vadd.f32 v13, v15;
	v9 =	vmul.f32 v9, v27  }
0x2da: {  	s18 =	sadd.s32 s11, s18;
	v4 =	vadd.f32 v4, v5;
	v5 =	vadd.f32 $0.0e+00, v59;
	v63 =	vmul.f32 v60, v27  }
0x2db: {  	p0 =	sne.s32 s9, $0xB;
	s11 =	sand.u32 $0x70, s11;
	s22 =	sand.u32 $0xFFFFFF80, s18;
	v7 =	vadd.f32 $0.0e+00, v56;
	v61 =	vmul.f32 v13, v27;
	v62 =	vadd.f32 v9, v12  }
.Ltmp9:
0x2dc: {  	s11 =	sor.u32 s11, s22;
	v8 =	vadd.f32 $0.0e+00, v8;
	v4 =	vmul.f32 v4, v27;
	v5 =	vadd.f32 v63, v5;
	(pc) =	sbr.rel @p0 .LBB2_19-.Ltmp9, $4  }
0x2dd: {  	v7 =	vadd.f32 v61, v7;
	[tilespmem:s11+$0x18C00] =	vst v62  }
0x2de: {  	v4 =	vadd.f32 v4, v8;
	[tilespmem:s18+$0x18CC0] =	vst v5  }
0x2df: {  	s9 =	sadd.s32 $0x1, s9;
	[tilespmem:s18+$0x18C60] =	vst v7  }
0x2e0: {  	s12 =	sadd.s32 $0x10, s12;
	s25 =	sadd.s32 $0x10, s25;
	s8 =	sadd.s32 $0x10, s8;
	[tilespmem:s18+$0x18D20] =	vst v4  }
0x2e1: {  	s8 =	rddreg [dreg:$0x10]  }
0x2e2: {  	[hbm4b:s8+s3] =	stream.linear.scatter [tilespmem:s14], [sflag:$0x6], $0x300, $0x38;
	[tilespmem:$0x19700] =	vst v63  }
0x2e3: {  	_ =	swait.ge [sflag:s26], $0x300  }
0x2e4: {  	[sflag:s26] =	ssyncset.done $0x0  }
0x2e5: {  	[sflag:s26] =	ssyncadd.s32 $0xFFFFFD00  }
0x2e6: {  	_ =	swait.ge [sflag:s28], $0x300  }
0x2e7: {  	s9 =	rddreg [dreg:$0x12]  }
0x2e8: {  	s26 =	rddreg [dreg:$0x11];
	s9 =	sadd.s32 $0x1, s9  }
0x2e9: {  	p0 =	sne.s32 s9, s26  }
.Ltmp10:
0x2ea: {  	_ = 	snop;
	(pc) =	sbr.rel @p0 .LBB2_1-.Ltmp10, $3  }
0x2eb: {  	_ =	sdelay $0x1  }
0x2ec: {  	[sflag:s28] =	ssyncset.done $0x0  }
0x2ed: {  	[sflag:s28] =	ssyncadd.s32 $0xFFFFFD00  }
0x2ee: {  	_ =	sfence.sel $0x180000  }
0x2ef: {  	[bflag:$0x0] =	sbarrier.arrive $0xFFFF  }
0x2f0: {  	_ =	strace $0x9000004A  }
0x2f1: {  	s0 =	stileid.u32;
	[bflag:$0x2] =	sbarrier.arrive $0xFFFF  }
0x2f2: {  	p0 =	sne.s32 s0, $0x0;
	s0 =	rddreg [dreg:$0x2]  }
0x2f3: {  	s0 =	sadd.s32 @!p0 $0x100000, s0  }
0x2f4: {  	[sflag:s0] =	ssyncadd.tile.s32 @!p0 $0x1;
	_ =	shalt  }
.Lfunc_end2:
_tile_overlayer_lowered:
.L_overlay_start_2:
0x2f5: {  	(tag) =	ssettag $0x2  }
0x2f6: {  	s0 =	rddreg [dreg:$0x0];
	s2 =	stileid.u32  }
0x2f7: {  	s1 =	rddreg [dreg:$0x1];
	p0 =	sne.s32 s2, $0x0  }
0x2f8: {  	s3 =	rddreg [dreg:$0x2];
	[bflag:$0x3] =	sbarrier.arrive $0xFFFF;
	s2 =	simm.s32 @!p0 $0x1C07  }
0x2f9: {  	[timem:s3], [sflag:s2] =	dma.local @!p0 [hbm:s0], s1  }
0x2fa: {  	s0 =	simm.s32 @!p0 $0x7  }
0x2fb: {  	_ =	swait.ge @!p0 [sflag:s0], s1  }
0x2fc: {  	s1 =	ssub.s32 @!p0 $0x0, s1;
	[sflag:s0] =	ssyncset.done @!p0 $0x0  }
0x2fd: {  	[sflag:s0] =	ssyncadd.s32 @!p0 s1  }
0x2fe: {  	[bflag:$0x3] =	sbarrier.arrive $0xFFFF  }
0x2ff: {  	_ =	shalt  }

</sc_bundles>
